<compile_context>
chip_gen: v7x
topology: tpu7x:2x2x1
jax: 0.10.2.dev20260603
libtpu: 0.0.44.dev20260713+nightly
codegen_flags: <defaults>
</compile_context>

<pallas_src>
import functools

import jax
import jax.numpy as jnp
from jax import lax
from jax.experimental import pallas as pl
from jax.experimental.pallas import tpu as pltpu
from jax.experimental.pallas import tpu_sc as plsc

N = 10000
E = 320000
IN_NF = 128
IN_EF = 16
H1 = 32
H2 = 32
OUT_NF = 128

NC, NS, LANES = 2, 16, 16
NW = NC * NS

NSLAB = 2
SE = E // NSLAB
EPW = SE // NW
GC = 128
NGC = EPW // GC
GTAIL = EPW - NGC * GC

SC_CHUNK = 2000
NSC = SE // SC_CHUNK
NGRP = SC_CHUNK // LANES

BE = 1280

def _mesh():
    return plsc.VectorSubcoreMesh(
        core_axis_name="c", subcore_axis_name="s",
        num_cores=NC, num_subcores=NS)


def _leaky(x):
    return jnp.where(x >= 0, x, 0.2 * x)



def _pq_body(nf_ref, ws_ref, wd_ref, p_ref, q_ref):
    nf = nf_ref[...]
    p_ref[...] = jnp.dot(nf, ws_ref[...], preferred_element_type=jnp.float32)
    q_ref[...] = jnp.dot(nf, wd_ref[...], preferred_element_type=jnp.float32)


def _pq_call(nf, w1s, w1d):
    return pl.pallas_call(
        _pq_body,
        out_shape=[jax.ShapeDtypeStruct((N, 64), jnp.float32)] * 2,
    )(nf, w1s, w1d)



@functools.cache
def _gather_kernel_fn():
    return pl.kernel(
        _gather_body,
        out_type=[jax.ShapeDtypeStruct((SE, 64), jnp.float32)] * 2,
        mesh=_mesh(),
        scratch_types=[
            pltpu.VMEM((GC,), jnp.int32),
            pltpu.VMEM((GC,), jnp.int32),
            pltpu.VMEM((GC, 64), jnp.float32),
            pltpu.VMEM((GC, 64), jnp.float32),
            pltpu.VMEM((GC,), jnp.int32),
            pltpu.VMEM((GC,), jnp.int32),
            pltpu.VMEM((GC, 64), jnp.float32),
            pltpu.VMEM((GC, 64), jnp.float32),
            pltpu.SemaphoreType.DMA,
            pltpu.SemaphoreType.DMA,
            pltpu.SemaphoreType.DMA,
            pltpu.SemaphoreType.DMA,
        ],
        compiler_params=pltpu.CompilerParams(use_tc_tiling_on_sc=False),
    )


def _gather_body(p_hbm, q_hbm, src_hbm, dst_hbm, ps_hbm, qd_hbm,
                 sidx_a, didx_a, prow_a, qrow_a,
                 sidx_b, didx_b, prow_b, qrow_b,
                 gsem_a, gsem_b, wsem_a, wsem_b):
    wid = lax.axis_index("s") * NC + lax.axis_index("c")
    base0 = wid * EPW
    A = (sidx_a, didx_a, prow_a, qrow_a, gsem_a, wsem_a)
    B = (sidx_b, didx_b, prow_b, qrow_b, gsem_b, wsem_b)

    def load_and_gather(base, bufs):
        sidx, didx, prow, qrow, gsem, _ = bufs
        pltpu.sync_copy(src_hbm.at[pl.ds(base, GC)], sidx)
        pltpu.sync_copy(dst_hbm.at[pl.ds(base, GC)], didx)
        pltpu.async_copy(p_hbm.at[sidx], prow, gsem)
        pltpu.async_copy(q_hbm.at[didx], qrow, gsem)

    def finish_and_write(base, bufs):
        sidx, didx, prow, qrow, gsem, wsem = bufs
        pltpu.make_async_copy(p_hbm.at[sidx], prow, gsem).wait()
        pltpu.make_async_copy(q_hbm.at[didx], qrow, gsem).wait()
        pltpu.async_copy(prow, ps_hbm.at[pl.ds(base, GC)], wsem)
        pltpu.async_copy(qrow, qd_hbm.at[pl.ds(base, GC)], wsem)

    def drain_writes(bufs):
        _, _, prow, qrow, _, wsem = bufs
        pltpu.make_async_copy(prow, ps_hbm.at[pl.ds(0, GC)], wsem).wait()
        pltpu.make_async_copy(qrow, qd_hbm.at[pl.ds(0, GC)], wsem).wait()

    def pair(ci, carry):
        c0 = base0 + (2 * ci) * GC
        c1 = c0 + GC

        @pl.when(ci > 0)
        def _():
            drain_writes(A)
            drain_writes(B)

        load_and_gather(c0, A)
        load_and_gather(c1, B)
        finish_and_write(c0, A)
        finish_and_write(c1, B)
        return carry

    lax.fori_loop(0, NGC // 2, pair, 0)
    drain_writes(A)
    drain_writes(B)

    def do_chunk(base, n):
        sidx, didx, prow, qrow, gsem, _ = A
        pltpu.sync_copy(src_hbm.at[pl.ds(base, n)], sidx.at[pl.ds(0, n)])
        pltpu.sync_copy(dst_hbm.at[pl.ds(base, n)], didx.at[pl.ds(0, n)])
        cp1 = pltpu.async_copy(p_hbm.at[sidx.at[pl.ds(0, n)]],
                               prow.at[pl.ds(0, n)], gsem)
        cp2 = pltpu.async_copy(q_hbm.at[didx.at[pl.ds(0, n)]],
                               qrow.at[pl.ds(0, n)], gsem)
        cp1.wait()
        cp2.wait()
        pltpu.sync_copy(prow.at[pl.ds(0, n)], ps_hbm.at[pl.ds(base, n)])
        pltpu.sync_copy(qrow.at[pl.ds(0, n)], qd_hbm.at[pl.ds(base, n)])

    if NGC % 2:
        do_chunk(base0 + (NGC - 1) * GC, GC)
    if GTAIL:
        do_chunk(base0 + NGC * GC, GTAIL)



def _edge_mlp_body(ps_ref, qd_ref, efp_ref,
                   w1e_ref, b1_ref, w2_ref, b2_ref, w3_ref, b3_ref,
                   w4k_ref, b4k_ref, w4f_ref, b4f_ref,
                   out_ref):
    x = ps_ref[...] + qd_ref[...]
    x += jnp.dot(efp_ref[...], w1e_ref[...], preferred_element_type=jnp.float32)
    h1 = _leaky(x + b1_ref[...])
    h2 = _leaky(jnp.dot(h1, w2_ref[...], preferred_element_type=jnp.float32)
                + b2_ref[...])
    h3 = _leaky(jnp.dot(h2, w3_ref[...], preferred_element_type=jnp.float32)
                + b3_ref[...])
    kT = lax.dot_general(w4k_ref[...], h3, (((0,), (1,)), ((), ())),
                         preferred_element_type=jnp.float32)
    kT = 1.0 / (1.0 + jnp.exp(-(kT + b4k_ref[...])))
    fT = lax.dot_general(w4f_ref[...], h3, (((0,), (1,)), ((), ())),
                         preferred_element_type=jnp.float32)
    fT = fT + b4f_ref[...]
    out_ref[0:64, :] = fT[0:64, :] * kT[0:1, :]
    out_ref[64:128, :] = fT[64:128, :] * kT[1:2, :]


BE2 = BE // 2


def _edge_mlp_call(ps, qd, efp, slab,
                   w1e, b1, w2, b2, w3, b3, w4k, b4k, w4f, b4f):
    grid = SE // BE
    soff = slab * grid
    wspec = lambda shape: pl.BlockSpec(shape, lambda i: (0,) * len(shape))
    return pl.pallas_call(
        _edge_mlp_body,
        grid=(grid,),
        in_specs=[
            pl.BlockSpec((BE2, 128), lambda i: (i, 0)),
            pl.BlockSpec((BE2, 128), lambda i: (i, 0)),
            pl.BlockSpec((BE2, 2 * IN_EF), lambda i: (i + soff, 0)),
            wspec((2 * IN_EF, 128)), wspec((1, 128)),
            wspec((128, 256)), wspec((1, 256)),
            wspec((256, 128)), wspec((1, 128)),
            wspec((128, 2)), wspec((2, 1)),
            wspec((128, 128)), wspec((128, 1)),
        ],
        out_specs=pl.BlockSpec((128, BE2), lambda i: (0, i)),
        out_shape=jax.ShapeDtypeStruct((128, SE // 2), jnp.float32),
    )(ps.reshape(SE // 2, 128), qd.reshape(SE // 2, 128), efp,
      w1e, b1, w2, b2, w3, b3, w4k, b4k, w4f, b4f)



@functools.cache
def _scatter_kernel_fn():
    return pl.kernel(
        _scatter_body,
        out_type=jax.ShapeDtypeStruct((64 * N,), jnp.float32),
        mesh=_mesh(),
        scratch_types=[
            pltpu.VMEM((N,), jnp.float32),
            pltpu.VMEM((N,), jnp.float32),
            pltpu.VMEM((N,), jnp.float32),
            pltpu.VMEM((N,), jnp.float32),
            pltpu.VMEM((SC_CHUNK,), jnp.int32),
            pltpu.VMEM((SC_CHUNK,), jnp.float32),
            pltpu.VMEM((SC_CHUNK,), jnp.float32),
            pltpu.VMEM((SC_CHUNK,), jnp.int32),
            pltpu.VMEM((SC_CHUNK,), jnp.float32),
            pltpu.VMEM((SC_CHUNK,), jnp.float32),
            pltpu.SemaphoreType.DMA,
            pltpu.SemaphoreType.DMA,
        ],
        compiler_params=pltpu.CompilerParams(needs_layout_passes=False),
    )


def _scatter_body(eft_hbm, dst_hbm, agg_hbm, sacc, macc, sacc1, macc1,
                  didx_a, v1_a, v2_a, didx_b, v1_b, v2_b, sem_a, sem_b):
    wid = lax.axis_index("s") * NC + lax.axis_index("c")

    def init_loop(i, carry):
        sl = pl.ds(i * LANES, LANES)
        sacc[sl] = jnp.zeros((LANES,), jnp.float32)
        sacc1[sl] = jnp.zeros((LANES,), jnp.float32)
        macc[sl] = jnp.full((LANES,), -jnp.inf, jnp.float32)
        macc1[sl] = jnp.full((LANES,), -jnp.inf, jnp.float32)
        return carry

    lax.fori_loop(0, N // LANES, init_loop, 0)

    HALF = SE // 2

    def issue(base, bufs, sem):
        bd, b1, b2 = bufs
        half = base // HALF
        loc = base - half * HALF
        v1off = (wid + 64 * half) * HALF + loc
        v2off = (32 + wid + 64 * half) * HALF + loc
        pltpu.async_copy(dst_hbm.at[pl.ds(base, SC_CHUNK)], bd, sem)
        pltpu.async_copy(eft_hbm.at[pl.ds(v1off, SC_CHUNK)], b1, sem)
        pltpu.async_copy(eft_hbm.at[pl.ds(v2off, SC_CHUNK)], b2, sem)

    def drain(bufs, sem):
        bd, b1, b2 = bufs
        pltpu.make_async_copy(dst_hbm.at[pl.ds(0, SC_CHUNK)], bd, sem).wait()
        pltpu.make_async_copy(eft_hbm.at[pl.ds(0, SC_CHUNK)], b1, sem).wait()
        pltpu.make_async_copy(eft_hbm.at[pl.ds(0, SC_CHUNK)], b2, sem).wait()

    def compute(bufs):
        bd, b1, b2 = bufs
        def one_group(off, fail, sa, ma):
            sl = pl.ds(off, LANES)
            d = bd[sl]
            s = b1[sl]
            m = b2[sl]
            plsc.addupdate_scatter(sa, [d], s)
            cur = plsc.load_gather(ma, [d])
            new = jnp.maximum(cur, m)
            plsc.store_scatter(ma, [d], new)
            cur2 = plsc.load_gather(ma, [d])
            plsc.store_scatter(ma, [d], jnp.maximum(cur2, new),
                              mask=cur2 < new)
            chk = plsc.load_gather(ma, [d])
            return fail | (chk < new)

        def grp(gi, fail):
            fail = one_group(gi * (2 * LANES), fail, sacc, macc)
            return one_group(gi * (2 * LANES) + LANES, fail, sacc1, macc1)

        fail = lax.fori_loop(0, NGRP // 2, grp,
                             jnp.zeros((LANES,), jnp.bool_))
        if NGRP % 2:
            fail = one_group((NGRP - 1) * LANES, fail, sacc, macc)

        @pl.when(jnp.any(fail))
        def _fixup():
            def fix_group(off, ma):
                sl = pl.ds(off, LANES)
                d = bd[sl]
                m = b2[sl]

                def retry_body(need):
                    c2 = plsc.load_gather(ma, [d])
                    plsc.store_scatter(ma, [d], jnp.maximum(c2, m),
                                      mask=need)
                    c3 = plsc.load_gather(ma, [d])
                    return c3 < m

                lax.while_loop(lambda n: jnp.any(n), retry_body,
                               plsc.load_gather(ma, [d]) < m)

            def grp2(gi, carry):
                fix_group(gi * (2 * LANES), macc)
                fix_group(gi * (2 * LANES) + LANES, macc1)
                return carry

            lax.fori_loop(0, NGRP // 2, grp2, 0)
            if NGRP % 2:
                fix_group((NGRP - 1) * LANES, macc)

    bufs_a = (didx_a, v1_a, v2_a)
    bufs_b = (didx_b, v1_b, v2_b)
    issue(0, bufs_a, sem_a)

    def pair_loop(ci, carry):
        base_a = (2 * ci) * SC_CHUNK
        base_b = base_a + SC_CHUNK
        base_n = jnp.minimum(base_a + 2 * SC_CHUNK, SE - SC_CHUNK)
        drain(bufs_a, sem_a)
        issue(base_b, bufs_b, sem_b)
        compute(bufs_a)
        drain(bufs_b, sem_b)
        issue(base_n, bufs_a, sem_a)
        compute(bufs_b)
        return carry

    lax.fori_loop(0, NSC // 2, pair_loop, 0)
    drain(bufs_a, sem_a)

    def merge_loop(i, carry):
        sl = pl.ds(i * LANES, LANES)
        sacc[sl] = sacc[sl] + sacc1[sl]
        macc[sl] = jnp.maximum(macc[sl], macc1[sl])
        return carry

    lax.fori_loop(0, N // LANES, merge_loop, 0)

    pltpu.sync_copy(sacc, agg_hbm.at[pl.ds(wid * N, N)])
    pltpu.sync_copy(macc, agg_hbm.at[pl.ds((32 + wid) * N, N)])



def _out_mlp_body(nf_ref, agg0_ref, agg1_ref,
                  wa_ref, wb_ref, wc_ref, b1_ref,
                  w2_ref, b2_ref, w3_ref, b3_ref, w4_ref, b4_ref,
                  out_ref):
    h1 = jnp.dot(nf_ref[...], wa_ref[...], preferred_element_type=jnp.float32)
    sumt = agg0_ref[:32, :] + agg1_ref[:32, :]
    h1 += lax.dot_general(sumt, wb_ref[...], (((0,), (0,)), ((), ())),
                          preferred_element_type=jnp.float32)
    mx = jnp.maximum(agg0_ref[32:, :], agg1_ref[32:, :])
    mx = jnp.where(jnp.isinf(mx) & (mx < 0), 0.0, mx)
    h1 += lax.dot_general(mx, wc_ref[...], (((0,), (0,)), ((), ())),
                          preferred_element_type=jnp.float32)
    h1 = _leaky(h1 + b1_ref[...])
    h2 = _leaky(jnp.dot(h1, w2_ref[...], preferred_element_type=jnp.float32)
                + b2_ref[...])
    h3 = _leaky(jnp.dot(h2, w3_ref[...], preferred_element_type=jnp.float32)
                + b3_ref[...])
    out_ref[...] = jnp.dot(h3, w4_ref[...],
                           preferred_element_type=jnp.float32) + b4_ref[...]


def _out_mlp_call(nf, agg0, agg1, wa, wb, wc, b1, w2, b2, w3, b3, w4, b4):
    return pl.pallas_call(
        _out_mlp_body,
        out_shape=jax.ShapeDtypeStruct((N, OUT_NF), jnp.float32),
    )(nf, agg0, agg1, wa, wb, wc, b1, w2, b2, w3, b3, w4, b4)



@jax.jit
def kernel(nf, ef, msg_params, red_params, edge_index):
    w1, b1, w2, b2, w3, b3, w4, b4 = msg_params
    wr1, br1, wr2, br2, wr3, br3, wr4, br4 = red_params

    src = edge_index[0].astype(jnp.int32)
    dst = edge_index[1].astype(jnp.int32)

    w1s, w1d, w1e = w1[:IN_NF], w1[IN_NF:2 * IN_NF], w1[2 * IN_NF:]
    w4k, w4f = w4[:, :1], w4[:, 1:]
    b4k, b4f = b4[:1].reshape(1, 1), b4[1:].reshape(64, 1)

    def bdiag(w):
        z = jnp.zeros_like(w)
        return jnp.concatenate([jnp.concatenate([w, z], axis=1),
                                jnp.concatenate([z, w], axis=1)], axis=0)

    w1e_bd = bdiag(w1e)
    w2_bd = bdiag(w2)
    w3_bd = bdiag(w3)
    w4k_bd = bdiag(w4k)
    w4f_bd = bdiag(w4f)
    b1p = jnp.tile(b1.reshape(1, 64), (1, 2))
    b2p = jnp.tile(b2.reshape(1, 128), (1, 2))
    b3p = jnp.tile(b3.reshape(1, 64), (1, 2))
    b4k2 = jnp.tile(b4k, (2, 1))
    b4f2 = jnp.tile(b4f, (2, 1))

    p, q = _pq_call(nf, w1s, w1d)
    srcs = [src[s * SE:(s + 1) * SE] for s in range(NSLAB)]
    dsts = [dst[s * SE:(s + 1) * SE] for s in range(NSLAB)]
    dst_cats = [jnp.concatenate([d[0::2], d[1::2]]) for d in dsts]
    efp = ef.reshape(E // 2, 2 * IN_EF)
    gathered = [_gather_kernel_fn()(p, q, srcs[s], dsts[s])
                for s in range(NSLAB)]
    efts = [_edge_mlp_call(gathered[s][0], gathered[s][1], efp, s,
                           w1e_bd, b1p, w2_bd, b2p, w3_bd, b3p,
                           w4k_bd, b4k2, w4f_bd, b4f2)
            for s in range(NSLAB)]
    aggs = [_scatter_kernel_fn()(efts[s].reshape(64 * SE), dst_cats[s])
            for s in range(NSLAB)]

    wa, wb, wc = wr1[:IN_NF], wr1[IN_NF:IN_NF + 32], wr1[IN_NF + 32:]
    return _out_mlp_call(nf, aggs[0].reshape(64, N), aggs[1].reshape(64, N),
                         wa, wb, wc, br1.reshape(1, 64),
                         wr2, br2.reshape(1, 128), wr3, br3.reshape(1, 64),
                         wr4, br4.reshape(1, OUT_NF))

# --- scband reference (transcript-rebuilt; emitter-appended) ---
"""Pipeline reference for scband-all-conv-14113262534970 (READ-ONLY COPY).

The authoritative reference and input builder live on the scoring server;
editing this copy changes nothing except your own understanding.
"""

import jax, jax.numpy as jnp
import numpy as np

N = 10000
E = 320000
IN_NF = 128
IN_EF = 16
H1 = 32
H2 = 32
OUT_NF = 128
MLP_H1, MLP_H2, MLP_H3 = 64, 128, 64


def _mlp_params(key, sizes):
    params = []
    for i in range(1, len(sizes)):
        key, k1 = jax.random.split(key)
        W = jax.random.normal(k1, (sizes[i - 1], sizes[i]), dtype=jnp.float32) * (1.0 / np.sqrt(sizes[i - 1]))
        b = jnp.zeros((sizes[i],), dtype=jnp.float32)
        params.append(W)
        params.append(b)
    return params


def _mlp_apply(params, x):
    n = len(params) // 2
    for i in range(n):
        x = x @ params[2 * i] + params[2 * i + 1]
        if i < n - 1:
            x = jax.nn.leaky_relu(x, negative_slope=0.2)
    return x


def setup_inputs(seed: int = 0) -> dict:
    key = jax.random.key(seed)
    k_nf, k_ef, k_ei, k_msg, k_red = jax.random.split(key, 5)
    nf = jax.random.normal(k_nf, (N, IN_NF), dtype=jnp.float32)
    ef = jax.random.normal(k_ef, (E, IN_EF), dtype=jnp.float32)
    edge_index = jax.random.randint(k_ei, (2, E), 0, N, dtype=jnp.int64 if jax.config.jax_enable_x64 else jnp.int32)
    msg_params = _mlp_params(k_msg, [IN_NF * 2 + IN_EF, MLP_H1, MLP_H2, MLP_H3, 1 + H1 + H2])
    red_params = _mlp_params(k_red, [IN_NF + H1 + H2, MLP_H1, MLP_H2, MLP_H3, OUT_NF])
    return {"nf": nf, "ef": ef, "msg_params": msg_params, "red_params": red_params, "edge_index": edge_index}


def reference(nf, ef, msg_params, red_params, edge_index):
    src = edge_index[0]
    dst = edge_index[1]
    # edge_udf: MLP over [src_nf, dst_nf, ef], split into gate k and two message channels
    m_in = jnp.concatenate([jnp.take(nf, src, axis=0), jnp.take(nf, dst, axis=0), ef], axis=1)
    x = _mlp_apply(msg_params, m_in)
    k = jax.nn.sigmoid(x[:, :1])
    f1 = x[:, 1:1 + H1]
    f2 = x[:, 1 + H1:1 + H1 + H2]
    ef1 = f1 * k
    ef2 = f2 * k
    # update_all: sum-reduce ef1, max-reduce ef2 onto dst nodes
    nf1 = jax.ops.segment_sum(ef1, dst, num_segments=N)
    nf2 = jax.ops.segment_max(ef2, dst, num_segments=N)
    nf2 = jnp.where(jnp.isneginf(nf2), 0.0, nf2)  # DGL fills nodes with no in-edges with 0
    out = _mlp_apply(red_params, jnp.concatenate([nf, nf1, nf2], axis=1))
    return out

if __name__ == "__main__":
    import jax
    _d = setup_inputs()
    print(jax.jit(kernel)(*tuple(_d.values())))

</pallas_src>

<mosaic_0001>
#map = affine_map<(d0, d1) -> (0)>
module attributes {stable_mosaic.version = 14 : i64} {
  func.func @_scatter_body(%arg0: i32, %arg1: i32, %arg2: memref<10240000xf32, #tpu.memory_space<hbm>>, %arg3: memref<160000xi32, #tpu.memory_space<hbm>>, %arg4: memref<640000xf32, #tpu.memory_space<hbm>>, %arg5: memref<10000xf32, #tpu.memory_space<vmem>>, %arg6: memref<10000xf32, #tpu.memory_space<vmem>>, %arg7: memref<10000xf32, #tpu.memory_space<vmem>>, %arg8: memref<10000xf32, #tpu.memory_space<vmem>>, %arg9: memref<2000xi32, #tpu.memory_space<vmem>>, %arg10: memref<2000xf32, #tpu.memory_space<vmem>>, %arg11: memref<2000xf32, #tpu.memory_space<vmem>>, %arg12: memref<2000xi32, #tpu.memory_space<vmem>>, %arg13: memref<2000xf32, #tpu.memory_space<vmem>>, %arg14: memref<2000xf32, #tpu.memory_space<vmem>>, %arg15: memref<!tpu.dma_semaphore, #tpu.memory_space<semaphore_mem>>, %arg16: memref<!tpu.dma_semaphore, #tpu.memory_space<semaphore_mem>>) attributes {dimension_semantics = [#tpu.dimension_semantics<core_parallel>, #tpu.dimension_semantics<subcore_parallel>], iteration_bounds = array<i64: 2, 16>, scalar_prefetch = 0 : i64, scratch_operands = 12 : i64, tpu.core_type = #tpu.core_type<sc_vector_subcore>, window_params = [{transform_indices = #map}, {transform_indices = #map}, {transform_indices = #map}]} {
    %mul3A = arith.constant 2 : i32
    %mul3A_0 = arith.muli %arg1, %mul3A : i32
    %add3A = arith.addi %mul3A_0, %arg0 : i32
    %scan3A = arith.constant 0 : i32
    %scan3A_1 = arith.constant 0 : i32
    %scan3A_2 = arith.constant 625 : i32
    %scan3A_3 = arith.addi %scan3A_1, %scan3A_2 : i32
    %scan3A_4 = arith.constant 1 : i32
    scf.for %scan3A_56 = %scan3A_1 to %scan3A_3 step %scan3A_4  : i32 {
      %mul3A_57 = arith.constant 16 : i32
      %mul3A_58 = arith.muli %scan3A_56, %mul3A_57 : i32
      %broadcast_in_dim3A = arith.constant 0.000000e+00 : f32
      %broadcast_in_dim3A_59 = vector.broadcast %broadcast_in_dim3A : f32 to vector<16xf32>
      %swap3A = arith.index_cast %mul3A_58 : i32 to index
      %swap3A_60 = tpu.vector_load %arg5[%swap3A] {strides = array<i32>} : memref<10000xf32, #tpu.memory_space<vmem>>, vector<16xf32>,
      tpu.vector_store %arg5[%swap3A], %broadcast_in_dim3A_59 {strides = array<i32>} : memref<10000xf32, #tpu.memory_space<vmem>>, vector<16xf32>,
      %broadcast_in_dim3A_61 = arith.constant 0.000000e+00 : f32
      %broadcast_in_dim3A_62 = vector.broadcast %broadcast_in_dim3A_61 : f32 to vector<16xf32>
      %swap3A_63 = arith.index_cast %mul3A_58 : i32 to index
      %swap3A_64 = tpu.vector_load %arg7[%swap3A_63] {strides = array<i32>} : memref<10000xf32, #tpu.memory_space<vmem>>, vector<16xf32>,
      tpu.vector_store %arg7[%swap3A_63], %broadcast_in_dim3A_62 {strides = array<i32>} : memref<10000xf32, #tpu.memory_space<vmem>>, vector<16xf32>,
      %broadcast_in_dim3A_65 = arith.constant 0xFF800000 : f32
      %broadcast_in_dim3A_66 = vector.broadcast %broadcast_in_dim3A_65 : f32 to vector<16xf32>
      %swap3A_67 = arith.index_cast %mul3A_58 : i32 to index
      %swap3A_68 = tpu.vector_load %arg6[%swap3A_67] {strides = array<i32>} : memref<10000xf32, #tpu.memory_space<vmem>>, vector<16xf32>,
      tpu.vector_store %arg6[%swap3A_67], %broadcast_in_dim3A_66 {strides = array<i32>} : memref<10000xf32, #tpu.memory_space<vmem>>, vector<16xf32>,
      %broadcast_in_dim3A_69 = arith.constant 0xFF800000 : f32
      %broadcast_in_dim3A_70 = vector.broadcast %broadcast_in_dim3A_69 : f32 to vector<16xf32>
      %swap3A_71 = arith.index_cast %mul3A_58 : i32 to index
      %swap3A_72 = tpu.vector_load %arg8[%swap3A_71] {strides = array<i32>} : memref<10000xf32, #tpu.memory_space<vmem>>, vector<16xf32>,
      tpu.vector_store %arg8[%swap3A_71], %broadcast_in_dim3A_70 {strides = array<i32>} : memref<10000xf32, #tpu.memory_space<vmem>>, vector<16xf32>,
    }
    %scan3A_5 = arith.constant 625 : i32
    %add3A_6 = arith.constant 0 : i32
    %add3A_7 = arith.addi %add3A, %add3A_6 : i32
    %mul3A_8 = arith.constant 80000 : i32
    %mul3A_9 = arith.muli %add3A_7, %mul3A_8 : i32
    %add3A_10 = arith.constant 0 : i32
    %add3A_11 = arith.addi %mul3A_9, %add3A_10 : i32
    %add3A_12 = arith.constant 32 : i32
    %add3A_13 = arith.addi %add3A_12, %add3A : i32
    %add3A_14 = arith.constant 0 : i32
    %add3A_15 = arith.addi %add3A_13, %add3A_14 : i32
    %mul3A_16 = arith.constant 80000 : i32
    %mul3A_17 = arith.muli %add3A_15, %mul3A_16 : i32
    %add3A_18 = arith.constant 0 : i32
    %add3A_19 = arith.addi %mul3A_17, %add3A_18 : i32
    %dma_start3A = arith.constant 0 : i32
    %dma_start3A_20 = tpu.memref_slice %arg3[%dma_start3A] : memref<160000xi32, #tpu.memory_space<hbm>> -> memref<2000xi32, #tpu.memory_space<hbm>>
    %dma_start3A_21 = arith.constant 0 : i32
    %dma_start3A_22 = tpu.memref_slice %arg3[%dma_start3A_21] : memref<160000xi32, #tpu.memory_space<hbm>> -> memref<2000xi32, #tpu.memory_space<hbm>>
    tpu.enqueue_dma source(%dma_start3A_22 : memref<2000xi32, #tpu.memory_space<hbm>>) target(%arg9 : memref<2000xi32, #tpu.memory_space<vmem>>) target_semaphore(%arg15 : memref<!tpu.dma_semaphore, #tpu.memory_space<semaphore_mem>>)
    %dma_start3A_23 = tpu.memref_slice %arg2[%add3A_11] : memref<10240000xf32, #tpu.memory_space<hbm>> -> memref<2000xf32, #tpu.memory_space<hbm>>
    %dma_start3A_24 = tpu.memref_slice %arg2[%add3A_11] : memref<10240000xf32, #tpu.memory_space<hbm>> -> memref<2000xf32, #tpu.memory_space<hbm>>
    tpu.enqueue_dma source(%dma_start3A_24 : memref<2000xf32, #tpu.memory_space<hbm>>) target(%arg10 : memref<2000xf32, #tpu.memory_space<vmem>>) target_semaphore(%arg15 : memref<!tpu.dma_semaphore, #tpu.memory_space<semaphore_mem>>)
    %dma_start3A_25 = tpu.memref_slice %arg2[%add3A_19] : memref<10240000xf32, #tpu.memory_space<hbm>> -> memref<2000xf32, #tpu.memory_space<hbm>>
    %dma_start3A_26 = tpu.memref_slice %arg2[%add3A_19] : memref<10240000xf32, #tpu.memory_space<hbm>> -> memref<2000xf32, #tpu.memory_space<hbm>>
    tpu.enqueue_dma source(%dma_start3A_26 : memref<2000xf32, #tpu.memory_space<hbm>>) target(%arg11 : memref<2000xf32, #tpu.memory_space<vmem>>) target_semaphore(%arg15 : memref<!tpu.dma_semaphore, #tpu.memory_space<semaphore_mem>>)
    %scan3A_27 = arith.constant 0 : i32
    %scan3A_28 = arith.constant 0 : i32
    %scan3A_29 = arith.constant 40 : i32
    %scan3A_30 = arith.addi %scan3A_28, %scan3A_29 : i32
    %scan3A_31 = arith.constant 1 : i32
    scf.for %scan3A_56 = %scan3A_28 to %scan3A_30 step %scan3A_31  : i32 {
      %mul3A_57 = arith.constant 2 : i32
      %mul3A_58 = arith.muli %mul3A_57, %scan3A_56 : i32
      %mul3A_59 = arith.constant 2000 : i32
      %mul3A_60 = arith.muli %mul3A_58, %mul3A_59 : i32
      %add3A_61 = arith.constant 2000 : i32
      %add3A_62 = arith.addi %mul3A_60, %add3A_61 : i32
      %add3A_63 = arith.constant 4000 : i32
      %add3A_64 = arith.addi %mul3A_60, %add3A_63 : i32
      %min3A = arith.constant 158000 : i32
      %min3A_65 = arith.minsi %add3A_64, %min3A : i32
      %dma_wait3A_66 = arith.constant 0 : i32
      %dma_wait3A_67 = tpu.memref_slice %arg3[%dma_wait3A_66] : memref<160000xi32, #tpu.memory_space<hbm>> -> memref<2000xi32, #tpu.memory_space<hbm>>
      %dma_wait3A_68 = arith.constant 0 : i32
      %dma_wait3A_69 = tpu.memref_slice %arg3[%dma_wait3A_68] : memref<160000xi32, #tpu.memory_space<hbm>> -> memref<2000xi32, #tpu.memory_space<hbm>>
      tpu.wait_dma2 semaphore(%arg15 : memref<!tpu.dma_semaphore, #tpu.memory_space<semaphore_mem>>) src(%dma_wait3A_69 : memref<2000xi32, #tpu.memory_space<hbm>>) dst(%arg9 : memref<2000xi32, #tpu.memory_space<vmem>>)
      %dma_wait3A_70 = arith.constant 0 : i32
      %dma_wait3A_71 = tpu.memref_slice %arg2[%dma_wait3A_70] : memref<10240000xf32, #tpu.memory_space<hbm>> -> memref<2000xf32, #tpu.memory_space<hbm>>
      %dma_wait3A_72 = arith.constant 0 : i32
      %dma_wait3A_73 = tpu.memref_slice %arg2[%dma_wait3A_72] : memref<10240000xf32, #tpu.memory_space<hbm>> -> memref<2000xf32, #tpu.memory_space<hbm>>
      tpu.wait_dma2 semaphore(%arg15 : memref<!tpu.dma_semaphore, #tpu.memory_space<semaphore_mem>>) src(%dma_wait3A_73 : memref<2000xf32, #tpu.memory_space<hbm>>) dst(%arg10 : memref<2000xf32, #tpu.memory_space<vmem>>)
      %dma_wait3A_74 = arith.constant 0 : i32
      %dma_wait3A_75 = tpu.memref_slice %arg2[%dma_wait3A_74] : memref<10240000xf32, #tpu.memory_space<hbm>> -> memref<2000xf32, #tpu.memory_space<hbm>>
      %dma_wait3A_76 = arith.constant 0 : i32
      %dma_wait3A_77 = tpu.memref_slice %arg2[%dma_wait3A_76] : memref<10240000xf32, #tpu.memory_space<hbm>> -> memref<2000xf32, #tpu.memory_space<hbm>>
      tpu.wait_dma2 semaphore(%arg15 : memref<!tpu.dma_semaphore, #tpu.memory_space<semaphore_mem>>) src(%dma_wait3A_77 : memref<2000xf32, #tpu.memory_space<hbm>>) dst(%arg11 : memref<2000xf32, #tpu.memory_space<vmem>>)
      %jit3A = arith.constant 80000 : i32
      %div3A = arith.divsi %add3A_62, %jit3A : i32
      %sign3A = arith.constant 0 : i32
      %sign3A_78 = arith.cmpi sgt, %add3A_62, %sign3A : i32
      %sign3A_79 = arith.extui %sign3A_78 : i1 to i32
      %sign3A_80 = arith.constant 0 : i32
      %sign3A_81 = arith.cmpi slt, %add3A_62, %sign3A_80 : i32
      %sign3A_82 = arith.extui %sign3A_81 : i1 to i32
      %sign3A_83 = arith.subi %sign3A_79, %sign3A_82 : i32
      %sign3A_84 = arith.constant 0 : i32
      %sign3A_85 = arith.cmpi sgt, %jit3A, %sign3A_84 : i32
      %sign3A_86 = arith.extui %sign3A_85 : i1 to i32
      %sign3A_87 = arith.constant 0 : i32
      %sign3A_88 = arith.cmpi slt, %jit3A, %sign3A_87 : i32
      %sign3A_89 = arith.extui %sign3A_88 : i1 to i32
      %sign3A_90 = arith.subi %sign3A_86, %sign3A_89 : i32
      %ne3A = arith.cmpi ne, %sign3A_83, %sign3A_90 : i32
      %rem3A = arith.remsi %add3A_62, %jit3A : i32
      %ne3A_91 = arith.constant 0 : i32
      %ne3A_92 = arith.cmpi ne, %rem3A, %ne3A_91 : i32
      %and3A = arith.andi %ne3A, %ne3A_92 : i1
      %sub3A = arith.constant 1 : i32
      %sub3A_93 = arith.subi %div3A, %sub3A : i32
      %select_n3A = arith.select %and3A, %sub3A_93, %div3A : i32
      %mul3A_94 = arith.constant 80000 : i32
      %mul3A_95 = arith.muli %select_n3A, %mul3A_94 : i32
      %sub3A_96 = arith.subi %add3A_62, %mul3A_95 : i32
      %mul3A_97 = arith.constant 64 : i32
      %mul3A_98 = arith.muli %mul3A_97, %select_n3A : i32
      %add3A_99 = arith.addi %add3A, %mul3A_98 : i32
      %mul3A_100 = arith.constant 80000 : i32
      %mul3A_101 = arith.muli %add3A_99, %mul3A_100 : i32
      %add3A_102 = arith.addi %mul3A_101, %sub3A_96 : i32
      %add3A_103 = arith.constant 32 : i32
      %add3A_104 = arith.addi %add3A_103, %add3A : i32
      %mul3A_105 = arith.constant 64 : i32
      %mul3A_106 = arith.muli %mul3A_105, %select_n3A : i32
      %add3A_107 = arith.addi %add3A_104, %mul3A_106 : i32
      %mul3A_108 = arith.constant 80000 : i32
      %mul3A_109 = arith.muli %add3A_107, %mul3A_108 : i32
      %add3A_110 = arith.addi %mul3A_109, %sub3A_96 : i32
      %dma_start3A_111 = tpu.memref_slice %arg3[%add3A_62] : memref<160000xi32, #tpu.memory_space<hbm>> -> memref<2000xi32, #tpu.memory_space<hbm>>
      %dma_start3A_112 = tpu.memref_slice %arg3[%add3A_62] : memref<160000xi32, #tpu.memory_space<hbm>> -> memref<2000xi32, #tpu.memory_space<hbm>>
      tpu.enqueue_dma source(%dma_start3A_112 : memref<2000xi32, #tpu.memory_space<hbm>>) target(%arg12 : memref<2000xi32, #tpu.memory_space<vmem>>) target_semaphore(%arg16 : memref<!tpu.dma_semaphore, #tpu.memory_space<semaphore_mem>>)
      %dma_start3A_113 = tpu.memref_slice %arg2[%add3A_102] : memref<10240000xf32, #tpu.memory_space<hbm>> -> memref<2000xf32, #tpu.memory_space<hbm>>
      %dma_start3A_114 = tpu.memref_slice %arg2[%add3A_102] : memref<10240000xf32, #tpu.memory_space<hbm>> -> memref<2000xf32, #tpu.memory_space<hbm>>
      tpu.enqueue_dma source(%dma_start3A_114 : memref<2000xf32, #tpu.memory_space<hbm>>) target(%arg13 : memref<2000xf32, #tpu.memory_space<vmem>>) target_semaphore(%arg16 : memref<!tpu.dma_semaphore, #tpu.memory_space<semaphore_mem>>)
      %dma_start3A_115 = tpu.memref_slice %arg2[%add3A_110] : memref<10240000xf32, #tpu.memory_space<hbm>> -> memref<2000xf32, #tpu.memory_space<hbm>>
      %dma_start3A_116 = tpu.memref_slice %arg2[%add3A_110] : memref<10240000xf32, #tpu.memory_space<hbm>> -> memref<2000xf32, #tpu.memory_space<hbm>>
      tpu.enqueue_dma source(%dma_start3A_116 : memref<2000xf32, #tpu.memory_space<hbm>>) target(%arg14 : memref<2000xf32, #tpu.memory_space<vmem>>) target_semaphore(%arg16 : memref<!tpu.dma_semaphore, #tpu.memory_space<semaphore_mem>>)
      %broadcast_in_dim3A = arith.constant false
      %broadcast_in_dim3A_117 = vector.broadcast %broadcast_in_dim3A : i1 to vector<16xi1>
      %scan3A_118 = arith.constant 0 : i32
      %scan3A_119 = arith.constant 62 : i32
      %scan3A_120 = arith.addi %scan3A_118, %scan3A_119 : i32
      %scan3A_121 = arith.constant 1 : i32
      %scan3A_122 = scf.for %scan3A_239 = %scan3A_118 to %scan3A_120 step %scan3A_121 iter_args(%scan3A_240 = %broadcast_in_dim3A_117) -> (vector<16xi1>)  : i32 {
        %mul3A_241 = arith.constant 32 : i32
        %mul3A_242 = arith.muli %scan3A_239, %mul3A_241 : i32
        %get3A_243 = arith.index_cast %mul3A_242 : i32 to index
        %get3A_244 = tpu.vector_load %arg9[%get3A_243] {strides = array<i32>} : memref<2000xi32, #tpu.memory_space<vmem>>, vector<16xi32>,
        %get3A_245 = arith.index_cast %mul3A_242 : i32 to index
        %get3A_246 = tpu.vector_load %arg10[%get3A_245] {strides = array<i32>} : memref<2000xf32, #tpu.memory_space<vmem>>, vector<16xf32>,
        %get3A_247 = arith.index_cast %mul3A_242 : i32 to index
        %get3A_248 = tpu.vector_load %arg11[%get3A_247] {strides = array<i32>} : memref<2000xf32, #tpu.memory_space<vmem>>, vector<16xf32>,
        tpu.vector_store_idx %arg5[%get3A_244], %get3A_246 {add = true} : memref<10000xf32, #tpu.memory_space<vmem>>[vector<16xi32>], vector<16xf32>,
        %gather3A_249 = tpu.vector_load_idx %arg6[%get3A_244] : memref<10000xf32, #tpu.memory_space<vmem>>[vector<16xi32>], vector<16xf32>,
        %max3A_250 = arith.maximumf %gather3A_249, %get3A_248 : vector<16xf32>
        tpu.vector_store_idx %arg6[%get3A_244], %max3A_250 : memref<10000xf32, #tpu.memory_space<vmem>>[vector<16xi32>], vector<16xf32>,
        %gather3A_251 = tpu.vector_load_idx %arg6[%get3A_244] : memref<10000xf32, #tpu.memory_space<vmem>>[vector<16xi32>], vector<16xf32>,
        %max3A_252 = arith.maximumf %gather3A_251, %max3A_250 : vector<16xf32>
        %lt3A_253 = arith.cmpf olt, %gather3A_251, %max3A_250 : vector<16xf32>
        tpu.vector_store_idx %arg6[%get3A_244], %max3A_252 masked %lt3A_253 : memref<10000xf32, #tpu.memory_space<vmem>>[vector<16xi32>], vector<16xf32>, vector<16xi1>
        %gather3A_254 = tpu.vector_load_idx %arg6[%get3A_244] : memref<10000xf32, #tpu.memory_space<vmem>>[vector<16xi32>], vector<16xf32>,
        %lt3A_255 = arith.cmpf olt, %gather3A_254, %max3A_250 : vector<16xf32>
        %or3A_256 = arith.ori %scan3A_240, %lt3A_255 : vector<16xi1>
        %mul3A_257 = arith.constant 32 : i32
        %mul3A_258 = arith.muli %scan3A_239, %mul3A_257 : i32
        %add3A_259 = arith.constant 16 : i32
        %add3A_260 = arith.addi %mul3A_258, %add3A_259 : i32
        %get3A_261 = arith.index_cast %add3A_260 : i32 to index
        %get3A_262 = tpu.vector_load %arg9[%get3A_261] {strides = array<i32>} : memref<2000xi32, #tpu.memory_space<vmem>>, vector<16xi32>,
        %get3A_263 = arith.index_cast %add3A_260 : i32 to index
        %get3A_264 = tpu.vector_load %arg10[%get3A_263] {strides = array<i32>} : memref<2000xf32, #tpu.memory_space<vmem>>, vector<16xf32>,
        %get3A_265 = arith.index_cast %add3A_260 : i32 to index
        %get3A_266 = tpu.vector_load %arg11[%get3A_265] {strides = array<i32>} : memref<2000xf32, #tpu.memory_space<vmem>>, vector<16xf32>,
        tpu.vector_store_idx %arg7[%get3A_262], %get3A_264 {add = true} : memref<10000xf32, #tpu.memory_space<vmem>>[vector<16xi32>], vector<16xf32>,
        %gather3A_267 = tpu.vector_load_idx %arg8[%get3A_262] : memref<10000xf32, #tpu.memory_space<vmem>>[vector<16xi32>], vector<16xf32>,
        %max3A_268 = arith.maximumf %gather3A_267, %get3A_266 : vector<16xf32>
        tpu.vector_store_idx %arg8[%get3A_262], %max3A_268 : memref<10000xf32, #tpu.memory_space<vmem>>[vector<16xi32>], vector<16xf32>,
        %gather3A_269 = tpu.vector_load_idx %arg8[%get3A_262] : memref<10000xf32, #tpu.memory_space<vmem>>[vector<16xi32>], vector<16xf32>,
        %max3A_270 = arith.maximumf %gather3A_269, %max3A_268 : vector<16xf32>
        %lt3A_271 = arith.cmpf olt, %gather3A_269, %max3A_268 : vector<16xf32>
        tpu.vector_store_idx %arg8[%get3A_262], %max3A_270 masked %lt3A_271 : memref<10000xf32, #tpu.memory_space<vmem>>[vector<16xi32>], vector<16xf32>, vector<16xi1>
        %gather3A_272 = tpu.vector_load_idx %arg8[%get3A_262] : memref<10000xf32, #tpu.memory_space<vmem>>[vector<16xi32>], vector<16xf32>,
        %lt3A_273 = arith.cmpf olt, %gather3A_272, %max3A_268 : vector<16xf32>
        %or3A_274 = arith.ori %or3A_256, %lt3A_273 : vector<16xi1>
        scf.yield %or3A_274 : vector<16xi1>
      }
      %scan3A_123 = arith.constant 62 : i32
      %get3A = arith.constant 1984 : index
      %get3A_124 = tpu.vector_load %arg9[%get3A] {strides = array<i32>} : memref<2000xi32, #tpu.memory_space<vmem>>, vector<16xi32>,
      %get3A_125 = arith.constant 1984 : index
      %get3A_126 = tpu.vector_load %arg10[%get3A_125] {strides = array<i32>} : memref<2000xf32, #tpu.memory_space<vmem>>, vector<16xf32>,
      %get3A_127 = arith.constant 1984 : index
      %get3A_128 = tpu.vector_load %arg11[%get3A_127] {strides = array<i32>} : memref<2000xf32, #tpu.memory_space<vmem>>, vector<16xf32>,
      tpu.vector_store_idx %arg5[%get3A_124], %get3A_126 {add = true} : memref<10000xf32, #tpu.memory_space<vmem>>[vector<16xi32>], vector<16xf32>,
      %gather3A = tpu.vector_load_idx %arg6[%get3A_124] : memref<10000xf32, #tpu.memory_space<vmem>>[vector<16xi32>], vector<16xf32>,
      %max3A = arith.maximumf %gather3A, %get3A_128 : vector<16xf32>
      tpu.vector_store_idx %arg6[%get3A_124], %max3A : memref<10000xf32, #tpu.memory_space<vmem>>[vector<16xi32>], vector<16xf32>,
      %gather3A_129 = tpu.vector_load_idx %arg6[%get3A_124] : memref<10000xf32, #tpu.memory_space<vmem>>[vector<16xi32>], vector<16xf32>,
      %max3A_130 = arith.maximumf %gather3A_129, %max3A : vector<16xf32>
      %lt3A = arith.cmpf olt, %gather3A_129, %max3A : vector<16xf32>
      tpu.vector_store_idx %arg6[%get3A_124], %max3A_130 masked %lt3A : memref<10000xf32, #tpu.memory_space<vmem>>[vector<16xi32>], vector<16xf32>, vector<16xi1>
      %gather3A_131 = tpu.vector_load_idx %arg6[%get3A_124] : memref<10000xf32, #tpu.memory_space<vmem>>[vector<16xi32>], vector<16xf32>,
      %lt3A_132 = arith.cmpf olt, %gather3A_131, %max3A : vector<16xf32>
      %or3A = arith.ori %scan3A_122, %lt3A_132 : vector<16xi1>
      %reduce_or3A = arith.constant 1.000000e+00 : f32
      %reduce_or3A_133 = arith.constant 0.000000e+00 : f32
      %reduce_or3A_134 = vector.broadcast %reduce_or3A : f32 to vector<16xf32>
      %reduce_or3A_135 = vector.broadcast %reduce_or3A_133 : f32 to vector<16xf32>
      %reduce_or3A_136 = arith.select %or3A, %reduce_or3A_134, %reduce_or3A_135 : vector<16xi1>, vector<16xf32>
      %reduce_or3A_137 = arith.constant true
      %reduce_or3A_138 = vector.broadcast %reduce_or3A_137 : i1 to vector<16xi1>
      %reduce_or3A_139 = tpu.scan <max>, %reduce_or3A_136 masked %reduce_or3A_138 : vector<16xf32>, vector<16xi1> -> vector<16xf32>
      %reduce_or3A_140 = vector.extract %reduce_or3A_139[15] : f32 from vector<16xf32>
      %reduce_or3A_141 = arith.constant 0.000000e+00 : f32
      %reduce_or3A_142 = arith.cmpf ogt, %reduce_or3A_140, %reduce_or3A_141 : f32
      %convert_element_type3A = arith.extui %reduce_or3A_142 : i1 to i32
      %cond3A = arith.constant 0 : i32
      %cond3A_143 = arith.cmpi ne, %convert_element_type3A, %cond3A : i32
      scf.if %cond3A_143 {
        %scan3A_239 = arith.constant 0 : i32
        %scan3A_240 = arith.constant 0 : i32
        %scan3A_241 = arith.constant 62 : i32
        %scan3A_242 = arith.addi %scan3A_240, %scan3A_241 : i32
        %scan3A_243 = arith.constant 1 : i32
        scf.for %scan3A_251 = %scan3A_240 to %scan3A_242 step %scan3A_243  : i32 {
          %mul3A_252 = arith.constant 32 : i32
          %mul3A_253 = arith.muli %scan3A_251, %mul3A_252 : i32
          %get3A_254 = arith.index_cast %mul3A_253 : i32 to index
          %get3A_255 = tpu.vector_load %arg9[%get3A_254] {strides = array<i32>} : memref<2000xi32, #tpu.memory_space<vmem>>, vector<16xi32>,
          %get3A_256 = arith.index_cast %mul3A_253 : i32 to index
          %get3A_257 = tpu.vector_load %arg11[%get3A_256] {strides = array<i32>} : memref<2000xf32, #tpu.memory_space<vmem>>, vector<16xf32>,
          %gather3A_258 = tpu.vector_load_idx %arg6[%get3A_255] : memref<10000xf32, #tpu.memory_space<vmem>>[vector<16xi32>], vector<16xf32>,
          %lt3A_259 = arith.cmpf olt, %gather3A_258, %get3A_257 : vector<16xf32>
          %while3A_260 = scf.while (%while3A_272 = %lt3A_259) : (vector<16xi1>) -> vector<16xi1> {
            %reduce_or3A_273 = arith.constant 1.000000e+00 : f32
            %reduce_or3A_274 = arith.constant 0.000000e+00 : f32
            %reduce_or3A_275 = vector.broadcast %reduce_or3A_273 : f32 to vector<16xf32>
            %reduce_or3A_276 = vector.broadcast %reduce_or3A_274 : f32 to vector<16xf32>
            %reduce_or3A_277 = arith.select %while3A_272, %reduce_or3A_275, %reduce_or3A_276 : vector<16xi1>, vector<16xf32>
            %reduce_or3A_278 = arith.constant true
            %reduce_or3A_279 = vector.broadcast %reduce_or3A_278 : i1 to vector<16xi1>
            %reduce_or3A_280 = tpu.scan <max>, %reduce_or3A_277 masked %reduce_or3A_279 : vector<16xf32>, vector<16xi1> -> vector<16xf32>
            %reduce_or3A_281 = vector.extract %reduce_or3A_280[15] : f32 from vector<16xf32>
            %reduce_or3A_282 = arith.constant 0.000000e+00 : f32
            %reduce_or3A_283 = arith.cmpf ogt, %reduce_or3A_281, %reduce_or3A_282 : f32
            scf.condition(%reduce_or3A_283) %while3A_272 : vector<16xi1>
          } do {
          ^bb0(%while3A_272: vector<16xi1>):
            %gather3A_273 = tpu.vector_load_idx %arg6[%get3A_255] : memref<10000xf32, #tpu.memory_space<vmem>>[vector<16xi32>], vector<16xf32>,
            %max3A_274 = arith.maximumf %gather3A_273, %get3A_257 : vector<16xf32>
            tpu.vector_store_idx %arg6[%get3A_255], %max3A_274 masked %while3A_272 : memref<10000xf32, #tpu.memory_space<vmem>>[vector<16xi32>], vector<16xf32>, vector<16xi1>
            %gather3A_275 = tpu.vector_load_idx %arg6[%get3A_255] : memref<10000xf32, #tpu.memory_space<vmem>>[vector<16xi32>], vector<16xf32>,
            %lt3A_276 = arith.cmpf olt, %gather3A_275, %get3A_257 : vector<16xf32>
            scf.yield %lt3A_276 : vector<16xi1>
          }
          %mul3A_261 = arith.constant 32 : i32
          %mul3A_262 = arith.muli %scan3A_251, %mul3A_261 : i32
          %add3A_263 = arith.constant 16 : i32
          %add3A_264 = arith.addi %mul3A_262, %add3A_263 : i32
          %get3A_265 = arith.index_cast %add3A_264 : i32 to index
          %get3A_266 = tpu.vector_load %arg9[%get3A_265] {strides = array<i32>} : memref<2000xi32, #tpu.memory_space<vmem>>, vector<16xi32>,
          %get3A_267 = arith.index_cast %add3A_264 : i32 to index
          %get3A_268 = tpu.vector_load %arg11[%get3A_267] {strides = array<i32>} : memref<2000xf32, #tpu.memory_space<vmem>>, vector<16xf32>,
          %gather3A_269 = tpu.vector_load_idx %arg8[%get3A_266] : memref<10000xf32, #tpu.memory_space<vmem>>[vector<16xi32>], vector<16xf32>,
          %lt3A_270 = arith.cmpf olt, %gather3A_269, %get3A_268 : vector<16xf32>
          %while3A_271 = scf.while (%while3A_272 = %lt3A_270) : (vector<16xi1>) -> vector<16xi1> {
            %reduce_or3A_273 = arith.constant 1.000000e+00 : f32
            %reduce_or3A_274 = arith.constant 0.000000e+00 : f32
            %reduce_or3A_275 = vector.broadcast %reduce_or3A_273 : f32 to vector<16xf32>
            %reduce_or3A_276 = vector.broadcast %reduce_or3A_274 : f32 to vector<16xf32>
            %reduce_or3A_277 = arith.select %while3A_272, %reduce_or3A_275, %reduce_or3A_276 : vector<16xi1>, vector<16xf32>
            %reduce_or3A_278 = arith.constant true
            %reduce_or3A_279 = vector.broadcast %reduce_or3A_278 : i1 to vector<16xi1>
            %reduce_or3A_280 = tpu.scan <max>, %reduce_or3A_277 masked %reduce_or3A_279 : vector<16xf32>, vector<16xi1> -> vector<16xf32>
            %reduce_or3A_281 = vector.extract %reduce_or3A_280[15] : f32 from vector<16xf32>
            %reduce_or3A_282 = arith.constant 0.000000e+00 : f32
            %reduce_or3A_283 = arith.cmpf ogt, %reduce_or3A_281, %reduce_or3A_282 : f32
            scf.condition(%reduce_or3A_283) %while3A_272 : vector<16xi1>
          } do {
          ^bb0(%while3A_272: vector<16xi1>):
            %gather3A_273 = tpu.vector_load_idx %arg8[%get3A_266] : memref<10000xf32, #tpu.memory_space<vmem>>[vector<16xi32>], vector<16xf32>,
            %max3A_274 = arith.maximumf %gather3A_273, %get3A_268 : vector<16xf32>
            tpu.vector_store_idx %arg8[%get3A_266], %max3A_274 masked %while3A_272 : memref<10000xf32, #tpu.memory_space<vmem>>[vector<16xi32>], vector<16xf32>, vector<16xi1>
            %gather3A_275 = tpu.vector_load_idx %arg8[%get3A_266] : memref<10000xf32, #tpu.memory_space<vmem>>[vector<16xi32>], vector<16xf32>,
            %lt3A_276 = arith.cmpf olt, %gather3A_275, %get3A_268 : vector<16xf32>
            scf.yield %lt3A_276 : vector<16xi1>
          }
        }
        %scan3A_244 = arith.constant 62 : i32
        %get3A_245 = arith.constant 1984 : index
        %get3A_246 = tpu.vector_load %arg9[%get3A_245] {strides = array<i32>} : memref<2000xi32, #tpu.memory_space<vmem>>, vector<16xi32>,
        %get3A_247 = arith.constant 1984 : index
        %get3A_248 = tpu.vector_load %arg11[%get3A_247] {strides = array<i32>} : memref<2000xf32, #tpu.memory_space<vmem>>, vector<16xf32>,
        %gather3A_249 = tpu.vector_load_idx %arg6[%get3A_246] : memref<10000xf32, #tpu.memory_space<vmem>>[vector<16xi32>], vector<16xf32>,
        %lt3A_250 = arith.cmpf olt, %gather3A_249, %get3A_248 : vector<16xf32>
        %while3A = scf.while (%while3A_251 = %lt3A_250) : (vector<16xi1>) -> vector<16xi1> {
          %reduce_or3A_252 = arith.constant 1.000000e+00 : f32
          %reduce_or3A_253 = arith.constant 0.000000e+00 : f32
          %reduce_or3A_254 = vector.broadcast %reduce_or3A_252 : f32 to vector<16xf32>
          %reduce_or3A_255 = vector.broadcast %reduce_or3A_253 : f32 to vector<16xf32>
          %reduce_or3A_256 = arith.select %while3A_251, %reduce_or3A_254, %reduce_or3A_255 : vector<16xi1>, vector<16xf32>
          %reduce_or3A_257 = arith.constant true
          %reduce_or3A_258 = vector.broadcast %reduce_or3A_257 : i1 to vector<16xi1>
          %reduce_or3A_259 = tpu.scan <max>, %reduce_or3A_256 masked %reduce_or3A_258 : vector<16xf32>, vector<16xi1> -> vector<16xf32>
          %reduce_or3A_260 = vector.extract %reduce_or3A_259[15] : f32 from vector<16xf32>
          %reduce_or3A_261 = arith.constant 0.000000e+00 : f32
          %reduce_or3A_262 = arith.cmpf ogt, %reduce_or3A_260, %reduce_or3A_261 : f32
          scf.condition(%reduce_or3A_262) %while3A_251 : vector<16xi1>
        } do {
        ^bb0(%while3A_251: vector<16xi1>):
          %gather3A_252 = tpu.vector_load_idx %arg6[%get3A_246] : memref<10000xf32, #tpu.memory_space<vmem>>[vector<16xi32>], vector<16xf32>,
          %max3A_253 = arith.maximumf %gather3A_252, %get3A_248 : vector<16xf32>
          tpu.vector_store_idx %arg6[%get3A_246], %max3A_253 masked %while3A_251 : memref<10000xf32, #tpu.memory_space<vmem>>[vector<16xi32>], vector<16xf32>, vector<16xi1>
          %gather3A_254 = tpu.vector_load_idx %arg6[%get3A_246] : memref<10000xf32, #tpu.memory_space<vmem>>[vector<16xi32>], vector<16xf32>,
          %lt3A_255 = arith.cmpf olt, %gather3A_254, %get3A_248 : vector<16xf32>
          scf.yield %lt3A_255 : vector<16xi1>
        }
      } else {
      }
      %dma_wait3A_144 = arith.constant 0 : i32
      %dma_wait3A_145 = tpu.memref_slice %arg3[%dma_wait3A_144] : memref<160000xi32, #tpu.memory_space<hbm>> -> memref<2000xi32, #tpu.memory_space<hbm>>
      %dma_wait3A_146 = arith.constant 0 : i32
      %dma_wait3A_147 = tpu.memref_slice %arg3[%dma_wait3A_146] : memref<160000xi32, #tpu.memory_space<hbm>> -> memref<2000xi32, #tpu.memory_space<hbm>>
      tpu.wait_dma2 semaphore(%arg16 : memref<!tpu.dma_semaphore, #tpu.memory_space<semaphore_mem>>) src(%dma_wait3A_147 : memref<2000xi32, #tpu.memory_space<hbm>>) dst(%arg12 : memref<2000xi32, #tpu.memory_space<vmem>>)
      %dma_wait3A_148 = arith.constant 0 : i32
      %dma_wait3A_149 = tpu.memref_slice %arg2[%dma_wait3A_148] : memref<10240000xf32, #tpu.memory_space<hbm>> -> memref<2000xf32, #tpu.memory_space<hbm>>
      %dma_wait3A_150 = arith.constant 0 : i32
      %dma_wait3A_151 = tpu.memref_slice %arg2[%dma_wait3A_150] : memref<10240000xf32, #tpu.memory_space<hbm>> -> memref<2000xf32, #tpu.memory_space<hbm>>
      tpu.wait_dma2 semaphore(%arg16 : memref<!tpu.dma_semaphore, #tpu.memory_space<semaphore_mem>>) src(%dma_wait3A_151 : memref<2000xf32, #tpu.memory_space<hbm>>) dst(%arg13 : memref<2000xf32, #tpu.memory_space<vmem>>)
      %dma_wait3A_152 = arith.constant 0 : i32
      %dma_wait3A_153 = tpu.memref_slice %arg2[%dma_wait3A_152] : memref<10240000xf32, #tpu.memory_space<hbm>> -> memref<2000xf32, #tpu.memory_space<hbm>>
      %dma_wait3A_154 = arith.constant 0 : i32
      %dma_wait3A_155 = tpu.memref_slice %arg2[%dma_wait3A_154] : memref<10240000xf32, #tpu.memory_space<hbm>> -> memref<2000xf32, #tpu.memory_space<hbm>>
      tpu.wait_dma2 semaphore(%arg16 : memref<!tpu.dma_semaphore, #tpu.memory_space<semaphore_mem>>) src(%dma_wait3A_155 : memref<2000xf32, #tpu.memory_space<hbm>>) dst(%arg14 : memref<2000xf32, #tpu.memory_space<vmem>>)
      %jit3A_156 = arith.constant 80000 : i32
      %div3A_157 = arith.divsi %min3A_65, %jit3A_156 : i32
      %sign3A_158 = arith.constant 0 : i32
      %sign3A_159 = arith.cmpi sgt, %min3A_65, %sign3A_158 : i32
      %sign3A_160 = arith.extui %sign3A_159 : i1 to i32
      %sign3A_161 = arith.constant 0 : i32
      %sign3A_162 = arith.cmpi slt, %min3A_65, %sign3A_161 : i32
      %sign3A_163 = arith.extui %sign3A_162 : i1 to i32
      %sign3A_164 = arith.subi %sign3A_160, %sign3A_163 : i32
      %sign3A_165 = arith.constant 0 : i32
      %sign3A_166 = arith.cmpi sgt, %jit3A_156, %sign3A_165 : i32
      %sign3A_167 = arith.extui %sign3A_166 : i1 to i32
      %sign3A_168 = arith.constant 0 : i32
      %sign3A_169 = arith.cmpi slt, %jit3A_156, %sign3A_168 : i32
      %sign3A_170 = arith.extui %sign3A_169 : i1 to i32
      %sign3A_171 = arith.subi %sign3A_167, %sign3A_170 : i32
      %ne3A_172 = arith.cmpi ne, %sign3A_164, %sign3A_171 : i32
      %rem3A_173 = arith.remsi %min3A_65, %jit3A_156 : i32
      %ne3A_174 = arith.constant 0 : i32
      %ne3A_175 = arith.cmpi ne, %rem3A_173, %ne3A_174 : i32
      %and3A_176 = arith.andi %ne3A_172, %ne3A_175 : i1
      %sub3A_177 = arith.constant 1 : i32
      %sub3A_178 = arith.subi %div3A_157, %sub3A_177 : i32
      %select_n3A_179 = arith.select %and3A_176, %sub3A_178, %div3A_157 : i32
      %mul3A_180 = arith.constant 80000 : i32
      %mul3A_181 = arith.muli %select_n3A_179, %mul3A_180 : i32
      %sub3A_182 = arith.subi %min3A_65, %mul3A_181 : i32
      %mul3A_183 = arith.constant 64 : i32
      %mul3A_184 = arith.muli %mul3A_183, %select_n3A_179 : i32
      %add3A_185 = arith.addi %add3A, %mul3A_184 : i32
      %mul3A_186 = arith.constant 80000 : i32
      %mul3A_187 = arith.muli %add3A_185, %mul3A_186 : i32
      %add3A_188 = arith.addi %mul3A_187, %sub3A_182 : i32
      %add3A_189 = arith.constant 32 : i32
      %add3A_190 = arith.addi %add3A_189, %add3A : i32
      %mul3A_191 = arith.constant 64 : i32
      %mul3A_192 = arith.muli %mul3A_191, %select_n3A_179 : i32
      %add3A_193 = arith.addi %add3A_190, %mul3A_192 : i32
      %mul3A_194 = arith.constant 80000 : i32
      %mul3A_195 = arith.muli %add3A_193, %mul3A_194 : i32
      %add3A_196 = arith.addi %mul3A_195, %sub3A_182 : i32
      %dma_start3A_197 = tpu.memref_slice %arg3[%min3A_65] : memref<160000xi32, #tpu.memory_space<hbm>> -> memref<2000xi32, #tpu.memory_space<hbm>>
      %dma_start3A_198 = tpu.memref_slice %arg3[%min3A_65] : memref<160000xi32, #tpu.memory_space<hbm>> -> memref<2000xi32, #tpu.memory_space<hbm>>
      tpu.enqueue_dma source(%dma_start3A_198 : memref<2000xi32, #tpu.memory_space<hbm>>) target(%arg9 : memref<2000xi32, #tpu.memory_space<vmem>>) target_semaphore(%arg15 : memref<!tpu.dma_semaphore, #tpu.memory_space<semaphore_mem>>)
      %dma_start3A_199 = tpu.memref_slice %arg2[%add3A_188] : memref<10240000xf32, #tpu.memory_space<hbm>> -> memref<2000xf32, #tpu.memory_space<hbm>>
      %dma_start3A_200 = tpu.memref_slice %arg2[%add3A_188] : memref<10240000xf32, #tpu.memory_space<hbm>> -> memref<2000xf32, #tpu.memory_space<hbm>>
      tpu.enqueue_dma source(%dma_start3A_200 : memref<2000xf32, #tpu.memory_space<hbm>>) target(%arg10 : memref<2000xf32, #tpu.memory_space<vmem>>) target_semaphore(%arg15 : memref<!tpu.dma_semaphore, #tpu.memory_space<semaphore_mem>>)
      %dma_start3A_201 = tpu.memref_slice %arg2[%add3A_196] : memref<10240000xf32, #tpu.memory_space<hbm>> -> memref<2000xf32, #tpu.memory_space<hbm>>
      %dma_start3A_202 = tpu.memref_slice %arg2[%add3A_196] : memref<10240000xf32, #tpu.memory_space<hbm>> -> memref<2000xf32, #tpu.memory_space<hbm>>
      tpu.enqueue_dma source(%dma_start3A_202 : memref<2000xf32, #tpu.memory_space<hbm>>) target(%arg11 : memref<2000xf32, #tpu.memory_space<vmem>>) target_semaphore(%arg15 : memref<!tpu.dma_semaphore, #tpu.memory_space<semaphore_mem>>)
      %broadcast_in_dim3A_203 = arith.constant false
      %broadcast_in_dim3A_204 = vector.broadcast %broadcast_in_dim3A_203 : i1 to vector<16xi1>
      %scan3A_205 = arith.constant 0 : i32
      %scan3A_206 = arith.constant 62 : i32
      %scan3A_207 = arith.addi %scan3A_205, %scan3A_206 : i32
      %scan3A_208 = arith.constant 1 : i32
      %scan3A_209 = scf.for %scan3A_239 = %scan3A_205 to %scan3A_207 step %scan3A_208 iter_args(%scan3A_240 = %broadcast_in_dim3A_204) -> (vector<16xi1>)  : i32 {
        %mul3A_241 = arith.constant 32 : i32
        %mul3A_242 = arith.muli %scan3A_239, %mul3A_241 : i32
        %get3A_243 = arith.index_cast %mul3A_242 : i32 to index
        %get3A_244 = tpu.vector_load %arg12[%get3A_243] {strides = array<i32>} : memref<2000xi32, #tpu.memory_space<vmem>>, vector<16xi32>,
        %get3A_245 = arith.index_cast %mul3A_242 : i32 to index
        %get3A_246 = tpu.vector_load %arg13[%get3A_245] {strides = array<i32>} : memref<2000xf32, #tpu.memory_space<vmem>>, vector<16xf32>,
        %get3A_247 = arith.index_cast %mul3A_242 : i32 to index
        %get3A_248 = tpu.vector_load %arg14[%get3A_247] {strides = array<i32>} : memref<2000xf32, #tpu.memory_space<vmem>>, vector<16xf32>,
        tpu.vector_store_idx %arg5[%get3A_244], %get3A_246 {add = true} : memref<10000xf32, #tpu.memory_space<vmem>>[vector<16xi32>], vector<16xf32>,
        %gather3A_249 = tpu.vector_load_idx %arg6[%get3A_244] : memref<10000xf32, #tpu.memory_space<vmem>>[vector<16xi32>], vector<16xf32>,
        %max3A_250 = arith.maximumf %gather3A_249, %get3A_248 : vector<16xf32>
        tpu.vector_store_idx %arg6[%get3A_244], %max3A_250 : memref<10000xf32, #tpu.memory_space<vmem>>[vector<16xi32>], vector<16xf32>,
        %gather3A_251 = tpu.vector_load_idx %arg6[%get3A_244] : memref<10000xf32, #tpu.memory_space<vmem>>[vector<16xi32>], vector<16xf32>,
        %max3A_252 = arith.maximumf %gather3A_251, %max3A_250 : vector<16xf32>
        %lt3A_253 = arith.cmpf olt, %gather3A_251, %max3A_250 : vector<16xf32>
        tpu.vector_store_idx %arg6[%get3A_244], %max3A_252 masked %lt3A_253 : memref<10000xf32, #tpu.memory_space<vmem>>[vector<16xi32>], vector<16xf32>, vector<16xi1>
        %gather3A_254 = tpu.vector_load_idx %arg6[%get3A_244] : memref<10000xf32, #tpu.memory_space<vmem>>[vector<16xi32>], vector<16xf32>,
        %lt3A_255 = arith.cmpf olt, %gather3A_254, %max3A_250 : vector<16xf32>
        %or3A_256 = arith.ori %scan3A_240, %lt3A_255 : vector<16xi1>
        %mul3A_257 = arith.constant 32 : i32
        %mul3A_258 = arith.muli %scan3A_239, %mul3A_257 : i32
        %add3A_259 = arith.constant 16 : i32
        %add3A_260 = arith.addi %mul3A_258, %add3A_259 : i32
        %get3A_261 = arith.index_cast %add3A_260 : i32 to index
        %get3A_262 = tpu.vector_load %arg12[%get3A_261] {strides = array<i32>} : memref<2000xi32, #tpu.memory_space<vmem>>, vector<16xi32>,
        %get3A_263 = arith.index_cast %add3A_260 : i32 to index
        %get3A_264 = tpu.vector_load %arg13[%get3A_263] {strides = array<i32>} : memref<2000xf32, #tpu.memory_space<vmem>>, vector<16xf32>,
        %get3A_265 = arith.index_cast %add3A_260 : i32 to index
        %get3A_266 = tpu.vector_load %arg14[%get3A_265] {strides = array<i32>} : memref<2000xf32, #tpu.memory_space<vmem>>, vector<16xf32>,
        tpu.vector_store_idx %arg7[%get3A_262], %get3A_264 {add = true} : memref<10000xf32, #tpu.memory_space<vmem>>[vector<16xi32>], vector<16xf32>,
        %gather3A_267 = tpu.vector_load_idx %arg8[%get3A_262] : memref<10000xf32, #tpu.memory_space<vmem>>[vector<16xi32>], vector<16xf32>,
        %max3A_268 = arith.maximumf %gather3A_267, %get3A_266 : vector<16xf32>
        tpu.vector_store_idx %arg8[%get3A_262], %max3A_268 : memref<10000xf32, #tpu.memory_space<vmem>>[vector<16xi32>], vector<16xf32>,
        %gather3A_269 = tpu.vector_load_idx %arg8[%get3A_262] : memref<10000xf32, #tpu.memory_space<vmem>>[vector<16xi32>], vector<16xf32>,
        %max3A_270 = arith.maximumf %gather3A_269, %max3A_268 : vector<16xf32>
        %lt3A_271 = arith.cmpf olt, %gather3A_269, %max3A_268 : vector<16xf32>
        tpu.vector_store_idx %arg8[%get3A_262], %max3A_270 masked %lt3A_271 : memref<10000xf32, #tpu.memory_space<vmem>>[vector<16xi32>], vector<16xf32>, vector<16xi1>
        %gather3A_272 = tpu.vector_load_idx %arg8[%get3A_262] : memref<10000xf32, #tpu.memory_space<vmem>>[vector<16xi32>], vector<16xf32>,
        %lt3A_273 = arith.cmpf olt, %gather3A_272, %max3A_268 : vector<16xf32>
        %or3A_274 = arith.ori %or3A_256, %lt3A_273 : vector<16xi1>
        scf.yield %or3A_274 : vector<16xi1>
      }
      %scan3A_210 = arith.constant 62 : i32
      %get3A_211 = arith.constant 1984 : index
      %get3A_212 = tpu.vector_load %arg12[%get3A_211] {strides = array<i32>} : memref<2000xi32, #tpu.memory_space<vmem>>, vector<16xi32>,
      %get3A_213 = arith.constant 1984 : index
      %get3A_214 = tpu.vector_load %arg13[%get3A_213] {strides = array<i32>} : memref<2000xf32, #tpu.memory_space<vmem>>, vector<16xf32>,
      %get3A_215 = arith.constant 1984 : index
      %get3A_216 = tpu.vector_load %arg14[%get3A_215] {strides = array<i32>} : memref<2000xf32, #tpu.memory_space<vmem>>, vector<16xf32>,
      tpu.vector_store_idx %arg5[%get3A_212], %get3A_214 {add = true} : memref<10000xf32, #tpu.memory_space<vmem>>[vector<16xi32>], vector<16xf32>,
      %gather3A_217 = tpu.vector_load_idx %arg6[%get3A_212] : memref<10000xf32, #tpu.memory_space<vmem>>[vector<16xi32>], vector<16xf32>,
      %max3A_218 = arith.maximumf %gather3A_217, %get3A_216 : vector<16xf32>
      tpu.vector_store_idx %arg6[%get3A_212], %max3A_218 : memref<10000xf32, #tpu.memory_space<vmem>>[vector<16xi32>], vector<16xf32>,
      %gather3A_219 = tpu.vector_load_idx %arg6[%get3A_212] : memref<10000xf32, #tpu.memory_space<vmem>>[vector<16xi32>], vector<16xf32>,
      %max3A_220 = arith.maximumf %gather3A_219, %max3A_218 : vector<16xf32>
      %lt3A_221 = arith.cmpf olt, %gather3A_219, %max3A_218 : vector<16xf32>
      tpu.vector_store_idx %arg6[%get3A_212], %max3A_220 masked %lt3A_221 : memref<10000xf32, #tpu.memory_space<vmem>>[vector<16xi32>], vector<16xf32>, vector<16xi1>
      %gather3A_222 = tpu.vector_load_idx %arg6[%get3A_212] : memref<10000xf32, #tpu.memory_space<vmem>>[vector<16xi32>], vector<16xf32>,
      %lt3A_223 = arith.cmpf olt, %gather3A_222, %max3A_218 : vector<16xf32>
      %or3A_224 = arith.ori %scan3A_209, %lt3A_223 : vector<16xi1>
      %reduce_or3A_225 = arith.constant 1.000000e+00 : f32
      %reduce_or3A_226 = arith.constant 0.000000e+00 : f32
      %reduce_or3A_227 = vector.broadcast %reduce_or3A_225 : f32 to vector<16xf32>
      %reduce_or3A_228 = vector.broadcast %reduce_or3A_226 : f32 to vector<16xf32>
      %reduce_or3A_229 = arith.select %or3A_224, %reduce_or3A_227, %reduce_or3A_228 : vector<16xi1>, vector<16xf32>
      %reduce_or3A_230 = arith.constant true
      %reduce_or3A_231 = vector.broadcast %reduce_or3A_230 : i1 to vector<16xi1>
      %reduce_or3A_232 = tpu.scan <max>, %reduce_or3A_229 masked %reduce_or3A_231 : vector<16xf32>, vector<16xi1> -> vector<16xf32>
      %reduce_or3A_233 = vector.extract %reduce_or3A_232[15] : f32 from vector<16xf32>
      %reduce_or3A_234 = arith.constant 0.000000e+00 : f32
      %reduce_or3A_235 = arith.cmpf ogt, %reduce_or3A_233, %reduce_or3A_234 : f32
      %convert_element_type3A_236 = arith.extui %reduce_or3A_235 : i1 to i32
      %cond3A_237 = arith.constant 0 : i32
      %cond3A_238 = arith.cmpi ne, %convert_element_type3A_236, %cond3A_237 : i32
      scf.if %cond3A_238 {
        %scan3A_239 = arith.constant 0 : i32
        %scan3A_240 = arith.constant 0 : i32
        %scan3A_241 = arith.constant 62 : i32
        %scan3A_242 = arith.addi %scan3A_240, %scan3A_241 : i32
        %scan3A_243 = arith.constant 1 : i32
        scf.for %scan3A_251 = %scan3A_240 to %scan3A_242 step %scan3A_243  : i32 {
          %mul3A_252 = arith.constant 32 : i32
          %mul3A_253 = arith.muli %scan3A_251, %mul3A_252 : i32
          %get3A_254 = arith.index_cast %mul3A_253 : i32 to index
          %get3A_255 = tpu.vector_load %arg12[%get3A_254] {strides = array<i32>} : memref<2000xi32, #tpu.memory_space<vmem>>, vector<16xi32>,
          %get3A_256 = arith.index_cast %mul3A_253 : i32 to index
          %get3A_257 = tpu.vector_load %arg14[%get3A_256] {strides = array<i32>} : memref<2000xf32, #tpu.memory_space<vmem>>, vector<16xf32>,
          %gather3A_258 = tpu.vector_load_idx %arg6[%get3A_255] : memref<10000xf32, #tpu.memory_space<vmem>>[vector<16xi32>], vector<16xf32>,
          %lt3A_259 = arith.cmpf olt, %gather3A_258, %get3A_257 : vector<16xf32>
          %while3A_260 = scf.while (%while3A_272 = %lt3A_259) : (vector<16xi1>) -> vector<16xi1> {
            %reduce_or3A_273 = arith.constant 1.000000e+00 : f32
            %reduce_or3A_274 = arith.constant 0.000000e+00 : f32
            %reduce_or3A_275 = vector.broadcast %reduce_or3A_273 : f32 to vector<16xf32>
            %reduce_or3A_276 = vector.broadcast %reduce_or3A_274 : f32 to vector<16xf32>
            %reduce_or3A_277 = arith.select %while3A_272, %reduce_or3A_275, %reduce_or3A_276 : vector<16xi1>, vector<16xf32>
            %reduce_or3A_278 = arith.constant true
            %reduce_or3A_279 = vector.broadcast %reduce_or3A_278 : i1 to vector<16xi1>
            %reduce_or3A_280 = tpu.scan <max>, %reduce_or3A_277 masked %reduce_or3A_279 : vector<16xf32>, vector<16xi1> -> vector<16xf32>
            %reduce_or3A_281 = vector.extract %reduce_or3A_280[15] : f32 from vector<16xf32>
            %reduce_or3A_282 = arith.constant 0.000000e+00 : f32
            %reduce_or3A_283 = arith.cmpf ogt, %reduce_or3A_281, %reduce_or3A_282 : f32
            scf.condition(%reduce_or3A_283) %while3A_272 : vector<16xi1>
          } do {
          ^bb0(%while3A_272: vector<16xi1>):
            %gather3A_273 = tpu.vector_load_idx %arg6[%get3A_255] : memref<10000xf32, #tpu.memory_space<vmem>>[vector<16xi32>], vector<16xf32>,
            %max3A_274 = arith.maximumf %gather3A_273, %get3A_257 : vector<16xf32>
            tpu.vector_store_idx %arg6[%get3A_255], %max3A_274 masked %while3A_272 : memref<10000xf32, #tpu.memory_space<vmem>>[vector<16xi32>], vector<16xf32>, vector<16xi1>
            %gather3A_275 = tpu.vector_load_idx %arg6[%get3A_255] : memref<10000xf32, #tpu.memory_space<vmem>>[vector<16xi32>], vector<16xf32>,
            %lt3A_276 = arith.cmpf olt, %gather3A_275, %get3A_257 : vector<16xf32>
            scf.yield %lt3A_276 : vector<16xi1>
          }
          %mul3A_261 = arith.constant 32 : i32
          %mul3A_262 = arith.muli %scan3A_251, %mul3A_261 : i32
          %add3A_263 = arith.constant 16 : i32
          %add3A_264 = arith.addi %mul3A_262, %add3A_263 : i32
          %get3A_265 = arith.index_cast %add3A_264 : i32 to index
          %get3A_266 = tpu.vector_load %arg12[%get3A_265] {strides = array<i32>} : memref<2000xi32, #tpu.memory_space<vmem>>, vector<16xi32>,
          %get3A_267 = arith.index_cast %add3A_264 : i32 to index
          %get3A_268 = tpu.vector_load %arg14[%get3A_267] {strides = array<i32>} : memref<2000xf32, #tpu.memory_space<vmem>>, vector<16xf32>,
          %gather3A_269 = tpu.vector_load_idx %arg8[%get3A_266] : memref<10000xf32, #tpu.memory_space<vmem>>[vector<16xi32>], vector<16xf32>,
          %lt3A_270 = arith.cmpf olt, %gather3A_269, %get3A_268 : vector<16xf32>
          %while3A_271 = scf.while (%while3A_272 = %lt3A_270) : (vector<16xi1>) -> vector<16xi1> {
            %reduce_or3A_273 = arith.constant 1.000000e+00 : f32
            %reduce_or3A_274 = arith.constant 0.000000e+00 : f32
            %reduce_or3A_275 = vector.broadcast %reduce_or3A_273 : f32 to vector<16xf32>
            %reduce_or3A_276 = vector.broadcast %reduce_or3A_274 : f32 to vector<16xf32>
            %reduce_or3A_277 = arith.select %while3A_272, %reduce_or3A_275, %reduce_or3A_276 : vector<16xi1>, vector<16xf32>
            %reduce_or3A_278 = arith.constant true
            %reduce_or3A_279 = vector.broadcast %reduce_or3A_278 : i1 to vector<16xi1>
            %reduce_or3A_280 = tpu.scan <max>, %reduce_or3A_277 masked %reduce_or3A_279 : vector<16xf32>, vector<16xi1> -> vector<16xf32>
            %reduce_or3A_281 = vector.extract %reduce_or3A_280[15] : f32 from vector<16xf32>
            %reduce_or3A_282 = arith.constant 0.000000e+00 : f32
            %reduce_or3A_283 = arith.cmpf ogt, %reduce_or3A_281, %reduce_or3A_282 : f32
            scf.condition(%reduce_or3A_283) %while3A_272 : vector<16xi1>
          } do {
          ^bb0(%while3A_272: vector<16xi1>):
            %gather3A_273 = tpu.vector_load_idx %arg8[%get3A_266] : memref<10000xf32, #tpu.memory_space<vmem>>[vector<16xi32>], vector<16xf32>,
            %max3A_274 = arith.maximumf %gather3A_273, %get3A_268 : vector<16xf32>
            tpu.vector_store_idx %arg8[%get3A_266], %max3A_274 masked %while3A_272 : memref<10000xf32, #tpu.memory_space<vmem>>[vector<16xi32>], vector<16xf32>, vector<16xi1>
            %gather3A_275 = tpu.vector_load_idx %arg8[%get3A_266] : memref<10000xf32, #tpu.memory_space<vmem>>[vector<16xi32>], vector<16xf32>,
            %lt3A_276 = arith.cmpf olt, %gather3A_275, %get3A_268 : vector<16xf32>
            scf.yield %lt3A_276 : vector<16xi1>
          }
        }
        %scan3A_244 = arith.constant 62 : i32
        %get3A_245 = arith.constant 1984 : index
        %get3A_246 = tpu.vector_load %arg12[%get3A_245] {strides = array<i32>} : memref<2000xi32, #tpu.memory_space<vmem>>, vector<16xi32>,
        %get3A_247 = arith.constant 1984 : index
        %get3A_248 = tpu.vector_load %arg14[%get3A_247] {strides = array<i32>} : memref<2000xf32, #tpu.memory_space<vmem>>, vector<16xf32>,
        %gather3A_249 = tpu.vector_load_idx %arg6[%get3A_246] : memref<10000xf32, #tpu.memory_space<vmem>>[vector<16xi32>], vector<16xf32>,
        %lt3A_250 = arith.cmpf olt, %gather3A_249, %get3A_248 : vector<16xf32>
        %while3A = scf.while (%while3A_251 = %lt3A_250) : (vector<16xi1>) -> vector<16xi1> {
          %reduce_or3A_252 = arith.constant 1.000000e+00 : f32
          %reduce_or3A_253 = arith.constant 0.000000e+00 : f32
          %reduce_or3A_254 = vector.broadcast %reduce_or3A_252 : f32 to vector<16xf32>
          %reduce_or3A_255 = vector.broadcast %reduce_or3A_253 : f32 to vector<16xf32>
          %reduce_or3A_256 = arith.select %while3A_251, %reduce_or3A_254, %reduce_or3A_255 : vector<16xi1>, vector<16xf32>
          %reduce_or3A_257 = arith.constant true
          %reduce_or3A_258 = vector.broadcast %reduce_or3A_257 : i1 to vector<16xi1>
          %reduce_or3A_259 = tpu.scan <max>, %reduce_or3A_256 masked %reduce_or3A_258 : vector<16xf32>, vector<16xi1> -> vector<16xf32>
          %reduce_or3A_260 = vector.extract %reduce_or3A_259[15] : f32 from vector<16xf32>
          %reduce_or3A_261 = arith.constant 0.000000e+00 : f32
          %reduce_or3A_262 = arith.cmpf ogt, %reduce_or3A_260, %reduce_or3A_261 : f32
          scf.condition(%reduce_or3A_262) %while3A_251 : vector<16xi1>
        } do {
        ^bb0(%while3A_251: vector<16xi1>):
          %gather3A_252 = tpu.vector_load_idx %arg6[%get3A_246] : memref<10000xf32, #tpu.memory_space<vmem>>[vector<16xi32>], vector<16xf32>,
          %max3A_253 = arith.maximumf %gather3A_252, %get3A_248 : vector<16xf32>
          tpu.vector_store_idx %arg6[%get3A_246], %max3A_253 masked %while3A_251 : memref<10000xf32, #tpu.memory_space<vmem>>[vector<16xi32>], vector<16xf32>, vector<16xi1>
          %gather3A_254 = tpu.vector_load_idx %arg6[%get3A_246] : memref<10000xf32, #tpu.memory_space<vmem>>[vector<16xi32>], vector<16xf32>,
          %lt3A_255 = arith.cmpf olt, %gather3A_254, %get3A_248 : vector<16xf32>
          scf.yield %lt3A_255 : vector<16xi1>
        }
      } else {
      }
    }
    %scan3A_32 = arith.constant 40 : i32
    %dma_wait3A = arith.constant 0 : i32
    %dma_wait3A_33 = tpu.memref_slice %arg3[%dma_wait3A] : memref<160000xi32, #tpu.memory_space<hbm>> -> memref<2000xi32, #tpu.memory_space<hbm>>
    %dma_wait3A_34 = arith.constant 0 : i32
    %dma_wait3A_35 = tpu.memref_slice %arg3[%dma_wait3A_34] : memref<160000xi32, #tpu.memory_space<hbm>> -> memref<2000xi32, #tpu.memory_space<hbm>>
    tpu.wait_dma2 semaphore(%arg15 : memref<!tpu.dma_semaphore, #tpu.memory_space<semaphore_mem>>) src(%dma_wait3A_35 : memref<2000xi32, #tpu.memory_space<hbm>>) dst(%arg9 : memref<2000xi32, #tpu.memory_space<vmem>>)
    %dma_wait3A_36 = arith.constant 0 : i32
    %dma_wait3A_37 = tpu.memref_slice %arg2[%dma_wait3A_36] : memref<10240000xf32, #tpu.memory_space<hbm>> -> memref<2000xf32, #tpu.memory_space<hbm>>
    %dma_wait3A_38 = arith.constant 0 : i32
    %dma_wait3A_39 = tpu.memref_slice %arg2[%dma_wait3A_38] : memref<10240000xf32, #tpu.memory_space<hbm>> -> memref<2000xf32, #tpu.memory_space<hbm>>
    tpu.wait_dma2 semaphore(%arg15 : memref<!tpu.dma_semaphore, #tpu.memory_space<semaphore_mem>>) src(%dma_wait3A_39 : memref<2000xf32, #tpu.memory_space<hbm>>) dst(%arg10 : memref<2000xf32, #tpu.memory_space<vmem>>)
    %dma_wait3A_40 = arith.constant 0 : i32
    %dma_wait3A_41 = tpu.memref_slice %arg2[%dma_wait3A_40] : memref<10240000xf32, #tpu.memory_space<hbm>> -> memref<2000xf32, #tpu.memory_space<hbm>>
    %dma_wait3A_42 = arith.constant 0 : i32
    %dma_wait3A_43 = tpu.memref_slice %arg2[%dma_wait3A_42] : memref<10240000xf32, #tpu.memory_space<hbm>> -> memref<2000xf32, #tpu.memory_space<hbm>>
    tpu.wait_dma2 semaphore(%arg15 : memref<!tpu.dma_semaphore, #tpu.memory_space<semaphore_mem>>) src(%dma_wait3A_43 : memref<2000xf32, #tpu.memory_space<hbm>>) dst(%arg11 : memref<2000xf32, #tpu.memory_space<vmem>>)
    %scan3A_44 = arith.constant 0 : i32
    %scan3A_45 = arith.constant 0 : i32
    %scan3A_46 = arith.constant 625 : i32
    %scan3A_47 = arith.addi %scan3A_45, %scan3A_46 : i32
    %scan3A_48 = arith.constant 1 : i32
    scf.for %scan3A_56 = %scan3A_45 to %scan3A_47 step %scan3A_48  : i32 {
      %mul3A_57 = arith.constant 16 : i32
      %mul3A_58 = arith.muli %scan3A_56, %mul3A_57 : i32
      %get3A = arith.index_cast %mul3A_58 : i32 to index
      %get3A_59 = tpu.vector_load %arg5[%get3A] {strides = array<i32>} : memref<10000xf32, #tpu.memory_space<vmem>>, vector<16xf32>,
      %get3A_60 = arith.index_cast %mul3A_58 : i32 to index
      %get3A_61 = tpu.vector_load %arg7[%get3A_60] {strides = array<i32>} : memref<10000xf32, #tpu.memory_space<vmem>>, vector<16xf32>,
      %add3A_62 = arith.addf %get3A_59, %get3A_61 : vector<16xf32>
      %swap3A = arith.index_cast %mul3A_58 : i32 to index
      %swap3A_63 = tpu.vector_load %arg5[%swap3A] {strides = array<i32>} : memref<10000xf32, #tpu.memory_space<vmem>>, vector<16xf32>,
      tpu.vector_store %arg5[%swap3A], %add3A_62 {strides = array<i32>} : memref<10000xf32, #tpu.memory_space<vmem>>, vector<16xf32>,
      %get3A_64 = arith.index_cast %mul3A_58 : i32 to index
      %get3A_65 = tpu.vector_load %arg6[%get3A_64] {strides = array<i32>} : memref<10000xf32, #tpu.memory_space<vmem>>, vector<16xf32>,
      %get3A_66 = arith.index_cast %mul3A_58 : i32 to index
      %get3A_67 = tpu.vector_load %arg8[%get3A_66] {strides = array<i32>} : memref<10000xf32, #tpu.memory_space<vmem>>, vector<16xf32>,
      %max3A = arith.maximumf %get3A_65, %get3A_67 : vector<16xf32>
      %swap3A_68 = arith.index_cast %mul3A_58 : i32 to index
      %swap3A_69 = tpu.vector_load %arg6[%swap3A_68] {strides = array<i32>} : memref<10000xf32, #tpu.memory_space<vmem>>, vector<16xf32>,
      tpu.vector_store %arg6[%swap3A_68], %max3A {strides = array<i32>} : memref<10000xf32, #tpu.memory_space<vmem>>, vector<16xf32>,
    }
    %scan3A_49 = arith.constant 625 : i32
    %mul3A_50 = arith.constant 10000 : i32
    %mul3A_51 = arith.muli %add3A, %mul3A_50 : i32
    "tpu.region"() ({
      %run_scoped3A = tpu.sem_alloc : memref<!tpu.dma_semaphore, #tpu.memory_space<semaphore_mem>>
      %dma_start3A_56 = tpu.memref_slice %arg4[%mul3A_51] : memref<640000xf32, #tpu.memory_space<hbm>> -> memref<10000xf32, #tpu.memory_space<hbm>>
      %dma_start3A_57 = tpu.memref_slice %arg4[%mul3A_51] : memref<640000xf32, #tpu.memory_space<hbm>> -> memref<10000xf32, #tpu.memory_space<hbm>>
      tpu.enqueue_dma source(%arg5 : memref<10000xf32, #tpu.memory_space<vmem>>) target(%dma_start3A_57 : memref<10000xf32, #tpu.memory_space<hbm>>) target_semaphore(%run_scoped3A : memref<!tpu.dma_semaphore, #tpu.memory_space<semaphore_mem>>)
      %dma_wait3A_58 = tpu.memref_slice %arg4[%mul3A_51] : memref<640000xf32, #tpu.memory_space<hbm>> -> memref<10000xf32, #tpu.memory_space<hbm>>
      %dma_wait3A_59 = tpu.memref_slice %arg4[%mul3A_51] : memref<640000xf32, #tpu.memory_space<hbm>> -> memref<10000xf32, #tpu.memory_space<hbm>>
      tpu.wait_dma2 semaphore(%run_scoped3A : memref<!tpu.dma_semaphore, #tpu.memory_space<semaphore_mem>>) src(%arg5 : memref<10000xf32, #tpu.memory_space<vmem>>) dst(%dma_wait3A_59 : memref<10000xf32, #tpu.memory_space<hbm>>)
      tpu.yield
    }) : () -> ()
    %add3A_52 = arith.constant 32 : i32
    %add3A_53 = arith.addi %add3A_52, %add3A : i32
    %mul3A_54 = arith.constant 10000 : i32
    %mul3A_55 = arith.muli %add3A_53, %mul3A_54 : i32
    "tpu.region"() ({
      %run_scoped3A = tpu.sem_alloc : memref<!tpu.dma_semaphore, #tpu.memory_space<semaphore_mem>>
      %dma_start3A_56 = tpu.memref_slice %arg4[%mul3A_55] : memref<640000xf32, #tpu.memory_space<hbm>> -> memref<10000xf32, #tpu.memory_space<hbm>>
      %dma_start3A_57 = tpu.memref_slice %arg4[%mul3A_55] : memref<640000xf32, #tpu.memory_space<hbm>> -> memref<10000xf32, #tpu.memory_space<hbm>>
      tpu.enqueue_dma source(%arg6 : memref<10000xf32, #tpu.memory_space<vmem>>) target(%dma_start3A_57 : memref<10000xf32, #tpu.memory_space<hbm>>) target_semaphore(%run_scoped3A : memref<!tpu.dma_semaphore, #tpu.memory_space<semaphore_mem>>)
      %dma_wait3A_58 = tpu.memref_slice %arg4[%mul3A_55] : memref<640000xf32, #tpu.memory_space<hbm>> -> memref<10000xf32, #tpu.memory_space<hbm>>
      %dma_wait3A_59 = tpu.memref_slice %arg4[%mul3A_55] : memref<640000xf32, #tpu.memory_space<hbm>> -> memref<10000xf32, #tpu.memory_space<hbm>>
      tpu.wait_dma2 semaphore(%run_scoped3A : memref<!tpu.dma_semaphore, #tpu.memory_space<semaphore_mem>>) src(%arg6 : memref<10000xf32, #tpu.memory_space<vmem>>) dst(%dma_wait3A_59 : memref<10000xf32, #tpu.memory_space<hbm>>)
      tpu.yield
    }) : () -> ()
    return
  }
}

#map = affine_map<(d0, d1) -> (0, 0)>
#map1 = affine_map<(d0, d1) -> (0)>
module attributes {stable_mosaic.version = 14 : i64} {
  func.func @_gather_body(%arg0: i32, %arg1: i32, %arg2: memref<10000x64xf32, #tpu.memory_space<hbm>>, %arg3: memref<10000x64xf32, #tpu.memory_space<hbm>>, %arg4: memref<160000xi32, #tpu.memory_space<hbm>>, %arg5: memref<160000xi32, #tpu.memory_space<hbm>>, %arg6: memref<160000x64xf32, #tpu.memory_space<hbm>>, %arg7: memref<160000x64xf32, #tpu.memory_space<hbm>>, %arg8: memref<128xi32, #tpu.memory_space<vmem>>, %arg9: memref<128xi32, #tpu.memory_space<vmem>>, %arg10: memref<128x64xf32, #tpu.memory_space<vmem>>, %arg11: memref<128x64xf32, #tpu.memory_space<vmem>>, %arg12: memref<128xi32, #tpu.memory_space<vmem>>, %arg13: memref<128xi32, #tpu.memory_space<vmem>>, %arg14: memref<128x64xf32, #tpu.memory_space<vmem>>, %arg15: memref<128x64xf32, #tpu.memory_space<vmem>>, %arg16: memref<!tpu.dma_semaphore, #tpu.memory_space<semaphore_mem>>, %arg17: memref<!tpu.dma_semaphore, #tpu.memory_space<semaphore_mem>>, %arg18: memref<!tpu.dma_semaphore, #tpu.memory_space<semaphore_mem>>, %arg19: memref<!tpu.dma_semaphore, #tpu.memory_space<semaphore_mem>>) attributes {dimension_semantics = [#tpu.dimension_semantics<core_parallel>, #tpu.dimension_semantics<subcore_parallel>], iteration_bounds = array<i64: 2, 16>, scalar_prefetch = 0 : i64, scratch_operands = 12 : i64, tpu.core_type = #tpu.core_type<sc_vector_subcore>, window_params = [{transform_indices = #map}, {transform_indices = #map}, {transform_indices = #map1}, {transform_indices = #map1}, {transform_indices = #map}, {transform_indices = #map}]} {
    %mul3A = arith.constant 2 : i32
    %mul3A_0 = arith.muli %arg1, %mul3A : i32
    %add3A = arith.addi %mul3A_0, %arg0 : i32
    %mul3A_1 = arith.constant 5000 : i32
    %mul3A_2 = arith.muli %add3A, %mul3A_1 : i32
    %scan3A = arith.constant 0 : i32
    %scan3A_3 = arith.constant 0 : i32
    %scan3A_4 = arith.constant 19 : i32
    %scan3A_5 = arith.addi %scan3A_3, %scan3A_4 : i32
    %scan3A_6 = arith.constant 1 : i32
    scf.for %scan3A_98 = %scan3A_3 to %scan3A_5 step %scan3A_6  : i32 {
      %mul3A_99 = arith.constant 2 : i32
      %mul3A_100 = arith.muli %mul3A_99, %scan3A_98 : i32
      %mul3A_101 = arith.constant 128 : i32
      %mul3A_102 = arith.muli %mul3A_100, %mul3A_101 : i32
      %add3A_103 = arith.addi %mul3A_2, %mul3A_102 : i32
      %add3A_104 = arith.constant 128 : i32
      %add3A_105 = arith.addi %add3A_103, %add3A_104 : i32
      %gt3A = arith.constant 0 : i32
      %gt3A_106 = arith.cmpi sgt, %scan3A_98, %gt3A : i32
      %convert_element_type3A = arith.extui %gt3A_106 : i1 to i32
      %cond3A = arith.constant 0 : i32
      %cond3A_107 = arith.cmpi ne, %convert_element_type3A, %cond3A : i32
      scf.if %cond3A_107 {
        %dma_wait3A_148 = arith.constant 0 : i32
        %dma_wait3A_149 = arith.constant 0 : i32
        %dma_wait3A_150 = tpu.memref_slice %arg6[%dma_wait3A_148, %dma_wait3A_149] : memref<160000x64xf32, #tpu.memory_space<hbm>> -> memref<128x64xf32, #tpu.memory_space<hbm>>
        %dma_wait3A_151 = arith.constant 0 : i32
        %dma_wait3A_152 = arith.constant 0 : i32
        %dma_wait3A_153 = tpu.memref_slice %arg6[%dma_wait3A_151, %dma_wait3A_152] : memref<160000x64xf32, #tpu.memory_space<hbm>> -> memref<128x64xf32, #tpu.memory_space<hbm>>
        tpu.wait_dma2 semaphore(%arg18 : memref<!tpu.dma_semaphore, #tpu.memory_space<semaphore_mem>>) src(%arg10 : memref<128x64xf32, #tpu.memory_space<vmem>>) dst(%dma_wait3A_153 : memref<128x64xf32, #tpu.memory_space<hbm>>)
        %dma_wait3A_154 = arith.constant 0 : i32
        %dma_wait3A_155 = arith.constant 0 : i32
        %dma_wait3A_156 = tpu.memref_slice %arg7[%dma_wait3A_154, %dma_wait3A_155] : memref<160000x64xf32, #tpu.memory_space<hbm>> -> memref<128x64xf32, #tpu.memory_space<hbm>>
        %dma_wait3A_157 = arith.constant 0 : i32
        %dma_wait3A_158 = arith.constant 0 : i32
        %dma_wait3A_159 = tpu.memref_slice %arg7[%dma_wait3A_157, %dma_wait3A_158] : memref<160000x64xf32, #tpu.memory_space<hbm>> -> memref<128x64xf32, #tpu.memory_space<hbm>>
        tpu.wait_dma2 semaphore(%arg18 : memref<!tpu.dma_semaphore, #tpu.memory_space<semaphore_mem>>) src(%arg11 : memref<128x64xf32, #tpu.memory_space<vmem>>) dst(%dma_wait3A_159 : memref<128x64xf32, #tpu.memory_space<hbm>>)
        %dma_wait3A_160 = arith.constant 0 : i32
        %dma_wait3A_161 = arith.constant 0 : i32
        %dma_wait3A_162 = tpu.memref_slice %arg6[%dma_wait3A_160, %dma_wait3A_161] : memref<160000x64xf32, #tpu.memory_space<hbm>> -> memref<128x64xf32, #tpu.memory_space<hbm>>
        %dma_wait3A_163 = arith.constant 0 : i32
        %dma_wait3A_164 = arith.constant 0 : i32
        %dma_wait3A_165 = tpu.memref_slice %arg6[%dma_wait3A_163, %dma_wait3A_164] : memref<160000x64xf32, #tpu.memory_space<hbm>> -> memref<128x64xf32, #tpu.memory_space<hbm>>
        tpu.wait_dma2 semaphore(%arg19 : memref<!tpu.dma_semaphore, #tpu.memory_space<semaphore_mem>>) src(%arg14 : memref<128x64xf32, #tpu.memory_space<vmem>>) dst(%dma_wait3A_165 : memref<128x64xf32, #tpu.memory_space<hbm>>)
        %dma_wait3A_166 = arith.constant 0 : i32
        %dma_wait3A_167 = arith.constant 0 : i32
        %dma_wait3A_168 = tpu.memref_slice %arg7[%dma_wait3A_166, %dma_wait3A_167] : memref<160000x64xf32, #tpu.memory_space<hbm>> -> memref<128x64xf32, #tpu.memory_space<hbm>>
        %dma_wait3A_169 = arith.constant 0 : i32
        %dma_wait3A_170 = arith.constant 0 : i32
        %dma_wait3A_171 = tpu.memref_slice %arg7[%dma_wait3A_169, %dma_wait3A_170] : memref<160000x64xf32, #tpu.memory_space<hbm>> -> memref<128x64xf32, #tpu.memory_space<hbm>>
        tpu.wait_dma2 semaphore(%arg19 : memref<!tpu.dma_semaphore, #tpu.memory_space<semaphore_mem>>) src(%arg15 : memref<128x64xf32, #tpu.memory_space<vmem>>) dst(%dma_wait3A_171 : memref<128x64xf32, #tpu.memory_space<hbm>>)
      } else {
      }
      "tpu.region"() ({
        %run_scoped3A = tpu.sem_alloc : memref<!tpu.dma_semaphore, #tpu.memory_space<semaphore_mem>>
        %dma_start3A_148 = tpu.memref_slice %arg4[%add3A_103] : memref<160000xi32, #tpu.memory_space<hbm>> -> memref<128xi32, #tpu.memory_space<hbm>>
        %dma_start3A_149 = tpu.memref_slice %arg4[%add3A_103] : memref<160000xi32, #tpu.memory_space<hbm>> -> memref<128xi32, #tpu.memory_space<hbm>>
        tpu.enqueue_dma source(%dma_start3A_149 : memref<128xi32, #tpu.memory_space<hbm>>) target(%arg8 : memref<128xi32, #tpu.memory_space<vmem>>) target_semaphore(%run_scoped3A : memref<!tpu.dma_semaphore, #tpu.memory_space<semaphore_mem>>)
        %dma_wait3A_150 = tpu.memref_slice %arg4[%add3A_103] : memref<160000xi32, #tpu.memory_space<hbm>> -> memref<128xi32, #tpu.memory_space<hbm>>
        %dma_wait3A_151 = tpu.memref_slice %arg4[%add3A_103] : memref<160000xi32, #tpu.memory_space<hbm>> -> memref<128xi32, #tpu.memory_space<hbm>>
        tpu.wait_dma2 semaphore(%run_scoped3A : memref<!tpu.dma_semaphore, #tpu.memory_space<semaphore_mem>>) src(%dma_wait3A_151 : memref<128xi32, #tpu.memory_space<hbm>>) dst(%arg8 : memref<128xi32, #tpu.memory_space<vmem>>)
        tpu.yield
      }) : () -> ()
      "tpu.region"() ({
        %run_scoped3A = tpu.sem_alloc : memref<!tpu.dma_semaphore, #tpu.memory_space<semaphore_mem>>
        %dma_start3A_148 = tpu.memref_slice %arg5[%add3A_103] : memref<160000xi32, #tpu.memory_space<hbm>> -> memref<128xi32, #tpu.memory_space<hbm>>
        %dma_start3A_149 = tpu.memref_slice %arg5[%add3A_103] : memref<160000xi32, #tpu.memory_space<hbm>> -> memref<128xi32, #tpu.memory_space<hbm>>
        tpu.enqueue_dma source(%dma_start3A_149 : memref<128xi32, #tpu.memory_space<hbm>>) target(%arg9 : memref<128xi32, #tpu.memory_space<vmem>>) target_semaphore(%run_scoped3A : memref<!tpu.dma_semaphore, #tpu.memory_space<semaphore_mem>>)
        %dma_wait3A_150 = tpu.memref_slice %arg5[%add3A_103] : memref<160000xi32, #tpu.memory_space<hbm>> -> memref<128xi32, #tpu.memory_space<hbm>>
        %dma_wait3A_151 = tpu.memref_slice %arg5[%add3A_103] : memref<160000xi32, #tpu.memory_space<hbm>> -> memref<128xi32, #tpu.memory_space<hbm>>
        tpu.wait_dma2 semaphore(%run_scoped3A : memref<!tpu.dma_semaphore, #tpu.memory_space<semaphore_mem>>) src(%dma_wait3A_151 : memref<128xi32, #tpu.memory_space<hbm>>) dst(%arg9 : memref<128xi32, #tpu.memory_space<vmem>>)
        tpu.yield
      }) : () -> ()
      %dma_start3A_108 = arith.constant 0 : i32
      %dma_start3A_109 = arith.constant 0 : i32
      %dma_start3A_110 = tpu.memref_slice %arg2[%dma_start3A_108, %dma_start3A_109] : memref<10000x64xf32, #tpu.memory_space<hbm>> -> memref<10000x64xf32, #tpu.memory_space<hbm>>
      tpu.enqueue_indirect_dma source(%dma_start3A_110 : memref<10000x64xf32, #tpu.memory_space<hbm>>) target(%arg10 : memref<128x64xf32, #tpu.memory_space<vmem>>) offsets(%arg8 : memref<128xi32, #tpu.memory_space<vmem>>) semaphore(%arg16 : memref<!tpu.dma_semaphore, #tpu.memory_space<semaphore_mem>>)
      %dma_start3A_111 = arith.constant 0 : i32
      %dma_start3A_112 = arith.constant 0 : i32
      %dma_start3A_113 = tpu.memref_slice %arg3[%dma_start3A_111, %dma_start3A_112] : memref<10000x64xf32, #tpu.memory_space<hbm>> -> memref<10000x64xf32, #tpu.memory_space<hbm>>
      tpu.enqueue_indirect_dma source(%dma_start3A_113 : memref<10000x64xf32, #tpu.memory_space<hbm>>) target(%arg11 : memref<128x64xf32, #tpu.memory_space<vmem>>) offsets(%arg9 : memref<128xi32, #tpu.memory_space<vmem>>) semaphore(%arg16 : memref<!tpu.dma_semaphore, #tpu.memory_space<semaphore_mem>>)
      "tpu.region"() ({
        %run_scoped3A = tpu.sem_alloc : memref<!tpu.dma_semaphore, #tpu.memory_space<semaphore_mem>>
        %dma_start3A_148 = tpu.memref_slice %arg4[%add3A_105] : memref<160000xi32, #tpu.memory_space<hbm>> -> memref<128xi32, #tpu.memory_space<hbm>>
        %dma_start3A_149 = tpu.memref_slice %arg4[%add3A_105] : memref<160000xi32, #tpu.memory_space<hbm>> -> memref<128xi32, #tpu.memory_space<hbm>>
        tpu.enqueue_dma source(%dma_start3A_149 : memref<128xi32, #tpu.memory_space<hbm>>) target(%arg12 : memref<128xi32, #tpu.memory_space<vmem>>) target_semaphore(%run_scoped3A : memref<!tpu.dma_semaphore, #tpu.memory_space<semaphore_mem>>)
        %dma_wait3A_150 = tpu.memref_slice %arg4[%add3A_105] : memref<160000xi32, #tpu.memory_space<hbm>> -> memref<128xi32, #tpu.memory_space<hbm>>
        %dma_wait3A_151 = tpu.memref_slice %arg4[%add3A_105] : memref<160000xi32, #tpu.memory_space<hbm>> -> memref<128xi32, #tpu.memory_space<hbm>>
        tpu.wait_dma2 semaphore(%run_scoped3A : memref<!tpu.dma_semaphore, #tpu.memory_space<semaphore_mem>>) src(%dma_wait3A_151 : memref<128xi32, #tpu.memory_space<hbm>>) dst(%arg12 : memref<128xi32, #tpu.memory_space<vmem>>)
        tpu.yield
      }) : () -> ()
      "tpu.region"() ({
        %run_scoped3A = tpu.sem_alloc : memref<!tpu.dma_semaphore, #tpu.memory_space<semaphore_mem>>
        %dma_start3A_148 = tpu.memref_slice %arg5[%add3A_105] : memref<160000xi32, #tpu.memory_space<hbm>> -> memref<128xi32, #tpu.memory_space<hbm>>
        %dma_start3A_149 = tpu.memref_slice %arg5[%add3A_105] : memref<160000xi32, #tpu.memory_space<hbm>> -> memref<128xi32, #tpu.memory_space<hbm>>
        tpu.enqueue_dma source(%dma_start3A_149 : memref<128xi32, #tpu.memory_space<hbm>>) target(%arg13 : memref<128xi32, #tpu.memory_space<vmem>>) target_semaphore(%run_scoped3A : memref<!tpu.dma_semaphore, #tpu.memory_space<semaphore_mem>>)
        %dma_wait3A_150 = tpu.memref_slice %arg5[%add3A_105] : memref<160000xi32, #tpu.memory_space<hbm>> -> memref<128xi32, #tpu.memory_space<hbm>>
        %dma_wait3A_151 = tpu.memref_slice %arg5[%add3A_105] : memref<160000xi32, #tpu.memory_space<hbm>> -> memref<128xi32, #tpu.memory_space<hbm>>
        tpu.wait_dma2 semaphore(%run_scoped3A : memref<!tpu.dma_semaphore, #tpu.memory_space<semaphore_mem>>) src(%dma_wait3A_151 : memref<128xi32, #tpu.memory_space<hbm>>) dst(%arg13 : memref<128xi32, #tpu.memory_space<vmem>>)
        tpu.yield
      }) : () -> ()
      %dma_start3A_114 = arith.constant 0 : i32
      %dma_start3A_115 = arith.constant 0 : i32
      %dma_start3A_116 = tpu.memref_slice %arg2[%dma_start3A_114, %dma_start3A_115] : memref<10000x64xf32, #tpu.memory_space<hbm>> -> memref<10000x64xf32, #tpu.memory_space<hbm>>
      tpu.enqueue_indirect_dma source(%dma_start3A_116 : memref<10000x64xf32, #tpu.memory_space<hbm>>) target(%arg14 : memref<128x64xf32, #tpu.memory_space<vmem>>) offsets(%arg12 : memref<128xi32, #tpu.memory_space<vmem>>) semaphore(%arg17 : memref<!tpu.dma_semaphore, #tpu.memory_space<semaphore_mem>>)
      %dma_start3A_117 = arith.constant 0 : i32
      %dma_start3A_118 = arith.constant 0 : i32
      %dma_start3A_119 = tpu.memref_slice %arg3[%dma_start3A_117, %dma_start3A_118] : memref<10000x64xf32, #tpu.memory_space<hbm>> -> memref<10000x64xf32, #tpu.memory_space<hbm>>
      tpu.enqueue_indirect_dma source(%dma_start3A_119 : memref<10000x64xf32, #tpu.memory_space<hbm>>) target(%arg15 : memref<128x64xf32, #tpu.memory_space<vmem>>) offsets(%arg13 : memref<128xi32, #tpu.memory_space<vmem>>) semaphore(%arg17 : memref<!tpu.dma_semaphore, #tpu.memory_space<semaphore_mem>>)
      %dma_wait3A_120 = arith.constant 0 : i32
      %dma_wait3A_121 = arith.constant 0 : i32
      %dma_wait3A_122 = tpu.memref_slice %arg2[%dma_wait3A_120, %dma_wait3A_121] : memref<10000x64xf32, #tpu.memory_space<hbm>> -> memref<10000x64xf32, #tpu.memory_space<hbm>>
      tpu.wait_indirect_dma semaphore(%arg16 : memref<!tpu.dma_semaphore, #tpu.memory_space<semaphore_mem>>) src(%dma_wait3A_122 : memref<10000x64xf32, #tpu.memory_space<hbm>>) dst(%arg10 : memref<128x64xf32, #tpu.memory_space<vmem>>)
      %dma_wait3A_123 = arith.constant 0 : i32
      %dma_wait3A_124 = arith.constant 0 : i32
      %dma_wait3A_125 = tpu.memref_slice %arg3[%dma_wait3A_123, %dma_wait3A_124] : memref<10000x64xf32, #tpu.memory_space<hbm>> -> memref<10000x64xf32, #tpu.memory_space<hbm>>
      tpu.wait_indirect_dma semaphore(%arg16 : memref<!tpu.dma_semaphore, #tpu.memory_space<semaphore_mem>>) src(%dma_wait3A_125 : memref<10000x64xf32, #tpu.memory_space<hbm>>) dst(%arg11 : memref<128x64xf32, #tpu.memory_space<vmem>>)
      %dma_start3A_126 = arith.constant 0 : i32
      %dma_start3A_127 = tpu.memref_slice %arg6[%add3A_103, %dma_start3A_126] : memref<160000x64xf32, #tpu.memory_space<hbm>> -> memref<128x64xf32, #tpu.memory_space<hbm>>
      %dma_start3A_128 = arith.constant 0 : i32
      %dma_start3A_129 = tpu.memref_slice %arg6[%add3A_103, %dma_start3A_128] : memref<160000x64xf32, #tpu.memory_space<hbm>> -> memref<128x64xf32, #tpu.memory_space<hbm>>
      tpu.enqueue_dma source(%arg10 : memref<128x64xf32, #tpu.memory_space<vmem>>) target(%dma_start3A_129 : memref<128x64xf32, #tpu.memory_space<hbm>>) target_semaphore(%arg18 : memref<!tpu.dma_semaphore, #tpu.memory_space<semaphore_mem>>)
      %dma_start3A_130 = arith.constant 0 : i32
      %dma_start3A_131 = tpu.memref_slice %arg7[%add3A_103, %dma_start3A_130] : memref<160000x64xf32, #tpu.memory_space<hbm>> -> memref<128x64xf32, #tpu.memory_space<hbm>>
      %dma_start3A_132 = arith.constant 0 : i32
      %dma_start3A_133 = tpu.memref_slice %arg7[%add3A_103, %dma_start3A_132] : memref<160000x64xf32, #tpu.memory_space<hbm>> -> memref<128x64xf32, #tpu.memory_space<hbm>>
      tpu.enqueue_dma source(%arg11 : memref<128x64xf32, #tpu.memory_space<vmem>>) target(%dma_start3A_133 : memref<128x64xf32, #tpu.memory_space<hbm>>) target_semaphore(%arg18 : memref<!tpu.dma_semaphore, #tpu.memory_space<semaphore_mem>>)
      %dma_wait3A_134 = arith.constant 0 : i32
      %dma_wait3A_135 = arith.constant 0 : i32
      %dma_wait3A_136 = tpu.memref_slice %arg2[%dma_wait3A_134, %dma_wait3A_135] : memref<10000x64xf32, #tpu.memory_space<hbm>> -> memref<10000x64xf32, #tpu.memory_space<hbm>>
      tpu.wait_indirect_dma semaphore(%arg17 : memref<!tpu.dma_semaphore, #tpu.memory_space<semaphore_mem>>) src(%dma_wait3A_136 : memref<10000x64xf32, #tpu.memory_space<hbm>>) dst(%arg14 : memref<128x64xf32, #tpu.memory_space<vmem>>)
      %dma_wait3A_137 = arith.constant 0 : i32
      %dma_wait3A_138 = arith.constant 0 : i32
      %dma_wait3A_139 = tpu.memref_slice %arg3[%dma_wait3A_137, %dma_wait3A_138] : memref<10000x64xf32, #tpu.memory_space<hbm>> -> memref<10000x64xf32, #tpu.memory_space<hbm>>
      tpu.wait_indirect_dma semaphore(%arg17 : memref<!tpu.dma_semaphore, #tpu.memory_space<semaphore_mem>>) src(%dma_wait3A_139 : memref<10000x64xf32, #tpu.memory_space<hbm>>) dst(%arg15 : memref<128x64xf32, #tpu.memory_space<vmem>>)
      %dma_start3A_140 = arith.constant 0 : i32
      %dma_start3A_141 = tpu.memref_slice %arg6[%add3A_105, %dma_start3A_140] : memref<160000x64xf32, #tpu.memory_space<hbm>> -> memref<128x64xf32, #tpu.memory_space<hbm>>
      %dma_start3A_142 = arith.constant 0 : i32
      %dma_start3A_143 = tpu.memref_slice %arg6[%add3A_105, %dma_start3A_142] : memref<160000x64xf32, #tpu.memory_space<hbm>> -> memref<128x64xf32, #tpu.memory_space<hbm>>
      tpu.enqueue_dma source(%arg14 : memref<128x64xf32, #tpu.memory_space<vmem>>) target(%dma_start3A_143 : memref<128x64xf32, #tpu.memory_space<hbm>>) target_semaphore(%arg19 : memref<!tpu.dma_semaphore, #tpu.memory_space<semaphore_mem>>)
      %dma_start3A_144 = arith.constant 0 : i32
      %dma_start3A_145 = tpu.memref_slice %arg7[%add3A_105, %dma_start3A_144] : memref<160000x64xf32, #tpu.memory_space<hbm>> -> memref<128x64xf32, #tpu.memory_space<hbm>>
      %dma_start3A_146 = arith.constant 0 : i32
      %dma_start3A_147 = tpu.memref_slice %arg7[%add3A_105, %dma_start3A_146] : memref<160000x64xf32, #tpu.memory_space<hbm>> -> memref<128x64xf32, #tpu.memory_space<hbm>>
      tpu.enqueue_dma source(%arg15 : memref<128x64xf32, #tpu.memory_space<vmem>>) target(%dma_start3A_147 : memref<128x64xf32, #tpu.memory_space<hbm>>) target_semaphore(%arg19 : memref<!tpu.dma_semaphore, #tpu.memory_space<semaphore_mem>>)
    }
    %scan3A_7 = arith.constant 19 : i32
    %dma_wait3A = arith.constant 0 : i32
    %dma_wait3A_8 = arith.constant 0 : i32
    %dma_wait3A_9 = tpu.memref_slice %arg6[%dma_wait3A, %dma_wait3A_8] : memref<160000x64xf32, #tpu.memory_space<hbm>> -> memref<128x64xf32, #tpu.memory_space<hbm>>
    %dma_wait3A_10 = arith.constant 0 : i32
    %dma_wait3A_11 = arith.constant 0 : i32
    %dma_wait3A_12 = tpu.memref_slice %arg6[%dma_wait3A_10, %dma_wait3A_11] : memref<160000x64xf32, #tpu.memory_space<hbm>> -> memref<128x64xf32, #tpu.memory_space<hbm>>
    tpu.wait_dma2 semaphore(%arg18 : memref<!tpu.dma_semaphore, #tpu.memory_space<semaphore_mem>>) src(%arg10 : memref<128x64xf32, #tpu.memory_space<vmem>>) dst(%dma_wait3A_12 : memref<128x64xf32, #tpu.memory_space<hbm>>)
    %dma_wait3A_13 = arith.constant 0 : i32
    %dma_wait3A_14 = arith.constant 0 : i32
    %dma_wait3A_15 = tpu.memref_slice %arg7[%dma_wait3A_13, %dma_wait3A_14] : memref<160000x64xf32, #tpu.memory_space<hbm>> -> memref<128x64xf32, #tpu.memory_space<hbm>>
    %dma_wait3A_16 = arith.constant 0 : i32
    %dma_wait3A_17 = arith.constant 0 : i32
    %dma_wait3A_18 = tpu.memref_slice %arg7[%dma_wait3A_16, %dma_wait3A_17] : memref<160000x64xf32, #tpu.memory_space<hbm>> -> memref<128x64xf32, #tpu.memory_space<hbm>>
    tpu.wait_dma2 semaphore(%arg18 : memref<!tpu.dma_semaphore, #tpu.memory_space<semaphore_mem>>) src(%arg11 : memref<128x64xf32, #tpu.memory_space<vmem>>) dst(%dma_wait3A_18 : memref<128x64xf32, #tpu.memory_space<hbm>>)
    %dma_wait3A_19 = arith.constant 0 : i32
    %dma_wait3A_20 = arith.constant 0 : i32
    %dma_wait3A_21 = tpu.memref_slice %arg6[%dma_wait3A_19, %dma_wait3A_20] : memref<160000x64xf32, #tpu.memory_space<hbm>> -> memref<128x64xf32, #tpu.memory_space<hbm>>
    %dma_wait3A_22 = arith.constant 0 : i32
    %dma_wait3A_23 = arith.constant 0 : i32
    %dma_wait3A_24 = tpu.memref_slice %arg6[%dma_wait3A_22, %dma_wait3A_23] : memref<160000x64xf32, #tpu.memory_space<hbm>> -> memref<128x64xf32, #tpu.memory_space<hbm>>
    tpu.wait_dma2 semaphore(%arg19 : memref<!tpu.dma_semaphore, #tpu.memory_space<semaphore_mem>>) src(%arg14 : memref<128x64xf32, #tpu.memory_space<vmem>>) dst(%dma_wait3A_24 : memref<128x64xf32, #tpu.memory_space<hbm>>)
    %dma_wait3A_25 = arith.constant 0 : i32
    %dma_wait3A_26 = arith.constant 0 : i32
    %dma_wait3A_27 = tpu.memref_slice %arg7[%dma_wait3A_25, %dma_wait3A_26] : memref<160000x64xf32, #tpu.memory_space<hbm>> -> memref<128x64xf32, #tpu.memory_space<hbm>>
    %dma_wait3A_28 = arith.constant 0 : i32
    %dma_wait3A_29 = arith.constant 0 : i32
    %dma_wait3A_30 = tpu.memref_slice %arg7[%dma_wait3A_28, %dma_wait3A_29] : memref<160000x64xf32, #tpu.memory_space<hbm>> -> memref<128x64xf32, #tpu.memory_space<hbm>>
    tpu.wait_dma2 semaphore(%arg19 : memref<!tpu.dma_semaphore, #tpu.memory_space<semaphore_mem>>) src(%arg15 : memref<128x64xf32, #tpu.memory_space<vmem>>) dst(%dma_wait3A_30 : memref<128x64xf32, #tpu.memory_space<hbm>>)
    %add3A_31 = arith.constant 4864 : i32
    %add3A_32 = arith.addi %mul3A_2, %add3A_31 : i32
    "tpu.region"() ({
      %run_scoped3A = tpu.sem_alloc : memref<!tpu.dma_semaphore, #tpu.memory_space<semaphore_mem>>
      %dma_start3A_98 = arith.constant 0 : i32
      %dma_start3A_99 = tpu.memref_slice %arg8[%dma_start3A_98] : memref<128xi32, #tpu.memory_space<vmem>> -> memref<128xi32, #tpu.memory_space<vmem>>
      %dma_start3A_100 = tpu.memref_slice %arg4[%add3A_32] : memref<160000xi32, #tpu.memory_space<hbm>> -> memref<128xi32, #tpu.memory_space<hbm>>
      %dma_start3A_101 = arith.constant 0 : i32
      %dma_start3A_102 = tpu.memref_slice %arg8[%dma_start3A_101] : memref<128xi32, #tpu.memory_space<vmem>> -> memref<128xi32, #tpu.memory_space<vmem>>
      %dma_start3A_103 = tpu.memref_slice %arg4[%add3A_32] : memref<160000xi32, #tpu.memory_space<hbm>> -> memref<128xi32, #tpu.memory_space<hbm>>
      tpu.enqueue_dma source(%dma_start3A_103 : memref<128xi32, #tpu.memory_space<hbm>>) target(%dma_start3A_102 : memref<128xi32, #tpu.memory_space<vmem>>) target_semaphore(%run_scoped3A : memref<!tpu.dma_semaphore, #tpu.memory_space<semaphore_mem>>)
      %dma_wait3A_104 = arith.constant 0 : i32
      %dma_wait3A_105 = tpu.memref_slice %arg8[%dma_wait3A_104] : memref<128xi32, #tpu.memory_space<vmem>> -> memref<128xi32, #tpu.memory_space<vmem>>
      %dma_wait3A_106 = tpu.memref_slice %arg4[%add3A_32] : memref<160000xi32, #tpu.memory_space<hbm>> -> memref<128xi32, #tpu.memory_space<hbm>>
      %dma_wait3A_107 = arith.constant 0 : i32
      %dma_wait3A_108 = tpu.memref_slice %arg8[%dma_wait3A_107] : memref<128xi32, #tpu.memory_space<vmem>> -> memref<128xi32, #tpu.memory_space<vmem>>
      %dma_wait3A_109 = tpu.memref_slice %arg4[%add3A_32] : memref<160000xi32, #tpu.memory_space<hbm>> -> memref<128xi32, #tpu.memory_space<hbm>>
      tpu.wait_dma2 semaphore(%run_scoped3A : memref<!tpu.dma_semaphore, #tpu.memory_space<semaphore_mem>>) src(%dma_wait3A_109 : memref<128xi32, #tpu.memory_space<hbm>>) dst(%dma_wait3A_108 : memref<128xi32, #tpu.memory_space<vmem>>)
      tpu.yield
    }) : () -> ()
    "tpu.region"() ({
      %run_scoped3A = tpu.sem_alloc : memref<!tpu.dma_semaphore, #tpu.memory_space<semaphore_mem>>
      %dma_start3A_98 = arith.constant 0 : i32
      %dma_start3A_99 = tpu.memref_slice %arg9[%dma_start3A_98] : memref<128xi32, #tpu.memory_space<vmem>> -> memref<128xi32, #tpu.memory_space<vmem>>
      %dma_start3A_100 = tpu.memref_slice %arg5[%add3A_32] : memref<160000xi32, #tpu.memory_space<hbm>> -> memref<128xi32, #tpu.memory_space<hbm>>
      %dma_start3A_101 = arith.constant 0 : i32
      %dma_start3A_102 = tpu.memref_slice %arg9[%dma_start3A_101] : memref<128xi32, #tpu.memory_space<vmem>> -> memref<128xi32, #tpu.memory_space<vmem>>
      %dma_start3A_103 = tpu.memref_slice %arg5[%add3A_32] : memref<160000xi32, #tpu.memory_space<hbm>> -> memref<128xi32, #tpu.memory_space<hbm>>
      tpu.enqueue_dma source(%dma_start3A_103 : memref<128xi32, #tpu.memory_space<hbm>>) target(%dma_start3A_102 : memref<128xi32, #tpu.memory_space<vmem>>) target_semaphore(%run_scoped3A : memref<!tpu.dma_semaphore, #tpu.memory_space<semaphore_mem>>)
      %dma_wait3A_104 = arith.constant 0 : i32
      %dma_wait3A_105 = tpu.memref_slice %arg9[%dma_wait3A_104] : memref<128xi32, #tpu.memory_space<vmem>> -> memref<128xi32, #tpu.memory_space<vmem>>
      %dma_wait3A_106 = tpu.memref_slice %arg5[%add3A_32] : memref<160000xi32, #tpu.memory_space<hbm>> -> memref<128xi32, #tpu.memory_space<hbm>>
      %dma_wait3A_107 = arith.constant 0 : i32
      %dma_wait3A_108 = tpu.memref_slice %arg9[%dma_wait3A_107] : memref<128xi32, #tpu.memory_space<vmem>> -> memref<128xi32, #tpu.memory_space<vmem>>
      %dma_wait3A_109 = tpu.memref_slice %arg5[%add3A_32] : memref<160000xi32, #tpu.memory_space<hbm>> -> memref<128xi32, #tpu.memory_space<hbm>>
      tpu.wait_dma2 semaphore(%run_scoped3A : memref<!tpu.dma_semaphore, #tpu.memory_space<semaphore_mem>>) src(%dma_wait3A_109 : memref<128xi32, #tpu.memory_space<hbm>>) dst(%dma_wait3A_108 : memref<128xi32, #tpu.memory_space<vmem>>)
      tpu.yield
    }) : () -> ()
    %dma_start3A = arith.constant 0 : i32
    %dma_start3A_33 = arith.constant 0 : i32
    %dma_start3A_34 = tpu.memref_slice %arg10[%dma_start3A, %dma_start3A_33] : memref<128x64xf32, #tpu.memory_space<vmem>> -> memref<128x64xf32, #tpu.memory_space<vmem>>
    %dma_start3A_35 = arith.constant 0 : i32
    %dma_start3A_36 = tpu.memref_slice %arg8[%dma_start3A_35] : memref<128xi32, #tpu.memory_space<vmem>> -> memref<128xi32, #tpu.memory_space<vmem>>
    %dma_start3A_37 = arith.constant 0 : i32
    %dma_start3A_38 = arith.constant 0 : i32
    %dma_start3A_39 = tpu.memref_slice %arg2[%dma_start3A_37, %dma_start3A_38] : memref<10000x64xf32, #tpu.memory_space<hbm>> -> memref<10000x64xf32, #tpu.memory_space<hbm>>
    tpu.enqueue_indirect_dma source(%dma_start3A_39 : memref<10000x64xf32, #tpu.memory_space<hbm>>) target(%dma_start3A_34 : memref<128x64xf32, #tpu.memory_space<vmem>>) offsets(%dma_start3A_36 : memref<128xi32, #tpu.memory_space<vmem>>) semaphore(%arg16 : memref<!tpu.dma_semaphore, #tpu.memory_space<semaphore_mem>>)
    %dma_start3A_40 = arith.constant 0 : i32
    %dma_start3A_41 = arith.constant 0 : i32
    %dma_start3A_42 = tpu.memref_slice %arg11[%dma_start3A_40, %dma_start3A_41] : memref<128x64xf32, #tpu.memory_space<vmem>> -> memref<128x64xf32, #tpu.memory_space<vmem>>
    %dma_start3A_43 = arith.constant 0 : i32
    %dma_start3A_44 = tpu.memref_slice %arg9[%dma_start3A_43] : memref<128xi32, #tpu.memory_space<vmem>> -> memref<128xi32, #tpu.memory_space<vmem>>
    %dma_start3A_45 = arith.constant 0 : i32
    %dma_start3A_46 = arith.constant 0 : i32
    %dma_start3A_47 = tpu.memref_slice %arg3[%dma_start3A_45, %dma_start3A_46] : memref<10000x64xf32, #tpu.memory_space<hbm>> -> memref<10000x64xf32, #tpu.memory_space<hbm>>
    tpu.enqueue_indirect_dma source(%dma_start3A_47 : memref<10000x64xf32, #tpu.memory_space<hbm>>) target(%dma_start3A_42 : memref<128x64xf32, #tpu.memory_space<vmem>>) offsets(%dma_start3A_44 : memref<128xi32, #tpu.memory_space<vmem>>) semaphore(%arg16 : memref<!tpu.dma_semaphore, #tpu.memory_space<semaphore_mem>>)
    %dma_wait3A_48 = arith.constant 0 : i32
    %dma_wait3A_49 = arith.constant 0 : i32
    %dma_wait3A_50 = tpu.memref_slice %arg10[%dma_wait3A_48, %dma_wait3A_49] : memref<128x64xf32, #tpu.memory_space<vmem>> -> memref<128x64xf32, #tpu.memory_space<vmem>>
    %dma_wait3A_51 = arith.constant 0 : i32
    %dma_wait3A_52 = tpu.memref_slice %arg8[%dma_wait3A_51] : memref<128xi32, #tpu.memory_space<vmem>> -> memref<128xi32, #tpu.memory_space<vmem>>
    %dma_wait3A_53 = arith.constant 0 : i32
    %dma_wait3A_54 = arith.constant 0 : i32
    %dma_wait3A_55 = tpu.memref_slice %arg2[%dma_wait3A_53, %dma_wait3A_54] : memref<10000x64xf32, #tpu.memory_space<hbm>> -> memref<10000x64xf32, #tpu.memory_space<hbm>>
    tpu.wait_indirect_dma semaphore(%arg16 : memref<!tpu.dma_semaphore, #tpu.memory_space<semaphore_mem>>) src(%dma_wait3A_55 : memref<10000x64xf32, #tpu.memory_space<hbm>>) dst(%dma_wait3A_50 : memref<128x64xf32, #tpu.memory_space<vmem>>)
    %dma_wait3A_56 = arith.constant 0 : i32
    %dma_wait3A_57 = arith.constant 0 : i32
    %dma_wait3A_58 = tpu.memref_slice %arg11[%dma_wait3A_56, %dma_wait3A_57] : memref<128x64xf32, #tpu.memory_space<vmem>> -> memref<128x64xf32, #tpu.memory_space<vmem>>
    %dma_wait3A_59 = arith.constant 0 : i32
    %dma_wait3A_60 = tpu.memref_slice %arg9[%dma_wait3A_59] : memref<128xi32, #tpu.memory_space<vmem>> -> memref<128xi32, #tpu.memory_space<vmem>>
    %dma_wait3A_61 = arith.constant 0 : i32
    %dma_wait3A_62 = arith.constant 0 : i32
    %dma_wait3A_63 = tpu.memref_slice %arg3[%dma_wait3A_61, %dma_wait3A_62] : memref<10000x64xf32, #tpu.memory_space<hbm>> -> memref<10000x64xf32, #tpu.memory_space<hbm>>
    tpu.wait_indirect_dma semaphore(%arg16 : memref<!tpu.dma_semaphore, #tpu.memory_space<semaphore_mem>>) src(%dma_wait3A_63 : memref<10000x64xf32, #tpu.memory_space<hbm>>) dst(%dma_wait3A_58 : memref<128x64xf32, #tpu.memory_space<vmem>>)
    "tpu.region"() ({
      %run_scoped3A = tpu.sem_alloc : memref<!tpu.dma_semaphore, #tpu.memory_space<semaphore_mem>>
      %dma_start3A_98 = arith.constant 0 : i32
      %dma_start3A_99 = arith.constant 0 : i32
      %dma_start3A_100 = tpu.memref_slice %arg10[%dma_start3A_98, %dma_start3A_99] : memref<128x64xf32, #tpu.memory_space<vmem>> -> memref<128x64xf32, #tpu.memory_space<vmem>>
      %dma_start3A_101 = arith.constant 0 : i32
      %dma_start3A_102 = tpu.memref_slice %arg6[%add3A_32, %dma_start3A_101] : memref<160000x64xf32, #tpu.memory_space<hbm>> -> memref<128x64xf32, #tpu.memory_space<hbm>>
      %dma_start3A_103 = arith.constant 0 : i32
      %dma_start3A_104 = tpu.memref_slice %arg6[%add3A_32, %dma_start3A_103] : memref<160000x64xf32, #tpu.memory_space<hbm>> -> memref<128x64xf32, #tpu.memory_space<hbm>>
      %dma_start3A_105 = arith.constant 0 : i32
      %dma_start3A_106 = arith.constant 0 : i32
      %dma_start3A_107 = tpu.memref_slice %arg10[%dma_start3A_105, %dma_start3A_106] : memref<128x64xf32, #tpu.memory_space<vmem>> -> memref<128x64xf32, #tpu.memory_space<vmem>>
      tpu.enqueue_dma source(%dma_start3A_107 : memref<128x64xf32, #tpu.memory_space<vmem>>) target(%dma_start3A_104 : memref<128x64xf32, #tpu.memory_space<hbm>>) target_semaphore(%run_scoped3A : memref<!tpu.dma_semaphore, #tpu.memory_space<semaphore_mem>>)
      %dma_wait3A_108 = arith.constant 0 : i32
      %dma_wait3A_109 = arith.constant 0 : i32
      %dma_wait3A_110 = tpu.memref_slice %arg10[%dma_wait3A_108, %dma_wait3A_109] : memref<128x64xf32, #tpu.memory_space<vmem>> -> memref<128x64xf32, #tpu.memory_space<vmem>>
      %dma_wait3A_111 = arith.constant 0 : i32
      %dma_wait3A_112 = tpu.memref_slice %arg6[%add3A_32, %dma_wait3A_111] : memref<160000x64xf32, #tpu.memory_space<hbm>> -> memref<128x64xf32, #tpu.memory_space<hbm>>
      %dma_wait3A_113 = arith.constant 0 : i32
      %dma_wait3A_114 = tpu.memref_slice %arg6[%add3A_32, %dma_wait3A_113] : memref<160000x64xf32, #tpu.memory_space<hbm>> -> memref<128x64xf32, #tpu.memory_space<hbm>>
      %dma_wait3A_115 = arith.constant 0 : i32
      %dma_wait3A_116 = arith.constant 0 : i32
      %dma_wait3A_117 = tpu.memref_slice %arg10[%dma_wait3A_115, %dma_wait3A_116] : memref<128x64xf32, #tpu.memory_space<vmem>> -> memref<128x64xf32, #tpu.memory_space<vmem>>
      tpu.wait_dma2 semaphore(%run_scoped3A : memref<!tpu.dma_semaphore, #tpu.memory_space<semaphore_mem>>) src(%dma_wait3A_117 : memref<128x64xf32, #tpu.memory_space<vmem>>) dst(%dma_wait3A_114 : memref<128x64xf32, #tpu.memory_space<hbm>>)
      tpu.yield
    }) : () -> ()
    "tpu.region"() ({
      %run_scoped3A = tpu.sem_alloc : memref<!tpu.dma_semaphore, #tpu.memory_space<semaphore_mem>>
      %dma_start3A_98 = arith.constant 0 : i32
      %dma_start3A_99 = arith.constant 0 : i32
      %dma_start3A_100 = tpu.memref_slice %arg11[%dma_start3A_98, %dma_start3A_99] : memref<128x64xf32, #tpu.memory_space<vmem>> -> memref<128x64xf32, #tpu.memory_space<vmem>>
      %dma_start3A_101 = arith.constant 0 : i32
      %dma_start3A_102 = tpu.memref_slice %arg7[%add3A_32, %dma_start3A_101] : memref<160000x64xf32, #tpu.memory_space<hbm>> -> memref<128x64xf32, #tpu.memory_space<hbm>>
      %dma_start3A_103 = arith.constant 0 : i32
      %dma_start3A_104 = tpu.memref_slice %arg7[%add3A_32, %dma_start3A_103] : memref<160000x64xf32, #tpu.memory_space<hbm>> -> memref<128x64xf32, #tpu.memory_space<hbm>>
      %dma_start3A_105 = arith.constant 0 : i32
      %dma_start3A_106 = arith.constant 0 : i32
      %dma_start3A_107 = tpu.memref_slice %arg11[%dma_start3A_105, %dma_start3A_106] : memref<128x64xf32, #tpu.memory_space<vmem>> -> memref<128x64xf32, #tpu.memory_space<vmem>>
      tpu.enqueue_dma source(%dma_start3A_107 : memref<128x64xf32, #tpu.memory_space<vmem>>) target(%dma_start3A_104 : memref<128x64xf32, #tpu.memory_space<hbm>>) target_semaphore(%run_scoped3A : memref<!tpu.dma_semaphore, #tpu.memory_space<semaphore_mem>>)
      %dma_wait3A_108 = arith.constant 0 : i32
      %dma_wait3A_109 = arith.constant 0 : i32
      %dma_wait3A_110 = tpu.memref_slice %arg11[%dma_wait3A_108, %dma_wait3A_109] : memref<128x64xf32, #tpu.memory_space<vmem>> -> memref<128x64xf32, #tpu.memory_space<vmem>>
      %dma_wait3A_111 = arith.constant 0 : i32
      %dma_wait3A_112 = tpu.memref_slice %arg7[%add3A_32, %dma_wait3A_111] : memref<160000x64xf32, #tpu.memory_space<hbm>> -> memref<128x64xf32, #tpu.memory_space<hbm>>
      %dma_wait3A_113 = arith.constant 0 : i32
      %dma_wait3A_114 = tpu.memref_slice %arg7[%add3A_32, %dma_wait3A_113] : memref<160000x64xf32, #tpu.memory_space<hbm>> -> memref<128x64xf32, #tpu.memory_space<hbm>>
      %dma_wait3A_115 = arith.constant 0 : i32
      %dma_wait3A_116 = arith.constant 0 : i32
      %dma_wait3A_117 = tpu.memref_slice %arg11[%dma_wait3A_115, %dma_wait3A_116] : memref<128x64xf32, #tpu.memory_space<vmem>> -> memref<128x64xf32, #tpu.memory_space<vmem>>
      tpu.wait_dma2 semaphore(%run_scoped3A : memref<!tpu.dma_semaphore, #tpu.memory_space<semaphore_mem>>) src(%dma_wait3A_117 : memref<128x64xf32, #tpu.memory_space<vmem>>) dst(%dma_wait3A_114 : memref<128x64xf32, #tpu.memory_space<hbm>>)
      tpu.yield
    }) : () -> ()
    %add3A_64 = arith.constant 4992 : i32
    %add3A_65 = arith.addi %mul3A_2, %add3A_64 : i32
    "tpu.region"() ({
      %run_scoped3A = tpu.sem_alloc : memref<!tpu.dma_semaphore, #tpu.memory_space<semaphore_mem>>
      %dma_start3A_98 = arith.constant 0 : i32
      %dma_start3A_99 = tpu.memref_slice %arg8[%dma_start3A_98] : memref<128xi32, #tpu.memory_space<vmem>> -> memref<8xi32, #tpu.memory_space<vmem>>
      %dma_start3A_100 = tpu.memref_slice %arg4[%add3A_65] : memref<160000xi32, #tpu.memory_space<hbm>> -> memref<8xi32, #tpu.memory_space<hbm>>
      %dma_start3A_101 = arith.constant 0 : i32
      %dma_start3A_102 = tpu.memref_slice %arg8[%dma_start3A_101] : memref<128xi32, #tpu.memory_space<vmem>> -> memref<8xi32, #tpu.memory_space<vmem>>
      %dma_start3A_103 = tpu.memref_slice %arg4[%add3A_65] : memref<160000xi32, #tpu.memory_space<hbm>> -> memref<8xi32, #tpu.memory_space<hbm>>
      tpu.enqueue_dma source(%dma_start3A_103 : memref<8xi32, #tpu.memory_space<hbm>>) target(%dma_start3A_102 : memref<8xi32, #tpu.memory_space<vmem>>) target_semaphore(%run_scoped3A : memref<!tpu.dma_semaphore, #tpu.memory_space<semaphore_mem>>)
      %dma_wait3A_104 = arith.constant 0 : i32
      %dma_wait3A_105 = tpu.memref_slice %arg8[%dma_wait3A_104] : memref<128xi32, #tpu.memory_space<vmem>> -> memref<8xi32, #tpu.memory_space<vmem>>
      %dma_wait3A_106 = tpu.memref_slice %arg4[%add3A_65] : memref<160000xi32, #tpu.memory_space<hbm>> -> memref<8xi32, #tpu.memory_space<hbm>>
      %dma_wait3A_107 = arith.constant 0 : i32
      %dma_wait3A_108 = tpu.memref_slice %arg8[%dma_wait3A_107] : memref<128xi32, #tpu.memory_space<vmem>> -> memref<8xi32, #tpu.memory_space<vmem>>
      %dma_wait3A_109 = tpu.memref_slice %arg4[%add3A_65] : memref<160000xi32, #tpu.memory_space<hbm>> -> memref<8xi32, #tpu.memory_space<hbm>>
      tpu.wait_dma2 semaphore(%run_scoped3A : memref<!tpu.dma_semaphore, #tpu.memory_space<semaphore_mem>>) src(%dma_wait3A_109 : memref<8xi32, #tpu.memory_space<hbm>>) dst(%dma_wait3A_108 : memref<8xi32, #tpu.memory_space<vmem>>)
      tpu.yield
    }) : () -> ()
    "tpu.region"() ({
      %run_scoped3A = tpu.sem_alloc : memref<!tpu.dma_semaphore, #tpu.memory_space<semaphore_mem>>
      %dma_start3A_98 = arith.constant 0 : i32
      %dma_start3A_99 = tpu.memref_slice %arg9[%dma_start3A_98] : memref<128xi32, #tpu.memory_space<vmem>> -> memref<8xi32, #tpu.memory_space<vmem>>
      %dma_start3A_100 = tpu.memref_slice %arg5[%add3A_65] : memref<160000xi32, #tpu.memory_space<hbm>> -> memref<8xi32, #tpu.memory_space<hbm>>
      %dma_start3A_101 = arith.constant 0 : i32
      %dma_start3A_102 = tpu.memref_slice %arg9[%dma_start3A_101] : memref<128xi32, #tpu.memory_space<vmem>> -> memref<8xi32, #tpu.memory_space<vmem>>
      %dma_start3A_103 = tpu.memref_slice %arg5[%add3A_65] : memref<160000xi32, #tpu.memory_space<hbm>> -> memref<8xi32, #tpu.memory_space<hbm>>
      tpu.enqueue_dma source(%dma_start3A_103 : memref<8xi32, #tpu.memory_space<hbm>>) target(%dma_start3A_102 : memref<8xi32, #tpu.memory_space<vmem>>) target_semaphore(%run_scoped3A : memref<!tpu.dma_semaphore, #tpu.memory_space<semaphore_mem>>)
      %dma_wait3A_104 = arith.constant 0 : i32
      %dma_wait3A_105 = tpu.memref_slice %arg9[%dma_wait3A_104] : memref<128xi32, #tpu.memory_space<vmem>> -> memref<8xi32, #tpu.memory_space<vmem>>
      %dma_wait3A_106 = tpu.memref_slice %arg5[%add3A_65] : memref<160000xi32, #tpu.memory_space<hbm>> -> memref<8xi32, #tpu.memory_space<hbm>>
      %dma_wait3A_107 = arith.constant 0 : i32
      %dma_wait3A_108 = tpu.memref_slice %arg9[%dma_wait3A_107] : memref<128xi32, #tpu.memory_space<vmem>> -> memref<8xi32, #tpu.memory_space<vmem>>
      %dma_wait3A_109 = tpu.memref_slice %arg5[%add3A_65] : memref<160000xi32, #tpu.memory_space<hbm>> -> memref<8xi32, #tpu.memory_space<hbm>>
      tpu.wait_dma2 semaphore(%run_scoped3A : memref<!tpu.dma_semaphore, #tpu.memory_space<semaphore_mem>>) src(%dma_wait3A_109 : memref<8xi32, #tpu.memory_space<hbm>>) dst(%dma_wait3A_108 : memref<8xi32, #tpu.memory_space<vmem>>)
      tpu.yield
    }) : () -> ()
    %dma_start3A_66 = arith.constant 0 : i32
    %dma_start3A_67 = arith.constant 0 : i32
    %dma_start3A_68 = tpu.memref_slice %arg10[%dma_start3A_66, %dma_start3A_67] : memref<128x64xf32, #tpu.memory_space<vmem>> -> memref<8x64xf32, #tpu.memory_space<vmem>>
    %dma_start3A_69 = arith.constant 0 : i32
    %dma_start3A_70 = tpu.memref_slice %arg8[%dma_start3A_69] : memref<128xi32, #tpu.memory_space<vmem>> -> memref<8xi32, #tpu.memory_space<vmem>>
    %dma_start3A_71 = arith.constant 0 : i32
    %dma_start3A_72 = arith.constant 0 : i32
    %dma_start3A_73 = tpu.memref_slice %arg2[%dma_start3A_71, %dma_start3A_72] : memref<10000x64xf32, #tpu.memory_space<hbm>> -> memref<10000x64xf32, #tpu.memory_space<hbm>>
    tpu.enqueue_indirect_dma source(%dma_start3A_73 : memref<10000x64xf32, #tpu.memory_space<hbm>>) target(%dma_start3A_68 : memref<8x64xf32, #tpu.memory_space<vmem>>) offsets(%dma_start3A_70 : memref<8xi32, #tpu.memory_space<vmem>>) semaphore(%arg16 : memref<!tpu.dma_semaphore, #tpu.memory_space<semaphore_mem>>)
    %dma_start3A_74 = arith.constant 0 : i32
    %dma_start3A_75 = arith.constant 0 : i32
    %dma_start3A_76 = tpu.memref_slice %arg11[%dma_start3A_74, %dma_start3A_75] : memref<128x64xf32, #tpu.memory_space<vmem>> -> memref<8x64xf32, #tpu.memory_space<vmem>>
    %dma_start3A_77 = arith.constant 0 : i32
    %dma_start3A_78 = tpu.memref_slice %arg9[%dma_start3A_77] : memref<128xi32, #tpu.memory_space<vmem>> -> memref<8xi32, #tpu.memory_space<vmem>>
    %dma_start3A_79 = arith.constant 0 : i32
    %dma_start3A_80 = arith.constant 0 : i32
    %dma_start3A_81 = tpu.memref_slice %arg3[%dma_start3A_79, %dma_start3A_80] : memref<10000x64xf32, #tpu.memory_space<hbm>> -> memref<10000x64xf32, #tpu.memory_space<hbm>>
    tpu.enqueue_indirect_dma source(%dma_start3A_81 : memref<10000x64xf32, #tpu.memory_space<hbm>>) target(%dma_start3A_76 : memref<8x64xf32, #tpu.memory_space<vmem>>) offsets(%dma_start3A_78 : memref<8xi32, #tpu.memory_space<vmem>>) semaphore(%arg16 : memref<!tpu.dma_semaphore, #tpu.memory_space<semaphore_mem>>)
    %dma_wait3A_82 = arith.constant 0 : i32
    %dma_wait3A_83 = arith.constant 0 : i32
    %dma_wait3A_84 = tpu.memref_slice %arg10[%dma_wait3A_82, %dma_wait3A_83] : memref<128x64xf32, #tpu.memory_space<vmem>> -> memref<8x64xf32, #tpu.memory_space<vmem>>
    %dma_wait3A_85 = arith.constant 0 : i32
    %dma_wait3A_86 = tpu.memref_slice %arg8[%dma_wait3A_85] : memref<128xi32, #tpu.memory_space<vmem>> -> memref<8xi32, #tpu.memory_space<vmem>>
    %dma_wait3A_87 = arith.constant 0 : i32
    %dma_wait3A_88 = arith.constant 0 : i32
    %dma_wait3A_89 = tpu.memref_slice %arg2[%dma_wait3A_87, %dma_wait3A_88] : memref<10000x64xf32, #tpu.memory_space<hbm>> -> memref<10000x64xf32, #tpu.memory_space<hbm>>
    tpu.wait_indirect_dma semaphore(%arg16 : memref<!tpu.dma_semaphore, #tpu.memory_space<semaphore_mem>>) src(%dma_wait3A_89 : memref<10000x64xf32, #tpu.memory_space<hbm>>) dst(%dma_wait3A_84 : memref<8x64xf32, #tpu.memory_space<vmem>>)
    %dma_wait3A_90 = arith.constant 0 : i32
    %dma_wait3A_91 = arith.constant 0 : i32
    %dma_wait3A_92 = tpu.memref_slice %arg11[%dma_wait3A_90, %dma_wait3A_91] : memref<128x64xf32, #tpu.memory_space<vmem>> -> memref<8x64xf32, #tpu.memory_space<vmem>>
    %dma_wait3A_93 = arith.constant 0 : i32
    %dma_wait3A_94 = tpu.memref_slice %arg9[%dma_wait3A_93] : memref<128xi32, #tpu.memory_space<vmem>> -> memref<8xi32, #tpu.memory_space<vmem>>
    %dma_wait3A_95 = arith.constant 0 : i32
    %dma_wait3A_96 = arith.constant 0 : i32
    %dma_wait3A_97 = tpu.memref_slice %arg3[%dma_wait3A_95, %dma_wait3A_96] : memref<10000x64xf32, #tpu.memory_space<hbm>> -> memref<10000x64xf32, #tpu.memory_space<hbm>>
    tpu.wait_indirect_dma semaphore(%arg16 : memref<!tpu.dma_semaphore, #tpu.memory_space<semaphore_mem>>) src(%dma_wait3A_97 : memref<10000x64xf32, #tpu.memory_space<hbm>>) dst(%dma_wait3A_92 : memref<8x64xf32, #tpu.memory_space<vmem>>)
    "tpu.region"() ({
      %run_scoped3A = tpu.sem_alloc : memref<!tpu.dma_semaphore, #tpu.memory_space<semaphore_mem>>
      %dma_start3A_98 = arith.constant 0 : i32
      %dma_start3A_99 = arith.constant 0 : i32
      %dma_start3A_100 = tpu.memref_slice %arg10[%dma_start3A_98, %dma_start3A_99] : memref<128x64xf32, #tpu.memory_space<vmem>> -> memref<8x64xf32, #tpu.memory_space<vmem>>
      %dma_start3A_101 = arith.constant 0 : i32
      %dma_start3A_102 = tpu.memref_slice %arg6[%add3A_65, %dma_start3A_101] : memref<160000x64xf32, #tpu.memory_space<hbm>> -> memref<8x64xf32, #tpu.memory_space<hbm>>
      %dma_start3A_103 = arith.constant 0 : i32
      %dma_start3A_104 = tpu.memref_slice %arg6[%add3A_65, %dma_start3A_103] : memref<160000x64xf32, #tpu.memory_space<hbm>> -> memref<8x64xf32, #tpu.memory_space<hbm>>
      %dma_start3A_105 = arith.constant 0 : i32
      %dma_start3A_106 = arith.constant 0 : i32
      %dma_start3A_107 = tpu.memref_slice %arg10[%dma_start3A_105, %dma_start3A_106] : memref<128x64xf32, #tpu.memory_space<vmem>> -> memref<8x64xf32, #tpu.memory_space<vmem>>
      tpu.enqueue_dma source(%dma_start3A_107 : memref<8x64xf32, #tpu.memory_space<vmem>>) target(%dma_start3A_104 : memref<8x64xf32, #tpu.memory_space<hbm>>) target_semaphore(%run_scoped3A : memref<!tpu.dma_semaphore, #tpu.memory_space<semaphore_mem>>)
      %dma_wait3A_108 = arith.constant 0 : i32
      %dma_wait3A_109 = arith.constant 0 : i32
      %dma_wait3A_110 = tpu.memref_slice %arg10[%dma_wait3A_108, %dma_wait3A_109] : memref<128x64xf32, #tpu.memory_space<vmem>> -> memref<8x64xf32, #tpu.memory_space<vmem>>
      %dma_wait3A_111 = arith.constant 0 : i32
      %dma_wait3A_112 = tpu.memref_slice %arg6[%add3A_65, %dma_wait3A_111] : memref<160000x64xf32, #tpu.memory_space<hbm>> -> memref<8x64xf32, #tpu.memory_space<hbm>>
      %dma_wait3A_113 = arith.constant 0 : i32
      %dma_wait3A_114 = tpu.memref_slice %arg6[%add3A_65, %dma_wait3A_113] : memref<160000x64xf32, #tpu.memory_space<hbm>> -> memref<8x64xf32, #tpu.memory_space<hbm>>
      %dma_wait3A_115 = arith.constant 0 : i32
      %dma_wait3A_116 = arith.constant 0 : i32
      %dma_wait3A_117 = tpu.memref_slice %arg10[%dma_wait3A_115, %dma_wait3A_116] : memref<128x64xf32, #tpu.memory_space<vmem>> -> memref<8x64xf32, #tpu.memory_space<vmem>>
      tpu.wait_dma2 semaphore(%run_scoped3A : memref<!tpu.dma_semaphore, #tpu.memory_space<semaphore_mem>>) src(%dma_wait3A_117 : memref<8x64xf32, #tpu.memory_space<vmem>>) dst(%dma_wait3A_114 : memref<8x64xf32, #tpu.memory_space<hbm>>)
      tpu.yield
    }) : () -> ()
    "tpu.region"() ({
      %run_scoped3A = tpu.sem_alloc : memref<!tpu.dma_semaphore, #tpu.memory_space<semaphore_mem>>
      %dma_start3A_98 = arith.constant 0 : i32
      %dma_start3A_99 = arith.constant 0 : i32
      %dma_start3A_100 = tpu.memref_slice %arg11[%dma_start3A_98, %dma_start3A_99] : memref<128x64xf32, #tpu.memory_space<vmem>> -> memref<8x64xf32, #tpu.memory_space<vmem>>
      %dma_start3A_101 = arith.constant 0 : i32
      %dma_start3A_102 = tpu.memref_slice %arg7[%add3A_65, %dma_start3A_101] : memref<160000x64xf32, #tpu.memory_space<hbm>> -> memref<8x64xf32, #tpu.memory_space<hbm>>
      %dma_start3A_103 = arith.constant 0 : i32
      %dma_start3A_104 = tpu.memref_slice %arg7[%add3A_65, %dma_start3A_103] : memref<160000x64xf32, #tpu.memory_space<hbm>> -> memref<8x64xf32, #tpu.memory_space<hbm>>
      %dma_start3A_105 = arith.constant 0 : i32
      %dma_start3A_106 = arith.constant 0 : i32
      %dma_start3A_107 = tpu.memref_slice %arg11[%dma_start3A_105, %dma_start3A_106] : memref<128x64xf32, #tpu.memory_space<vmem>> -> memref<8x64xf32, #tpu.memory_space<vmem>>
      tpu.enqueue_dma source(%dma_start3A_107 : memref<8x64xf32, #tpu.memory_space<vmem>>) target(%dma_start3A_104 : memref<8x64xf32, #tpu.memory_space<hbm>>) target_semaphore(%run_scoped3A : memref<!tpu.dma_semaphore, #tpu.memory_space<semaphore_mem>>)
      %dma_wait3A_108 = arith.constant 0 : i32
      %dma_wait3A_109 = arith.constant 0 : i32
      %dma_wait3A_110 = tpu.memref_slice %arg11[%dma_wait3A_108, %dma_wait3A_109] : memref<128x64xf32, #tpu.memory_space<vmem>> -> memref<8x64xf32, #tpu.memory_space<vmem>>
      %dma_wait3A_111 = arith.constant 0 : i32
      %dma_wait3A_112 = tpu.memref_slice %arg7[%add3A_65, %dma_wait3A_111] : memref<160000x64xf32, #tpu.memory_space<hbm>> -> memref<8x64xf32, #tpu.memory_space<hbm>>
      %dma_wait3A_113 = arith.constant 0 : i32
      %dma_wait3A_114 = tpu.memref_slice %arg7[%add3A_65, %dma_wait3A_113] : memref<160000x64xf32, #tpu.memory_space<hbm>> -> memref<8x64xf32, #tpu.memory_space<hbm>>
      %dma_wait3A_115 = arith.constant 0 : i32
      %dma_wait3A_116 = arith.constant 0 : i32
      %dma_wait3A_117 = tpu.memref_slice %arg11[%dma_wait3A_115, %dma_wait3A_116] : memref<128x64xf32, #tpu.memory_space<vmem>> -> memref<8x64xf32, #tpu.memory_space<vmem>>
      tpu.wait_dma2 semaphore(%run_scoped3A : memref<!tpu.dma_semaphore, #tpu.memory_space<semaphore_mem>>) src(%dma_wait3A_117 : memref<8x64xf32, #tpu.memory_space<vmem>>) dst(%dma_wait3A_114 : memref<8x64xf32, #tpu.memory_space<hbm>>)
      tpu.yield
    }) : () -> ()
    return
  }
}

#map = affine_map<(d0, d1) -> (0, 0)>
#map1 = affine_map<(d0, d1) -> (0)>
module attributes {stable_mosaic.version = 14 : i64} {
  func.func @_gather_body(%arg0: i32, %arg1: i32, %arg2: memref<10000x64xf32, #tpu.memory_space<hbm>>, %arg3: memref<10000x64xf32, #tpu.memory_space<hbm>>, %arg4: memref<160000xi32, #tpu.memory_space<hbm>>, %arg5: memref<160000xi32, #tpu.memory_space<hbm>>, %arg6: memref<160000x64xf32, #tpu.memory_space<hbm>>, %arg7: memref<160000x64xf32, #tpu.memory_space<hbm>>, %arg8: memref<128xi32, #tpu.memory_space<vmem>>, %arg9: memref<128xi32, #tpu.memory_space<vmem>>, %arg10: memref<128x64xf32, #tpu.memory_space<vmem>>, %arg11: memref<128x64xf32, #tpu.memory_space<vmem>>, %arg12: memref<128xi32, #tpu.memory_space<vmem>>, %arg13: memref<128xi32, #tpu.memory_space<vmem>>, %arg14: memref<128x64xf32, #tpu.memory_space<vmem>>, %arg15: memref<128x64xf32, #tpu.memory_space<vmem>>, %arg16: memref<!tpu.dma_semaphore, #tpu.memory_space<semaphore_mem>>, %arg17: memref<!tpu.dma_semaphore, #tpu.memory_space<semaphore_mem>>, %arg18: memref<!tpu.dma_semaphore, #tpu.memory_space<semaphore_mem>>, %arg19: memref<!tpu.dma_semaphore, #tpu.memory_space<semaphore_mem>>) attributes {dimension_semantics = [#tpu.dimension_semantics<core_parallel>, #tpu.dimension_semantics<subcore_parallel>], iteration_bounds = array<i64: 2, 16>, scalar_prefetch = 0 : i64, scratch_operands = 12 : i64, tpu.core_type = #tpu.core_type<sc_vector_subcore>, window_params = [{transform_indices = #map}, {transform_indices = #map}, {transform_indices = #map1}, {transform_indices = #map1}, {transform_indices = #map}, {transform_indices = #map}]} {
    %mul3A = arith.constant 2 : i32
    %mul3A_0 = arith.muli %arg1, %mul3A : i32
    %add3A = arith.addi %mul3A_0, %arg0 : i32
    %mul3A_1 = arith.constant 5000 : i32
    %mul3A_2 = arith.muli %add3A, %mul3A_1 : i32
    %scan3A = arith.constant 0 : i32
    %scan3A_3 = arith.constant 0 : i32
    %scan3A_4 = arith.constant 19 : i32
    %scan3A_5 = arith.addi %scan3A_3, %scan3A_4 : i32
    %scan3A_6 = arith.constant 1 : i32
    scf.for %scan3A_98 = %scan3A_3 to %scan3A_5 step %scan3A_6  : i32 {
      %mul3A_99 = arith.constant 2 : i32
      %mul3A_100 = arith.muli %mul3A_99, %scan3A_98 : i32
      %mul3A_101 = arith.constant 128 : i32
      %mul3A_102 = arith.muli %mul3A_100, %mul3A_101 : i32
      %add3A_103 = arith.addi %mul3A_2, %mul3A_102 : i32
      %add3A_104 = arith.constant 128 : i32
      %add3A_105 = arith.addi %add3A_103, %add3A_104 : i32
      %gt3A = arith.constant 0 : i32
      %gt3A_106 = arith.cmpi sgt, %scan3A_98, %gt3A : i32
      %convert_element_type3A = arith.extui %gt3A_106 : i1 to i32
      %cond3A = arith.constant 0 : i32
      %cond3A_107 = arith.cmpi ne, %convert_element_type3A, %cond3A : i32
      scf.if %cond3A_107 {
        %dma_wait3A_148 = arith.constant 0 : i32
        %dma_wait3A_149 = arith.constant 0 : i32
        %dma_wait3A_150 = tpu.memref_slice %arg6[%dma_wait3A_148, %dma_wait3A_149] : memref<160000x64xf32, #tpu.memory_space<hbm>> -> memref<128x64xf32, #tpu.memory_space<hbm>>
        %dma_wait3A_151 = arith.constant 0 : i32
        %dma_wait3A_152 = arith.constant 0 : i32
        %dma_wait3A_153 = tpu.memref_slice %arg6[%dma_wait3A_151, %dma_wait3A_152] : memref<160000x64xf32, #tpu.memory_space<hbm>> -> memref<128x64xf32, #tpu.memory_space<hbm>>
        tpu.wait_dma2 semaphore(%arg18 : memref<!tpu.dma_semaphore, #tpu.memory_space<semaphore_mem>>) src(%arg10 : memref<128x64xf32, #tpu.memory_space<vmem>>) dst(%dma_wait3A_153 : memref<128x64xf32, #tpu.memory_space<hbm>>)
        %dma_wait3A_154 = arith.constant 0 : i32
        %dma_wait3A_155 = arith.constant 0 : i32
        %dma_wait3A_156 = tpu.memref_slice %arg7[%dma_wait3A_154, %dma_wait3A_155] : memref<160000x64xf32, #tpu.memory_space<hbm>> -> memref<128x64xf32, #tpu.memory_space<hbm>>
        %dma_wait3A_157 = arith.constant 0 : i32
        %dma_wait3A_158 = arith.constant 0 : i32
        %dma_wait3A_159 = tpu.memref_slice %arg7[%dma_wait3A_157, %dma_wait3A_158] : memref<160000x64xf32, #tpu.memory_space<hbm>> -> memref<128x64xf32, #tpu.memory_space<hbm>>
        tpu.wait_dma2 semaphore(%arg18 : memref<!tpu.dma_semaphore, #tpu.memory_space<semaphore_mem>>) src(%arg11 : memref<128x64xf32, #tpu.memory_space<vmem>>) dst(%dma_wait3A_159 : memref<128x64xf32, #tpu.memory_space<hbm>>)
        %dma_wait3A_160 = arith.constant 0 : i32
        %dma_wait3A_161 = arith.constant 0 : i32
        %dma_wait3A_162 = tpu.memref_slice %arg6[%dma_wait3A_160, %dma_wait3A_161] : memref<160000x64xf32, #tpu.memory_space<hbm>> -> memref<128x64xf32, #tpu.memory_space<hbm>>
        %dma_wait3A_163 = arith.constant 0 : i32
        %dma_wait3A_164 = arith.constant 0 : i32
        %dma_wait3A_165 = tpu.memref_slice %arg6[%dma_wait3A_163, %dma_wait3A_164] : memref<160000x64xf32, #tpu.memory_space<hbm>> -> memref<128x64xf32, #tpu.memory_space<hbm>>
        tpu.wait_dma2 semaphore(%arg19 : memref<!tpu.dma_semaphore, #tpu.memory_space<semaphore_mem>>) src(%arg14 : memref<128x64xf32, #tpu.memory_space<vmem>>) dst(%dma_wait3A_165 : memref<128x64xf32, #tpu.memory_space<hbm>>)
        %dma_wait3A_166 = arith.constant 0 : i32
        %dma_wait3A_167 = arith.constant 0 : i32
        %dma_wait3A_168 = tpu.memref_slice %arg7[%dma_wait3A_166, %dma_wait3A_167] : memref<160000x64xf32, #tpu.memory_space<hbm>> -> memref<128x64xf32, #tpu.memory_space<hbm>>
        %dma_wait3A_169 = arith.constant 0 : i32
        %dma_wait3A_170 = arith.constant 0 : i32
        %dma_wait3A_171 = tpu.memref_slice %arg7[%dma_wait3A_169, %dma_wait3A_170] : memref<160000x64xf32, #tpu.memory_space<hbm>> -> memref<128x64xf32, #tpu.memory_space<hbm>>
        tpu.wait_dma2 semaphore(%arg19 : memref<!tpu.dma_semaphore, #tpu.memory_space<semaphore_mem>>) src(%arg15 : memref<128x64xf32, #tpu.memory_space<vmem>>) dst(%dma_wait3A_171 : memref<128x64xf32, #tpu.memory_space<hbm>>)
      } else {
      }
      "tpu.region"() ({
        %run_scoped3A = tpu.sem_alloc : memref<!tpu.dma_semaphore, #tpu.memory_space<semaphore_mem>>
        %dma_start3A_148 = tpu.memref_slice %arg4[%add3A_103] : memref<160000xi32, #tpu.memory_space<hbm>> -> memref<128xi32, #tpu.memory_space<hbm>>
        %dma_start3A_149 = tpu.memref_slice %arg4[%add3A_103] : memref<160000xi32, #tpu.memory_space<hbm>> -> memref<128xi32, #tpu.memory_space<hbm>>
        tpu.enqueue_dma source(%dma_start3A_149 : memref<128xi32, #tpu.memory_space<hbm>>) target(%arg8 : memref<128xi32, #tpu.memory_space<vmem>>) target_semaphore(%run_scoped3A : memref<!tpu.dma_semaphore, #tpu.memory_space<semaphore_mem>>)
        %dma_wait3A_150 = tpu.memref_slice %arg4[%add3A_103] : memref<160000xi32, #tpu.memory_space<hbm>> -> memref<128xi32, #tpu.memory_space<hbm>>
        %dma_wait3A_151 = tpu.memref_slice %arg4[%add3A_103] : memref<160000xi32, #tpu.memory_space<hbm>> -> memref<128xi32, #tpu.memory_space<hbm>>
        tpu.wait_dma2 semaphore(%run_scoped3A : memref<!tpu.dma_semaphore, #tpu.memory_space<semaphore_mem>>) src(%dma_wait3A_151 : memref<128xi32, #tpu.memory_space<hbm>>) dst(%arg8 : memref<128xi32, #tpu.memory_space<vmem>>)
        tpu.yield
      }) : () -> ()
      "tpu.region"() ({
        %run_scoped3A = tpu.sem_alloc : memref<!tpu.dma_semaphore, #tpu.memory_space<semaphore_mem>>
        %dma_start3A_148 = tpu.memref_slice %arg5[%add3A_103] : memref<160000xi32, #tpu.memory_space<hbm>> -> memref<128xi32, #tpu.memory_space<hbm>>
        %dma_start3A_149 = tpu.memref_slice %arg5[%add3A_103] : memref<160000xi32, #tpu.memory_space<hbm>> -> memref<128xi32, #tpu.memory_space<hbm>>
        tpu.enqueue_dma source(%dma_start3A_149 : memref<128xi32, #tpu.memory_space<hbm>>) target(%arg9 : memref<128xi32, #tpu.memory_space<vmem>>) target_semaphore(%run_scoped3A : memref<!tpu.dma_semaphore, #tpu.memory_space<semaphore_mem>>)
        %dma_wait3A_150 = tpu.memref_slice %arg5[%add3A_103] : memref<160000xi32, #tpu.memory_space<hbm>> -> memref<128xi32, #tpu.memory_space<hbm>>
        %dma_wait3A_151 = tpu.memref_slice %arg5[%add3A_103] : memref<160000xi32, #tpu.memory_space<hbm>> -> memref<128xi32, #tpu.memory_space<hbm>>
        tpu.wait_dma2 semaphore(%run_scoped3A : memref<!tpu.dma_semaphore, #tpu.memory_space<semaphore_mem>>) src(%dma_wait3A_151 : memref<128xi32, #tpu.memory_space<hbm>>) dst(%arg9 : memref<128xi32, #tpu.memory_space<vmem>>)
        tpu.yield
      }) : () -> ()
      %dma_start3A_108 = arith.constant 0 : i32
      %dma_start3A_109 = arith.constant 0 : i32
      %dma_start3A_110 = tpu.memref_slice %arg2[%dma_start3A_108, %dma_start3A_109] : memref<10000x64xf32, #tpu.memory_space<hbm>> -> memref<10000x64xf32, #tpu.memory_space<hbm>>
      tpu.enqueue_indirect_dma source(%dma_start3A_110 : memref<10000x64xf32, #tpu.memory_space<hbm>>) target(%arg10 : memref<128x64xf32, #tpu.memory_space<vmem>>) offsets(%arg8 : memref<128xi32, #tpu.memory_space<vmem>>) semaphore(%arg16 : memref<!tpu.dma_semaphore, #tpu.memory_space<semaphore_mem>>)
      %dma_start3A_111 = arith.constant 0 : i32
      %dma_start3A_112 = arith.constant 0 : i32
      %dma_start3A_113 = tpu.memref_slice %arg3[%dma_start3A_111, %dma_start3A_112] : memref<10000x64xf32, #tpu.memory_space<hbm>> -> memref<10000x64xf32, #tpu.memory_space<hbm>>
      tpu.enqueue_indirect_dma source(%dma_start3A_113 : memref<10000x64xf32, #tpu.memory_space<hbm>>) target(%arg11 : memref<128x64xf32, #tpu.memory_space<vmem>>) offsets(%arg9 : memref<128xi32, #tpu.memory_space<vmem>>) semaphore(%arg16 : memref<!tpu.dma_semaphore, #tpu.memory_space<semaphore_mem>>)
      "tpu.region"() ({
        %run_scoped3A = tpu.sem_alloc : memref<!tpu.dma_semaphore, #tpu.memory_space<semaphore_mem>>
        %dma_start3A_148 = tpu.memref_slice %arg4[%add3A_105] : memref<160000xi32, #tpu.memory_space<hbm>> -> memref<128xi32, #tpu.memory_space<hbm>>
        %dma_start3A_149 = tpu.memref_slice %arg4[%add3A_105] : memref<160000xi32, #tpu.memory_space<hbm>> -> memref<128xi32, #tpu.memory_space<hbm>>
        tpu.enqueue_dma source(%dma_start3A_149 : memref<128xi32, #tpu.memory_space<hbm>>) target(%arg12 : memref<128xi32, #tpu.memory_space<vmem>>) target_semaphore(%run_scoped3A : memref<!tpu.dma_semaphore, #tpu.memory_space<semaphore_mem>>)
        %dma_wait3A_150 = tpu.memref_slice %arg4[%add3A_105] : memref<160000xi32, #tpu.memory_space<hbm>> -> memref<128xi32, #tpu.memory_space<hbm>>
        %dma_wait3A_151 = tpu.memref_slice %arg4[%add3A_105] : memref<160000xi32, #tpu.memory_space<hbm>> -> memref<128xi32, #tpu.memory_space<hbm>>
        tpu.wait_dma2 semaphore(%run_scoped3A : memref<!tpu.dma_semaphore, #tpu.memory_space<semaphore_mem>>) src(%dma_wait3A_151 : memref<128xi32, #tpu.memory_space<hbm>>) dst(%arg12 : memref<128xi32, #tpu.memory_space<vmem>>)
        tpu.yield
      }) : () -> ()
      "tpu.region"() ({
        %run_scoped3A = tpu.sem_alloc : memref<!tpu.dma_semaphore, #tpu.memory_space<semaphore_mem>>
        %dma_start3A_148 = tpu.memref_slice %arg5[%add3A_105] : memref<160000xi32, #tpu.memory_space<hbm>> -> memref<128xi32, #tpu.memory_space<hbm>>
        %dma_start3A_149 = tpu.memref_slice %arg5[%add3A_105] : memref<160000xi32, #tpu.memory_space<hbm>> -> memref<128xi32, #tpu.memory_space<hbm>>
        tpu.enqueue_dma source(%dma_start3A_149 : memref<128xi32, #tpu.memory_space<hbm>>) target(%arg13 : memref<128xi32, #tpu.memory_space<vmem>>) target_semaphore(%run_scoped3A : memref<!tpu.dma_semaphore, #tpu.memory_space<semaphore_mem>>)
        %dma_wait3A_150 = tpu.memref_slice %arg5[%add3A_105] : memref<160000xi32, #tpu.memory_space<hbm>> -> memref<128xi32, #tpu.memory_space<hbm>>
        %dma_wait3A_151 = tpu.memref_slice %arg5[%add3A_105] : memref<160000xi32, #tpu.memory_space<hbm>> -> memref<128xi32, #tpu.memory_space<hbm>>
        tpu.wait_dma2 semaphore(%run_scoped3A : memref<!tpu.dma_semaphore, #tpu.memory_space<semaphore_mem>>) src(%dma_wait3A_151 : memref<128xi32, #tpu.memory_space<hbm>>) dst(%arg13 : memref<128xi32, #tpu.memory_space<vmem>>)
        tpu.yield
      }) : () -> ()
      %dma_start3A_114 = arith.constant 0 : i32
      %dma_start3A_115 = arith.constant 0 : i32
      %dma_start3A_116 = tpu.memref_slice %arg2[%dma_start3A_114, %dma_start3A_115] : memref<10000x64xf32, #tpu.memory_space<hbm>> -> memref<10000x64xf32, #tpu.memory_space<hbm>>
      tpu.enqueue_indirect_dma source(%dma_start3A_116 : memref<10000x64xf32, #tpu.memory_space<hbm>>) target(%arg14 : memref<128x64xf32, #tpu.memory_space<vmem>>) offsets(%arg12 : memref<128xi32, #tpu.memory_space<vmem>>) semaphore(%arg17 : memref<!tpu.dma_semaphore, #tpu.memory_space<semaphore_mem>>)
      %dma_start3A_117 = arith.constant 0 : i32
      %dma_start3A_118 = arith.constant 0 : i32
      %dma_start3A_119 = tpu.memref_slice %arg3[%dma_start3A_117, %dma_start3A_118] : memref<10000x64xf32, #tpu.memory_space<hbm>> -> memref<10000x64xf32, #tpu.memory_space<hbm>>
      tpu.enqueue_indirect_dma source(%dma_start3A_119 : memref<10000x64xf32, #tpu.memory_space<hbm>>) target(%arg15 : memref<128x64xf32, #tpu.memory_space<vmem>>) offsets(%arg13 : memref<128xi32, #tpu.memory_space<vmem>>) semaphore(%arg17 : memref<!tpu.dma_semaphore, #tpu.memory_space<semaphore_mem>>)
      %dma_wait3A_120 = arith.constant 0 : i32
      %dma_wait3A_121 = arith.constant 0 : i32
      %dma_wait3A_122 = tpu.memref_slice %arg2[%dma_wait3A_120, %dma_wait3A_121] : memref<10000x64xf32, #tpu.memory_space<hbm>> -> memref<10000x64xf32, #tpu.memory_space<hbm>>
      tpu.wait_indirect_dma semaphore(%arg16 : memref<!tpu.dma_semaphore, #tpu.memory_space<semaphore_mem>>) src(%dma_wait3A_122 : memref<10000x64xf32, #tpu.memory_space<hbm>>) dst(%arg10 : memref<128x64xf32, #tpu.memory_space<vmem>>)
      %dma_wait3A_123 = arith.constant 0 : i32
      %dma_wait3A_124 = arith.constant 0 : i32
      %dma_wait3A_125 = tpu.memref_slice %arg3[%dma_wait3A_123, %dma_wait3A_124] : memref<10000x64xf32, #tpu.memory_space<hbm>> -> memref<10000x64xf32, #tpu.memory_space<hbm>>
      tpu.wait_indirect_dma semaphore(%arg16 : memref<!tpu.dma_semaphore, #tpu.memory_space<semaphore_mem>>) src(%dma_wait3A_125 : memref<10000x64xf32, #tpu.memory_space<hbm>>) dst(%arg11 : memref<128x64xf32, #tpu.memory_space<vmem>>)
      %dma_start3A_126 = arith.constant 0 : i32
      %dma_start3A_127 = tpu.memref_slice %arg6[%add3A_103, %dma_start3A_126] : memref<160000x64xf32, #tpu.memory_space<hbm>> -> memref<128x64xf32, #tpu.memory_space<hbm>>
      %dma_start3A_128 = arith.constant 0 : i32
      %dma_start3A_129 = tpu.memref_slice %arg6[%add3A_103, %dma_start3A_128] : memref<160000x64xf32, #tpu.memory_space<hbm>> -> memref<128x64xf32, #tpu.memory_space<hbm>>
      tpu.enqueue_dma source(%arg10 : memref<128x64xf32, #tpu.memory_space<vmem>>) target(%dma_start3A_129 : memref<128x64xf32, #tpu.memory_space<hbm>>) target_semaphore(%arg18 : memref<!tpu.dma_semaphore, #tpu.memory_space<semaphore_mem>>)
      %dma_start3A_130 = arith.constant 0 : i32
      %dma_start3A_131 = tpu.memref_slice %arg7[%add3A_103, %dma_start3A_130] : memref<160000x64xf32, #tpu.memory_space<hbm>> -> memref<128x64xf32, #tpu.memory_space<hbm>>
      %dma_start3A_132 = arith.constant 0 : i32
      %dma_start3A_133 = tpu.memref_slice %arg7[%add3A_103, %dma_start3A_132] : memref<160000x64xf32, #tpu.memory_space<hbm>> -> memref<128x64xf32, #tpu.memory_space<hbm>>
      tpu.enqueue_dma source(%arg11 : memref<128x64xf32, #tpu.memory_space<vmem>>) target(%dma_start3A_133 : memref<128x64xf32, #tpu.memory_space<hbm>>) target_semaphore(%arg18 : memref<!tpu.dma_semaphore, #tpu.memory_space<semaphore_mem>>)
      %dma_wait3A_134 = arith.constant 0 : i32
      %dma_wait3A_135 = arith.constant 0 : i32
      %dma_wait3A_136 = tpu.memref_slice %arg2[%dma_wait3A_134, %dma_wait3A_135] : memref<10000x64xf32, #tpu.memory_space<hbm>> -> memref<10000x64xf32, #tpu.memory_space<hbm>>
      tpu.wait_indirect_dma semaphore(%arg17 : memref<!tpu.dma_semaphore, #tpu.memory_space<semaphore_mem>>) src(%dma_wait3A_136 : memref<10000x64xf32, #tpu.memory_space<hbm>>) dst(%arg14 : memref<128x64xf32, #tpu.memory_space<vmem>>)
      %dma_wait3A_137 = arith.constant 0 : i32
      %dma_wait3A_138 = arith.constant 0 : i32
      %dma_wait3A_139 = tpu.memref_slice %arg3[%dma_wait3A_137, %dma_wait3A_138] : memref<10000x64xf32, #tpu.memory_space<hbm>> -> memref<10000x64xf32, #tpu.memory_space<hbm>>
      tpu.wait_indirect_dma semaphore(%arg17 : memref<!tpu.dma_semaphore, #tpu.memory_space<semaphore_mem>>) src(%dma_wait3A_139 : memref<10000x64xf32, #tpu.memory_space<hbm>>) dst(%arg15 : memref<128x64xf32, #tpu.memory_space<vmem>>)
      %dma_start3A_140 = arith.constant 0 : i32
      %dma_start3A_141 = tpu.memref_slice %arg6[%add3A_105, %dma_start3A_140] : memref<160000x64xf32, #tpu.memory_space<hbm>> -> memref<128x64xf32, #tpu.memory_space<hbm>>
      %dma_start3A_142 = arith.constant 0 : i32
      %dma_start3A_143 = tpu.memref_slice %arg6[%add3A_105, %dma_start3A_142] : memref<160000x64xf32, #tpu.memory_space<hbm>> -> memref<128x64xf32, #tpu.memory_space<hbm>>
      tpu.enqueue_dma source(%arg14 : memref<128x64xf32, #tpu.memory_space<vmem>>) target(%dma_start3A_143 : memref<128x64xf32, #tpu.memory_space<hbm>>) target_semaphore(%arg19 : memref<!tpu.dma_semaphore, #tpu.memory_space<semaphore_mem>>)
      %dma_start3A_144 = arith.constant 0 : i32
      %dma_start3A_145 = tpu.memref_slice %arg7[%add3A_105, %dma_start3A_144] : memref<160000x64xf32, #tpu.memory_space<hbm>> -> memref<128x64xf32, #tpu.memory_space<hbm>>
      %dma_start3A_146 = arith.constant 0 : i32
      %dma_start3A_147 = tpu.memref_slice %arg7[%add3A_105, %dma_start3A_146] : memref<160000x64xf32, #tpu.memory_space<hbm>> -> memref<128x64xf32, #tpu.memory_space<hbm>>
      tpu.enqueue_dma source(%arg15 : memref<128x64xf32, #tpu.memory_space<vmem>>) target(%dma_start3A_147 : memref<128x64xf32, #tpu.memory_space<hbm>>) target_semaphore(%arg19 : memref<!tpu.dma_semaphore, #tpu.memory_space<semaphore_mem>>)
    }
    %scan3A_7 = arith.constant 19 : i32
    %dma_wait3A = arith.constant 0 : i32
    %dma_wait3A_8 = arith.constant 0 : i32
    %dma_wait3A_9 = tpu.memref_slice %arg6[%dma_wait3A, %dma_wait3A_8] : memref<160000x64xf32, #tpu.memory_space<hbm>> -> memref<128x64xf32, #tpu.memory_space<hbm>>
    %dma_wait3A_10 = arith.constant 0 : i32
    %dma_wait3A_11 = arith.constant 0 : i32
    %dma_wait3A_12 = tpu.memref_slice %arg6[%dma_wait3A_10, %dma_wait3A_11] : memref<160000x64xf32, #tpu.memory_space<hbm>> -> memref<128x64xf32, #tpu.memory_space<hbm>>
    tpu.wait_dma2 semaphore(%arg18 : memref<!tpu.dma_semaphore, #tpu.memory_space<semaphore_mem>>) src(%arg10 : memref<128x64xf32, #tpu.memory_space<vmem>>) dst(%dma_wait3A_12 : memref<128x64xf32, #tpu.memory_space<hbm>>)
    %dma_wait3A_13 = arith.constant 0 : i32
    %dma_wait3A_14 = arith.constant 0 : i32
    %dma_wait3A_15 = tpu.memref_slice %arg7[%dma_wait3A_13, %dma_wait3A_14] : memref<160000x64xf32, #tpu.memory_space<hbm>> -> memref<128x64xf32, #tpu.memory_space<hbm>>
    %dma_wait3A_16 = arith.constant 0 : i32
    %dma_wait3A_17 = arith.constant 0 : i32
    %dma_wait3A_18 = tpu.memref_slice %arg7[%dma_wait3A_16, %dma_wait3A_17] : memref<160000x64xf32, #tpu.memory_space<hbm>> -> memref<128x64xf32, #tpu.memory_space<hbm>>
    tpu.wait_dma2 semaphore(%arg18 : memref<!tpu.dma_semaphore, #tpu.memory_space<semaphore_mem>>) src(%arg11 : memref<128x64xf32, #tpu.memory_space<vmem>>) dst(%dma_wait3A_18 : memref<128x64xf32, #tpu.memory_space<hbm>>)
    %dma_wait3A_19 = arith.constant 0 : i32
    %dma_wait3A_20 = arith.constant 0 : i32
    %dma_wait3A_21 = tpu.memref_slice %arg6[%dma_wait3A_19, %dma_wait3A_20] : memref<160000x64xf32, #tpu.memory_space<hbm>> -> memref<128x64xf32, #tpu.memory_space<hbm>>
    %dma_wait3A_22 = arith.constant 0 : i32
    %dma_wait3A_23 = arith.constant 0 : i32
    %dma_wait3A_24 = tpu.memref_slice %arg6[%dma_wait3A_22, %dma_wait3A_23] : memref<160000x64xf32, #tpu.memory_space<hbm>> -> memref<128x64xf32, #tpu.memory_space<hbm>>
    tpu.wait_dma2 semaphore(%arg19 : memref<!tpu.dma_semaphore, #tpu.memory_space<semaphore_mem>>) src(%arg14 : memref<128x64xf32, #tpu.memory_space<vmem>>) dst(%dma_wait3A_24 : memref<128x64xf32, #tpu.memory_space<hbm>>)
    %dma_wait3A_25 = arith.constant 0 : i32
    %dma_wait3A_26 = arith.constant 0 : i32
    %dma_wait3A_27 = tpu.memref_slice %arg7[%dma_wait3A_25, %dma_wait3A_26] : memref<160000x64xf32, #tpu.memory_space<hbm>> -> memref<128x64xf32, #tpu.memory_space<hbm>>
    %dma_wait3A_28 = arith.constant 0 : i32
    %dma_wait3A_29 = arith.constant 0 : i32
    %dma_wait3A_30 = tpu.memref_slice %arg7[%dma_wait3A_28, %dma_wait3A_29] : memref<160000x64xf32, #tpu.memory_space<hbm>> -> memref<128x64xf32, #tpu.memory_space<hbm>>
    tpu.wait_dma2 semaphore(%arg19 : memref<!tpu.dma_semaphore, #tpu.memory_space<semaphore_mem>>) src(%arg15 : memref<128x64xf32, #tpu.memory_space<vmem>>) dst(%dma_wait3A_30 : memref<128x64xf32, #tpu.memory_space<hbm>>)
    %add3A_31 = arith.constant 4864 : i32
    %add3A_32 = arith.addi %mul3A_2, %add3A_31 : i32
    "tpu.region"() ({
      %run_scoped3A = tpu.sem_alloc : memref<!tpu.dma_semaphore, #tpu.memory_space<semaphore_mem>>
      %dma_start3A_98 = arith.constant 0 : i32
      %dma_start3A_99 = tpu.memref_slice %arg8[%dma_start3A_98] : memref<128xi32, #tpu.memory_space<vmem>> -> memref<128xi32, #tpu.memory_space<vmem>>
      %dma_start3A_100 = tpu.memref_slice %arg4[%add3A_32] : memref<160000xi32, #tpu.memory_space<hbm>> -> memref<128xi32, #tpu.memory_space<hbm>>
      %dma_start3A_101 = arith.constant 0 : i32
      %dma_start3A_102 = tpu.memref_slice %arg8[%dma_start3A_101] : memref<128xi32, #tpu.memory_space<vmem>> -> memref<128xi32, #tpu.memory_space<vmem>>
      %dma_start3A_103 = tpu.memref_slice %arg4[%add3A_32] : memref<160000xi32, #tpu.memory_space<hbm>> -> memref<128xi32, #tpu.memory_space<hbm>>
      tpu.enqueue_dma source(%dma_start3A_103 : memref<128xi32, #tpu.memory_space<hbm>>) target(%dma_start3A_102 : memref<128xi32, #tpu.memory_space<vmem>>) target_semaphore(%run_scoped3A : memref<!tpu.dma_semaphore, #tpu.memory_space<semaphore_mem>>)
      %dma_wait3A_104 = arith.constant 0 : i32
      %dma_wait3A_105 = tpu.memref_slice %arg8[%dma_wait3A_104] : memref<128xi32, #tpu.memory_space<vmem>> -> memref<128xi32, #tpu.memory_space<vmem>>
      %dma_wait3A_106 = tpu.memref_slice %arg4[%add3A_32] : memref<160000xi32, #tpu.memory_space<hbm>> -> memref<128xi32, #tpu.memory_space<hbm>>
      %dma_wait3A_107 = arith.constant 0 : i32
      %dma_wait3A_108 = tpu.memref_slice %arg8[%dma_wait3A_107] : memref<128xi32, #tpu.memory_space<vmem>> -> memref<128xi32, #tpu.memory_space<vmem>>
      %dma_wait3A_109 = tpu.memref_slice %arg4[%add3A_32] : memref<160000xi32, #tpu.memory_space<hbm>> -> memref<128xi32, #tpu.memory_space<hbm>>
      tpu.wait_dma2 semaphore(%run_scoped3A : memref<!tpu.dma_semaphore, #tpu.memory_space<semaphore_mem>>) src(%dma_wait3A_109 : memref<128xi32, #tpu.memory_space<hbm>>) dst(%dma_wait3A_108 : memref<128xi32, #tpu.memory_space<vmem>>)
      tpu.yield
    }) : () -> ()
    "tpu.region"() ({
      %run_scoped3A = tpu.sem_alloc : memref<!tpu.dma_semaphore, #tpu.memory_space<semaphore_mem>>
      %dma_start3A_98 = arith.constant 0 : i32
      %dma_start3A_99 = tpu.memref_slice %arg9[%dma_start3A_98] : memref<128xi32, #tpu.memory_space<vmem>> -> memref<128xi32, #tpu.memory_space<vmem>>
      %dma_start3A_100 = tpu.memref_slice %arg5[%add3A_32] : memref<160000xi32, #tpu.memory_space<hbm>> -> memref<128xi32, #tpu.memory_space<hbm>>
      %dma_start3A_101 = arith.constant 0 : i32
      %dma_start3A_102 = tpu.memref_slice %arg9[%dma_start3A_101] : memref<128xi32, #tpu.memory_space<vmem>> -> memref<128xi32, #tpu.memory_space<vmem>>
      %dma_start3A_103 = tpu.memref_slice %arg5[%add3A_32] : memref<160000xi32, #tpu.memory_space<hbm>> -> memref<128xi32, #tpu.memory_space<hbm>>
      tpu.enqueue_dma source(%dma_start3A_103 : memref<128xi32, #tpu.memory_space<hbm>>) target(%dma_start3A_102 : memref<128xi32, #tpu.memory_space<vmem>>) target_semaphore(%run_scoped3A : memref<!tpu.dma_semaphore, #tpu.memory_space<semaphore_mem>>)
      %dma_wait3A_104 = arith.constant 0 : i32
      %dma_wait3A_105 = tpu.memref_slice %arg9[%dma_wait3A_104] : memref<128xi32, #tpu.memory_space<vmem>> -> memref<128xi32, #tpu.memory_space<vmem>>
      %dma_wait3A_106 = tpu.memref_slice %arg5[%add3A_32] : memref<160000xi32, #tpu.memory_space<hbm>> -> memref<128xi32, #tpu.memory_space<hbm>>
      %dma_wait3A_107 = arith.constant 0 : i32
      %dma_wait3A_108 = tpu.memref_slice %arg9[%dma_wait3A_107] : memref<128xi32, #tpu.memory_space<vmem>> -> memref<128xi32, #tpu.memory_space<vmem>>
      %dma_wait3A_109 = tpu.memref_slice %arg5[%add3A_32] : memref<160000xi32, #tpu.memory_space<hbm>> -> memref<128xi32, #tpu.memory_space<hbm>>
      tpu.wait_dma2 semaphore(%run_scoped3A : memref<!tpu.dma_semaphore, #tpu.memory_space<semaphore_mem>>) src(%dma_wait3A_109 : memref<128xi32, #tpu.memory_space<hbm>>) dst(%dma_wait3A_108 : memref<128xi32, #tpu.memory_space<vmem>>)
      tpu.yield
    }) : () -> ()
    %dma_start3A = arith.constant 0 : i32
    %dma_start3A_33 = arith.constant 0 : i32
    %dma_start3A_34 = tpu.memref_slice %arg10[%dma_start3A, %dma_start3A_33] : memref<128x64xf32, #tpu.memory_space<vmem>> -> memref<128x64xf32, #tpu.memory_space<vmem>>
    %dma_start3A_35 = arith.constant 0 : i32
    %dma_start3A_36 = tpu.memref_slice %arg8[%dma_start3A_35] : memref<128xi32, #tpu.memory_space<vmem>> -> memref<128xi32, #tpu.memory_space<vmem>>
    %dma_start3A_37 = arith.constant 0 : i32
    %dma_start3A_38 = arith.constant 0 : i32
    %dma_start3A_39 = tpu.memref_slice %arg2[%dma_start3A_37, %dma_start3A_38] : memref<10000x64xf32, #tpu.memory_space<hbm>> -> memref<10000x64xf32, #tpu.memory_space<hbm>>
    tpu.enqueue_indirect_dma source(%dma_start3A_39 : memref<10000x64xf32, #tpu.memory_space<hbm>>) target(%dma_start3A_34 : memref<128x64xf32, #tpu.memory_space<vmem>>) offsets(%dma_start3A_36 : memref<128xi32, #tpu.memory_space<vmem>>) semaphore(%arg16 : memref<!tpu.dma_semaphore, #tpu.memory_space<semaphore_mem>>)
    %dma_start3A_40 = arith.constant 0 : i32
    %dma_start3A_41 = arith.constant 0 : i32
    %dma_start3A_42 = tpu.memref_slice %arg11[%dma_start3A_40, %dma_start3A_41] : memref<128x64xf32, #tpu.memory_space<vmem>> -> memref<128x64xf32, #tpu.memory_space<vmem>>
    %dma_start3A_43 = arith.constant 0 : i32
    %dma_start3A_44 = tpu.memref_slice %arg9[%dma_start3A_43] : memref<128xi32, #tpu.memory_space<vmem>> -> memref<128xi32, #tpu.memory_space<vmem>>
    %dma_start3A_45 = arith.constant 0 : i32
    %dma_start3A_46 = arith.constant 0 : i32
    %dma_start3A_47 = tpu.memref_slice %arg3[%dma_start3A_45, %dma_start3A_46] : memref<10000x64xf32, #tpu.memory_space<hbm>> -> memref<10000x64xf32, #tpu.memory_space<hbm>>
    tpu.enqueue_indirect_dma source(%dma_start3A_47 : memref<10000x64xf32, #tpu.memory_space<hbm>>) target(%dma_start3A_42 : memref<128x64xf32, #tpu.memory_space<vmem>>) offsets(%dma_start3A_44 : memref<128xi32, #tpu.memory_space<vmem>>) semaphore(%arg16 : memref<!tpu.dma_semaphore, #tpu.memory_space<semaphore_mem>>)
    %dma_wait3A_48 = arith.constant 0 : i32
    %dma_wait3A_49 = arith.constant 0 : i32
    %dma_wait3A_50 = tpu.memref_slice %arg10[%dma_wait3A_48, %dma_wait3A_49] : memref<128x64xf32, #tpu.memory_space<vmem>> -> memref<128x64xf32, #tpu.memory_space<vmem>>
    %dma_wait3A_51 = arith.constant 0 : i32
    %dma_wait3A_52 = tpu.memref_slice %arg8[%dma_wait3A_51] : memref<128xi32, #tpu.memory_space<vmem>> -> memref<128xi32, #tpu.memory_space<vmem>>
    %dma_wait3A_53 = arith.constant 0 : i32
    %dma_wait3A_54 = arith.constant 0 : i32
    %dma_wait3A_55 = tpu.memref_slice %arg2[%dma_wait3A_53, %dma_wait3A_54] : memref<10000x64xf32, #tpu.memory_space<hbm>> -> memref<10000x64xf32, #tpu.memory_space<hbm>>
    tpu.wait_indirect_dma semaphore(%arg16 : memref<!tpu.dma_semaphore, #tpu.memory_space<semaphore_mem>>) src(%dma_wait3A_55 : memref<10000x64xf32, #tpu.memory_space<hbm>>) dst(%dma_wait3A_50 : memref<128x64xf32, #tpu.memory_space<vmem>>)
    %dma_wait3A_56 = arith.constant 0 : i32
    %dma_wait3A_57 = arith.constant 0 : i32
    %dma_wait3A_58 = tpu.memref_slice %arg11[%dma_wait3A_56, %dma_wait3A_57] : memref<128x64xf32, #tpu.memory_space<vmem>> -> memref<128x64xf32, #tpu.memory_space<vmem>>
    %dma_wait3A_59 = arith.constant 0 : i32
    %dma_wait3A_60 = tpu.memref_slice %arg9[%dma_wait3A_59] : memref<128xi32, #tpu.memory_space<vmem>> -> memref<128xi32, #tpu.memory_space<vmem>>
    %dma_wait3A_61 = arith.constant 0 : i32
    %dma_wait3A_62 = arith.constant 0 : i32
    %dma_wait3A_63 = tpu.memref_slice %arg3[%dma_wait3A_61, %dma_wait3A_62] : memref<10000x64xf32, #tpu.memory_space<hbm>> -> memref<10000x64xf32, #tpu.memory_space<hbm>>
    tpu.wait_indirect_dma semaphore(%arg16 : memref<!tpu.dma_semaphore, #tpu.memory_space<semaphore_mem>>) src(%dma_wait3A_63 : memref<10000x64xf32, #tpu.memory_space<hbm>>) dst(%dma_wait3A_58 : memref<128x64xf32, #tpu.memory_space<vmem>>)
    "tpu.region"() ({
      %run_scoped3A = tpu.sem_alloc : memref<!tpu.dma_semaphore, #tpu.memory_space<semaphore_mem>>
      %dma_start3A_98 = arith.constant 0 : i32
      %dma_start3A_99 = arith.constant 0 : i32
      %dma_start3A_100 = tpu.memref_slice %arg10[%dma_start3A_98, %dma_start3A_99] : memref<128x64xf32, #tpu.memory_space<vmem>> -> memref<128x64xf32, #tpu.memory_space<vmem>>
      %dma_start3A_101 = arith.constant 0 : i32
      %dma_start3A_102 = tpu.memref_slice %arg6[%add3A_32, %dma_start3A_101] : memref<160000x64xf32, #tpu.memory_space<hbm>> -> memref<128x64xf32, #tpu.memory_space<hbm>>
      %dma_start3A_103 = arith.constant 0 : i32
      %dma_start3A_104 = tpu.memref_slice %arg6[%add3A_32, %dma_start3A_103] : memref<160000x64xf32, #tpu.memory_space<hbm>> -> memref<128x64xf32, #tpu.memory_space<hbm>>
      %dma_start3A_105 = arith.constant 0 : i32
      %dma_start3A_106 = arith.constant 0 : i32
      %dma_start3A_107 = tpu.memref_slice %arg10[%dma_start3A_105, %dma_start3A_106] : memref<128x64xf32, #tpu.memory_space<vmem>> -> memref<128x64xf32, #tpu.memory_space<vmem>>
      tpu.enqueue_dma source(%dma_start3A_107 : memref<128x64xf32, #tpu.memory_space<vmem>>) target(%dma_start3A_104 : memref<128x64xf32, #tpu.memory_space<hbm>>) target_semaphore(%run_scoped3A : memref<!tpu.dma_semaphore, #tpu.memory_space<semaphore_mem>>)
      %dma_wait3A_108 = arith.constant 0 : i32
      %dma_wait3A_109 = arith.constant 0 : i32
      %dma_wait3A_110 = tpu.memref_slice %arg10[%dma_wait3A_108, %dma_wait3A_109] : memref<128x64xf32, #tpu.memory_space<vmem>> -> memref<128x64xf32, #tpu.memory_space<vmem>>
      %dma_wait3A_111 = arith.constant 0 : i32
      %dma_wait3A_112 = tpu.memref_slice %arg6[%add3A_32, %dma_wait3A_111] : memref<160000x64xf32, #tpu.memory_space<hbm>> -> memref<128x64xf32, #tpu.memory_space<hbm>>
      %dma_wait3A_113 = arith.constant 0 : i32
      %dma_wait3A_114 = tpu.memref_slice %arg6[%add3A_32, %dma_wait3A_113] : memref<160000x64xf32, #tpu.memory_space<hbm>> -> memref<128x64xf32, #tpu.memory_space<hbm>>
      %dma_wait3A_115 = arith.constant 0 : i32
      %dma_wait3A_116 = arith.constant 0 : i32
      %dma_wait3A_117 = tpu.memref_slice %arg10[%dma_wait3A_115, %dma_wait3A_116] : memref<128x64xf32, #tpu.memory_space<vmem>> -> memref<128x64xf32, #tpu.memory_space<vmem>>
      tpu.wait_dma2 semaphore(%run_scoped3A : memref<!tpu.dma_semaphore, #tpu.memory_space<semaphore_mem>>) src(%dma_wait3A_117 : memref<128x64xf32, #tpu.memory_space<vmem>>) dst(%dma_wait3A_114 : memref<128x64xf32, #tpu.memory_space<hbm>>)
      tpu.yield
    }) : () -> ()
    "tpu.region"() ({
      %run_scoped3A = tpu.sem_alloc : memref<!tpu.dma_semaphore, #tpu.memory_space<semaphore_mem>>
      %dma_start3A_98 = arith.constant 0 : i32
      %dma_start3A_99 = arith.constant 0 : i32
      %dma_start3A_100 = tpu.memref_slice %arg11[%dma_start3A_98, %dma_start3A_99] : memref<128x64xf32, #tpu.memory_space<vmem>> -> memref<128x64xf32, #tpu.memory_space<vmem>>
      %dma_start3A_101 = arith.constant 0 : i32
      %dma_start3A_102 = tpu.memref_slice %arg7[%add3A_32, %dma_start3A_101] : memref<160000x64xf32, #tpu.memory_space<hbm>> -> memref<128x64xf32, #tpu.memory_space<hbm>>
      %dma_start3A_103 = arith.constant 0 : i32
      %dma_start3A_104 = tpu.memref_slice %arg7[%add3A_32, %dma_start3A_103] : memref<160000x64xf32, #tpu.memory_space<hbm>> -> memref<128x64xf32, #tpu.memory_space<hbm>>
      %dma_start3A_105 = arith.constant 0 : i32
      %dma_start3A_106 = arith.constant 0 : i32
      %dma_start3A_107 = tpu.memref_slice %arg11[%dma_start3A_105, %dma_start3A_106] : memref<128x64xf32, #tpu.memory_space<vmem>> -> memref<128x64xf32, #tpu.memory_space<vmem>>
      tpu.enqueue_dma source(%dma_start3A_107 : memref<128x64xf32, #tpu.memory_space<vmem>>) target(%dma_start3A_104 : memref<128x64xf32, #tpu.memory_space<hbm>>) target_semaphore(%run_scoped3A : memref<!tpu.dma_semaphore, #tpu.memory_space<semaphore_mem>>)
      %dma_wait3A_108 = arith.constant 0 : i32
      %dma_wait3A_109 = arith.constant 0 : i32
      %dma_wait3A_110 = tpu.memref_slice %arg11[%dma_wait3A_108, %dma_wait3A_109] : memref<128x64xf32, #tpu.memory_space<vmem>> -> memref<128x64xf32, #tpu.memory_space<vmem>>
      %dma_wait3A_111 = arith.constant 0 : i32
      %dma_wait3A_112 = tpu.memref_slice %arg7[%add3A_32, %dma_wait3A_111] : memref<160000x64xf32, #tpu.memory_space<hbm>> -> memref<128x64xf32, #tpu.memory_space<hbm>>
      %dma_wait3A_113 = arith.constant 0 : i32
      %dma_wait3A_114 = tpu.memref_slice %arg7[%add3A_32, %dma_wait3A_113] : memref<160000x64xf32, #tpu.memory_space<hbm>> -> memref<128x64xf32, #tpu.memory_space<hbm>>
      %dma_wait3A_115 = arith.constant 0 : i32
      %dma_wait3A_116 = arith.constant 0 : i32
      %dma_wait3A_117 = tpu.memref_slice %arg11[%dma_wait3A_115, %dma_wait3A_116] : memref<128x64xf32, #tpu.memory_space<vmem>> -> memref<128x64xf32, #tpu.memory_space<vmem>>
      tpu.wait_dma2 semaphore(%run_scoped3A : memref<!tpu.dma_semaphore, #tpu.memory_space<semaphore_mem>>) src(%dma_wait3A_117 : memref<128x64xf32, #tpu.memory_space<vmem>>) dst(%dma_wait3A_114 : memref<128x64xf32, #tpu.memory_space<hbm>>)
      tpu.yield
    }) : () -> ()
    %add3A_64 = arith.constant 4992 : i32
    %add3A_65 = arith.addi %mul3A_2, %add3A_64 : i32
    "tpu.region"() ({
      %run_scoped3A = tpu.sem_alloc : memref<!tpu.dma_semaphore, #tpu.memory_space<semaphore_mem>>
      %dma_start3A_98 = arith.constant 0 : i32
      %dma_start3A_99 = tpu.memref_slice %arg8[%dma_start3A_98] : memref<128xi32, #tpu.memory_space<vmem>> -> memref<8xi32, #tpu.memory_space<vmem>>
      %dma_start3A_100 = tpu.memref_slice %arg4[%add3A_65] : memref<160000xi32, #tpu.memory_space<hbm>> -> memref<8xi32, #tpu.memory_space<hbm>>
      %dma_start3A_101 = arith.constant 0 : i32
      %dma_start3A_102 = tpu.memref_slice %arg8[%dma_start3A_101] : memref<128xi32, #tpu.memory_space<vmem>> -> memref<8xi32, #tpu.memory_space<vmem>>
      %dma_start3A_103 = tpu.memref_slice %arg4[%add3A_65] : memref<160000xi32, #tpu.memory_space<hbm>> -> memref<8xi32, #tpu.memory_space<hbm>>
      tpu.enqueue_dma source(%dma_start3A_103 : memref<8xi32, #tpu.memory_space<hbm>>) target(%dma_start3A_102 : memref<8xi32, #tpu.memory_space<vmem>>) target_semaphore(%run_scoped3A : memref<!tpu.dma_semaphore, #tpu.memory_space<semaphore_mem>>)
      %dma_wait3A_104 = arith.constant 0 : i32
      %dma_wait3A_105 = tpu.memref_slice %arg8[%dma_wait3A_104] : memref<128xi32, #tpu.memory_space<vmem>> -> memref<8xi32, #tpu.memory_space<vmem>>
      %dma_wait3A_106 = tpu.memref_slice %arg4[%add3A_65] : memref<160000xi32, #tpu.memory_space<hbm>> -> memref<8xi32, #tpu.memory_space<hbm>>
      %dma_wait3A_107 = arith.constant 0 : i32
      %dma_wait3A_108 = tpu.memref_slice %arg8[%dma_wait3A_107] : memref<128xi32, #tpu.memory_space<vmem>> -> memref<8xi32, #tpu.memory_space<vmem>>
      %dma_wait3A_109 = tpu.memref_slice %arg4[%add3A_65] : memref<160000xi32, #tpu.memory_space<hbm>> -> memref<8xi32, #tpu.memory_space<hbm>>
      tpu.wait_dma2 semaphore(%run_scoped3A : memref<!tpu.dma_semaphore, #tpu.memory_space<semaphore_mem>>) src(%dma_wait3A_109 : memref<8xi32, #tpu.memory_space<hbm>>) dst(%dma_wait3A_108 : memref<8xi32, #tpu.memory_space<vmem>>)
      tpu.yield
    }) : () -> ()
    "tpu.region"() ({
      %run_scoped3A = tpu.sem_alloc : memref<!tpu.dma_semaphore, #tpu.memory_space<semaphore_mem>>
      %dma_start3A_98 = arith.constant 0 : i32
      %dma_start3A_99 = tpu.memref_slice %arg9[%dma_start3A_98] : memref<128xi32, #tpu.memory_space<vmem>> -> memref<8xi32, #tpu.memory_space<vmem>>
      %dma_start3A_100 = tpu.memref_slice %arg5[%add3A_65] : memref<160000xi32, #tpu.memory_space<hbm>> -> memref<8xi32, #tpu.memory_space<hbm>>
      %dma_start3A_101 = arith.constant 0 : i32
      %dma_start3A_102 = tpu.memref_slice %arg9[%dma_start3A_101] : memref<128xi32, #tpu.memory_space<vmem>> -> memref<8xi32, #tpu.memory_space<vmem>>
      %dma_start3A_103 = tpu.memref_slice %arg5[%add3A_65] : memref<160000xi32, #tpu.memory_space<hbm>> -> memref<8xi32, #tpu.memory_space<hbm>>
      tpu.enqueue_dma source(%dma_start3A_103 : memref<8xi32, #tpu.memory_space<hbm>>) target(%dma_start3A_102 : memref<8xi32, #tpu.memory_space<vmem>>) target_semaphore(%run_scoped3A : memref<!tpu.dma_semaphore, #tpu.memory_space<semaphore_mem>>)
      %dma_wait3A_104 = arith.constant 0 : i32
      %dma_wait3A_105 = tpu.memref_slice %arg9[%dma_wait3A_104] : memref<128xi32, #tpu.memory_space<vmem>> -> memref<8xi32, #tpu.memory_space<vmem>>
      %dma_wait3A_106 = tpu.memref_slice %arg5[%add3A_65] : memref<160000xi32, #tpu.memory_space<hbm>> -> memref<8xi32, #tpu.memory_space<hbm>>
      %dma_wait3A_107 = arith.constant 0 : i32
      %dma_wait3A_108 = tpu.memref_slice %arg9[%dma_wait3A_107] : memref<128xi32, #tpu.memory_space<vmem>> -> memref<8xi32, #tpu.memory_space<vmem>>
      %dma_wait3A_109 = tpu.memref_slice %arg5[%add3A_65] : memref<160000xi32, #tpu.memory_space<hbm>> -> memref<8xi32, #tpu.memory_space<hbm>>
      tpu.wait_dma2 semaphore(%run_scoped3A : memref<!tpu.dma_semaphore, #tpu.memory_space<semaphore_mem>>) src(%dma_wait3A_109 : memref<8xi32, #tpu.memory_space<hbm>>) dst(%dma_wait3A_108 : memref<8xi32, #tpu.memory_space<vmem>>)
      tpu.yield
    }) : () -> ()
    %dma_start3A_66 = arith.constant 0 : i32
    %dma_start3A_67 = arith.constant 0 : i32
    %dma_start3A_68 = tpu.memref_slice %arg10[%dma_start3A_66, %dma_start3A_67] : memref<128x64xf32, #tpu.memory_space<vmem>> -> memref<8x64xf32, #tpu.memory_space<vmem>>
    %dma_start3A_69 = arith.constant 0 : i32
    %dma_start3A_70 = tpu.memref_slice %arg8[%dma_start3A_69] : memref<128xi32, #tpu.memory_space<vmem>> -> memref<8xi32, #tpu.memory_space<vmem>>
    %dma_start3A_71 = arith.constant 0 : i32
    %dma_start3A_72 = arith.constant 0 : i32
    %dma_start3A_73 = tpu.memref_slice %arg2[%dma_start3A_71, %dma_start3A_72] : memref<10000x64xf32, #tpu.memory_space<hbm>> -> memref<10000x64xf32, #tpu.memory_space<hbm>>
    tpu.enqueue_indirect_dma source(%dma_start3A_73 : memref<10000x64xf32, #tpu.memory_space<hbm>>) target(%dma_start3A_68 : memref<8x64xf32, #tpu.memory_space<vmem>>) offsets(%dma_start3A_70 : memref<8xi32, #tpu.memory_space<vmem>>) semaphore(%arg16 : memref<!tpu.dma_semaphore, #tpu.memory_space<semaphore_mem>>)
    %dma_start3A_74 = arith.constant 0 : i32
    %dma_start3A_75 = arith.constant 0 : i32
    %dma_start3A_76 = tpu.memref_slice %arg11[%dma_start3A_74, %dma_start3A_75] : memref<128x64xf32, #tpu.memory_space<vmem>> -> memref<8x64xf32, #tpu.memory_space<vmem>>
    %dma_start3A_77 = arith.constant 0 : i32
    %dma_start3A_78 = tpu.memref_slice %arg9[%dma_start3A_77] : memref<128xi32, #tpu.memory_space<vmem>> -> memref<8xi32, #tpu.memory_space<vmem>>
    %dma_start3A_79 = arith.constant 0 : i32
    %dma_start3A_80 = arith.constant 0 : i32
    %dma_start3A_81 = tpu.memref_slice %arg3[%dma_start3A_79, %dma_start3A_80] : memref<10000x64xf32, #tpu.memory_space<hbm>> -> memref<10000x64xf32, #tpu.memory_space<hbm>>
    tpu.enqueue_indirect_dma source(%dma_start3A_81 : memref<10000x64xf32, #tpu.memory_space<hbm>>) target(%dma_start3A_76 : memref<8x64xf32, #tpu.memory_space<vmem>>) offsets(%dma_start3A_78 : memref<8xi32, #tpu.memory_space<vmem>>) semaphore(%arg16 : memref<!tpu.dma_semaphore, #tpu.memory_space<semaphore_mem>>)
    %dma_wait3A_82 = arith.constant 0 : i32
    %dma_wait3A_83 = arith.constant 0 : i32
    %dma_wait3A_84 = tpu.memref_slice %arg10[%dma_wait3A_82, %dma_wait3A_83] : memref<128x64xf32, #tpu.memory_space<vmem>> -> memref<8x64xf32, #tpu.memory_space<vmem>>
    %dma_wait3A_85 = arith.constant 0 : i32
    %dma_wait3A_86 = tpu.memref_slice %arg8[%dma_wait3A_85] : memref<128xi32, #tpu.memory_space<vmem>> -> memref<8xi32, #tpu.memory_space<vmem>>
    %dma_wait3A_87 = arith.constant 0 : i32
    %dma_wait3A_88 = arith.constant 0 : i32
    %dma_wait3A_89 = tpu.memref_slice %arg2[%dma_wait3A_87, %dma_wait3A_88] : memref<10000x64xf32, #tpu.memory_space<hbm>> -> memref<10000x64xf32, #tpu.memory_space<hbm>>
    tpu.wait_indirect_dma semaphore(%arg16 : memref<!tpu.dma_semaphore, #tpu.memory_space<semaphore_mem>>) src(%dma_wait3A_89 : memref<10000x64xf32, #tpu.memory_space<hbm>>) dst(%dma_wait3A_84 : memref<8x64xf32, #tpu.memory_space<vmem>>)
    %dma_wait3A_90 = arith.constant 0 : i32
    %dma_wait3A_91 = arith.constant 0 : i32
    %dma_wait3A_92 = tpu.memref_slice %arg11[%dma_wait3A_90, %dma_wait3A_91] : memref<128x64xf32, #tpu.memory_space<vmem>> -> memref<8x64xf32, #tpu.memory_space<vmem>>
    %dma_wait3A_93 = arith.constant 0 : i32
    %dma_wait3A_94 = tpu.memref_slice %arg9[%dma_wait3A_93] : memref<128xi32, #tpu.memory_space<vmem>> -> memref<8xi32, #tpu.memory_space<vmem>>
    %dma_wait3A_95 = arith.constant 0 : i32
    %dma_wait3A_96 = arith.constant 0 : i32
    %dma_wait3A_97 = tpu.memref_slice %arg3[%dma_wait3A_95, %dma_wait3A_96] : memref<10000x64xf32, #tpu.memory_space<hbm>> -> memref<10000x64xf32, #tpu.memory_space<hbm>>
    tpu.wait_indirect_dma semaphore(%arg16 : memref<!tpu.dma_semaphore, #tpu.memory_space<semaphore_mem>>) src(%dma_wait3A_97 : memref<10000x64xf32, #tpu.memory_space<hbm>>) dst(%dma_wait3A_92 : memref<8x64xf32, #tpu.memory_space<vmem>>)
    "tpu.region"() ({
      %run_scoped3A = tpu.sem_alloc : memref<!tpu.dma_semaphore, #tpu.memory_space<semaphore_mem>>
      %dma_start3A_98 = arith.constant 0 : i32
      %dma_start3A_99 = arith.constant 0 : i32
      %dma_start3A_100 = tpu.memref_slice %arg10[%dma_start3A_98, %dma_start3A_99] : memref<128x64xf32, #tpu.memory_space<vmem>> -> memref<8x64xf32, #tpu.memory_space<vmem>>
      %dma_start3A_101 = arith.constant 0 : i32
      %dma_start3A_102 = tpu.memref_slice %arg6[%add3A_65, %dma_start3A_101] : memref<160000x64xf32, #tpu.memory_space<hbm>> -> memref<8x64xf32, #tpu.memory_space<hbm>>
      %dma_start3A_103 = arith.constant 0 : i32
      %dma_start3A_104 = tpu.memref_slice %arg6[%add3A_65, %dma_start3A_103] : memref<160000x64xf32, #tpu.memory_space<hbm>> -> memref<8x64xf32, #tpu.memory_space<hbm>>
      %dma_start3A_105 = arith.constant 0 : i32
      %dma_start3A_106 = arith.constant 0 : i32
      %dma_start3A_107 = tpu.memref_slice %arg10[%dma_start3A_105, %dma_start3A_106] : memref<128x64xf32, #tpu.memory_space<vmem>> -> memref<8x64xf32, #tpu.memory_space<vmem>>
      tpu.enqueue_dma source(%dma_start3A_107 : memref<8x64xf32, #tpu.memory_space<vmem>>) target(%dma_start3A_104 : memref<8x64xf32, #tpu.memory_space<hbm>>) target_semaphore(%run_scoped3A : memref<!tpu.dma_semaphore, #tpu.memory_space<semaphore_mem>>)
      %dma_wait3A_108 = arith.constant 0 : i32
      %dma_wait3A_109 = arith.constant 0 : i32
      %dma_wait3A_110 = tpu.memref_slice %arg10[%dma_wait3A_108, %dma_wait3A_109] : memref<128x64xf32, #tpu.memory_space<vmem>> -> memref<8x64xf32, #tpu.memory_space<vmem>>
      %dma_wait3A_111 = arith.constant 0 : i32
      %dma_wait3A_112 = tpu.memref_slice %arg6[%add3A_65, %dma_wait3A_111] : memref<160000x64xf32, #tpu.memory_space<hbm>> -> memref<8x64xf32, #tpu.memory_space<hbm>>
      %dma_wait3A_113 = arith.constant 0 : i32
      %dma_wait3A_114 = tpu.memref_slice %arg6[%add3A_65, %dma_wait3A_113] : memref<160000x64xf32, #tpu.memory_space<hbm>> -> memref<8x64xf32, #tpu.memory_space<hbm>>
      %dma_wait3A_115 = arith.constant 0 : i32
      %dma_wait3A_116 = arith.constant 0 : i32
      %dma_wait3A_117 = tpu.memref_slice %arg10[%dma_wait3A_115, %dma_wait3A_116] : memref<128x64xf32, #tpu.memory_space<vmem>> -> memref<8x64xf32, #tpu.memory_space<vmem>>
      tpu.wait_dma2 semaphore(%run_scoped3A : memref<!tpu.dma_semaphore, #tpu.memory_space<semaphore_mem>>) src(%dma_wait3A_117 : memref<8x64xf32, #tpu.memory_space<vmem>>) dst(%dma_wait3A_114 : memref<8x64xf32, #tpu.memory_space<hbm>>)
      tpu.yield
    }) : () -> ()
    "tpu.region"() ({
      %run_scoped3A = tpu.sem_alloc : memref<!tpu.dma_semaphore, #tpu.memory_space<semaphore_mem>>
      %dma_start3A_98 = arith.constant 0 : i32
      %dma_start3A_99 = arith.constant 0 : i32
      %dma_start3A_100 = tpu.memref_slice %arg11[%dma_start3A_98, %dma_start3A_99] : memref<128x64xf32, #tpu.memory_space<vmem>> -> memref<8x64xf32, #tpu.memory_space<vmem>>
      %dma_start3A_101 = arith.constant 0 : i32
      %dma_start3A_102 = tpu.memref_slice %arg7[%add3A_65, %dma_start3A_101] : memref<160000x64xf32, #tpu.memory_space<hbm>> -> memref<8x64xf32, #tpu.memory_space<hbm>>
      %dma_start3A_103 = arith.constant 0 : i32
      %dma_start3A_104 = tpu.memref_slice %arg7[%add3A_65, %dma_start3A_103] : memref<160000x64xf32, #tpu.memory_space<hbm>> -> memref<8x64xf32, #tpu.memory_space<hbm>>
      %dma_start3A_105 = arith.constant 0 : i32
      %dma_start3A_106 = arith.constant 0 : i32
      %dma_start3A_107 = tpu.memref_slice %arg11[%dma_start3A_105, %dma_start3A_106] : memref<128x64xf32, #tpu.memory_space<vmem>> -> memref<8x64xf32, #tpu.memory_space<vmem>>
      tpu.enqueue_dma source(%dma_start3A_107 : memref<8x64xf32, #tpu.memory_space<vmem>>) target(%dma_start3A_104 : memref<8x64xf32, #tpu.memory_space<hbm>>) target_semaphore(%run_scoped3A : memref<!tpu.dma_semaphore, #tpu.memory_space<semaphore_mem>>)
      %dma_wait3A_108 = arith.constant 0 : i32
      %dma_wait3A_109 = arith.constant 0 : i32
      %dma_wait3A_110 = tpu.memref_slice %arg11[%dma_wait3A_108, %dma_wait3A_109] : memref<128x64xf32, #tpu.memory_space<vmem>> -> memref<8x64xf32, #tpu.memory_space<vmem>>
      %dma_wait3A_111 = arith.constant 0 : i32
      %dma_wait3A_112 = tpu.memref_slice %arg7[%add3A_65, %dma_wait3A_111] : memref<160000x64xf32, #tpu.memory_space<hbm>> -> memref<8x64xf32, #tpu.memory_space<hbm>>
      %dma_wait3A_113 = arith.constant 0 : i32
      %dma_wait3A_114 = tpu.memref_slice %arg7[%add3A_65, %dma_wait3A_113] : memref<160000x64xf32, #tpu.memory_space<hbm>> -> memref<8x64xf32, #tpu.memory_space<hbm>>
      %dma_wait3A_115 = arith.constant 0 : i32
      %dma_wait3A_116 = arith.constant 0 : i32
      %dma_wait3A_117 = tpu.memref_slice %arg11[%dma_wait3A_115, %dma_wait3A_116] : memref<128x64xf32, #tpu.memory_space<vmem>> -> memref<8x64xf32, #tpu.memory_space<vmem>>
      tpu.wait_dma2 semaphore(%run_scoped3A : memref<!tpu.dma_semaphore, #tpu.memory_space<semaphore_mem>>) src(%dma_wait3A_117 : memref<8x64xf32, #tpu.memory_space<vmem>>) dst(%dma_wait3A_114 : memref<8x64xf32, #tpu.memory_space<hbm>>)
      tpu.yield
    }) : () -> ()
    return
  }
}

#map = affine_map<(d0, d1) -> (0)>
module attributes {stable_mosaic.version = 14 : i64} {
  func.func @_scatter_body(%arg0: i32, %arg1: i32, %arg2: memref<10240000xf32, #tpu.memory_space<hbm>>, %arg3: memref<160000xi32, #tpu.memory_space<hbm>>, %arg4: memref<640000xf32, #tpu.memory_space<hbm>>, %arg5: memref<10000xf32, #tpu.memory_space<vmem>>, %arg6: memref<10000xf32, #tpu.memory_space<vmem>>, %arg7: memref<10000xf32, #tpu.memory_space<vmem>>, %arg8: memref<10000xf32, #tpu.memory_space<vmem>>, %arg9: memref<2000xi32, #tpu.memory_space<vmem>>, %arg10: memref<2000xf32, #tpu.memory_space<vmem>>, %arg11: memref<2000xf32, #tpu.memory_space<vmem>>, %arg12: memref<2000xi32, #tpu.memory_space<vmem>>, %arg13: memref<2000xf32, #tpu.memory_space<vmem>>, %arg14: memref<2000xf32, #tpu.memory_space<vmem>>, %arg15: memref<!tpu.dma_semaphore, #tpu.memory_space<semaphore_mem>>, %arg16: memref<!tpu.dma_semaphore, #tpu.memory_space<semaphore_mem>>) attributes {dimension_semantics = [#tpu.dimension_semantics<core_parallel>, #tpu.dimension_semantics<subcore_parallel>], iteration_bounds = array<i64: 2, 16>, scalar_prefetch = 0 : i64, scratch_operands = 12 : i64, tpu.core_type = #tpu.core_type<sc_vector_subcore>, window_params = [{transform_indices = #map}, {transform_indices = #map}, {transform_indices = #map}]} {
    %mul3A = arith.constant 2 : i32
    %mul3A_0 = arith.muli %arg1, %mul3A : i32
    %add3A = arith.addi %mul3A_0, %arg0 : i32
    %scan3A = arith.constant 0 : i32
    %scan3A_1 = arith.constant 0 : i32
    %scan3A_2 = arith.constant 625 : i32
    %scan3A_3 = arith.addi %scan3A_1, %scan3A_2 : i32
    %scan3A_4 = arith.constant 1 : i32
    scf.for %scan3A_56 = %scan3A_1 to %scan3A_3 step %scan3A_4  : i32 {
      %mul3A_57 = arith.constant 16 : i32
      %mul3A_58 = arith.muli %scan3A_56, %mul3A_57 : i32
      %broadcast_in_dim3A = arith.constant 0.000000e+00 : f32
      %broadcast_in_dim3A_59 = vector.broadcast %broadcast_in_dim3A : f32 to vector<16xf32>
      %swap3A = arith.index_cast %mul3A_58 : i32 to index
      %swap3A_60 = tpu.vector_load %arg5[%swap3A] {strides = array<i32>} : memref<10000xf32, #tpu.memory_space<vmem>>, vector<16xf32>,
      tpu.vector_store %arg5[%swap3A], %broadcast_in_dim3A_59 {strides = array<i32>} : memref<10000xf32, #tpu.memory_space<vmem>>, vector<16xf32>,
      %broadcast_in_dim3A_61 = arith.constant 0.000000e+00 : f32
      %broadcast_in_dim3A_62 = vector.broadcast %broadcast_in_dim3A_61 : f32 to vector<16xf32>
      %swap3A_63 = arith.index_cast %mul3A_58 : i32 to index
      %swap3A_64 = tpu.vector_load %arg7[%swap3A_63] {strides = array<i32>} : memref<10000xf32, #tpu.memory_space<vmem>>, vector<16xf32>,
      tpu.vector_store %arg7[%swap3A_63], %broadcast_in_dim3A_62 {strides = array<i32>} : memref<10000xf32, #tpu.memory_space<vmem>>, vector<16xf32>,
      %broadcast_in_dim3A_65 = arith.constant 0xFF800000 : f32
      %broadcast_in_dim3A_66 = vector.broadcast %broadcast_in_dim3A_65 : f32 to vector<16xf32>
      %swap3A_67 = arith.index_cast %mul3A_58 : i32 to index
      %swap3A_68 = tpu.vector_load %arg6[%swap3A_67] {strides = array<i32>} : memref<10000xf32, #tpu.memory_space<vmem>>, vector<16xf32>,
      tpu.vector_store %arg6[%swap3A_67], %broadcast_in_dim3A_66 {strides = array<i32>} : memref<10000xf32, #tpu.memory_space<vmem>>, vector<16xf32>,
      %broadcast_in_dim3A_69 = arith.constant 0xFF800000 : f32
      %broadcast_in_dim3A_70 = vector.broadcast %broadcast_in_dim3A_69 : f32 to vector<16xf32>
      %swap3A_71 = arith.index_cast %mul3A_58 : i32 to index
      %swap3A_72 = tpu.vector_load %arg8[%swap3A_71] {strides = array<i32>} : memref<10000xf32, #tpu.memory_space<vmem>>, vector<16xf32>,
      tpu.vector_store %arg8[%swap3A_71], %broadcast_in_dim3A_70 {strides = array<i32>} : memref<10000xf32, #tpu.memory_space<vmem>>, vector<16xf32>,
    }
    %scan3A_5 = arith.constant 625 : i32
    %add3A_6 = arith.constant 0 : i32
    %add3A_7 = arith.addi %add3A, %add3A_6 : i32
    %mul3A_8 = arith.constant 80000 : i32
    %mul3A_9 = arith.muli %add3A_7, %mul3A_8 : i32
    %add3A_10 = arith.constant 0 : i32
    %add3A_11 = arith.addi %mul3A_9, %add3A_10 : i32
    %add3A_12 = arith.constant 32 : i32
    %add3A_13 = arith.addi %add3A_12, %add3A : i32
    %add3A_14 = arith.constant 0 : i32
    %add3A_15 = arith.addi %add3A_13, %add3A_14 : i32
    %mul3A_16 = arith.constant 80000 : i32
    %mul3A_17 = arith.muli %add3A_15, %mul3A_16 : i32
    %add3A_18 = arith.constant 0 : i32
    %add3A_19 = arith.addi %mul3A_17, %add3A_18 : i32
    %dma_start3A = arith.constant 0 : i32
    %dma_start3A_20 = tpu.memref_slice %arg3[%dma_start3A] : memref<160000xi32, #tpu.memory_space<hbm>> -> memref<2000xi32, #tpu.memory_space<hbm>>
    %dma_start3A_21 = arith.constant 0 : i32
    %dma_start3A_22 = tpu.memref_slice %arg3[%dma_start3A_21] : memref<160000xi32, #tpu.memory_space<hbm>> -> memref<2000xi32, #tpu.memory_space<hbm>>
    tpu.enqueue_dma source(%dma_start3A_22 : memref<2000xi32, #tpu.memory_space<hbm>>) target(%arg9 : memref<2000xi32, #tpu.memory_space<vmem>>) target_semaphore(%arg15 : memref<!tpu.dma_semaphore, #tpu.memory_space<semaphore_mem>>)
    %dma_start3A_23 = tpu.memref_slice %arg2[%add3A_11] : memref<10240000xf32, #tpu.memory_space<hbm>> -> memref<2000xf32, #tpu.memory_space<hbm>>
    %dma_start3A_24 = tpu.memref_slice %arg2[%add3A_11] : memref<10240000xf32, #tpu.memory_space<hbm>> -> memref<2000xf32, #tpu.memory_space<hbm>>
    tpu.enqueue_dma source(%dma_start3A_24 : memref<2000xf32, #tpu.memory_space<hbm>>) target(%arg10 : memref<2000xf32, #tpu.memory_space<vmem>>) target_semaphore(%arg15 : memref<!tpu.dma_semaphore, #tpu.memory_space<semaphore_mem>>)
    %dma_start3A_25 = tpu.memref_slice %arg2[%add3A_19] : memref<10240000xf32, #tpu.memory_space<hbm>> -> memref<2000xf32, #tpu.memory_space<hbm>>
    %dma_start3A_26 = tpu.memref_slice %arg2[%add3A_19] : memref<10240000xf32, #tpu.memory_space<hbm>> -> memref<2000xf32, #tpu.memory_space<hbm>>
    tpu.enqueue_dma source(%dma_start3A_26 : memref<2000xf32, #tpu.memory_space<hbm>>) target(%arg11 : memref<2000xf32, #tpu.memory_space<vmem>>) target_semaphore(%arg15 : memref<!tpu.dma_semaphore, #tpu.memory_space<semaphore_mem>>)
    %scan3A_27 = arith.constant 0 : i32
    %scan3A_28 = arith.constant 0 : i32
    %scan3A_29 = arith.constant 40 : i32
    %scan3A_30 = arith.addi %scan3A_28, %scan3A_29 : i32
    %scan3A_31 = arith.constant 1 : i32
    scf.for %scan3A_56 = %scan3A_28 to %scan3A_30 step %scan3A_31  : i32 {
      %mul3A_57 = arith.constant 2 : i32
      %mul3A_58 = arith.muli %mul3A_57, %scan3A_56 : i32
      %mul3A_59 = arith.constant 2000 : i32
      %mul3A_60 = arith.muli %mul3A_58, %mul3A_59 : i32
      %add3A_61 = arith.constant 2000 : i32
      %add3A_62 = arith.addi %mul3A_60, %add3A_61 : i32
      %add3A_63 = arith.constant 4000 : i32
      %add3A_64 = arith.addi %mul3A_60, %add3A_63 : i32
      %min3A = arith.constant 158000 : i32
      %min3A_65 = arith.minsi %add3A_64, %min3A : i32
      %dma_wait3A_66 = arith.constant 0 : i32
      %dma_wait3A_67 = tpu.memref_slice %arg3[%dma_wait3A_66] : memref<160000xi32, #tpu.memory_space<hbm>> -> memref<2000xi32, #tpu.memory_space<hbm>>
      %dma_wait3A_68 = arith.constant 0 : i32
      %dma_wait3A_69 = tpu.memref_slice %arg3[%dma_wait3A_68] : memref<160000xi32, #tpu.memory_space<hbm>> -> memref<2000xi32, #tpu.memory_space<hbm>>
      tpu.wait_dma2 semaphore(%arg15 : memref<!tpu.dma_semaphore, #tpu.memory_space<semaphore_mem>>) src(%dma_wait3A_69 : memref<2000xi32, #tpu.memory_space<hbm>>) dst(%arg9 : memref<2000xi32, #tpu.memory_space<vmem>>)
      %dma_wait3A_70 = arith.constant 0 : i32
      %dma_wait3A_71 = tpu.memref_slice %arg2[%dma_wait3A_70] : memref<10240000xf32, #tpu.memory_space<hbm>> -> memref<2000xf32, #tpu.memory_space<hbm>>
      %dma_wait3A_72 = arith.constant 0 : i32
      %dma_wait3A_73 = tpu.memref_slice %arg2[%dma_wait3A_72] : memref<10240000xf32, #tpu.memory_space<hbm>> -> memref<2000xf32, #tpu.memory_space<hbm>>
      tpu.wait_dma2 semaphore(%arg15 : memref<!tpu.dma_semaphore, #tpu.memory_space<semaphore_mem>>) src(%dma_wait3A_73 : memref<2000xf32, #tpu.memory_space<hbm>>) dst(%arg10 : memref<2000xf32, #tpu.memory_space<vmem>>)
      %dma_wait3A_74 = arith.constant 0 : i32
      %dma_wait3A_75 = tpu.memref_slice %arg2[%dma_wait3A_74] : memref<10240000xf32, #tpu.memory_space<hbm>> -> memref<2000xf32, #tpu.memory_space<hbm>>
      %dma_wait3A_76 = arith.constant 0 : i32
      %dma_wait3A_77 = tpu.memref_slice %arg2[%dma_wait3A_76] : memref<10240000xf32, #tpu.memory_space<hbm>> -> memref<2000xf32, #tpu.memory_space<hbm>>
      tpu.wait_dma2 semaphore(%arg15 : memref<!tpu.dma_semaphore, #tpu.memory_space<semaphore_mem>>) src(%dma_wait3A_77 : memref<2000xf32, #tpu.memory_space<hbm>>) dst(%arg11 : memref<2000xf32, #tpu.memory_space<vmem>>)
      %jit3A = arith.constant 80000 : i32
      %div3A = arith.divsi %add3A_62, %jit3A : i32
      %sign3A = arith.constant 0 : i32
      %sign3A_78 = arith.cmpi sgt, %add3A_62, %sign3A : i32
      %sign3A_79 = arith.extui %sign3A_78 : i1 to i32
      %sign3A_80 = arith.constant 0 : i32
      %sign3A_81 = arith.cmpi slt, %add3A_62, %sign3A_80 : i32
      %sign3A_82 = arith.extui %sign3A_81 : i1 to i32
      %sign3A_83 = arith.subi %sign3A_79, %sign3A_82 : i32
      %sign3A_84 = arith.constant 0 : i32
      %sign3A_85 = arith.cmpi sgt, %jit3A, %sign3A_84 : i32
      %sign3A_86 = arith.extui %sign3A_85 : i1 to i32
      %sign3A_87 = arith.constant 0 : i32
      %sign3A_88 = arith.cmpi slt, %jit3A, %sign3A_87 : i32
      %sign3A_89 = arith.extui %sign3A_88 : i1 to i32
      %sign3A_90 = arith.subi %sign3A_86, %sign3A_89 : i32
      %ne3A = arith.cmpi ne, %sign3A_83, %sign3A_90 : i32
      %rem3A = arith.remsi %add3A_62, %jit3A : i32
      %ne3A_91 = arith.constant 0 : i32
      %ne3A_92 = arith.cmpi ne, %rem3A, %ne3A_91 : i32
      %and3A = arith.andi %ne3A, %ne3A_92 : i1
      %sub3A = arith.constant 1 : i32
      %sub3A_93 = arith.subi %div3A, %sub3A : i32
      %select_n3A = arith.select %and3A, %sub3A_93, %div3A : i32
      %mul3A_94 = arith.constant 80000 : i32
      %mul3A_95 = arith.muli %select_n3A, %mul3A_94 : i32
      %sub3A_96 = arith.subi %add3A_62, %mul3A_95 : i32
      %mul3A_97 = arith.constant 64 : i32
      %mul3A_98 = arith.muli %mul3A_97, %select_n3A : i32
      %add3A_99 = arith.addi %add3A, %mul3A_98 : i32
      %mul3A_100 = arith.constant 80000 : i32
      %mul3A_101 = arith.muli %add3A_99, %mul3A_100 : i32
      %add3A_102 = arith.addi %mul3A_101, %sub3A_96 : i32
      %add3A_103 = arith.constant 32 : i32
      %add3A_104 = arith.addi %add3A_103, %add3A : i32
      %mul3A_105 = arith.constant 64 : i32
      %mul3A_106 = arith.muli %mul3A_105, %select_n3A : i32
      %add3A_107 = arith.addi %add3A_104, %mul3A_106 : i32
      %mul3A_108 = arith.constant 80000 : i32
      %mul3A_109 = arith.muli %add3A_107, %mul3A_108 : i32
      %add3A_110 = arith.addi %mul3A_109, %sub3A_96 : i32
      %dma_start3A_111 = tpu.memref_slice %arg3[%add3A_62] : memref<160000xi32, #tpu.memory_space<hbm>> -> memref<2000xi32, #tpu.memory_space<hbm>>
      %dma_start3A_112 = tpu.memref_slice %arg3[%add3A_62] : memref<160000xi32, #tpu.memory_space<hbm>> -> memref<2000xi32, #tpu.memory_space<hbm>>
      tpu.enqueue_dma source(%dma_start3A_112 : memref<2000xi32, #tpu.memory_space<hbm>>) target(%arg12 : memref<2000xi32, #tpu.memory_space<vmem>>) target_semaphore(%arg16 : memref<!tpu.dma_semaphore, #tpu.memory_space<semaphore_mem>>)
      %dma_start3A_113 = tpu.memref_slice %arg2[%add3A_102] : memref<10240000xf32, #tpu.memory_space<hbm>> -> memref<2000xf32, #tpu.memory_space<hbm>>
      %dma_start3A_114 = tpu.memref_slice %arg2[%add3A_102] : memref<10240000xf32, #tpu.memory_space<hbm>> -> memref<2000xf32, #tpu.memory_space<hbm>>
      tpu.enqueue_dma source(%dma_start3A_114 : memref<2000xf32, #tpu.memory_space<hbm>>) target(%arg13 : memref<2000xf32, #tpu.memory_space<vmem>>) target_semaphore(%arg16 : memref<!tpu.dma_semaphore, #tpu.memory_space<semaphore_mem>>)
      %dma_start3A_115 = tpu.memref_slice %arg2[%add3A_110] : memref<10240000xf32, #tpu.memory_space<hbm>> -> memref<2000xf32, #tpu.memory_space<hbm>>
      %dma_start3A_116 = tpu.memref_slice %arg2[%add3A_110] : memref<10240000xf32, #tpu.memory_space<hbm>> -> memref<2000xf32, #tpu.memory_space<hbm>>
      tpu.enqueue_dma source(%dma_start3A_116 : memref<2000xf32, #tpu.memory_space<hbm>>) target(%arg14 : memref<2000xf32, #tpu.memory_space<vmem>>) target_semaphore(%arg16 : memref<!tpu.dma_semaphore, #tpu.memory_space<semaphore_mem>>)
      %broadcast_in_dim3A = arith.constant false
      %broadcast_in_dim3A_117 = vector.broadcast %broadcast_in_dim3A : i1 to vector<16xi1>
      %scan3A_118 = arith.constant 0 : i32
      %scan3A_119 = arith.constant 62 : i32
      %scan3A_120 = arith.addi %scan3A_118, %scan3A_119 : i32
      %scan3A_121 = arith.constant 1 : i32
      %scan3A_122 = scf.for %scan3A_239 = %scan3A_118 to %scan3A_120 step %scan3A_121 iter_args(%scan3A_240 = %broadcast_in_dim3A_117) -> (vector<16xi1>)  : i32 {
        %mul3A_241 = arith.constant 32 : i32
        %mul3A_242 = arith.muli %scan3A_239, %mul3A_241 : i32
        %get3A_243 = arith.index_cast %mul3A_242 : i32 to index
        %get3A_244 = tpu.vector_load %arg9[%get3A_243] {strides = array<i32>} : memref<2000xi32, #tpu.memory_space<vmem>>, vector<16xi32>,
        %get3A_245 = arith.index_cast %mul3A_242 : i32 to index
        %get3A_246 = tpu.vector_load %arg10[%get3A_245] {strides = array<i32>} : memref<2000xf32, #tpu.memory_space<vmem>>, vector<16xf32>,
        %get3A_247 = arith.index_cast %mul3A_242 : i32 to index
        %get3A_248 = tpu.vector_load %arg11[%get3A_247] {strides = array<i32>} : memref<2000xf32, #tpu.memory_space<vmem>>, vector<16xf32>,
        tpu.vector_store_idx %arg5[%get3A_244], %get3A_246 {add = true} : memref<10000xf32, #tpu.memory_space<vmem>>[vector<16xi32>], vector<16xf32>,
        %gather3A_249 = tpu.vector_load_idx %arg6[%get3A_244] : memref<10000xf32, #tpu.memory_space<vmem>>[vector<16xi32>], vector<16xf32>,
        %max3A_250 = arith.maximumf %gather3A_249, %get3A_248 : vector<16xf32>
        tpu.vector_store_idx %arg6[%get3A_244], %max3A_250 : memref<10000xf32, #tpu.memory_space<vmem>>[vector<16xi32>], vector<16xf32>,
        %gather3A_251 = tpu.vector_load_idx %arg6[%get3A_244] : memref<10000xf32, #tpu.memory_space<vmem>>[vector<16xi32>], vector<16xf32>,
        %max3A_252 = arith.maximumf %gather3A_251, %max3A_250 : vector<16xf32>
        %lt3A_253 = arith.cmpf olt, %gather3A_251, %max3A_250 : vector<16xf32>
        tpu.vector_store_idx %arg6[%get3A_244], %max3A_252 masked %lt3A_253 : memref<10000xf32, #tpu.memory_space<vmem>>[vector<16xi32>], vector<16xf32>, vector<16xi1>
        %gather3A_254 = tpu.vector_load_idx %arg6[%get3A_244] : memref<10000xf32, #tpu.memory_space<vmem>>[vector<16xi32>], vector<16xf32>,
        %lt3A_255 = arith.cmpf olt, %gather3A_254, %max3A_250 : vector<16xf32>
        %or3A_256 = arith.ori %scan3A_240, %lt3A_255 : vector<16xi1>
        %mul3A_257 = arith.constant 32 : i32
        %mul3A_258 = arith.muli %scan3A_239, %mul3A_257 : i32
        %add3A_259 = arith.constant 16 : i32
        %add3A_260 = arith.addi %mul3A_258, %add3A_259 : i32
        %get3A_261 = arith.index_cast %add3A_260 : i32 to index
        %get3A_262 = tpu.vector_load %arg9[%get3A_261] {strides = array<i32>} : memref<2000xi32, #tpu.memory_space<vmem>>, vector<16xi32>,
        %get3A_263 = arith.index_cast %add3A_260 : i32 to index
        %get3A_264 = tpu.vector_load %arg10[%get3A_263] {strides = array<i32>} : memref<2000xf32, #tpu.memory_space<vmem>>, vector<16xf32>,
        %get3A_265 = arith.index_cast %add3A_260 : i32 to index
        %get3A_266 = tpu.vector_load %arg11[%get3A_265] {strides = array<i32>} : memref<2000xf32, #tpu.memory_space<vmem>>, vector<16xf32>,
        tpu.vector_store_idx %arg7[%get3A_262], %get3A_264 {add = true} : memref<10000xf32, #tpu.memory_space<vmem>>[vector<16xi32>], vector<16xf32>,
        %gather3A_267 = tpu.vector_load_idx %arg8[%get3A_262] : memref<10000xf32, #tpu.memory_space<vmem>>[vector<16xi32>], vector<16xf32>,
        %max3A_268 = arith.maximumf %gather3A_267, %get3A_266 : vector<16xf32>
        tpu.vector_store_idx %arg8[%get3A_262], %max3A_268 : memref<10000xf32, #tpu.memory_space<vmem>>[vector<16xi32>], vector<16xf32>,
        %gather3A_269 = tpu.vector_load_idx %arg8[%get3A_262] : memref<10000xf32, #tpu.memory_space<vmem>>[vector<16xi32>], vector<16xf32>,
        %max3A_270 = arith.maximumf %gather3A_269, %max3A_268 : vector<16xf32>
        %lt3A_271 = arith.cmpf olt, %gather3A_269, %max3A_268 : vector<16xf32>
        tpu.vector_store_idx %arg8[%get3A_262], %max3A_270 masked %lt3A_271 : memref<10000xf32, #tpu.memory_space<vmem>>[vector<16xi32>], vector<16xf32>, vector<16xi1>
        %gather3A_272 = tpu.vector_load_idx %arg8[%get3A_262] : memref<10000xf32, #tpu.memory_space<vmem>>[vector<16xi32>], vector<16xf32>,
        %lt3A_273 = arith.cmpf olt, %gather3A_272, %max3A_268 : vector<16xf32>
        %or3A_274 = arith.ori %or3A_256, %lt3A_273 : vector<16xi1>
        scf.yield %or3A_274 : vector<16xi1>
      }
      %scan3A_123 = arith.constant 62 : i32
      %get3A = arith.constant 1984 : index
      %get3A_124 = tpu.vector_load %arg9[%get3A] {strides = array<i32>} : memref<2000xi32, #tpu.memory_space<vmem>>, vector<16xi32>,
      %get3A_125 = arith.constant 1984 : index
      %get3A_126 = tpu.vector_load %arg10[%get3A_125] {strides = array<i32>} : memref<2000xf32, #tpu.memory_space<vmem>>, vector<16xf32>,
      %get3A_127 = arith.constant 1984 : index
      %get3A_128 = tpu.vector_load %arg11[%get3A_127] {strides = array<i32>} : memref<2000xf32, #tpu.memory_space<vmem>>, vector<16xf32>,
      tpu.vector_store_idx %arg5[%get3A_124], %get3A_126 {add = true} : memref<10000xf32, #tpu.memory_space<vmem>>[vector<16xi32>], vector<16xf32>,
      %gather3A = tpu.vector_load_idx %arg6[%get3A_124] : memref<10000xf32, #tpu.memory_space<vmem>>[vector<16xi32>], vector<16xf32>,
      %max3A = arith.maximumf %gather3A, %get3A_128 : vector<16xf32>
      tpu.vector_store_idx %arg6[%get3A_124], %max3A : memref<10000xf32, #tpu.memory_space<vmem>>[vector<16xi32>], vector<16xf32>,
      %gather3A_129 = tpu.vector_load_idx %arg6[%get3A_124] : memref<10000xf32, #tpu.memory_space<vmem>>[vector<16xi32>], vector<16xf32>,
      %max3A_130 = arith.maximumf %gather3A_129, %max3A : vector<16xf32>
      %lt3A = arith.cmpf olt, %gather3A_129, %max3A : vector<16xf32>
      tpu.vector_store_idx %arg6[%get3A_124], %max3A_130 masked %lt3A : memref<10000xf32, #tpu.memory_space<vmem>>[vector<16xi32>], vector<16xf32>, vector<16xi1>
      %gather3A_131 = tpu.vector_load_idx %arg6[%get3A_124] : memref<10000xf32, #tpu.memory_space<vmem>>[vector<16xi32>], vector<16xf32>,
      %lt3A_132 = arith.cmpf olt, %gather3A_131, %max3A : vector<16xf32>
      %or3A = arith.ori %scan3A_122, %lt3A_132 : vector<16xi1>
      %reduce_or3A = arith.constant 1.000000e+00 : f32
      %reduce_or3A_133 = arith.constant 0.000000e+00 : f32
      %reduce_or3A_134 = vector.broadcast %reduce_or3A : f32 to vector<16xf32>
      %reduce_or3A_135 = vector.broadcast %reduce_or3A_133 : f32 to vector<16xf32>
      %reduce_or3A_136 = arith.select %or3A, %reduce_or3A_134, %reduce_or3A_135 : vector<16xi1>, vector<16xf32>
      %reduce_or3A_137 = arith.constant true
      %reduce_or3A_138 = vector.broadcast %reduce_or3A_137 : i1 to vector<16xi1>
      %reduce_or3A_139 = tpu.scan <max>, %reduce_or3A_136 masked %reduce_or3A_138 : vector<16xf32>, vector<16xi1> -> vector<16xf32>
      %reduce_or3A_140 = vector.extract %reduce_or3A_139[15] : f32 from vector<16xf32>
      %reduce_or3A_141 = arith.constant 0.000000e+00 : f32
      %reduce_or3A_142 = arith.cmpf ogt, %reduce_or3A_140, %reduce_or3A_141 : f32
      %convert_element_type3A = arith.extui %reduce_or3A_142 : i1 to i32
      %cond3A = arith.constant 0 : i32
      %cond3A_143 = arith.cmpi ne, %convert_element_type3A, %cond3A : i32
      scf.if %cond3A_143 {
        %scan3A_239 = arith.constant 0 : i32
        %scan3A_240 = arith.constant 0 : i32
        %scan3A_241 = arith.constant 62 : i32
        %scan3A_242 = arith.addi %scan3A_240, %scan3A_241 : i32
        %scan3A_243 = arith.constant 1 : i32
        scf.for %scan3A_251 = %scan3A_240 to %scan3A_242 step %scan3A_243  : i32 {
          %mul3A_252 = arith.constant 32 : i32
          %mul3A_253 = arith.muli %scan3A_251, %mul3A_252 : i32
          %get3A_254 = arith.index_cast %mul3A_253 : i32 to index
          %get3A_255 = tpu.vector_load %arg9[%get3A_254] {strides = array<i32>} : memref<2000xi32, #tpu.memory_space<vmem>>, vector<16xi32>,
          %get3A_256 = arith.index_cast %mul3A_253 : i32 to index
          %get3A_257 = tpu.vector_load %arg11[%get3A_256] {strides = array<i32>} : memref<2000xf32, #tpu.memory_space<vmem>>, vector<16xf32>,
          %gather3A_258 = tpu.vector_load_idx %arg6[%get3A_255] : memref<10000xf32, #tpu.memory_space<vmem>>[vector<16xi32>], vector<16xf32>,
          %lt3A_259 = arith.cmpf olt, %gather3A_258, %get3A_257 : vector<16xf32>
          %while3A_260 = scf.while (%while3A_272 = %lt3A_259) : (vector<16xi1>) -> vector<16xi1> {
            %reduce_or3A_273 = arith.constant 1.000000e+00 : f32
            %reduce_or3A_274 = arith.constant 0.000000e+00 : f32
            %reduce_or3A_275 = vector.broadcast %reduce_or3A_273 : f32 to vector<16xf32>
            %reduce_or3A_276 = vector.broadcast %reduce_or3A_274 : f32 to vector<16xf32>
            %reduce_or3A_277 = arith.select %while3A_272, %reduce_or3A_275, %reduce_or3A_276 : vector<16xi1>, vector<16xf32>
            %reduce_or3A_278 = arith.constant true
            %reduce_or3A_279 = vector.broadcast %reduce_or3A_278 : i1 to vector<16xi1>
            %reduce_or3A_280 = tpu.scan <max>, %reduce_or3A_277 masked %reduce_or3A_279 : vector<16xf32>, vector<16xi1> -> vector<16xf32>
            %reduce_or3A_281 = vector.extract %reduce_or3A_280[15] : f32 from vector<16xf32>
            %reduce_or3A_282 = arith.constant 0.000000e+00 : f32
            %reduce_or3A_283 = arith.cmpf ogt, %reduce_or3A_281, %reduce_or3A_282 : f32
            scf.condition(%reduce_or3A_283) %while3A_272 : vector<16xi1>
          } do {
          ^bb0(%while3A_272: vector<16xi1>):
            %gather3A_273 = tpu.vector_load_idx %arg6[%get3A_255] : memref<10000xf32, #tpu.memory_space<vmem>>[vector<16xi32>], vector<16xf32>,
            %max3A_274 = arith.maximumf %gather3A_273, %get3A_257 : vector<16xf32>
            tpu.vector_store_idx %arg6[%get3A_255], %max3A_274 masked %while3A_272 : memref<10000xf32, #tpu.memory_space<vmem>>[vector<16xi32>], vector<16xf32>, vector<16xi1>
            %gather3A_275 = tpu.vector_load_idx %arg6[%get3A_255] : memref<10000xf32, #tpu.memory_space<vmem>>[vector<16xi32>], vector<16xf32>,
            %lt3A_276 = arith.cmpf olt, %gather3A_275, %get3A_257 : vector<16xf32>
            scf.yield %lt3A_276 : vector<16xi1>
          }
          %mul3A_261 = arith.constant 32 : i32
          %mul3A_262 = arith.muli %scan3A_251, %mul3A_261 : i32
          %add3A_263 = arith.constant 16 : i32
          %add3A_264 = arith.addi %mul3A_262, %add3A_263 : i32
          %get3A_265 = arith.index_cast %add3A_264 : i32 to index
          %get3A_266 = tpu.vector_load %arg9[%get3A_265] {strides = array<i32>} : memref<2000xi32, #tpu.memory_space<vmem>>, vector<16xi32>,
          %get3A_267 = arith.index_cast %add3A_264 : i32 to index
          %get3A_268 = tpu.vector_load %arg11[%get3A_267] {strides = array<i32>} : memref<2000xf32, #tpu.memory_space<vmem>>, vector<16xf32>,
          %gather3A_269 = tpu.vector_load_idx %arg8[%get3A_266] : memref<10000xf32, #tpu.memory_space<vmem>>[vector<16xi32>], vector<16xf32>,
          %lt3A_270 = arith.cmpf olt, %gather3A_269, %get3A_268 : vector<16xf32>
          %while3A_271 = scf.while (%while3A_272 = %lt3A_270) : (vector<16xi1>) -> vector<16xi1> {
            %reduce_or3A_273 = arith.constant 1.000000e+00 : f32
            %reduce_or3A_274 = arith.constant 0.000000e+00 : f32
            %reduce_or3A_275 = vector.broadcast %reduce_or3A_273 : f32 to vector<16xf32>
            %reduce_or3A_276 = vector.broadcast %reduce_or3A_274 : f32 to vector<16xf32>
            %reduce_or3A_277 = arith.select %while3A_272, %reduce_or3A_275, %reduce_or3A_276 : vector<16xi1>, vector<16xf32>
            %reduce_or3A_278 = arith.constant true
            %reduce_or3A_279 = vector.broadcast %reduce_or3A_278 : i1 to vector<16xi1>
            %reduce_or3A_280 = tpu.scan <max>, %reduce_or3A_277 masked %reduce_or3A_279 : vector<16xf32>, vector<16xi1> -> vector<16xf32>
            %reduce_or3A_281 = vector.extract %reduce_or3A_280[15] : f32 from vector<16xf32>
            %reduce_or3A_282 = arith.constant 0.000000e+00 : f32
            %reduce_or3A_283 = arith.cmpf ogt, %reduce_or3A_281, %reduce_or3A_282 : f32
            scf.condition(%reduce_or3A_283) %while3A_272 : vector<16xi1>
          } do {
          ^bb0(%while3A_272: vector<16xi1>):
            %gather3A_273 = tpu.vector_load_idx %arg8[%get3A_266] : memref<10000xf32, #tpu.memory_space<vmem>>[vector<16xi32>], vector<16xf32>,
            %max3A_274 = arith.maximumf %gather3A_273, %get3A_268 : vector<16xf32>
            tpu.vector_store_idx %arg8[%get3A_266], %max3A_274 masked %while3A_272 : memref<10000xf32, #tpu.memory_space<vmem>>[vector<16xi32>], vector<16xf32>, vector<16xi1>
            %gather3A_275 = tpu.vector_load_idx %arg8[%get3A_266] : memref<10000xf32, #tpu.memory_space<vmem>>[vector<16xi32>], vector<16xf32>,
            %lt3A_276 = arith.cmpf olt, %gather3A_275, %get3A_268 : vector<16xf32>
            scf.yield %lt3A_276 : vector<16xi1>
          }
        }
        %scan3A_244 = arith.constant 62 : i32
        %get3A_245 = arith.constant 1984 : index
        %get3A_246 = tpu.vector_load %arg9[%get3A_245] {strides = array<i32>} : memref<2000xi32, #tpu.memory_space<vmem>>, vector<16xi32>,
        %get3A_247 = arith.constant 1984 : index
        %get3A_248 = tpu.vector_load %arg11[%get3A_247] {strides = array<i32>} : memref<2000xf32, #tpu.memory_space<vmem>>, vector<16xf32>,
        %gather3A_249 = tpu.vector_load_idx %arg6[%get3A_246] : memref<10000xf32, #tpu.memory_space<vmem>>[vector<16xi32>], vector<16xf32>,
        %lt3A_250 = arith.cmpf olt, %gather3A_249, %get3A_248 : vector<16xf32>
        %while3A = scf.while (%while3A_251 = %lt3A_250) : (vector<16xi1>) -> vector<16xi1> {
          %reduce_or3A_252 = arith.constant 1.000000e+00 : f32
          %reduce_or3A_253 = arith.constant 0.000000e+00 : f32
          %reduce_or3A_254 = vector.broadcast %reduce_or3A_252 : f32 to vector<16xf32>
          %reduce_or3A_255 = vector.broadcast %reduce_or3A_253 : f32 to vector<16xf32>
          %reduce_or3A_256 = arith.select %while3A_251, %reduce_or3A_254, %reduce_or3A_255 : vector<16xi1>, vector<16xf32>
          %reduce_or3A_257 = arith.constant true
          %reduce_or3A_258 = vector.broadcast %reduce_or3A_257 : i1 to vector<16xi1>
          %reduce_or3A_259 = tpu.scan <max>, %reduce_or3A_256 masked %reduce_or3A_258 : vector<16xf32>, vector<16xi1> -> vector<16xf32>
          %reduce_or3A_260 = vector.extract %reduce_or3A_259[15] : f32 from vector<16xf32>
          %reduce_or3A_261 = arith.constant 0.000000e+00 : f32
          %reduce_or3A_262 = arith.cmpf ogt, %reduce_or3A_260, %reduce_or3A_261 : f32
          scf.condition(%reduce_or3A_262) %while3A_251 : vector<16xi1>
        } do {
        ^bb0(%while3A_251: vector<16xi1>):
          %gather3A_252 = tpu.vector_load_idx %arg6[%get3A_246] : memref<10000xf32, #tpu.memory_space<vmem>>[vector<16xi32>], vector<16xf32>,
          %max3A_253 = arith.maximumf %gather3A_252, %get3A_248 : vector<16xf32>
          tpu.vector_store_idx %arg6[%get3A_246], %max3A_253 masked %while3A_251 : memref<10000xf32, #tpu.memory_space<vmem>>[vector<16xi32>], vector<16xf32>, vector<16xi1>
          %gather3A_254 = tpu.vector_load_idx %arg6[%get3A_246] : memref<10000xf32, #tpu.memory_space<vmem>>[vector<16xi32>], vector<16xf32>,
          %lt3A_255 = arith.cmpf olt, %gather3A_254, %get3A_248 : vector<16xf32>
          scf.yield %lt3A_255 : vector<16xi1>
        }
      } else {
      }
      %dma_wait3A_144 = arith.constant 0 : i32
      %dma_wait3A_145 = tpu.memref_slice %arg3[%dma_wait3A_144] : memref<160000xi32, #tpu.memory_space<hbm>> -> memref<2000xi32, #tpu.memory_space<hbm>>
      %dma_wait3A_146 = arith.constant 0 : i32
      %dma_wait3A_147 = tpu.memref_slice %arg3[%dma_wait3A_146] : memref<160000xi32, #tpu.memory_space<hbm>> -> memref<2000xi32, #tpu.memory_space<hbm>>
      tpu.wait_dma2 semaphore(%arg16 : memref<!tpu.dma_semaphore, #tpu.memory_space<semaphore_mem>>) src(%dma_wait3A_147 : memref<2000xi32, #tpu.memory_space<hbm>>) dst(%arg12 : memref<2000xi32, #tpu.memory_space<vmem>>)
      %dma_wait3A_148 = arith.constant 0 : i32
      %dma_wait3A_149 = tpu.memref_slice %arg2[%dma_wait3A_148] : memref<10240000xf32, #tpu.memory_space<hbm>> -> memref<2000xf32, #tpu.memory_space<hbm>>
      %dma_wait3A_150 = arith.constant 0 : i32
      %dma_wait3A_151 = tpu.memref_slice %arg2[%dma_wait3A_150] : memref<10240000xf32, #tpu.memory_space<hbm>> -> memref<2000xf32, #tpu.memory_space<hbm>>
      tpu.wait_dma2 semaphore(%arg16 : memref<!tpu.dma_semaphore, #tpu.memory_space<semaphore_mem>>) src(%dma_wait3A_151 : memref<2000xf32, #tpu.memory_space<hbm>>) dst(%arg13 : memref<2000xf32, #tpu.memory_space<vmem>>)
      %dma_wait3A_152 = arith.constant 0 : i32
      %dma_wait3A_153 = tpu.memref_slice %arg2[%dma_wait3A_152] : memref<10240000xf32, #tpu.memory_space<hbm>> -> memref<2000xf32, #tpu.memory_space<hbm>>
      %dma_wait3A_154 = arith.constant 0 : i32
      %dma_wait3A_155 = tpu.memref_slice %arg2[%dma_wait3A_154] : memref<10240000xf32, #tpu.memory_space<hbm>> -> memref<2000xf32, #tpu.memory_space<hbm>>
      tpu.wait_dma2 semaphore(%arg16 : memref<!tpu.dma_semaphore, #tpu.memory_space<semaphore_mem>>) src(%dma_wait3A_155 : memref<2000xf32, #tpu.memory_space<hbm>>) dst(%arg14 : memref<2000xf32, #tpu.memory_space<vmem>>)
      %jit3A_156 = arith.constant 80000 : i32
      %div3A_157 = arith.divsi %min3A_65, %jit3A_156 : i32
      %sign3A_158 = arith.constant 0 : i32
      %sign3A_159 = arith.cmpi sgt, %min3A_65, %sign3A_158 : i32
      %sign3A_160 = arith.extui %sign3A_159 : i1 to i32
      %sign3A_161 = arith.constant 0 : i32
      %sign3A_162 = arith.cmpi slt, %min3A_65, %sign3A_161 : i32
      %sign3A_163 = arith.extui %sign3A_162 : i1 to i32
      %sign3A_164 = arith.subi %sign3A_160, %sign3A_163 : i32
      %sign3A_165 = arith.constant 0 : i32
      %sign3A_166 = arith.cmpi sgt, %jit3A_156, %sign3A_165 : i32
      %sign3A_167 = arith.extui %sign3A_166 : i1 to i32
      %sign3A_168 = arith.constant 0 : i32
      %sign3A_169 = arith.cmpi slt, %jit3A_156, %sign3A_168 : i32
      %sign3A_170 = arith.extui %sign3A_169 : i1 to i32
      %sign3A_171 = arith.subi %sign3A_167, %sign3A_170 : i32
      %ne3A_172 = arith.cmpi ne, %sign3A_164, %sign3A_171 : i32
      %rem3A_173 = arith.remsi %min3A_65, %jit3A_156 : i32
      %ne3A_174 = arith.constant 0 : i32
      %ne3A_175 = arith.cmpi ne, %rem3A_173, %ne3A_174 : i32
      %and3A_176 = arith.andi %ne3A_172, %ne3A_175 : i1
      %sub3A_177 = arith.constant 1 : i32
      %sub3A_178 = arith.subi %div3A_157, %sub3A_177 : i32
      %select_n3A_179 = arith.select %and3A_176, %sub3A_178, %div3A_157 : i32
      %mul3A_180 = arith.constant 80000 : i32
      %mul3A_181 = arith.muli %select_n3A_179, %mul3A_180 : i32
      %sub3A_182 = arith.subi %min3A_65, %mul3A_181 : i32
      %mul3A_183 = arith.constant 64 : i32
      %mul3A_184 = arith.muli %mul3A_183, %select_n3A_179 : i32
      %add3A_185 = arith.addi %add3A, %mul3A_184 : i32
      %mul3A_186 = arith.constant 80000 : i32
      %mul3A_187 = arith.muli %add3A_185, %mul3A_186 : i32
      %add3A_188 = arith.addi %mul3A_187, %sub3A_182 : i32
      %add3A_189 = arith.constant 32 : i32
      %add3A_190 = arith.addi %add3A_189, %add3A : i32
      %mul3A_191 = arith.constant 64 : i32
      %mul3A_192 = arith.muli %mul3A_191, %select_n3A_179 : i32
      %add3A_193 = arith.addi %add3A_190, %mul3A_192 : i32
      %mul3A_194 = arith.constant 80000 : i32
      %mul3A_195 = arith.muli %add3A_193, %mul3A_194 : i32
      %add3A_196 = arith.addi %mul3A_195, %sub3A_182 : i32
      %dma_start3A_197 = tpu.memref_slice %arg3[%min3A_65] : memref<160000xi32, #tpu.memory_space<hbm>> -> memref<2000xi32, #tpu.memory_space<hbm>>
      %dma_start3A_198 = tpu.memref_slice %arg3[%min3A_65] : memref<160000xi32, #tpu.memory_space<hbm>> -> memref<2000xi32, #tpu.memory_space<hbm>>
      tpu.enqueue_dma source(%dma_start3A_198 : memref<2000xi32, #tpu.memory_space<hbm>>) target(%arg9 : memref<2000xi32, #tpu.memory_space<vmem>>) target_semaphore(%arg15 : memref<!tpu.dma_semaphore, #tpu.memory_space<semaphore_mem>>)
      %dma_start3A_199 = tpu.memref_slice %arg2[%add3A_188] : memref<10240000xf32, #tpu.memory_space<hbm>> -> memref<2000xf32, #tpu.memory_space<hbm>>
      %dma_start3A_200 = tpu.memref_slice %arg2[%add3A_188] : memref<10240000xf32, #tpu.memory_space<hbm>> -> memref<2000xf32, #tpu.memory_space<hbm>>
      tpu.enqueue_dma source(%dma_start3A_200 : memref<2000xf32, #tpu.memory_space<hbm>>) target(%arg10 : memref<2000xf32, #tpu.memory_space<vmem>>) target_semaphore(%arg15 : memref<!tpu.dma_semaphore, #tpu.memory_space<semaphore_mem>>)
      %dma_start3A_201 = tpu.memref_slice %arg2[%add3A_196] : memref<10240000xf32, #tpu.memory_space<hbm>> -> memref<2000xf32, #tpu.memory_space<hbm>>
      %dma_start3A_202 = tpu.memref_slice %arg2[%add3A_196] : memref<10240000xf32, #tpu.memory_space<hbm>> -> memref<2000xf32, #tpu.memory_space<hbm>>
      tpu.enqueue_dma source(%dma_start3A_202 : memref<2000xf32, #tpu.memory_space<hbm>>) target(%arg11 : memref<2000xf32, #tpu.memory_space<vmem>>) target_semaphore(%arg15 : memref<!tpu.dma_semaphore, #tpu.memory_space<semaphore_mem>>)
      %broadcast_in_dim3A_203 = arith.constant false
      %broadcast_in_dim3A_204 = vector.broadcast %broadcast_in_dim3A_203 : i1 to vector<16xi1>
      %scan3A_205 = arith.constant 0 : i32
      %scan3A_206 = arith.constant 62 : i32
      %scan3A_207 = arith.addi %scan3A_205, %scan3A_206 : i32
      %scan3A_208 = arith.constant 1 : i32
      %scan3A_209 = scf.for %scan3A_239 = %scan3A_205 to %scan3A_207 step %scan3A_208 iter_args(%scan3A_240 = %broadcast_in_dim3A_204) -> (vector<16xi1>)  : i32 {
        %mul3A_241 = arith.constant 32 : i32
        %mul3A_242 = arith.muli %scan3A_239, %mul3A_241 : i32
        %get3A_243 = arith.index_cast %mul3A_242 : i32 to index
        %get3A_244 = tpu.vector_load %arg12[%get3A_243] {strides = array<i32>} : memref<2000xi32, #tpu.memory_space<vmem>>, vector<16xi32>,
        %get3A_245 = arith.index_cast %mul3A_242 : i32 to index
        %get3A_246 = tpu.vector_load %arg13[%get3A_245] {strides = array<i32>} : memref<2000xf32, #tpu.memory_space<vmem>>, vector<16xf32>,
        %get3A_247 = arith.index_cast %mul3A_242 : i32 to index
        %get3A_248 = tpu.vector_load %arg14[%get3A_247] {strides = array<i32>} : memref<2000xf32, #tpu.memory_space<vmem>>, vector<16xf32>,
        tpu.vector_store_idx %arg5[%get3A_244], %get3A_246 {add = true} : memref<10000xf32, #tpu.memory_space<vmem>>[vector<16xi32>], vector<16xf32>,
        %gather3A_249 = tpu.vector_load_idx %arg6[%get3A_244] : memref<10000xf32, #tpu.memory_space<vmem>>[vector<16xi32>], vector<16xf32>,
        %max3A_250 = arith.maximumf %gather3A_249, %get3A_248 : vector<16xf32>
        tpu.vector_store_idx %arg6[%get3A_244], %max3A_250 : memref<10000xf32, #tpu.memory_space<vmem>>[vector<16xi32>], vector<16xf32>,
        %gather3A_251 = tpu.vector_load_idx %arg6[%get3A_244] : memref<10000xf32, #tpu.memory_space<vmem>>[vector<16xi32>], vector<16xf32>,
        %max3A_252 = arith.maximumf %gather3A_251, %max3A_250 : vector<16xf32>
        %lt3A_253 = arith.cmpf olt, %gather3A_251, %max3A_250 : vector<16xf32>
        tpu.vector_store_idx %arg6[%get3A_244], %max3A_252 masked %lt3A_253 : memref<10000xf32, #tpu.memory_space<vmem>>[vector<16xi32>], vector<16xf32>, vector<16xi1>
        %gather3A_254 = tpu.vector_load_idx %arg6[%get3A_244] : memref<10000xf32, #tpu.memory_space<vmem>>[vector<16xi32>], vector<16xf32>,
        %lt3A_255 = arith.cmpf olt, %gather3A_254, %max3A_250 : vector<16xf32>
        %or3A_256 = arith.ori %scan3A_240, %lt3A_255 : vector<16xi1>
        %mul3A_257 = arith.constant 32 : i32
        %mul3A_258 = arith.muli %scan3A_239, %mul3A_257 : i32
        %add3A_259 = arith.constant 16 : i32
        %add3A_260 = arith.addi %mul3A_258, %add3A_259 : i32
        %get3A_261 = arith.index_cast %add3A_260 : i32 to index
        %get3A_262 = tpu.vector_load %arg12[%get3A_261] {strides = array<i32>} : memref<2000xi32, #tpu.memory_space<vmem>>, vector<16xi32>,
        %get3A_263 = arith.index_cast %add3A_260 : i32 to index
        %get3A_264 = tpu.vector_load %arg13[%get3A_263] {strides = array<i32>} : memref<2000xf32, #tpu.memory_space<vmem>>, vector<16xf32>,
        %get3A_265 = arith.index_cast %add3A_260 : i32 to index
        %get3A_266 = tpu.vector_load %arg14[%get3A_265] {strides = array<i32>} : memref<2000xf32, #tpu.memory_space<vmem>>, vector<16xf32>,
        tpu.vector_store_idx %arg7[%get3A_262], %get3A_264 {add = true} : memref<10000xf32, #tpu.memory_space<vmem>>[vector<16xi32>], vector<16xf32>,
        %gather3A_267 = tpu.vector_load_idx %arg8[%get3A_262] : memref<10000xf32, #tpu.memory_space<vmem>>[vector<16xi32>], vector<16xf32>,
        %max3A_268 = arith.maximumf %gather3A_267, %get3A_266 : vector<16xf32>
        tpu.vector_store_idx %arg8[%get3A_262], %max3A_268 : memref<10000xf32, #tpu.memory_space<vmem>>[vector<16xi32>], vector<16xf32>,
        %gather3A_269 = tpu.vector_load_idx %arg8[%get3A_262] : memref<10000xf32, #tpu.memory_space<vmem>>[vector<16xi32>], vector<16xf32>,
        %max3A_270 = arith.maximumf %gather3A_269, %max3A_268 : vector<16xf32>
        %lt3A_271 = arith.cmpf olt, %gather3A_269, %max3A_268 : vector<16xf32>
        tpu.vector_store_idx %arg8[%get3A_262], %max3A_270 masked %lt3A_271 : memref<10000xf32, #tpu.memory_space<vmem>>[vector<16xi32>], vector<16xf32>, vector<16xi1>
        %gather3A_272 = tpu.vector_load_idx %arg8[%get3A_262] : memref<10000xf32, #tpu.memory_space<vmem>>[vector<16xi32>], vector<16xf32>,
        %lt3A_273 = arith.cmpf olt, %gather3A_272, %max3A_268 : vector<16xf32>
        %or3A_274 = arith.ori %or3A_256, %lt3A_273 : vector<16xi1>
        scf.yield %or3A_274 : vector<16xi1>
      }
      %scan3A_210 = arith.constant 62 : i32
      %get3A_211 = arith.constant 1984 : index
      %get3A_212 = tpu.vector_load %arg12[%get3A_211] {strides = array<i32>} : memref<2000xi32, #tpu.memory_space<vmem>>, vector<16xi32>,
      %get3A_213 = arith.constant 1984 : index
      %get3A_214 = tpu.vector_load %arg13[%get3A_213] {strides = array<i32>} : memref<2000xf32, #tpu.memory_space<vmem>>, vector<16xf32>,
      %get3A_215 = arith.constant 1984 : index
      %get3A_216 = tpu.vector_load %arg14[%get3A_215] {strides = array<i32>} : memref<2000xf32, #tpu.memory_space<vmem>>, vector<16xf32>,
      tpu.vector_store_idx %arg5[%get3A_212], %get3A_214 {add = true} : memref<10000xf32, #tpu.memory_space<vmem>>[vector<16xi32>], vector<16xf32>,
      %gather3A_217 = tpu.vector_load_idx %arg6[%get3A_212] : memref<10000xf32, #tpu.memory_space<vmem>>[vector<16xi32>], vector<16xf32>,
      %max3A_218 = arith.maximumf %gather3A_217, %get3A_216 : vector<16xf32>
      tpu.vector_store_idx %arg6[%get3A_212], %max3A_218 : memref<10000xf32, #tpu.memory_space<vmem>>[vector<16xi32>], vector<16xf32>,
      %gather3A_219 = tpu.vector_load_idx %arg6[%get3A_212] : memref<10000xf32, #tpu.memory_space<vmem>>[vector<16xi32>], vector<16xf32>,
      %max3A_220 = arith.maximumf %gather3A_219, %max3A_218 : vector<16xf32>
      %lt3A_221 = arith.cmpf olt, %gather3A_219, %max3A_218 : vector<16xf32>
      tpu.vector_store_idx %arg6[%get3A_212], %max3A_220 masked %lt3A_221 : memref<10000xf32, #tpu.memory_space<vmem>>[vector<16xi32>], vector<16xf32>, vector<16xi1>
      %gather3A_222 = tpu.vector_load_idx %arg6[%get3A_212] : memref<10000xf32, #tpu.memory_space<vmem>>[vector<16xi32>], vector<16xf32>,
      %lt3A_223 = arith.cmpf olt, %gather3A_222, %max3A_218 : vector<16xf32>
      %or3A_224 = arith.ori %scan3A_209, %lt3A_223 : vector<16xi1>
      %reduce_or3A_225 = arith.constant 1.000000e+00 : f32
      %reduce_or3A_226 = arith.constant 0.000000e+00 : f32
      %reduce_or3A_227 = vector.broadcast %reduce_or3A_225 : f32 to vector<16xf32>
      %reduce_or3A_228 = vector.broadcast %reduce_or3A_226 : f32 to vector<16xf32>
      %reduce_or3A_229 = arith.select %or3A_224, %reduce_or3A_227, %reduce_or3A_228 : vector<16xi1>, vector<16xf32>
      %reduce_or3A_230 = arith.constant true
      %reduce_or3A_231 = vector.broadcast %reduce_or3A_230 : i1 to vector<16xi1>
      %reduce_or3A_232 = tpu.scan <max>, %reduce_or3A_229 masked %reduce_or3A_231 : vector<16xf32>, vector<16xi1> -> vector<16xf32>
      %reduce_or3A_233 = vector.extract %reduce_or3A_232[15] : f32 from vector<16xf32>
      %reduce_or3A_234 = arith.constant 0.000000e+00 : f32
      %reduce_or3A_235 = arith.cmpf ogt, %reduce_or3A_233, %reduce_or3A_234 : f32
      %convert_element_type3A_236 = arith.extui %reduce_or3A_235 : i1 to i32
      %cond3A_237 = arith.constant 0 : i32
      %cond3A_238 = arith.cmpi ne, %convert_element_type3A_236, %cond3A_237 : i32
      scf.if %cond3A_238 {
        %scan3A_239 = arith.constant 0 : i32
        %scan3A_240 = arith.constant 0 : i32
        %scan3A_241 = arith.constant 62 : i32
        %scan3A_242 = arith.addi %scan3A_240, %scan3A_241 : i32
        %scan3A_243 = arith.constant 1 : i32
        scf.for %scan3A_251 = %scan3A_240 to %scan3A_242 step %scan3A_243  : i32 {
          %mul3A_252 = arith.constant 32 : i32
          %mul3A_253 = arith.muli %scan3A_251, %mul3A_252 : i32
          %get3A_254 = arith.index_cast %mul3A_253 : i32 to index
          %get3A_255 = tpu.vector_load %arg12[%get3A_254] {strides = array<i32>} : memref<2000xi32, #tpu.memory_space<vmem>>, vector<16xi32>,
          %get3A_256 = arith.index_cast %mul3A_253 : i32 to index
          %get3A_257 = tpu.vector_load %arg14[%get3A_256] {strides = array<i32>} : memref<2000xf32, #tpu.memory_space<vmem>>, vector<16xf32>,
          %gather3A_258 = tpu.vector_load_idx %arg6[%get3A_255] : memref<10000xf32, #tpu.memory_space<vmem>>[vector<16xi32>], vector<16xf32>,
          %lt3A_259 = arith.cmpf olt, %gather3A_258, %get3A_257 : vector<16xf32>
          %while3A_260 = scf.while (%while3A_272 = %lt3A_259) : (vector<16xi1>) -> vector<16xi1> {
            %reduce_or3A_273 = arith.constant 1.000000e+00 : f32
            %reduce_or3A_274 = arith.constant 0.000000e+00 : f32
            %reduce_or3A_275 = vector.broadcast %reduce_or3A_273 : f32 to vector<16xf32>
            %reduce_or3A_276 = vector.broadcast %reduce_or3A_274 : f32 to vector<16xf32>
            %reduce_or3A_277 = arith.select %while3A_272, %reduce_or3A_275, %reduce_or3A_276 : vector<16xi1>, vector<16xf32>
            %reduce_or3A_278 = arith.constant true
            %reduce_or3A_279 = vector.broadcast %reduce_or3A_278 : i1 to vector<16xi1>
            %reduce_or3A_280 = tpu.scan <max>, %reduce_or3A_277 masked %reduce_or3A_279 : vector<16xf32>, vector<16xi1> -> vector<16xf32>
            %reduce_or3A_281 = vector.extract %reduce_or3A_280[15] : f32 from vector<16xf32>
            %reduce_or3A_282 = arith.constant 0.000000e+00 : f32
            %reduce_or3A_283 = arith.cmpf ogt, %reduce_or3A_281, %reduce_or3A_282 : f32
            scf.condition(%reduce_or3A_283) %while3A_272 : vector<16xi1>
          } do {
          ^bb0(%while3A_272: vector<16xi1>):
            %gather3A_273 = tpu.vector_load_idx %arg6[%get3A_255] : memref<10000xf32, #tpu.memory_space<vmem>>[vector<16xi32>], vector<16xf32>,
            %max3A_274 = arith.maximumf %gather3A_273, %get3A_257 : vector<16xf32>
            tpu.vector_store_idx %arg6[%get3A_255], %max3A_274 masked %while3A_272 : memref<10000xf32, #tpu.memory_space<vmem>>[vector<16xi32>], vector<16xf32>, vector<16xi1>
            %gather3A_275 = tpu.vector_load_idx %arg6[%get3A_255] : memref<10000xf32, #tpu.memory_space<vmem>>[vector<16xi32>], vector<16xf32>,
            %lt3A_276 = arith.cmpf olt, %gather3A_275, %get3A_257 : vector<16xf32>
            scf.yield %lt3A_276 : vector<16xi1>
          }
          %mul3A_261 = arith.constant 32 : i32
          %mul3A_262 = arith.muli %scan3A_251, %mul3A_261 : i32
          %add3A_263 = arith.constant 16 : i32
          %add3A_264 = arith.addi %mul3A_262, %add3A_263 : i32
          %get3A_265 = arith.index_cast %add3A_264 : i32 to index
          %get3A_266 = tpu.vector_load %arg12[%get3A_265] {strides = array<i32>} : memref<2000xi32, #tpu.memory_space<vmem>>, vector<16xi32>,
          %get3A_267 = arith.index_cast %add3A_264 : i32 to index
          %get3A_268 = tpu.vector_load %arg14[%get3A_267] {strides = array<i32>} : memref<2000xf32, #tpu.memory_space<vmem>>, vector<16xf32>,
          %gather3A_269 = tpu.vector_load_idx %arg8[%get3A_266] : memref<10000xf32, #tpu.memory_space<vmem>>[vector<16xi32>], vector<16xf32>,
          %lt3A_270 = arith.cmpf olt, %gather3A_269, %get3A_268 : vector<16xf32>
          %while3A_271 = scf.while (%while3A_272 = %lt3A_270) : (vector<16xi1>) -> vector<16xi1> {
            %reduce_or3A_273 = arith.constant 1.000000e+00 : f32
            %reduce_or3A_274 = arith.constant 0.000000e+00 : f32
            %reduce_or3A_275 = vector.broadcast %reduce_or3A_273 : f32 to vector<16xf32>
            %reduce_or3A_276 = vector.broadcast %reduce_or3A_274 : f32 to vector<16xf32>
            %reduce_or3A_277 = arith.select %while3A_272, %reduce_or3A_275, %reduce_or3A_276 : vector<16xi1>, vector<16xf32>
            %reduce_or3A_278 = arith.constant true
            %reduce_or3A_279 = vector.broadcast %reduce_or3A_278 : i1 to vector<16xi1>
            %reduce_or3A_280 = tpu.scan <max>, %reduce_or3A_277 masked %reduce_or3A_279 : vector<16xf32>, vector<16xi1> -> vector<16xf32>
            %reduce_or3A_281 = vector.extract %reduce_or3A_280[15] : f32 from vector<16xf32>
            %reduce_or3A_282 = arith.constant 0.000000e+00 : f32
            %reduce_or3A_283 = arith.cmpf ogt, %reduce_or3A_281, %reduce_or3A_282 : f32
            scf.condition(%reduce_or3A_283) %while3A_272 : vector<16xi1>
          } do {
          ^bb0(%while3A_272: vector<16xi1>):
            %gather3A_273 = tpu.vector_load_idx %arg8[%get3A_266] : memref<10000xf32, #tpu.memory_space<vmem>>[vector<16xi32>], vector<16xf32>,
            %max3A_274 = arith.maximumf %gather3A_273, %get3A_268 : vector<16xf32>
            tpu.vector_store_idx %arg8[%get3A_266], %max3A_274 masked %while3A_272 : memref<10000xf32, #tpu.memory_space<vmem>>[vector<16xi32>], vector<16xf32>, vector<16xi1>
            %gather3A_275 = tpu.vector_load_idx %arg8[%get3A_266] : memref<10000xf32, #tpu.memory_space<vmem>>[vector<16xi32>], vector<16xf32>,
            %lt3A_276 = arith.cmpf olt, %gather3A_275, %get3A_268 : vector<16xf32>
            scf.yield %lt3A_276 : vector<16xi1>
          }
        }
        %scan3A_244 = arith.constant 62 : i32
        %get3A_245 = arith.constant 1984 : index
        %get3A_246 = tpu.vector_load %arg12[%get3A_245] {strides = array<i32>} : memref<2000xi32, #tpu.memory_space<vmem>>, vector<16xi32>,
        %get3A_247 = arith.constant 1984 : index
        %get3A_248 = tpu.vector_load %arg14[%get3A_247] {strides = array<i32>} : memref<2000xf32, #tpu.memory_space<vmem>>, vector<16xf32>,
        %gather3A_249 = tpu.vector_load_idx %arg6[%get3A_246] : memref<10000xf32, #tpu.memory_space<vmem>>[vector<16xi32>], vector<16xf32>,
        %lt3A_250 = arith.cmpf olt, %gather3A_249, %get3A_248 : vector<16xf32>
        %while3A = scf.while (%while3A_251 = %lt3A_250) : (vector<16xi1>) -> vector<16xi1> {
          %reduce_or3A_252 = arith.constant 1.000000e+00 : f32
          %reduce_or3A_253 = arith.constant 0.000000e+00 : f32
          %reduce_or3A_254 = vector.broadcast %reduce_or3A_252 : f32 to vector<16xf32>
          %reduce_or3A_255 = vector.broadcast %reduce_or3A_253 : f32 to vector<16xf32>
          %reduce_or3A_256 = arith.select %while3A_251, %reduce_or3A_254, %reduce_or3A_255 : vector<16xi1>, vector<16xf32>
          %reduce_or3A_257 = arith.constant true
          %reduce_or3A_258 = vector.broadcast %reduce_or3A_257 : i1 to vector<16xi1>
          %reduce_or3A_259 = tpu.scan <max>, %reduce_or3A_256 masked %reduce_or3A_258 : vector<16xf32>, vector<16xi1> -> vector<16xf32>
          %reduce_or3A_260 = vector.extract %reduce_or3A_259[15] : f32 from vector<16xf32>
          %reduce_or3A_261 = arith.constant 0.000000e+00 : f32
          %reduce_or3A_262 = arith.cmpf ogt, %reduce_or3A_260, %reduce_or3A_261 : f32
          scf.condition(%reduce_or3A_262) %while3A_251 : vector<16xi1>
        } do {
        ^bb0(%while3A_251: vector<16xi1>):
          %gather3A_252 = tpu.vector_load_idx %arg6[%get3A_246] : memref<10000xf32, #tpu.memory_space<vmem>>[vector<16xi32>], vector<16xf32>,
          %max3A_253 = arith.maximumf %gather3A_252, %get3A_248 : vector<16xf32>
          tpu.vector_store_idx %arg6[%get3A_246], %max3A_253 masked %while3A_251 : memref<10000xf32, #tpu.memory_space<vmem>>[vector<16xi32>], vector<16xf32>, vector<16xi1>
          %gather3A_254 = tpu.vector_load_idx %arg6[%get3A_246] : memref<10000xf32, #tpu.memory_space<vmem>>[vector<16xi32>], vector<16xf32>,
          %lt3A_255 = arith.cmpf olt, %gather3A_254, %get3A_248 : vector<16xf32>
          scf.yield %lt3A_255 : vector<16xi1>
        }
      } else {
      }
    }
    %scan3A_32 = arith.constant 40 : i32
    %dma_wait3A = arith.constant 0 : i32
    %dma_wait3A_33 = tpu.memref_slice %arg3[%dma_wait3A] : memref<160000xi32, #tpu.memory_space<hbm>> -> memref<2000xi32, #tpu.memory_space<hbm>>
    %dma_wait3A_34 = arith.constant 0 : i32
    %dma_wait3A_35 = tpu.memref_slice %arg3[%dma_wait3A_34] : memref<160000xi32, #tpu.memory_space<hbm>> -> memref<2000xi32, #tpu.memory_space<hbm>>
    tpu.wait_dma2 semaphore(%arg15 : memref<!tpu.dma_semaphore, #tpu.memory_space<semaphore_mem>>) src(%dma_wait3A_35 : memref<2000xi32, #tpu.memory_space<hbm>>) dst(%arg9 : memref<2000xi32, #tpu.memory_space<vmem>>)
    %dma_wait3A_36 = arith.constant 0 : i32
    %dma_wait3A_37 = tpu.memref_slice %arg2[%dma_wait3A_36] : memref<10240000xf32, #tpu.memory_space<hbm>> -> memref<2000xf32, #tpu.memory_space<hbm>>
    %dma_wait3A_38 = arith.constant 0 : i32
    %dma_wait3A_39 = tpu.memref_slice %arg2[%dma_wait3A_38] : memref<10240000xf32, #tpu.memory_space<hbm>> -> memref<2000xf32, #tpu.memory_space<hbm>>
    tpu.wait_dma2 semaphore(%arg15 : memref<!tpu.dma_semaphore, #tpu.memory_space<semaphore_mem>>) src(%dma_wait3A_39 : memref<2000xf32, #tpu.memory_space<hbm>>) dst(%arg10 : memref<2000xf32, #tpu.memory_space<vmem>>)
    %dma_wait3A_40 = arith.constant 0 : i32
    %dma_wait3A_41 = tpu.memref_slice %arg2[%dma_wait3A_40] : memref<10240000xf32, #tpu.memory_space<hbm>> -> memref<2000xf32, #tpu.memory_space<hbm>>
    %dma_wait3A_42 = arith.constant 0 : i32
    %dma_wait3A_43 = tpu.memref_slice %arg2[%dma_wait3A_42] : memref<10240000xf32, #tpu.memory_space<hbm>> -> memref<2000xf32, #tpu.memory_space<hbm>>
    tpu.wait_dma2 semaphore(%arg15 : memref<!tpu.dma_semaphore, #tpu.memory_space<semaphore_mem>>) src(%dma_wait3A_43 : memref<2000xf32, #tpu.memory_space<hbm>>) dst(%arg11 : memref<2000xf32, #tpu.memory_space<vmem>>)
    %scan3A_44 = arith.constant 0 : i32
    %scan3A_45 = arith.constant 0 : i32
    %scan3A_46 = arith.constant 625 : i32
    %scan3A_47 = arith.addi %scan3A_45, %scan3A_46 : i32
    %scan3A_48 = arith.constant 1 : i32
    scf.for %scan3A_56 = %scan3A_45 to %scan3A_47 step %scan3A_48  : i32 {
      %mul3A_57 = arith.constant 16 : i32
      %mul3A_58 = arith.muli %scan3A_56, %mul3A_57 : i32
      %get3A = arith.index_cast %mul3A_58 : i32 to index
      %get3A_59 = tpu.vector_load %arg5[%get3A] {strides = array<i32>} : memref<10000xf32, #tpu.memory_space<vmem>>, vector<16xf32>,
      %get3A_60 = arith.index_cast %mul3A_58 : i32 to index
      %get3A_61 = tpu.vector_load %arg7[%get3A_60] {strides = array<i32>} : memref<10000xf32, #tpu.memory_space<vmem>>, vector<16xf32>,
      %add3A_62 = arith.addf %get3A_59, %get3A_61 : vector<16xf32>
      %swap3A = arith.index_cast %mul3A_58 : i32 to index
      %swap3A_63 = tpu.vector_load %arg5[%swap3A] {strides = array<i32>} : memref<10000xf32, #tpu.memory_space<vmem>>, vector<16xf32>,
      tpu.vector_store %arg5[%swap3A], %add3A_62 {strides = array<i32>} : memref<10000xf32, #tpu.memory_space<vmem>>, vector<16xf32>,
      %get3A_64 = arith.index_cast %mul3A_58 : i32 to index
      %get3A_65 = tpu.vector_load %arg6[%get3A_64] {strides = array<i32>} : memref<10000xf32, #tpu.memory_space<vmem>>, vector<16xf32>,
      %get3A_66 = arith.index_cast %mul3A_58 : i32 to index
      %get3A_67 = tpu.vector_load %arg8[%get3A_66] {strides = array<i32>} : memref<10000xf32, #tpu.memory_space<vmem>>, vector<16xf32>,
      %max3A = arith.maximumf %get3A_65, %get3A_67 : vector<16xf32>
      %swap3A_68 = arith.index_cast %mul3A_58 : i32 to index
      %swap3A_69 = tpu.vector_load %arg6[%swap3A_68] {strides = array<i32>} : memref<10000xf32, #tpu.memory_space<vmem>>, vector<16xf32>,
      tpu.vector_store %arg6[%swap3A_68], %max3A {strides = array<i32>} : memref<10000xf32, #tpu.memory_space<vmem>>, vector<16xf32>,
    }
    %scan3A_49 = arith.constant 625 : i32
    %mul3A_50 = arith.constant 10000 : i32
    %mul3A_51 = arith.muli %add3A, %mul3A_50 : i32
    "tpu.region"() ({
      %run_scoped3A = tpu.sem_alloc : memref<!tpu.dma_semaphore, #tpu.memory_space<semaphore_mem>>
      %dma_start3A_56 = tpu.memref_slice %arg4[%mul3A_51] : memref<640000xf32, #tpu.memory_space<hbm>> -> memref<10000xf32, #tpu.memory_space<hbm>>
      %dma_start3A_57 = tpu.memref_slice %arg4[%mul3A_51] : memref<640000xf32, #tpu.memory_space<hbm>> -> memref<10000xf32, #tpu.memory_space<hbm>>
      tpu.enqueue_dma source(%arg5 : memref<10000xf32, #tpu.memory_space<vmem>>) target(%dma_start3A_57 : memref<10000xf32, #tpu.memory_space<hbm>>) target_semaphore(%run_scoped3A : memref<!tpu.dma_semaphore, #tpu.memory_space<semaphore_mem>>)
      %dma_wait3A_58 = tpu.memref_slice %arg4[%mul3A_51] : memref<640000xf32, #tpu.memory_space<hbm>> -> memref<10000xf32, #tpu.memory_space<hbm>>
      %dma_wait3A_59 = tpu.memref_slice %arg4[%mul3A_51] : memref<640000xf32, #tpu.memory_space<hbm>> -> memref<10000xf32, #tpu.memory_space<hbm>>
      tpu.wait_dma2 semaphore(%run_scoped3A : memref<!tpu.dma_semaphore, #tpu.memory_space<semaphore_mem>>) src(%arg5 : memref<10000xf32, #tpu.memory_space<vmem>>) dst(%dma_wait3A_59 : memref<10000xf32, #tpu.memory_space<hbm>>)
      tpu.yield
    }) : () -> ()
    %add3A_52 = arith.constant 32 : i32
    %add3A_53 = arith.addi %add3A_52, %add3A : i32
    %mul3A_54 = arith.constant 10000 : i32
    %mul3A_55 = arith.muli %add3A_53, %mul3A_54 : i32
    "tpu.region"() ({
      %run_scoped3A = tpu.sem_alloc : memref<!tpu.dma_semaphore, #tpu.memory_space<semaphore_mem>>
      %dma_start3A_56 = tpu.memref_slice %arg4[%mul3A_55] : memref<640000xf32, #tpu.memory_space<hbm>> -> memref<10000xf32, #tpu.memory_space<hbm>>
      %dma_start3A_57 = tpu.memref_slice %arg4[%mul3A_55] : memref<640000xf32, #tpu.memory_space<hbm>> -> memref<10000xf32, #tpu.memory_space<hbm>>
      tpu.enqueue_dma source(%arg6 : memref<10000xf32, #tpu.memory_space<vmem>>) target(%dma_start3A_57 : memref<10000xf32, #tpu.memory_space<hbm>>) target_semaphore(%run_scoped3A : memref<!tpu.dma_semaphore, #tpu.memory_space<semaphore_mem>>)
      %dma_wait3A_58 = tpu.memref_slice %arg4[%mul3A_55] : memref<640000xf32, #tpu.memory_space<hbm>> -> memref<10000xf32, #tpu.memory_space<hbm>>
      %dma_wait3A_59 = tpu.memref_slice %arg4[%mul3A_55] : memref<640000xf32, #tpu.memory_space<hbm>> -> memref<10000xf32, #tpu.memory_space<hbm>>
      tpu.wait_dma2 semaphore(%run_scoped3A : memref<!tpu.dma_semaphore, #tpu.memory_space<semaphore_mem>>) src(%arg6 : memref<10000xf32, #tpu.memory_space<vmem>>) dst(%dma_wait3A_59 : memref<10000xf32, #tpu.memory_space<hbm>>)
      tpu.yield
    }) : () -> ()
    return
  }
}

module attributes {stable_mosaic.version = 14 : i64} {
  func.func @_pq_body(%arg0: memref<10000x128xf32, #tpu.memory_space<vmem>>, %arg1: memref<128x64xf32, #tpu.memory_space<vmem>>, %arg2: memref<128x64xf32, #tpu.memory_space<vmem>>, %arg3: memref<10000x64xf32, #tpu.memory_space<vmem>>, %arg4: memref<10000x64xf32, #tpu.memory_space<vmem>>) attributes {dimension_semantics = [], scalar_prefetch = 0 : i64, scratch_operands = 0 : i64, tpu.core_type = #tpu.core_type<tc>} {
    %get3A = arith.constant 0 : index
    %get3A_0 = arith.constant 0 : index
    %get3A_1 = vector.load %arg0[%get3A, %get3A_0] : memref<10000x128xf32, #tpu.memory_space<vmem>>, vector<10000x128xf32>
    %get3A_2 = arith.constant 0 : index
    %get3A_3 = arith.constant 0 : index
    %get3A_4 = vector.load %arg1[%get3A_2, %get3A_3] : memref<128x64xf32, #tpu.memory_space<vmem>>, vector<128x64xf32>
    %dot_general3A = arith.constant dense<0.000000e+00> : vector<10000x64xf32>
    %dot_general3A_5 = tpu.matmul %get3A_1, %get3A_4, %dot_general3A {dimension_numbers = #tpu.dot_dimension_numbers<[1], [0], [0], [1], [0, 0, 1, 1], [], []>, transpose_lhs_hint = false} : vector<10000x128xf32>, vector<128x64xf32>, vector<10000x64xf32> -> vector<10000x64xf32>
    %swap3A = arith.constant 0 : index
    %swap3A_6 = arith.constant 0 : index
    %swap3A_7 = vector.load %arg3[%swap3A, %swap3A_6] : memref<10000x64xf32, #tpu.memory_space<vmem>>, vector<10000x64xf32>
    tpu.vector_store %arg3[%swap3A, %swap3A_6], %dot_general3A_5 {strides = array<i32>} : memref<10000x64xf32, #tpu.memory_space<vmem>>, vector<10000x64xf32>,
    %get3A_8 = arith.constant 0 : index
    %get3A_9 = arith.constant 0 : index
    %get3A_10 = vector.load %arg2[%get3A_8, %get3A_9] : memref<128x64xf32, #tpu.memory_space<vmem>>, vector<128x64xf32>
    %dot_general3A_11 = arith.constant dense<0.000000e+00> : vector<10000x64xf32>
    %dot_general3A_12 = tpu.matmul %get3A_1, %get3A_10, %dot_general3A_11 {dimension_numbers = #tpu.dot_dimension_numbers<[1], [0], [0], [1], [0, 0, 1, 1], [], []>, transpose_lhs_hint = false} : vector<10000x128xf32>, vector<128x64xf32>, vector<10000x64xf32> -> vector<10000x64xf32>
    %swap3A_13 = arith.constant 0 : index
    %swap3A_14 = arith.constant 0 : index
    %swap3A_15 = vector.load %arg4[%swap3A_13, %swap3A_14] : memref<10000x64xf32, #tpu.memory_space<vmem>>, vector<10000x64xf32>
    tpu.vector_store %arg4[%swap3A_13, %swap3A_14], %dot_general3A_12 {strides = array<i32>} : memref<10000x64xf32, #tpu.memory_space<vmem>>, vector<10000x64xf32>,
    return
  }
}

module attributes {stable_mosaic.version = 14 : i64} {
  func.func @_edge_mlp_body(%arg0: i32, %arg1: memref<640x128xf32, #tpu.memory_space<vmem>>, %arg2: memref<640x128xf32, #tpu.memory_space<vmem>>, %arg3: memref<640x32xf32, #tpu.memory_space<vmem>>, %arg4: memref<32x128xf32, #tpu.memory_space<vmem>>, %arg5: memref<1x128xf32, #tpu.memory_space<vmem>>, %arg6: memref<128x256xf32, #tpu.memory_space<vmem>>, %arg7: memref<1x256xf32, #tpu.memory_space<vmem>>, %arg8: memref<256x128xf32, #tpu.memory_space<vmem>>, %arg9: memref<1x128xf32, #tpu.memory_space<vmem>>, %arg10: memref<128x2xf32, #tpu.memory_space<vmem>>, %arg11: memref<2x1xf32, #tpu.memory_space<vmem>>, %arg12: memref<128x128xf32, #tpu.memory_space<vmem>>, %arg13: memref<128x1xf32, #tpu.memory_space<vmem>>, %arg14: memref<128x640xf32, #tpu.memory_space<vmem>>) attributes {dimension_semantics = [#tpu.dimension_semantics<arbitrary>], iteration_bounds = array<i64: 125>, scalar_prefetch = 0 : i64, scratch_operands = 0 : i64, tpu.core_type = #tpu.core_type<tc>, window_params = [{transform_indices = @transform_0, window_bounds = array<i64: 640, 128>}, {transform_indices = @transform_1, window_bounds = array<i64: 640, 128>}, {transform_indices = @transform_2, window_bounds = array<i64: 640, 32>}, {pipeline_mode = #tpu.pipeline_mode<synchronous>, transform_indices = @transform_3, window_bounds = array<i64: 32, 128>}, {pipeline_mode = #tpu.pipeline_mode<synchronous>, transform_indices = @transform_4, window_bounds = array<i64: 1, 128>}, {pipeline_mode = #tpu.pipeline_mode<synchronous>, transform_indices = @transform_5, window_bounds = array<i64: 128, 256>}, {pipeline_mode = #tpu.pipeline_mode<synchronous>, transform_indices = @transform_6, window_bounds = array<i64: 1, 256>}, {pipeline_mode = #tpu.pipeline_mode<synchronous>, transform_indices = @transform_7, window_bounds = array<i64: 256, 128>}, {pipeline_mode = #tpu.pipeline_mode<synchronous>, transform_indices = @transform_8, window_bounds = array<i64: 1, 128>}, {pipeline_mode = #tpu.pipeline_mode<synchronous>, transform_indices = @transform_9, window_bounds = array<i64: 128, 2>}, {pipeline_mode = #tpu.pipeline_mode<synchronous>, transform_indices = @transform_10, window_bounds = array<i64: 2, 1>}, {pipeline_mode = #tpu.pipeline_mode<synchronous>, transform_indices = @transform_11, window_bounds = array<i64: 128, 128>}, {pipeline_mode = #tpu.pipeline_mode<synchronous>, transform_indices = @transform_12, window_bounds = array<i64: 128, 1>}, {transform_indices = @transform_13, window_bounds = array<i64: 128, 640>}]} {
    %get3A = arith.constant 0 : index
    %get3A_0 = arith.constant 0 : index
    %get3A_1 = vector.load %arg1[%get3A, %get3A_0] : memref<640x128xf32, #tpu.memory_space<vmem>>, vector<640x128xf32>
    %get3A_2 = arith.constant 0 : index
    %get3A_3 = arith.constant 0 : index
    %get3A_4 = vector.load %arg2[%get3A_2, %get3A_3] : memref<640x128xf32, #tpu.memory_space<vmem>>, vector<640x128xf32>
    %add3A = arith.addf %get3A_1, %get3A_4 : vector<640x128xf32>
    %get3A_5 = arith.constant 0 : index
    %get3A_6 = arith.constant 0 : index
    %get3A_7 = vector.load %arg3[%get3A_5, %get3A_6] : memref<640x32xf32, #tpu.memory_space<vmem>>, vector<640x32xf32>
    %get3A_8 = arith.constant 0 : index
    %get3A_9 = arith.constant 0 : index
    %get3A_10 = vector.load %arg4[%get3A_8, %get3A_9] : memref<32x128xf32, #tpu.memory_space<vmem>>, vector<32x128xf32>
    %dot_general3A = arith.constant dense<0.000000e+00> : vector<640x128xf32>
    %dot_general3A_11 = tpu.matmul %get3A_7, %get3A_10, %dot_general3A {dimension_numbers = #tpu.dot_dimension_numbers<[1], [0], [0], [1], [0, 0, 1, 1], [], []>, transpose_lhs_hint = false} : vector<640x32xf32>, vector<32x128xf32>, vector<640x128xf32> -> vector<640x128xf32>
    %add3A_12 = arith.addf %add3A, %dot_general3A_11 : vector<640x128xf32>
    %get3A_13 = arith.constant 0 : index
    %get3A_14 = arith.constant 0 : index
    %get3A_15 = vector.load %arg5[%get3A_13, %get3A_14] : memref<1x128xf32, #tpu.memory_space<vmem>>, vector<1x128xf32>
    %add3A_16 = vector.broadcast %get3A_15 : vector<1x128xf32> to vector<640x128xf32>
    %add3A_17 = arith.addf %add3A_12, %add3A_16 : vector<640x128xf32>
    %ge3A = arith.constant 0.000000e+00 : f32
    %ge3A_18 = vector.broadcast %ge3A : f32 to vector<640x128xf32>
    %ge3A_19 = arith.cmpf oge, %add3A_17, %ge3A_18 : vector<640x128xf32>
    %mul3A = arith.constant 2.000000e-01 : f32
    %mul3A_20 = vector.broadcast %mul3A : f32 to vector<640x128xf32>
    %mul3A_21 = arith.mulf %mul3A_20, %add3A_17 : vector<640x128xf32>
    %select_n3A = arith.select %ge3A_19, %add3A_17, %mul3A_21 : vector<640x128xi1>, vector<640x128xf32>
    %get3A_22 = arith.constant 0 : index
    %get3A_23 = arith.constant 0 : index
    %get3A_24 = vector.load %arg6[%get3A_22, %get3A_23] : memref<128x256xf32, #tpu.memory_space<vmem>>, vector<128x256xf32>
    %dot_general3A_25 = arith.constant dense<0.000000e+00> : vector<640x256xf32>
    %dot_general3A_26 = tpu.matmul %select_n3A, %get3A_24, %dot_general3A_25 {dimension_numbers = #tpu.dot_dimension_numbers<[1], [0], [0], [1], [0, 0, 1, 1], [], []>, transpose_lhs_hint = false} : vector<640x128xf32>, vector<128x256xf32>, vector<640x256xf32> -> vector<640x256xf32>
    %get3A_27 = arith.constant 0 : index
    %get3A_28 = arith.constant 0 : index
    %get3A_29 = vector.load %arg7[%get3A_27, %get3A_28] : memref<1x256xf32, #tpu.memory_space<vmem>>, vector<1x256xf32>
    %add3A_30 = vector.broadcast %get3A_29 : vector<1x256xf32> to vector<640x256xf32>
    %add3A_31 = arith.addf %dot_general3A_26, %add3A_30 : vector<640x256xf32>
    %ge3A_32 = arith.constant 0.000000e+00 : f32
    %ge3A_33 = vector.broadcast %ge3A_32 : f32 to vector<640x256xf32>
    %ge3A_34 = arith.cmpf oge, %add3A_31, %ge3A_33 : vector<640x256xf32>
    %mul3A_35 = arith.constant 2.000000e-01 : f32
    %mul3A_36 = vector.broadcast %mul3A_35 : f32 to vector<640x256xf32>
    %mul3A_37 = arith.mulf %mul3A_36, %add3A_31 : vector<640x256xf32>
    %select_n3A_38 = arith.select %ge3A_34, %add3A_31, %mul3A_37 : vector<640x256xi1>, vector<640x256xf32>
    %get3A_39 = arith.constant 0 : index
    %get3A_40 = arith.constant 0 : index
    %get3A_41 = vector.load %arg8[%get3A_39, %get3A_40] : memref<256x128xf32, #tpu.memory_space<vmem>>, vector<256x128xf32>
    %dot_general3A_42 = arith.constant dense<0.000000e+00> : vector<640x128xf32>
    %dot_general3A_43 = tpu.matmul %select_n3A_38, %get3A_41, %dot_general3A_42 {dimension_numbers = #tpu.dot_dimension_numbers<[1], [0], [0], [1], [0, 0, 1, 1], [], []>, transpose_lhs_hint = false} : vector<640x256xf32>, vector<256x128xf32>, vector<640x128xf32> -> vector<640x128xf32>
    %get3A_44 = arith.constant 0 : index
    %get3A_45 = arith.constant 0 : index
    %get3A_46 = vector.load %arg9[%get3A_44, %get3A_45] : memref<1x128xf32, #tpu.memory_space<vmem>>, vector<1x128xf32>
    %add3A_47 = vector.broadcast %get3A_46 : vector<1x128xf32> to vector<640x128xf32>
    %add3A_48 = arith.addf %dot_general3A_43, %add3A_47 : vector<640x128xf32>
    %ge3A_49 = arith.constant 0.000000e+00 : f32
    %ge3A_50 = vector.broadcast %ge3A_49 : f32 to vector<640x128xf32>
    %ge3A_51 = arith.cmpf oge, %add3A_48, %ge3A_50 : vector<640x128xf32>
    %mul3A_52 = arith.constant 2.000000e-01 : f32
    %mul3A_53 = vector.broadcast %mul3A_52 : f32 to vector<640x128xf32>
    %mul3A_54 = arith.mulf %mul3A_53, %add3A_48 : vector<640x128xf32>
    %select_n3A_55 = arith.select %ge3A_51, %add3A_48, %mul3A_54 : vector<640x128xi1>, vector<640x128xf32>
    %get3A_56 = arith.constant 0 : index
    %get3A_57 = arith.constant 0 : index
    %get3A_58 = vector.load %arg10[%get3A_56, %get3A_57] : memref<128x2xf32, #tpu.memory_space<vmem>>, vector<128x2xf32>
    %dot_general3A_59 = arith.constant dense<0.000000e+00> : vector<2x640xf32>
    %dot_general3A_60 = tpu.matmul %get3A_58, %select_n3A_55, %dot_general3A_59 {dimension_numbers = #tpu.dot_dimension_numbers<[0], [1], [1], [0], [0, 1, 1, 0], [], []>, transpose_lhs_hint = false} : vector<128x2xf32>, vector<640x128xf32>, vector<2x640xf32> -> vector<2x640xf32>
    %get3A_61 = arith.constant 0 : index
    %get3A_62 = arith.constant 0 : index
    %get3A_63 = vector.load %arg11[%get3A_61, %get3A_62] : memref<2x1xf32, #tpu.memory_space<vmem>>, vector<2x1xf32>
    %add3A_64 = vector.broadcast %get3A_63 : vector<2x1xf32> to vector<2x640xf32>
    %add3A_65 = arith.addf %dot_general3A_60, %add3A_64 : vector<2x640xf32>
    %neg3A = arith.constant 0.000000e+00 : f32
    %neg3A_66 = vector.broadcast %neg3A : f32 to vector<2x640xf32>
    %neg3A_67 = arith.subf %neg3A_66, %add3A_65 : vector<2x640xf32>
    %exp3A = math.exp %neg3A_67 : vector<2x640xf32>
    %add3A_68 = arith.constant 1.000000e+00 : f32
    %add3A_69 = vector.broadcast %add3A_68 : f32 to vector<2x640xf32>
    %add3A_70 = arith.addf %add3A_69, %exp3A : vector<2x640xf32>
    %div3A = arith.constant 1.000000e+00 : f32
    %div3A_71 = vector.broadcast %div3A : f32 to vector<2x640xf32>
    %div3A_72 = arith.divf %div3A_71, %add3A_70 : vector<2x640xf32>
    %get3A_73 = arith.constant 0 : index
    %get3A_74 = arith.constant 0 : index
    %get3A_75 = vector.load %arg12[%get3A_73, %get3A_74] : memref<128x128xf32, #tpu.memory_space<vmem>>, vector<128x128xf32>
    %dot_general3A_76 = arith.constant dense<0.000000e+00> : vector<128x640xf32>
    %dot_general3A_77 = tpu.matmul %get3A_75, %select_n3A_55, %dot_general3A_76 {dimension_numbers = #tpu.dot_dimension_numbers<[0], [1], [1], [0], [0, 1, 1, 0], [], []>, transpose_lhs_hint = false} : vector<128x128xf32>, vector<640x128xf32>, vector<128x640xf32> -> vector<128x640xf32>
    %get3A_78 = arith.constant 0 : index
    %get3A_79 = arith.constant 0 : index
    %get3A_80 = vector.load %arg13[%get3A_78, %get3A_79] : memref<128x1xf32, #tpu.memory_space<vmem>>, vector<128x1xf32>
    %add3A_81 = vector.broadcast %get3A_80 : vector<128x1xf32> to vector<128x640xf32>
    %add3A_82 = arith.addf %dot_general3A_77, %add3A_81 : vector<128x640xf32>
    %slice3A = vector.extract_strided_slice %add3A_82 {offsets = [0, 0], sizes = [64, 640], strides = [1, 1]} : vector<128x640xf32> to vector<64x640xf32>
    %slice3A_83 = vector.extract_strided_slice %div3A_72 {offsets = [0, 0], sizes = [1, 640], strides = [1, 1]} : vector<2x640xf32> to vector<1x640xf32>
    %mul3A_84 = vector.broadcast %slice3A_83 : vector<1x640xf32> to vector<64x640xf32>
    %mul3A_85 = arith.mulf %slice3A, %mul3A_84 : vector<64x640xf32>
    %swap3A = arith.constant 0 : index
    %swap3A_86 = arith.constant 0 : index
    %swap3A_87 = vector.load %arg14[%swap3A, %swap3A_86] : memref<128x640xf32, #tpu.memory_space<vmem>>, vector<64x640xf32>
    tpu.vector_store %arg14[%swap3A, %swap3A_86], %mul3A_85 {strides = array<i32>} : memref<128x640xf32, #tpu.memory_space<vmem>>, vector<64x640xf32>,
    %slice3A_88 = vector.extract_strided_slice %add3A_82 {offsets = [64, 0], sizes = [64, 640], strides = [1, 1]} : vector<128x640xf32> to vector<64x640xf32>
    %slice3A_89 = vector.extract_strided_slice %div3A_72 {offsets = [1, 0], sizes = [1, 640], strides = [1, 1]} : vector<2x640xf32> to vector<1x640xf32>
    %mul3A_90 = vector.broadcast %slice3A_89 : vector<1x640xf32> to vector<64x640xf32>
    %mul3A_91 = arith.mulf %slice3A_88, %mul3A_90 : vector<64x640xf32>
    %swap3A_92 = arith.constant 64 : index
    %swap3A_93 = arith.constant 0 : index
    %swap3A_94 = vector.load %arg14[%swap3A_92, %swap3A_93] : memref<128x640xf32, #tpu.memory_space<vmem>>, vector<64x640xf32>
    tpu.vector_store %arg14[%swap3A_92, %swap3A_93], %mul3A_91 {strides = array<i32>} : memref<128x640xf32, #tpu.memory_space<vmem>>, vector<64x640xf32>,
    return
  }
  func.func @transform_0(%arg0: i32) -> (i32, i32) {
    %c0_i32 = arith.constant 0 : i32
    %c0_i32_0 = arith.constant 0 : i32
    return %arg0, %c0_i32 : i32, i32
  }
  func.func @transform_1(%arg0: i32) -> (i32, i32) {
    %c0_i32 = arith.constant 0 : i32
    %c0_i32_0 = arith.constant 0 : i32
    return %arg0, %c0_i32 : i32, i32
  }
  func.func @transform_2(%arg0: i32) -> (i32, i32) {
    %add3A = arith.constant 125 : i32
    %add3A_0 = arith.addi %arg0, %add3A : i32
    %c0_i32 = arith.constant 0 : i32
    %c0_i32_1 = arith.constant 0 : i32
    return %add3A_0, %c0_i32 : i32, i32
  }
  func.func @transform_3(%arg0: i32) -> (i32, i32) {
    %c0_i32 = arith.constant 0 : i32
    %c0_i32_0 = arith.constant 0 : i32
    %c0_i32_1 = arith.constant 0 : i32
    return %c0_i32, %c0_i32_0 : i32, i32
  }
  func.func @transform_4(%arg0: i32) -> (i32, i32) {
    %c0_i32 = arith.constant 0 : i32
    %c0_i32_0 = arith.constant 0 : i32
    %c0_i32_1 = arith.constant 0 : i32
    return %c0_i32, %c0_i32_0 : i32, i32
  }
  func.func @transform_5(%arg0: i32) -> (i32, i32) {
    %c0_i32 = arith.constant 0 : i32
    %c0_i32_0 = arith.constant 0 : i32
    %c0_i32_1 = arith.constant 0 : i32
    return %c0_i32, %c0_i32_0 : i32, i32
  }
  func.func @transform_6(%arg0: i32) -> (i32, i32) {
    %c0_i32 = arith.constant 0 : i32
    %c0_i32_0 = arith.constant 0 : i32
    %c0_i32_1 = arith.constant 0 : i32
    return %c0_i32, %c0_i32_0 : i32, i32
  }
  func.func @transform_7(%arg0: i32) -> (i32, i32) {
    %c0_i32 = arith.constant 0 : i32
    %c0_i32_0 = arith.constant 0 : i32
    %c0_i32_1 = arith.constant 0 : i32
    return %c0_i32, %c0_i32_0 : i32, i32
  }
  func.func @transform_8(%arg0: i32) -> (i32, i32) {
    %c0_i32 = arith.constant 0 : i32
    %c0_i32_0 = arith.constant 0 : i32
    %c0_i32_1 = arith.constant 0 : i32
    return %c0_i32, %c0_i32_0 : i32, i32
  }
  func.func @transform_9(%arg0: i32) -> (i32, i32) {
    %c0_i32 = arith.constant 0 : i32
    %c0_i32_0 = arith.constant 0 : i32
    %c0_i32_1 = arith.constant 0 : i32
    return %c0_i32, %c0_i32_0 : i32, i32
  }
  func.func @transform_10(%arg0: i32) -> (i32, i32) {
    %c0_i32 = arith.constant 0 : i32
    %c0_i32_0 = arith.constant 0 : i32
    %c0_i32_1 = arith.constant 0 : i32
    return %c0_i32, %c0_i32_0 : i32, i32
  }
  func.func @transform_11(%arg0: i32) -> (i32, i32) {
    %c0_i32 = arith.constant 0 : i32
    %c0_i32_0 = arith.constant 0 : i32
    %c0_i32_1 = arith.constant 0 : i32
    return %c0_i32, %c0_i32_0 : i32, i32
  }
  func.func @transform_12(%arg0: i32) -> (i32, i32) {
    %c0_i32 = arith.constant 0 : i32
    %c0_i32_0 = arith.constant 0 : i32
    %c0_i32_1 = arith.constant 0 : i32
    return %c0_i32, %c0_i32_0 : i32, i32
  }
  func.func @transform_13(%arg0: i32) -> (i32, i32) {
    %c0_i32 = arith.constant 0 : i32
    %c0_i32_0 = arith.constant 0 : i32
    return %c0_i32, %arg0 : i32, i32
  }
}

module attributes {stable_mosaic.version = 14 : i64} {
  func.func @_edge_mlp_body(%arg0: i32, %arg1: memref<640x128xf32, #tpu.memory_space<vmem>>, %arg2: memref<640x128xf32, #tpu.memory_space<vmem>>, %arg3: memref<640x32xf32, #tpu.memory_space<vmem>>, %arg4: memref<32x128xf32, #tpu.memory_space<vmem>>, %arg5: memref<1x128xf32, #tpu.memory_space<vmem>>, %arg6: memref<128x256xf32, #tpu.memory_space<vmem>>, %arg7: memref<1x256xf32, #tpu.memory_space<vmem>>, %arg8: memref<256x128xf32, #tpu.memory_space<vmem>>, %arg9: memref<1x128xf32, #tpu.memory_space<vmem>>, %arg10: memref<128x2xf32, #tpu.memory_space<vmem>>, %arg11: memref<2x1xf32, #tpu.memory_space<vmem>>, %arg12: memref<128x128xf32, #tpu.memory_space<vmem>>, %arg13: memref<128x1xf32, #tpu.memory_space<vmem>>, %arg14: memref<128x640xf32, #tpu.memory_space<vmem>>) attributes {dimension_semantics = [#tpu.dimension_semantics<arbitrary>], iteration_bounds = array<i64: 125>, scalar_prefetch = 0 : i64, scratch_operands = 0 : i64, tpu.core_type = #tpu.core_type<tc>, window_params = [{transform_indices = @transform_0, window_bounds = array<i64: 640, 128>}, {transform_indices = @transform_1, window_bounds = array<i64: 640, 128>}, {transform_indices = @transform_2, window_bounds = array<i64: 640, 32>}, {pipeline_mode = #tpu.pipeline_mode<synchronous>, transform_indices = @transform_3, window_bounds = array<i64: 32, 128>}, {pipeline_mode = #tpu.pipeline_mode<synchronous>, transform_indices = @transform_4, window_bounds = array<i64: 1, 128>}, {pipeline_mode = #tpu.pipeline_mode<synchronous>, transform_indices = @transform_5, window_bounds = array<i64: 128, 256>}, {pipeline_mode = #tpu.pipeline_mode<synchronous>, transform_indices = @transform_6, window_bounds = array<i64: 1, 256>}, {pipeline_mode = #tpu.pipeline_mode<synchronous>, transform_indices = @transform_7, window_bounds = array<i64: 256, 128>}, {pipeline_mode = #tpu.pipeline_mode<synchronous>, transform_indices = @transform_8, window_bounds = array<i64: 1, 128>}, {pipeline_mode = #tpu.pipeline_mode<synchronous>, transform_indices = @transform_9, window_bounds = array<i64: 128, 2>}, {pipeline_mode = #tpu.pipeline_mode<synchronous>, transform_indices = @transform_10, window_bounds = array<i64: 2, 1>}, {pipeline_mode = #tpu.pipeline_mode<synchronous>, transform_indices = @transform_11, window_bounds = array<i64: 128, 128>}, {pipeline_mode = #tpu.pipeline_mode<synchronous>, transform_indices = @transform_12, window_bounds = array<i64: 128, 1>}, {transform_indices = @transform_13, window_bounds = array<i64: 128, 640>}]} {
    %get3A = arith.constant 0 : index
    %get3A_0 = arith.constant 0 : index
    %get3A_1 = vector.load %arg1[%get3A, %get3A_0] : memref<640x128xf32, #tpu.memory_space<vmem>>, vector<640x128xf32>
    %get3A_2 = arith.constant 0 : index
    %get3A_3 = arith.constant 0 : index
    %get3A_4 = vector.load %arg2[%get3A_2, %get3A_3] : memref<640x128xf32, #tpu.memory_space<vmem>>, vector<640x128xf32>
    %add3A = arith.addf %get3A_1, %get3A_4 : vector<640x128xf32>
    %get3A_5 = arith.constant 0 : index
    %get3A_6 = arith.constant 0 : index
    %get3A_7 = vector.load %arg3[%get3A_5, %get3A_6] : memref<640x32xf32, #tpu.memory_space<vmem>>, vector<640x32xf32>
    %get3A_8 = arith.constant 0 : index
    %get3A_9 = arith.constant 0 : index
    %get3A_10 = vector.load %arg4[%get3A_8, %get3A_9] : memref<32x128xf32, #tpu.memory_space<vmem>>, vector<32x128xf32>
    %dot_general3A = arith.constant dense<0.000000e+00> : vector<640x128xf32>
    %dot_general3A_11 = tpu.matmul %get3A_7, %get3A_10, %dot_general3A {dimension_numbers = #tpu.dot_dimension_numbers<[1], [0], [0], [1], [0, 0, 1, 1], [], []>, transpose_lhs_hint = false} : vector<640x32xf32>, vector<32x128xf32>, vector<640x128xf32> -> vector<640x128xf32>
    %add3A_12 = arith.addf %add3A, %dot_general3A_11 : vector<640x128xf32>
    %get3A_13 = arith.constant 0 : index
    %get3A_14 = arith.constant 0 : index
    %get3A_15 = vector.load %arg5[%get3A_13, %get3A_14] : memref<1x128xf32, #tpu.memory_space<vmem>>, vector<1x128xf32>
    %add3A_16 = vector.broadcast %get3A_15 : vector<1x128xf32> to vector<640x128xf32>
    %add3A_17 = arith.addf %add3A_12, %add3A_16 : vector<640x128xf32>
    %ge3A = arith.constant 0.000000e+00 : f32
    %ge3A_18 = vector.broadcast %ge3A : f32 to vector<640x128xf32>
    %ge3A_19 = arith.cmpf oge, %add3A_17, %ge3A_18 : vector<640x128xf32>
    %mul3A = arith.constant 2.000000e-01 : f32
    %mul3A_20 = vector.broadcast %mul3A : f32 to vector<640x128xf32>
    %mul3A_21 = arith.mulf %mul3A_20, %add3A_17 : vector<640x128xf32>
    %select_n3A = arith.select %ge3A_19, %add3A_17, %mul3A_21 : vector<640x128xi1>, vector<640x128xf32>
    %get3A_22 = arith.constant 0 : index
    %get3A_23 = arith.constant 0 : index
    %get3A_24 = vector.load %arg6[%get3A_22, %get3A_23] : memref<128x256xf32, #tpu.memory_space<vmem>>, vector<128x256xf32>
    %dot_general3A_25 = arith.constant dense<0.000000e+00> : vector<640x256xf32>
    %dot_general3A_26 = tpu.matmul %select_n3A, %get3A_24, %dot_general3A_25 {dimension_numbers = #tpu.dot_dimension_numbers<[1], [0], [0], [1], [0, 0, 1, 1], [], []>, transpose_lhs_hint = false} : vector<640x128xf32>, vector<128x256xf32>, vector<640x256xf32> -> vector<640x256xf32>
    %get3A_27 = arith.constant 0 : index
    %get3A_28 = arith.constant 0 : index
    %get3A_29 = vector.load %arg7[%get3A_27, %get3A_28] : memref<1x256xf32, #tpu.memory_space<vmem>>, vector<1x256xf32>
    %add3A_30 = vector.broadcast %get3A_29 : vector<1x256xf32> to vector<640x256xf32>
    %add3A_31 = arith.addf %dot_general3A_26, %add3A_30 : vector<640x256xf32>
    %ge3A_32 = arith.constant 0.000000e+00 : f32
    %ge3A_33 = vector.broadcast %ge3A_32 : f32 to vector<640x256xf32>
    %ge3A_34 = arith.cmpf oge, %add3A_31, %ge3A_33 : vector<640x256xf32>
    %mul3A_35 = arith.constant 2.000000e-01 : f32
    %mul3A_36 = vector.broadcast %mul3A_35 : f32 to vector<640x256xf32>
    %mul3A_37 = arith.mulf %mul3A_36, %add3A_31 : vector<640x256xf32>
    %select_n3A_38 = arith.select %ge3A_34, %add3A_31, %mul3A_37 : vector<640x256xi1>, vector<640x256xf32>
    %get3A_39 = arith.constant 0 : index
    %get3A_40 = arith.constant 0 : index
    %get3A_41 = vector.load %arg8[%get3A_39, %get3A_40] : memref<256x128xf32, #tpu.memory_space<vmem>>, vector<256x128xf32>
    %dot_general3A_42 = arith.constant dense<0.000000e+00> : vector<640x128xf32>
    %dot_general3A_43 = tpu.matmul %select_n3A_38, %get3A_41, %dot_general3A_42 {dimension_numbers = #tpu.dot_dimension_numbers<[1], [0], [0], [1], [0, 0, 1, 1], [], []>, transpose_lhs_hint = false} : vector<640x256xf32>, vector<256x128xf32>, vector<640x128xf32> -> vector<640x128xf32>
    %get3A_44 = arith.constant 0 : index
    %get3A_45 = arith.constant 0 : index
    %get3A_46 = vector.load %arg9[%get3A_44, %get3A_45] : memref<1x128xf32, #tpu.memory_space<vmem>>, vector<1x128xf32>
    %add3A_47 = vector.broadcast %get3A_46 : vector<1x128xf32> to vector<640x128xf32>
    %add3A_48 = arith.addf %dot_general3A_43, %add3A_47 : vector<640x128xf32>
    %ge3A_49 = arith.constant 0.000000e+00 : f32
    %ge3A_50 = vector.broadcast %ge3A_49 : f32 to vector<640x128xf32>
    %ge3A_51 = arith.cmpf oge, %add3A_48, %ge3A_50 : vector<640x128xf32>
    %mul3A_52 = arith.constant 2.000000e-01 : f32
    %mul3A_53 = vector.broadcast %mul3A_52 : f32 to vector<640x128xf32>
    %mul3A_54 = arith.mulf %mul3A_53, %add3A_48 : vector<640x128xf32>
    %select_n3A_55 = arith.select %ge3A_51, %add3A_48, %mul3A_54 : vector<640x128xi1>, vector<640x128xf32>
    %get3A_56 = arith.constant 0 : index
    %get3A_57 = arith.constant 0 : index
    %get3A_58 = vector.load %arg10[%get3A_56, %get3A_57] : memref<128x2xf32, #tpu.memory_space<vmem>>, vector<128x2xf32>
    %dot_general3A_59 = arith.constant dense<0.000000e+00> : vector<2x640xf32>
    %dot_general3A_60 = tpu.matmul %get3A_58, %select_n3A_55, %dot_general3A_59 {dimension_numbers = #tpu.dot_dimension_numbers<[0], [1], [1], [0], [0, 1, 1, 0], [], []>, transpose_lhs_hint = false} : vector<128x2xf32>, vector<640x128xf32>, vector<2x640xf32> -> vector<2x640xf32>
    %get3A_61 = arith.constant 0 : index
    %get3A_62 = arith.constant 0 : index
    %get3A_63 = vector.load %arg11[%get3A_61, %get3A_62] : memref<2x1xf32, #tpu.memory_space<vmem>>, vector<2x1xf32>
    %add3A_64 = vector.broadcast %get3A_63 : vector<2x1xf32> to vector<2x640xf32>
    %add3A_65 = arith.addf %dot_general3A_60, %add3A_64 : vector<2x640xf32>
    %neg3A = arith.constant 0.000000e+00 : f32
    %neg3A_66 = vector.broadcast %neg3A : f32 to vector<2x640xf32>
    %neg3A_67 = arith.subf %neg3A_66, %add3A_65 : vector<2x640xf32>
    %exp3A = math.exp %neg3A_67 : vector<2x640xf32>
    %add3A_68 = arith.constant 1.000000e+00 : f32
    %add3A_69 = vector.broadcast %add3A_68 : f32 to vector<2x640xf32>
    %add3A_70 = arith.addf %add3A_69, %exp3A : vector<2x640xf32>
    %div3A = arith.constant 1.000000e+00 : f32
    %div3A_71 = vector.broadcast %div3A : f32 to vector<2x640xf32>
    %div3A_72 = arith.divf %div3A_71, %add3A_70 : vector<2x640xf32>
    %get3A_73 = arith.constant 0 : index
    %get3A_74 = arith.constant 0 : index
    %get3A_75 = vector.load %arg12[%get3A_73, %get3A_74] : memref<128x128xf32, #tpu.memory_space<vmem>>, vector<128x128xf32>
    %dot_general3A_76 = arith.constant dense<0.000000e+00> : vector<128x640xf32>
    %dot_general3A_77 = tpu.matmul %get3A_75, %select_n3A_55, %dot_general3A_76 {dimension_numbers = #tpu.dot_dimension_numbers<[0], [1], [1], [0], [0, 1, 1, 0], [], []>, transpose_lhs_hint = false} : vector<128x128xf32>, vector<640x128xf32>, vector<128x640xf32> -> vector<128x640xf32>
    %get3A_78 = arith.constant 0 : index
    %get3A_79 = arith.constant 0 : index
    %get3A_80 = vector.load %arg13[%get3A_78, %get3A_79] : memref<128x1xf32, #tpu.memory_space<vmem>>, vector<128x1xf32>
    %add3A_81 = vector.broadcast %get3A_80 : vector<128x1xf32> to vector<128x640xf32>
    %add3A_82 = arith.addf %dot_general3A_77, %add3A_81 : vector<128x640xf32>
    %slice3A = vector.extract_strided_slice %add3A_82 {offsets = [0, 0], sizes = [64, 640], strides = [1, 1]} : vector<128x640xf32> to vector<64x640xf32>
    %slice3A_83 = vector.extract_strided_slice %div3A_72 {offsets = [0, 0], sizes = [1, 640], strides = [1, 1]} : vector<2x640xf32> to vector<1x640xf32>
    %mul3A_84 = vector.broadcast %slice3A_83 : vector<1x640xf32> to vector<64x640xf32>
    %mul3A_85 = arith.mulf %slice3A, %mul3A_84 : vector<64x640xf32>
    %swap3A = arith.constant 0 : index
    %swap3A_86 = arith.constant 0 : index
    %swap3A_87 = vector.load %arg14[%swap3A, %swap3A_86] : memref<128x640xf32, #tpu.memory_space<vmem>>, vector<64x640xf32>
    tpu.vector_store %arg14[%swap3A, %swap3A_86], %mul3A_85 {strides = array<i32>} : memref<128x640xf32, #tpu.memory_space<vmem>>, vector<64x640xf32>,
    %slice3A_88 = vector.extract_strided_slice %add3A_82 {offsets = [64, 0], sizes = [64, 640], strides = [1, 1]} : vector<128x640xf32> to vector<64x640xf32>
    %slice3A_89 = vector.extract_strided_slice %div3A_72 {offsets = [1, 0], sizes = [1, 640], strides = [1, 1]} : vector<2x640xf32> to vector<1x640xf32>
    %mul3A_90 = vector.broadcast %slice3A_89 : vector<1x640xf32> to vector<64x640xf32>
    %mul3A_91 = arith.mulf %slice3A_88, %mul3A_90 : vector<64x640xf32>
    %swap3A_92 = arith.constant 64 : index
    %swap3A_93 = arith.constant 0 : index
    %swap3A_94 = vector.load %arg14[%swap3A_92, %swap3A_93] : memref<128x640xf32, #tpu.memory_space<vmem>>, vector<64x640xf32>
    tpu.vector_store %arg14[%swap3A_92, %swap3A_93], %mul3A_91 {strides = array<i32>} : memref<128x640xf32, #tpu.memory_space<vmem>>, vector<64x640xf32>,
    return
  }
  func.func @transform_0(%arg0: i32) -> (i32, i32) {
    %c0_i32 = arith.constant 0 : i32
    %c0_i32_0 = arith.constant 0 : i32
    return %arg0, %c0_i32 : i32, i32
  }
  func.func @transform_1(%arg0: i32) -> (i32, i32) {
    %c0_i32 = arith.constant 0 : i32
    %c0_i32_0 = arith.constant 0 : i32
    return %arg0, %c0_i32 : i32, i32
  }
  func.func @transform_2(%arg0: i32) -> (i32, i32) {
    %add3A = arith.constant 0 : i32
    %add3A_0 = arith.addi %arg0, %add3A : i32
    %c0_i32 = arith.constant 0 : i32
    %c0_i32_1 = arith.constant 0 : i32
    return %add3A_0, %c0_i32 : i32, i32
  }
  func.func @transform_3(%arg0: i32) -> (i32, i32) {
    %c0_i32 = arith.constant 0 : i32
    %c0_i32_0 = arith.constant 0 : i32
    %c0_i32_1 = arith.constant 0 : i32
    return %c0_i32, %c0_i32_0 : i32, i32
  }
  func.func @transform_4(%arg0: i32) -> (i32, i32) {
    %c0_i32 = arith.constant 0 : i32
    %c0_i32_0 = arith.constant 0 : i32
    %c0_i32_1 = arith.constant 0 : i32
    return %c0_i32, %c0_i32_0 : i32, i32
  }
  func.func @transform_5(%arg0: i32) -> (i32, i32) {
    %c0_i32 = arith.constant 0 : i32
    %c0_i32_0 = arith.constant 0 : i32
    %c0_i32_1 = arith.constant 0 : i32
    return %c0_i32, %c0_i32_0 : i32, i32
  }
  func.func @transform_6(%arg0: i32) -> (i32, i32) {
    %c0_i32 = arith.constant 0 : i32
    %c0_i32_0 = arith.constant 0 : i32
    %c0_i32_1 = arith.constant 0 : i32
    return %c0_i32, %c0_i32_0 : i32, i32
  }
  func.func @transform_7(%arg0: i32) -> (i32, i32) {
    %c0_i32 = arith.constant 0 : i32
    %c0_i32_0 = arith.constant 0 : i32
    %c0_i32_1 = arith.constant 0 : i32
    return %c0_i32, %c0_i32_0 : i32, i32
  }
  func.func @transform_8(%arg0: i32) -> (i32, i32) {
    %c0_i32 = arith.constant 0 : i32
    %c0_i32_0 = arith.constant 0 : i32
    %c0_i32_1 = arith.constant 0 : i32
    return %c0_i32, %c0_i32_0 : i32, i32
  }
  func.func @transform_9(%arg0: i32) -> (i32, i32) {
    %c0_i32 = arith.constant 0 : i32
    %c0_i32_0 = arith.constant 0 : i32
    %c0_i32_1 = arith.constant 0 : i32
    return %c0_i32, %c0_i32_0 : i32, i32
  }
  func.func @transform_10(%arg0: i32) -> (i32, i32) {
    %c0_i32 = arith.constant 0 : i32
    %c0_i32_0 = arith.constant 0 : i32
    %c0_i32_1 = arith.constant 0 : i32
    return %c0_i32, %c0_i32_0 : i32, i32
  }
  func.func @transform_11(%arg0: i32) -> (i32, i32) {
    %c0_i32 = arith.constant 0 : i32
    %c0_i32_0 = arith.constant 0 : i32
    %c0_i32_1 = arith.constant 0 : i32
    return %c0_i32, %c0_i32_0 : i32, i32
  }
  func.func @transform_12(%arg0: i32) -> (i32, i32) {
    %c0_i32 = arith.constant 0 : i32
    %c0_i32_0 = arith.constant 0 : i32
    %c0_i32_1 = arith.constant 0 : i32
    return %c0_i32, %c0_i32_0 : i32, i32
  }
  func.func @transform_13(%arg0: i32) -> (i32, i32) {
    %c0_i32 = arith.constant 0 : i32
    %c0_i32_0 = arith.constant 0 : i32
    return %c0_i32, %arg0 : i32, i32
  }
}

module attributes {stable_mosaic.version = 14 : i64} {
  func.func @_out_mlp_body(%arg0: memref<10000x128xf32, #tpu.memory_space<vmem>>, %arg1: memref<64x10000xf32, #tpu.memory_space<vmem>>, %arg2: memref<64x10000xf32, #tpu.memory_space<vmem>>, %arg3: memref<128x64xf32, #tpu.memory_space<vmem>>, %arg4: memref<32x64xf32, #tpu.memory_space<vmem>>, %arg5: memref<32x64xf32, #tpu.memory_space<vmem>>, %arg6: memref<1x64xf32, #tpu.memory_space<vmem>>, %arg7: memref<64x128xf32, #tpu.memory_space<vmem>>, %arg8: memref<1x128xf32, #tpu.memory_space<vmem>>, %arg9: memref<128x64xf32, #tpu.memory_space<vmem>>, %arg10: memref<1x64xf32, #tpu.memory_space<vmem>>, %arg11: memref<64x128xf32, #tpu.memory_space<vmem>>, %arg12: memref<1x128xf32, #tpu.memory_space<vmem>>, %arg13: memref<10000x128xf32, #tpu.memory_space<vmem>>) attributes {dimension_semantics = [], scalar_prefetch = 0 : i64, scratch_operands = 0 : i64, tpu.core_type = #tpu.core_type<tc>} {
    %get3A = arith.constant 0 : index
    %get3A_0 = arith.constant 0 : index
    %get3A_1 = vector.load %arg0[%get3A, %get3A_0] : memref<10000x128xf32, #tpu.memory_space<vmem>>, vector<10000x128xf32>
    %get3A_2 = arith.constant 0 : index
    %get3A_3 = arith.constant 0 : index
    %get3A_4 = vector.load %arg3[%get3A_2, %get3A_3] : memref<128x64xf32, #tpu.memory_space<vmem>>, vector<128x64xf32>
    %dot_general3A = arith.constant dense<0.000000e+00> : vector<10000x64xf32>
    %dot_general3A_5 = tpu.matmul %get3A_1, %get3A_4, %dot_general3A {dimension_numbers = #tpu.dot_dimension_numbers<[1], [0], [0], [1], [0, 0, 1, 1], [], []>, transpose_lhs_hint = false} : vector<10000x128xf32>, vector<128x64xf32>, vector<10000x64xf32> -> vector<10000x64xf32>
    %get3A_6 = arith.constant 0 : index
    %get3A_7 = arith.constant 0 : index
    %get3A_8 = vector.load %arg1[%get3A_6, %get3A_7] : memref<64x10000xf32, #tpu.memory_space<vmem>>, vector<32x10000xf32>
    %get3A_9 = arith.constant 0 : index
    %get3A_10 = arith.constant 0 : index
    %get3A_11 = vector.load %arg2[%get3A_9, %get3A_10] : memref<64x10000xf32, #tpu.memory_space<vmem>>, vector<32x10000xf32>
    %add3A = arith.addf %get3A_8, %get3A_11 : vector<32x10000xf32>
    %get3A_12 = arith.constant 0 : index
    %get3A_13 = arith.constant 0 : index
    %get3A_14 = vector.load %arg4[%get3A_12, %get3A_13] : memref<32x64xf32, #tpu.memory_space<vmem>>, vector<32x64xf32>
    %dot_general3A_15 = arith.constant dense<0.000000e+00> : vector<10000x64xf32>
    %dot_general3A_16 = tpu.matmul %add3A, %get3A_14, %dot_general3A_15 {dimension_numbers = #tpu.dot_dimension_numbers<[0], [0], [1], [1], [0, 1, 1, 1], [], []>, transpose_lhs_hint = false} : vector<32x10000xf32>, vector<32x64xf32>, vector<10000x64xf32> -> vector<10000x64xf32>
    %add3A_17 = arith.addf %dot_general3A_5, %dot_general3A_16 : vector<10000x64xf32>
    %get3A_18 = arith.constant 32 : index
    %get3A_19 = arith.constant 0 : index
    %get3A_20 = vector.load %arg1[%get3A_18, %get3A_19] : memref<64x10000xf32, #tpu.memory_space<vmem>>, vector<32x10000xf32>
    %get3A_21 = arith.constant 32 : index
    %get3A_22 = arith.constant 0 : index
    %get3A_23 = vector.load %arg2[%get3A_21, %get3A_22] : memref<64x10000xf32, #tpu.memory_space<vmem>>, vector<32x10000xf32>
    %max3A = arith.maximumf %get3A_20, %get3A_23 : vector<32x10000xf32>
    %abs3A = math.absf %max3A : vector<32x10000xf32>
    %eq3A = arith.constant 0x7F800000 : f32
    %eq3A_24 = vector.broadcast %eq3A : f32 to vector<32x10000xf32>
    %eq3A_25 = arith.cmpf oeq, %abs3A, %eq3A_24 : vector<32x10000xf32>
    %lt3A = arith.constant 0.000000e+00 : f32
    %lt3A_26 = vector.broadcast %lt3A : f32 to vector<32x10000xf32>
    %lt3A_27 = arith.cmpf olt, %max3A, %lt3A_26 : vector<32x10000xf32>
    %and3A = arith.andi %eq3A_25, %lt3A_27 : vector<32x10000xi1>
    %jit3A = arith.constant 0.000000e+00 : f32
    %broadcast_in_dim3A = vector.broadcast %jit3A : f32 to vector<32x10000xf32>
    %select_n3A = arith.select %and3A, %broadcast_in_dim3A, %max3A : vector<32x10000xi1>, vector<32x10000xf32>
    %get3A_28 = arith.constant 0 : index
    %get3A_29 = arith.constant 0 : index
    %get3A_30 = vector.load %arg5[%get3A_28, %get3A_29] : memref<32x64xf32, #tpu.memory_space<vmem>>, vector<32x64xf32>
    %dot_general3A_31 = arith.constant dense<0.000000e+00> : vector<10000x64xf32>
    %dot_general3A_32 = tpu.matmul %select_n3A, %get3A_30, %dot_general3A_31 {dimension_numbers = #tpu.dot_dimension_numbers<[0], [0], [1], [1], [0, 1, 1, 1], [], []>, transpose_lhs_hint = false} : vector<32x10000xf32>, vector<32x64xf32>, vector<10000x64xf32> -> vector<10000x64xf32>
    %add3A_33 = arith.addf %add3A_17, %dot_general3A_32 : vector<10000x64xf32>
    %get3A_34 = arith.constant 0 : index
    %get3A_35 = arith.constant 0 : index
    %get3A_36 = vector.load %arg6[%get3A_34, %get3A_35] : memref<1x64xf32, #tpu.memory_space<vmem>>, vector<1x64xf32>
    %add3A_37 = vector.broadcast %get3A_36 : vector<1x64xf32> to vector<10000x64xf32>
    %add3A_38 = arith.addf %add3A_33, %add3A_37 : vector<10000x64xf32>
    %ge3A = arith.constant 0.000000e+00 : f32
    %ge3A_39 = vector.broadcast %ge3A : f32 to vector<10000x64xf32>
    %ge3A_40 = arith.cmpf oge, %add3A_38, %ge3A_39 : vector<10000x64xf32>
    %mul3A = arith.constant 2.000000e-01 : f32
    %mul3A_41 = vector.broadcast %mul3A : f32 to vector<10000x64xf32>
    %mul3A_42 = arith.mulf %mul3A_41, %add3A_38 : vector<10000x64xf32>
    %select_n3A_43 = arith.select %ge3A_40, %add3A_38, %mul3A_42 : vector<10000x64xi1>, vector<10000x64xf32>
    %get3A_44 = arith.constant 0 : index
    %get3A_45 = arith.constant 0 : index
    %get3A_46 = vector.load %arg7[%get3A_44, %get3A_45] : memref<64x128xf32, #tpu.memory_space<vmem>>, vector<64x128xf32>
    %dot_general3A_47 = arith.constant dense<0.000000e+00> : vector<10000x128xf32>
    %dot_general3A_48 = tpu.matmul %select_n3A_43, %get3A_46, %dot_general3A_47 {dimension_numbers = #tpu.dot_dimension_numbers<[1], [0], [0], [1], [0, 0, 1, 1], [], []>, transpose_lhs_hint = false} : vector<10000x64xf32>, vector<64x128xf32>, vector<10000x128xf32> -> vector<10000x128xf32>
    %get3A_49 = arith.constant 0 : index
    %get3A_50 = arith.constant 0 : index
    %get3A_51 = vector.load %arg8[%get3A_49, %get3A_50] : memref<1x128xf32, #tpu.memory_space<vmem>>, vector<1x128xf32>
    %add3A_52 = vector.broadcast %get3A_51 : vector<1x128xf32> to vector<10000x128xf32>
    %add3A_53 = arith.addf %dot_general3A_48, %add3A_52 : vector<10000x128xf32>
    %ge3A_54 = arith.constant 0.000000e+00 : f32
    %ge3A_55 = vector.broadcast %ge3A_54 : f32 to vector<10000x128xf32>
    %ge3A_56 = arith.cmpf oge, %add3A_53, %ge3A_55 : vector<10000x128xf32>
    %mul3A_57 = arith.constant 2.000000e-01 : f32
    %mul3A_58 = vector.broadcast %mul3A_57 : f32 to vector<10000x128xf32>
    %mul3A_59 = arith.mulf %mul3A_58, %add3A_53 : vector<10000x128xf32>
    %select_n3A_60 = arith.select %ge3A_56, %add3A_53, %mul3A_59 : vector<10000x128xi1>, vector<10000x128xf32>
    %get3A_61 = arith.constant 0 : index
    %get3A_62 = arith.constant 0 : index
    %get3A_63 = vector.load %arg9[%get3A_61, %get3A_62] : memref<128x64xf32, #tpu.memory_space<vmem>>, vector<128x64xf32>
    %dot_general3A_64 = arith.constant dense<0.000000e+00> : vector<10000x64xf32>
    %dot_general3A_65 = tpu.matmul %select_n3A_60, %get3A_63, %dot_general3A_64 {dimension_numbers = #tpu.dot_dimension_numbers<[1], [0], [0], [1], [0, 0, 1, 1], [], []>, transpose_lhs_hint = false} : vector<10000x128xf32>, vector<128x64xf32>, vector<10000x64xf32> -> vector<10000x64xf32>
    %get3A_66 = arith.constant 0 : index
    %get3A_67 = arith.constant 0 : index
    %get3A_68 = vector.load %arg10[%get3A_66, %get3A_67] : memref<1x64xf32, #tpu.memory_space<vmem>>, vector<1x64xf32>
    %add3A_69 = vector.broadcast %get3A_68 : vector<1x64xf32> to vector<10000x64xf32>
    %add3A_70 = arith.addf %dot_general3A_65, %add3A_69 : vector<10000x64xf32>
    %ge3A_71 = arith.constant 0.000000e+00 : f32
    %ge3A_72 = vector.broadcast %ge3A_71 : f32 to vector<10000x64xf32>
    %ge3A_73 = arith.cmpf oge, %add3A_70, %ge3A_72 : vector<10000x64xf32>
    %mul3A_74 = arith.constant 2.000000e-01 : f32
    %mul3A_75 = vector.broadcast %mul3A_74 : f32 to vector<10000x64xf32>
    %mul3A_76 = arith.mulf %mul3A_75, %add3A_70 : vector<10000x64xf32>
    %select_n3A_77 = arith.select %ge3A_73, %add3A_70, %mul3A_76 : vector<10000x64xi1>, vector<10000x64xf32>
    %get3A_78 = arith.constant 0 : index
    %get3A_79 = arith.constant 0 : index
    %get3A_80 = vector.load %arg11[%get3A_78, %get3A_79] : memref<64x128xf32, #tpu.memory_space<vmem>>, vector<64x128xf32>
    %dot_general3A_81 = arith.constant dense<0.000000e+00> : vector<10000x128xf32>
    %dot_general3A_82 = tpu.matmul %select_n3A_77, %get3A_80, %dot_general3A_81 {dimension_numbers = #tpu.dot_dimension_numbers<[1], [0], [0], [1], [0, 0, 1, 1], [], []>, transpose_lhs_hint = false} : vector<10000x64xf32>, vector<64x128xf32>, vector<10000x128xf32> -> vector<10000x128xf32>
    %get3A_83 = arith.constant 0 : index
    %get3A_84 = arith.constant 0 : index
    %get3A_85 = vector.load %arg12[%get3A_83, %get3A_84] : memref<1x128xf32, #tpu.memory_space<vmem>>, vector<1x128xf32>
    %add3A_86 = vector.broadcast %get3A_85 : vector<1x128xf32> to vector<10000x128xf32>
    %add3A_87 = arith.addf %dot_general3A_82, %add3A_86 : vector<10000x128xf32>
    %swap3A = arith.constant 0 : index
    %swap3A_88 = arith.constant 0 : index
    %swap3A_89 = vector.load %arg13[%swap3A, %swap3A_88] : memref<10000x128xf32, #tpu.memory_space<vmem>>, vector<10000x128xf32>
    tpu.vector_store %arg13[%swap3A, %swap3A_88], %add3A_87 {strides = array<i32>} : memref<10000x128xf32, #tpu.memory_space<vmem>>, vector<10000x128xf32>,
    return
  }
}

</mosaic_0001>

<sc_bundles>
// kernel: kernel.10.cloned.1.call-start
scs
__scs_entry_jumppad:
0x0: {  	(pc) =	sbr.rel $0x88, $3  }
0x1: {  	(tag) =	ssettag $0x0;
	lr =	simm.s32 $0x1  }
0x2: {  	[smem:$0x3F8E] =	sst lr;
	_ =	strace $0xD0000000  }
0x3: {  	_ = 	snop  }
0x4: {  	_ = 	snop  }
0x5: {  	_ = 	snop  }
0x6: {  	_ = 	snop  }
0x7: {  	_ = 	snop  }
__scs_overlays_trampoline_lowered:
0x8: {  	[smem:$0x3F9D] =	sst s0  }
0x9: {  	[smem:$0x3F9E] =	sst s1  }
0xa: {  	[smem:$0x3F9F] =	sst s2  }
0xb: {  	[smem:$0x3FA0] =	sst s3  }
0xc: {  	[smem:$0x3FA1] =	sst s4  }
0xd: {  	[smem:$0x3FA2] =	sst s5  }
0xe: {  	[smem:$0x3FA3] =	sst s6  }
0xf: {  	[smem:$0x3FA4] =	sst s7  }
0x10: {  	[smem:$0x3FA5] =	sst s8  }
0x11: {  	[smem:$0x3FA6] =	sst s9;
	s0 =	simm.s32 @!p0 $0x0  }
0x12: {  	s1 =	sld [smem:$0x3F8C];
	s0 =	simm.s32 @p0 $0x1  }
0x13: {  	[smem:$0x3FA7] =	sst s0;
	s0 =	simm.s32 @!p1 $0x0  }
0x14: {  	s2 =	sld [smem:$0x3F8B];
	s0 =	simm.s32 @p1 $0x1  }
0x15: {  	[smem:$0x3FA8] =	sst s0;
	s0 =	simm.s32 @!p2 $0x0  }
0x16: {  	s3 =	sld [smem:$0x3FDB];
	s0 =	simm.s32 @p2 $0x1  }
0x17: {  	s4 =	simm.s32 $0x1BF5;
	[smem:$0x3FAA] =	sst s0  }
0x18: {  	s0 =	sld [smem:$0x3F8D];
	_ =	swait.ge [sflag:s4], $0x0  }
0x19: {  	s7 =	sld [smem:$0x3F8E]  }
0x1a: {  	s8 =	sadd.s32 $0xFFFFE003, lr  }
0x1b: {  	s9 =	sadd.s32 $0xFFFFFEF7, lr;
	s5 =	simm.s32 $0xFFFFFFFF;
	p2 =	slt.u32 s8, $0xFFFFF086  }
0x1c: {  	p1 =	slt.u32 s9, $0xF7A;
	s5 =	simm.s32 @!p2 $0x0  }
0x1d: {  	s5 =	simm.s32 @p1 $0x1;
	p0 =	seq.s32 s7, s2  }
0x1e: {  	s7 =	smul.u32 @!p0 $0xF7A, s2;
	p2 =	seq.s32 @!p0 s5, $0x0  }
0x1f: {  	s9 =	smul.u32 $0xF7A, s1;
	s8 =	simm.s32 @!p0 $0x1BF5;
	p2 =	por !p2, p0  }
0x20: {  	[sflag:s8] =	ssyncset.s32 @!p0 $0xFFFFF086;
	s6 =	sadd.s32 @!p0 s3, s7;
	s7 =	simm.s32 @!p0 $0x108  }
0x21: {  	s3 =	sadd.s32 s3, s9;
	s6 =	sadd.s32 @!p0 $0x88, s6;
	s7 =	simm.s32 @p2 $0x1082  }
0x22: {  	[simem:s7], [sflag:s8] =	dma.local @!p0 [hbm:s6], $0xF7A  }
0x23: {  	s9 =	sor.u32 $0xD0000000, s2;
	s6 =	simm.s32 $0x108;
	_ =	swait.ge @!p0 [sflag:s8], $0x0  }
0x24: {  	s3 =	sadd.s32 $0x88, s3;
	s6 =	simm.s32 @!p1 $0x1082;
	[sflag:s4] =	ssyncset.s32 $0xFFFFF086  }
0x25: {  	[simem:s6], [sflag:s4] =	dma.local [hbm:s3], $0xF7A  }
0x26: {  	[smem:$0x3F8E] =	sst s1;
	(tag) =	ssettag s2;
	_ =	strace s9  }
0x27: {  	s1 =	sld [smem:$0x3F9E]  }
0x28: {  	s2 =	sld [smem:$0x3F9F]  }
0x29: {  	s4 =	sld [smem:$0x3FA1]  }
0x2a: {  	p0 =	seq.s32 s5, $0x0;
	s5 =	sld [smem:$0x3FA2]  }
0x2b: {  	s6 =	sld [smem:$0x3FA3]  }
0x2c: {  	s7 =	sld [smem:$0x3FA4]  }
0x2d: {  	s3 =	simm.s32 $0x108;
	s8 =	sld [smem:$0x3FA5]  }
0x2e: {  	s3 =	simm.s32 @!p0 $0x1082;
	s9 =	sld [smem:$0x3FA6]  }
0x2f: {  	lr =	sadd.s32 s0, s3;
	s0 =	sld [smem:$0x3F9D]  }
0x30: {  	s3 =	sld [smem:$0x3FA0]  }
0x31: {  	[smem:$0x3FA9] =	sst s10  }
0x32: {  	s10 =	sld [smem:$0x3FA7];
	_ =	sdelay $0x3  }
0x33: {  	p0 =	seq.s32 s10, $0x1;
	s10 =	sld [smem:$0x3FA9];
	_ =	sdelay $0x3  }
0x34: {  	[smem:$0x3FA9] =	sst s10  }
0x35: {  	s10 =	sld [smem:$0x3FA8];
	_ =	sdelay $0x3  }
0x36: {  	p1 =	seq.s32 s10, $0x1;
	s10 =	sld [smem:$0x3FA9];
	_ =	sdelay $0x3  }
0x37: {  	[smem:$0x3FA9] =	sst s10  }
0x38: {  	s10 =	sld [smem:$0x3FAA]  }
0x39: {  	_ = 	snop;
	(pc) =	sbr.ind lr, $3  }
0x3a: {  	_ = 	snop  }
0x3b: {  	_ = 	snop  }
0x3c: {  	p2 =	seq.s32 s10, $0x1;
	s10 =	sld [smem:$0x3FA9]  }
0x3d: {  	_ =	shalt  }
0x3e: {  	_ =	shalt  }
0x3f: {  	_ =	shalt  }
0x40: {  	_ =	shalt  }
0x41: {  	_ =	shalt  }
0x42: {  	_ =	shalt  }
0x43: {  	_ =	shalt  }
0x44: {  	_ =	shalt  }
0x45: {  	_ =	shalt  }
0x46: {  	_ =	shalt  }
0x47: {  	_ =	shalt  }
0x48: {  	_ =	shalt  }
0x49: {  	_ =	shalt  }
0x4a: {  	_ =	shalt  }
0x4b: {  	_ =	shalt  }
0x4c: {  	_ =	shalt  }
0x4d: {  	_ =	shalt  }
0x4e: {  	_ =	shalt  }
0x4f: {  	_ =	shalt  }
0x50: {  	_ =	shalt  }
0x51: {  	_ =	shalt  }
0x52: {  	_ =	shalt  }
0x53: {  	_ =	shalt  }
0x54: {  	_ =	shalt  }
0x55: {  	_ =	shalt  }
0x56: {  	_ =	shalt  }
0x57: {  	_ =	shalt  }
0x58: {  	_ =	shalt  }
0x59: {  	_ =	shalt  }
0x5a: {  	_ =	shalt  }
0x5b: {  	_ =	shalt  }
0x5c: {  	_ =	shalt  }
0x5d: {  	_ =	shalt  }
0x5e: {  	_ =	shalt  }
0x5f: {  	_ =	shalt  }
0x60: {  	_ =	shalt  }
0x61: {  	_ =	shalt  }
0x62: {  	_ =	shalt  }
0x63: {  	_ =	shalt  }
0x64: {  	_ =	shalt  }
0x65: {  	_ =	shalt  }
0x66: {  	_ =	shalt  }
0x67: {  	_ =	shalt  }
0x68: {  	_ =	shalt  }
0x69: {  	_ =	shalt  }
0x6a: {  	_ =	shalt  }
0x6b: {  	_ =	shalt  }
0x6c: {  	_ =	shalt  }
0x6d: {  	_ =	shalt  }
0x6e: {  	_ =	shalt  }
0x6f: {  	_ =	shalt  }
0x70: {  	_ =	shalt  }
0x71: {  	_ =	shalt  }
0x72: {  	_ =	shalt  }
0x73: {  	_ =	shalt  }
0x74: {  	_ =	shalt  }
0x75: {  	_ =	shalt  }
0x76: {  	_ =	shalt  }
0x77: {  	_ =	shalt  }
0x78: {  	_ =	shalt  }
0x79: {  	_ =	shalt  }
0x7a: {  	_ =	shalt  }
0x7b: {  	_ =	shalt  }
0x7c: {  	_ =	shalt  }
0x7d: {  	_ =	shalt  }
0x7e: {  	_ =	shalt  }
0x7f: {  	_ =	shalt  }
0x80: {  	_ =	shalt  }
0x81: {  	_ =	shalt  }
0x82: {  	_ =	shalt  }
0x83: {  	_ =	shalt  }
0x84: {  	_ =	shalt  }
0x85: {  	_ =	shalt  }
0x86: {  	_ =	shalt  }
0x87: {  	_ =	shalt  }
.Lfunc_end0:
.L_simem_size_0:
called_computation_lowered:
.L_overlay_start_0:
0x88: {  	s2 =	sld [smem:$0x3FD9]  }
0x89: {  	s3 =	sld [smem:$0x3FFE];
	_ =	sdelay $0x1  }
0x8a: {  	s1 =	srdreg.scid  }
0x8b: {  	s0 =	sand.u32 $0x1, s1  }
0x8c: {  	s17 =	sshll.u32 s0, $0xA;
	s2 =	sadd.s32 s3, s2  }
0x8d: {  	s2 =	sadd.s32 s2, s17  }
0x8e: {  	[smem:$0x3FB5] =	sst s2  }
0x8f: {  	_ = 	snop  }
0x90: {  	s18 =	sld [smem:$0x3FD0];
	(tm) =	ssettm $0x1  }
0x91: {  	s19 =	sld [smem:$0x3FFB];
	_ =	sdelay $0x3  }
0x92: {  	_ =	strace s19  }
0x93: {  	s2 =	sld [smem:$0x3FFC];
	_ =	sdelay $0x3  }
0x94: {  	_ =	strace s2  }
0x95: {  	s2 =	sld [smem:$0x3FFD];
	_ =	sdelay $0x3  }
0x96: {  	_ =	strace s2  }
0x97: {  	_ =	strace $0x8FFFFFFF  }
0x98: {  	s20 =	sld [smem:$0x3FDB];
	_ =	sdelay $0x1  }
0x99: {  	s4 =	simm.s32 $_scs_section_size  }
0x9a: {  	s5 =	simm.s32 $_size__tile_overlayer_lowered;
	s6 =	simm.s32 $_tile_overlayer_lowered  }
0x9b: {  	s7 =	simm.s32 $0x1BFF;
	s21 =	sshll.u32 s6, $0x1;
	s4 =	sadd.s32 s4, s20  }
0x9c: {  	s22 =	simm.s32 $0x0;
	s5 =	sshll.u32 s5, $0x1;
	s6 =	sadd.s32 s21, s4  }
0x9d: {  	[timem:s22], [sflag:s7] =	dma.local [hbm:s6], s5  }
0x9e: {  	_ =	swait.ge [sflag:s7], s5  }
0x9f: {  	s5 =	ssub.s32 $0x0, s5;
	[sflag:s7] =	ssyncset.done $0x0  }
0xa0: {  	[sflag:s7] =	ssyncadd.s32 s5;
	_ =	sdelay $0x1  }
0xa1: {  	s23 =	simm.s32 $0x1B8B  }
0xa2: {  	_ =	swait.ge [sflag:s23], $0x1  }
0xa3: {  	[sflag:s23] =	ssyncset.done $0x0  }
0xa4: {  	[sflag:s23] =	ssyncadd.s32 $0xFFFFFFFF  }
0xa5: {  	s5 =	sld [smem:$0x0]  }
0xa6: {  	s6 =	sand.u32 $0xFFFFFFFE, s1  }
0xa7: {  	p0 =	sne.s32 s1, s6  }
0xa8: {  	s6 =	sshll.u32 @p0 s6, $0xE  }
0xa9: {  	s6 =	sadd.s32 @p0 $0x11B8D, s6;
	s7 =	sshll.u32 @p0 s5, $0x11  }
0xaa: {  	s6 =	sor.u32 @p0 s7, s6  }
0xab: {  	[sflag:s6] =	ssyncadd.remote.s32 @p0 $0x1;
	_ =	sdelay $0x1  }
0xac: {  	s6 =	simm.s32 @p0 $0x1B8D  }
0xad: {  	_ =	swait.eq @p0 [sflag:s6], $0x1  }
0xae: {  	[sflag:s6] =	ssyncadd.s32 @p0 $0xFFFFFFFF  }
0xaf: {  	s7 =	sshll.u32 @!p0 s1, $0xE  }
0xb0: {  	s7 =	sor.u32 @!p0 $0x4000, s7;
	s6 =	simm.s32 @!p0 $0x1B8D  }
0xb1: {  	s5 =	sshll.u32 @!p0 s5, $0x11;
	s7 =	sadd.s32 @!p0 $0x11B8D, s7;
	_ =	swait.eq @!p0 [sflag:s6], $0x1  }
0xb2: {  	s5 =	sor.u32 @!p0 s5, s7;
	[sflag:s6] =	ssyncadd.s32 @!p0 $0xFFFFFFFF  }
0xb3: {  	s25 =	simm.s32 $0x1B8E;
	s24 =	sld [smem:$0x3FFE];
	[sflag:s5] =	ssyncadd.remote.s32 @!p0 $0x1  }
0xb4: {  	s26 =	simm.s32 $execute0_lowered;
	[smem:$0x3FD2] =	sst s25  }
0xb5: {  	s6 =	sshll.u32 s26, $0x1;
	_ =	strace $0x80000049;
	[dreg:$0x1] =	wrdreg $0xFFFFFFFF  }
0xb6: {  	s28 =	simm.s32 $_size_execute0_lowered;
	s4 =	sadd.s32 s4, s6;
	[dreg:$0x0] =	wrdreg $0x0  }
0xb7: {  	s6 =	sshll.u32 s28, $0x1;
	[dreg:$0x2] =	wrdreg s4  }
0xb8: {  	[dreg:$0x3] =	wrdreg s6  }
0xb9: {  	[dreg:$0x4] =	wrdreg $0xC0  }
0xba: {  	_ =	task [dreg:s22], $0x5FFFF  }
0xbb: {  	[dreg:$0x1] =	wrdreg $0xFFFFFFFF  }
0xbc: {  	[dreg:$0x0] =	wrdreg $0x60  }
0xbd: {  	[dreg:$0x2] =	wrdreg s18  }
0xbe: {  	[dreg:$0x3] =	wrdreg s24  }
0xbf: {  	[dreg:$0x4] =	wrdreg $0x9  }
0xc0: {  	_ =	task.clear_ibuf [dreg:s22], $0x5FFFF;
	_ =	strace $0x90000049  }
0xc1: {  	s29 =	simm.s32 $0x9;
	_ =	strace $0x8000004B  }
0xc2: {  	_ =	swait.ge [sflag:s29], $0x1  }
0xc3: {  	[sflag:s29] =	ssyncadd.s32 $0xFFFFFFFF  }
0xc4: {  	_ =	strace $0x9000004B  }
0xc5: {  	_ =	sfence  }
0xc6: {  	s30 =	sld [smem:$0x0];
	_ =	sdelay $0x2  }
0xc7: {  	s31 =	sshll.u32 s1, $0xD;
	s1 =	sshrl.u32 s1, $0x2  }
0xc8: {  	s4 =	sand.u32 $0x4000, s31;
	s1 =	sadd.s32 s1, s30  }
0xc9: {  	s0 =	sor.u32 s4, s0;
	s1 =	sshll.u32 s1, $0x11  }
0xca: {  	s0 =	sor.u32 s1, s0  }
0xcb: {  	s0 =	sadd.s32 $0x8F2B, s0  }
0xcc: {  	[sflag:s0] =	ssyncadd.remote.s32 $0x1  }
0xcd: {  	_ =	sfence.sel $0xFFFF  }
0xce: {  	[dreg:$0x0] =	wrdreg $0xFFFFFFFF;
	(pc) =	sbr.abs _section_cstart, $3  }
0xcf: {  	[dreg:$0x1] =	wrdreg $0xFFFFFFFF  }
0xd0: {  	_ =	task.clear_ibuf [dreg:s22], $0x2FFFF;
	_ =	strace $0x9FFFFFFF  }
0xd1: {  	(tm) =	ssettm $0x7FFFFFFF  }
tec
execute0_lowered:
.L_overlay_start_1:
0x0: {  	(tag) =	ssettag $0x1  }
0x1: {  	s2 =	rddreg [dreg:$0x0]  }
0x2: {  	s0 =	rddreg [dreg:$0x1]  }
0x3: {  	s1 =	srdreg.scid;
	s13 =	stileid.u32  }
0x4: {  	s3 =	simm.s32 $0x0;
	s28 =	simm.s32 $0x6200;
	s29 =	simm.s32 $0x1  }
0x5: {  	s30 =	simm.s32 $0x2;
	s1 =	sand.u32 $0x1, s1;
	s4 =	sshll.u32 s13, $0x1  }
0x6: {  	[smem:$0x7FF] =	sst s3;
	s10 =	sadd.s32 $0x294200, s0;
	s19 =	smul.u32 $0x2710, s13  }
0x7: {  	s7 =	sadd.s32 $0x29E200, s0;
	s23 =	smul.u32 $0x13880, s13;
	s5 =	sor.u32 s1, s4  }
0x8: {  	s31 =	simm.s32 $0x3;
	_ =	strace $0x8000004A;
	s6 =	smul.u32 $0x1388, s5  }
0x9: {  	s4 =	sadd.s32 $0x5800, s0;
	s8 =	ssub.s32 $0x2, s1;
	s21 =	smul.u32 $0x1388, s1  }
0xa: {  	s1 =	smul.u32 $0x9C40, s1;
	s5 =	sadd.s32 $0x299200, s0;
	s9 =	sadd.s32 $0x1300, s6  }
0xb: {  	s0 =	sadd.s32 $0x3D6A00, s0;
	s11 =	sshrl.u32 s8, $0x1;
	s12 =	sshrl.u32 s9, $0x3  }
0xc: {  	s8 =	ssub.s32 s8, s11;
	s24 =	sadd.s32 s21, s19;
	s15 =	sadd.s32 s5, s12  }
0xd: {  	s9 =	sshll.u32 s9, $0x3;
	s16 =	sadd.s32 s10, s12;
	[dreg:$0x5] =	wrdreg s15  }
0xe: {  	s6 =	sadd.s32 $0x1380, s6;
	s17 =	sadd.s32 s7, s9;
	[dreg:$0x6] =	wrdreg s16  }
0xf: {  	s18 =	sshrl.u32 s6, $0x3;
	s9 =	sadd.s32 s0, s9;
	[dreg:$0x7] =	wrdreg s17  }
0x10: {  	s6 =	sshll.u32 s6, $0x3;
	s20 =	sadd.s32 s5, s18;
	[dreg:$0x8] =	wrdreg s9  }
0x11: {  	s25 =	sadd.s32 s23, s0;
	s22 =	sadd.s32 s7, s6;
	[dreg:$0x9] =	wrdreg s20  }
0x12: {  	s21 =	simm.s32 $0x80;
	s6 =	sadd.s32 s0, s6;
	[dreg:$0xb] =	wrdreg s22  }
0x13: {  	s11 =	sadd.s32 $0x80, s24;
	s9 =	sadd.s32 s10, s18;
	[dreg:$0xc] =	wrdreg s6  }
0x14: {  	s15 =	smax.u32 s8, $0x1;
	s8 =	sadd.s32 s1, s25;
	s16 =	sshrl.u32 s11, $0x3  }
0x15: {  	s17 =	sshrl.u32 s24, $0x3;
	s20 =	simm.s32 $0x5;
	s22 =	simm.s32 $0x100  }
0x16: {  	s24 =	simm.s32 $0x4100;
	s25 =	simm.s32 $0x4180;
	[dreg:$0xa] =	wrdreg s9  }
0x17: {  	s9 =	sadd.s32 s23, s7;
	[dreg:$0x3] =	wrdreg s8;
	s26 =	sshll.u32 s16, $0x6  }
0x18: {  	s23 =	simm.s32 $0x2100;
	s1 =	sadd.s32 s1, s9;
	s18 =	sadd.s32 s26, s7  }
0x19: {  	s19 =	sadd.s32 s26, s0;
	s26 =	simm.s32 $0x4200;
	s0 =	simm.s32 $0x4  }
0x1a: {  	s7 =	simm.s32 $0x0;
	[dreg:$0x4] =	wrdreg s1;
	s1 =	simm.s32 $0x8  }
.LBB2_1:
0x1b: {  	p0 =	por $0x1, $0x1  }
0x1c: {  	s6 =	simm.s32 @!p0 $0x3  }
0x1d: {  	_ =	swait.ge @!p0 [sflag:s6], $0x2000  }
0x1e: {  	[sflag:s6] =	ssyncset.done @!p0 $0x0  }
0x1f: {  	[sflag:s6] =	ssyncadd.s32 @!p0 $0xFFFFE000  }
0x20: {  	_ =	swait.ge @!p0 [sflag:s6], $0x2000  }
0x21: {  	[sflag:s6] =	ssyncset.done @!p0 $0x0  }
0x22: {  	[sflag:s6] =	ssyncadd.s32 @!p0 $0xFFFFE000;
	s6 =	simm.s32 @!p0 $0x4  }
0x23: {  	_ =	swait.ge @!p0 [sflag:s6], $0x2000  }
0x24: {  	[sflag:s6] =	ssyncset.done @!p0 $0x0  }
0x25: {  	[sflag:s6] =	ssyncadd.s32 @!p0 $0xFFFFE000  }
0x26: {  	_ =	swait.ge @!p0 [sflag:s6], $0x2000  }
0x27: {  	[sflag:s6] =	ssyncset.done @!p0 $0x0  }
0x28: {  	s14 =	sadd.s32 s5, s17;
	[sflag:s6] =	ssyncadd.s32 @!p0 $0xFFFFE000  }
0x29: {  	[tilespmem:s3], [sflag:$0x5] =	stream.linear.gather [hbm4b:s14+s3], $0x80, $0x38;
	[tilespmem:$0x8200] =	vst v63  }
0x2a: {  	_ =	swait.ge [sflag:s20], $0x80  }
0x2b: {  	[sflag:s20] =	ssyncset.done $0x0  }
0x2c: {  	s8 =	sadd.s32 s10, s17;
	[sflag:s20] =	ssyncadd.s32 $0xFFFFFF80  }
0x2d: {  	[tilespmem:s21], [sflag:$0x5] =	stream.linear.gather [hbm4b:s8+s3], $0x80, $0x38;
	[tilespmem:$0x8200] =	vst v63  }
0x2e: {  	_ =	swait.ge [sflag:s20], $0x80  }
0x2f: {  	[sflag:s20] =	ssyncset.done $0x0  }
0x30: {  	[sflag:s20] =	ssyncadd.s32 $0xFFFFFF80  }
0x31: {  	[tilespmem:s22], [sflag:$0x1] =	stream.indirect.gather [hbm4b:s2+s21], $0x40, s3, s21, $0xb8;
	[tilespmem:$0x8200] =	vst v63  }
0x32: {  	_ = 	snop  }
0x33: {  	[tilespmem:s23], [sflag:$0x1] =	stream.indirect.gather [hbm4b:s4+s21], $0x40, s21, s21, $0xb8;
	[tilespmem:$0x8200] =	vst v63  }
0x34: {  	s9 =	sadd.s32 s5, s16  }
0x35: {  	[tilespmem:s24], [sflag:$0x5] =	stream.linear.gather [hbm4b:s9+s3], $0x80, $0x38;
	[tilespmem:$0x8200] =	vst v63  }
0x36: {  	_ =	swait.ge [sflag:s20], $0x80  }
0x37: {  	[sflag:s20] =	ssyncset.done $0x0  }
0x38: {  	s11 =	sadd.s32 s10, s16;
	[sflag:s20] =	ssyncadd.s32 $0xFFFFFF80  }
0x39: {  	[tilespmem:s25], [sflag:$0x5] =	stream.linear.gather [hbm4b:s11+s3], $0x80, $0x38;
	[tilespmem:$0x8200] =	vst v63  }
0x3a: {  	_ =	swait.ge [sflag:s20], $0x80  }
0x3b: {  	[sflag:s20] =	ssyncset.done $0x0  }
0x3c: {  	[sflag:s20] =	ssyncadd.s32 $0xFFFFFF80  }
0x3d: {  	[tilespmem:s26], [sflag:$0x2] =	stream.indirect.gather [hbm4b:s2+s21], $0x40, s24, s21, $0xb8;
	[tilespmem:$0x8200] =	vst v63  }
0x3e: {  	_ = 	snop  }
0x3f: {  	[tilespmem:s28], [sflag:$0x2] =	stream.indirect.gather [hbm4b:s4+s21], $0x40, s25, s21, $0xb8;
	[tilespmem:$0x8200] =	vst v63  }
0x40: {  	_ =	swait.ge [sflag:s29], $0x2000  }
0x41: {  	[sflag:s29] =	ssyncset.done $0x0  }
0x42: {  	[sflag:s29] =	ssyncadd.s32 $0xFFFFE000  }
0x43: {  	_ =	swait.ge [sflag:s29], $0x2000  }
0x44: {  	s12 =	rddreg [dreg:$0x4];
	[sflag:s29] =	ssyncset.done $0x0  }
0x45: {  	s8 =	rddreg [dreg:$0x3];
	[sflag:s29] =	ssyncadd.s32 $0xFFFFE000;
	s6 =	sadd.s32 $0x0, s12  }
0x46: {  	[hbm4b:s6+s3] =	stream.linear.scatter [tilespmem:s22], [sflag:$0x3], $0x2000, $0x38;
	[tilespmem:$0x8200] =	vst v63  }
0x47: {  	s13 =	sadd.s32 $0x0, s8  }
0x48: {  	[hbm4b:s13+s3] =	stream.linear.scatter [tilespmem:s23], [sflag:$0x3], $0x2000, $0x38;
	[tilespmem:$0x8200] =	vst v63  }
0x49: {  	_ =	swait.ge [sflag:s30], $0x2000  }
0x4a: {  	[sflag:s30] =	ssyncset.done $0x0  }
0x4b: {  	p1 =	por $0x0, $0x0;
	[sflag:s30] =	ssyncadd.s32 $0xFFFFE000  }
0x4c: {  	s14 =	sadd.s32 $0x0, s18;
	s9 =	sadd.s32 $0x20, s5;
	_ =	swait.ge [sflag:s30], $0x2000  }
0x4d: {  	s11 =	simm.s32 $0x1000;
	s8 =	simm.s32 $0x800;
	[sflag:s30] =	ssyncset.done $0x0  }
0x4e: {  	s6 =	smov.u32 s10;
	s13 =	sadd.s32 $0x0, s19;
	[sflag:s30] =	ssyncadd.s32 $0xFFFFE000  }
0x4f: {  	[hbm4b:s14+s3] =	stream.linear.scatter [tilespmem:s26], [sflag:$0x4], $0x2000, $0x38;
	[tilespmem:$0x8200] =	vst v63  }
.LBB2_2:
0x50: {  	s14 =	simm.s32 @!p1 $0x3  }
0x51: {  	[hbm4b:s13+s3] =	stream.linear.scatter [tilespmem:s28], [sflag:$0x4], $0x2000, $0x38;
	[tilespmem:$0x8200] =	vst v63  }
0x52: {  	_ =	swait.ge @!p1 [sflag:s14], $0x2000  }
0x53: {  	[sflag:s14] =	ssyncset.done @!p1 $0x0  }
0x54: {  	[sflag:s14] =	ssyncadd.s32 @!p1 $0xFFFFE000  }
0x55: {  	_ =	swait.ge @!p1 [sflag:s14], $0x2000  }
0x56: {  	[sflag:s14] =	ssyncset.done @!p1 $0x0  }
0x57: {  	s13 =	simm.s32 @!p1 $0x4;
	[sflag:s14] =	ssyncadd.s32 @!p1 $0xFFFFE000  }
0x58: {  	_ =	swait.ge @!p1 [sflag:s13], $0x2000  }
0x59: {  	[sflag:s13] =	ssyncset.done @!p1 $0x0  }
0x5a: {  	[sflag:s13] =	ssyncadd.s32 @!p1 $0xFFFFE000  }
0x5b: {  	_ =	swait.ge @!p1 [sflag:s13], $0x2000  }
0x5c: {  	[sflag:s13] =	ssyncset.done @!p1 $0x0  }
0x5d: {  	s14 =	sadd.s32 s9, s17;
	[sflag:s13] =	ssyncadd.s32 @!p1 $0xFFFFE000  }
0x5e: {  	[tilespmem:s3], [sflag:$0x5] =	stream.linear.gather [hbm4b:s14+s3], $0x80, $0x38;
	[tilespmem:$0x8200] =	vst v63  }
0x5f: {  	_ =	swait.ge [sflag:s20], $0x80  }
0x60: {  	s6 =	sadd.s32 $0x20, s6;
	[sflag:s20] =	ssyncset.done $0x0  }
0x61: {  	s14 =	sadd.s32 s6, s17;
	[sflag:s20] =	ssyncadd.s32 $0xFFFFFF80  }
0x62: {  	[tilespmem:s21], [sflag:$0x5] =	stream.linear.gather [hbm4b:s14+s3], $0x80, $0x38;
	[tilespmem:$0x8200] =	vst v63  }
0x63: {  	_ =	swait.ge [sflag:s20], $0x80  }
0x64: {  	[sflag:s20] =	ssyncset.done $0x0  }
0x65: {  	[sflag:s20] =	ssyncadd.s32 $0xFFFFFF80  }
0x66: {  	[tilespmem:s22], [sflag:$0x1] =	stream.indirect.gather [hbm4b:s2+s21], $0x40, s3, s21, $0xb8;
	[tilespmem:$0x8200] =	vst v63  }
0x67: {  	_ = 	snop  }
0x68: {  	[tilespmem:s23], [sflag:$0x1] =	stream.indirect.gather [hbm4b:s4+s21], $0x40, s21, s21, $0xb8;
	[tilespmem:$0x8200] =	vst v63  }
0x69: {  	s14 =	sadd.s32 s9, s16  }
0x6a: {  	[tilespmem:s24], [sflag:$0x5] =	stream.linear.gather [hbm4b:s14+s3], $0x80, $0x38;
	[tilespmem:$0x8200] =	vst v63  }
0x6b: {  	_ =	swait.ge [sflag:s20], $0x80  }
0x6c: {  	[sflag:s20] =	ssyncset.done $0x0  }
0x6d: {  	s14 =	sadd.s32 s6, s16;
	[sflag:s20] =	ssyncadd.s32 $0xFFFFFF80  }
0x6e: {  	[tilespmem:s25], [sflag:$0x5] =	stream.linear.gather [hbm4b:s14+s3], $0x80, $0x38;
	[tilespmem:$0x8200] =	vst v63  }
0x6f: {  	_ =	swait.ge [sflag:s20], $0x80  }
0x70: {  	[sflag:s20] =	ssyncset.done $0x0  }
0x71: {  	[sflag:s20] =	ssyncadd.s32 $0xFFFFFF80  }
0x72: {  	[tilespmem:s26], [sflag:$0x2] =	stream.indirect.gather [hbm4b:s2+s21], $0x40, s24, s21, $0xb8;
	[tilespmem:$0x8200] =	vst v63  }
0x73: {  	_ = 	snop  }
0x74: {  	[tilespmem:s28], [sflag:$0x2] =	stream.indirect.gather [hbm4b:s4+s21], $0x40, s25, s21, $0xb8;
	[tilespmem:$0x8200] =	vst v63  }
0x75: {  	_ =	swait.ge [sflag:s29], $0x2000  }
0x76: {  	[sflag:s29] =	ssyncset.done $0x0  }
0x77: {  	[sflag:s29] =	ssyncadd.s32 $0xFFFFE000  }
0x78: {  	_ =	swait.ge [sflag:s29], $0x2000  }
0x79: {  	s12 =	smov.u32 s8;
	s13 =	rddreg [dreg:$0x4];
	[sflag:s29] =	ssyncset.done $0x0  }
0x7a: {  	s14 =	rddreg [dreg:$0x3];
	[sflag:s29] =	ssyncadd.s32 $0xFFFFE000;
	s13 =	sadd.s32 s12, s13  }
0x7b: {  	[hbm4b:s13+s3] =	stream.linear.scatter [tilespmem:s22], [sflag:$0x3], $0x2000, $0x38;
	[tilespmem:$0x8200] =	vst v63  }
0x7c: {  	s14 =	sadd.s32 s12, s14  }
0x7d: {  	[hbm4b:s14+s3] =	stream.linear.scatter [tilespmem:s23], [sflag:$0x3], $0x2000, $0x38;
	[tilespmem:$0x8200] =	vst v63  }
0x7e: {  	s8 =	smov.u32 s11;
	s11 =	sadd.s32 $0x800, s11;
	_ =	swait.ge [sflag:s30], $0x2000  }
0x7f: {  	p0 =	sne.s32 s11, $0x9800;
	[sflag:s30] =	ssyncset.done $0x0  }
.Ltmp0:
0x80: {  	[sflag:s30] =	ssyncadd.s32 $0xFFFFE000;
	(pc) =	sbr.rel @p0 .LBB2_2-.Ltmp0, $4  }
0x81: {  	_ =	swait.ge [sflag:s30], $0x2000  }
0x82: {  	p1 =	seq.s32 s8, $0x0;
	s9 =	sadd.s32 $0x20, s9;
	[sflag:s30] =	ssyncset.done $0x0  }
0x83: {  	s13 =	sadd.s32 s12, s19;
	s12 =	sadd.s32 s12, s18;
	[sflag:s30] =	ssyncadd.s32 $0xFFFFE000  }
0x84: {  	[hbm4b:s12+s3] =	stream.linear.scatter [tilespmem:s26], [sflag:$0x4], $0x2000, $0x38;
	[tilespmem:$0x8200] =	vst v63  }
0x85: {  	[hbm4b:s13+s3] =	stream.linear.scatter [tilespmem:s28], [sflag:$0x4], $0x2000, $0x38;
	[tilespmem:$0x8200] =	vst v63  }
0x86: {  	s11 =	simm.s32 @!p1 $0x3  }
0x87: {  	_ =	swait.ge @!p1 [sflag:s11], $0x2000  }
0x88: {  	[sflag:s11] =	ssyncset.done @!p1 $0x0  }
0x89: {  	[sflag:s11] =	ssyncadd.s32 @!p1 $0xFFFFE000  }
0x8a: {  	_ =	swait.ge @!p1 [sflag:s11], $0x2000  }
0x8b: {  	[sflag:s11] =	ssyncset.done @!p1 $0x0  }
0x8c: {  	[sflag:s11] =	ssyncadd.s32 @!p1 $0xFFFFE000;
	s11 =	simm.s32 @!p1 $0x4  }
0x8d: {  	_ =	swait.ge @!p1 [sflag:s11], $0x2000  }
0x8e: {  	[sflag:s11] =	ssyncset.done @!p1 $0x0  }
0x8f: {  	[sflag:s11] =	ssyncadd.s32 @!p1 $0xFFFFE000  }
0x90: {  	_ =	swait.ge @!p1 [sflag:s11], $0x2000  }
0x91: {  	[sflag:s11] =	ssyncset.done @!p1 $0x0  }
0x92: {  	s13 =	sadd.s32 s9, s17;
	[sflag:s11] =	ssyncadd.s32 @!p1 $0xFFFFE000  }
0x93: {  	[tilespmem:s3], [sflag:$0x5] =	stream.linear.gather [hbm4b:s13+s3], $0x80, $0x38;
	[tilespmem:$0x8200] =	vst v63  }
0x94: {  	_ =	swait.ge [sflag:s20], $0x80  }
0x95: {  	s6 =	sadd.s32 $0x20, s6;
	[sflag:s20] =	ssyncset.done $0x0  }
0x96: {  	s14 =	sadd.s32 s6, s17;
	[sflag:s20] =	ssyncadd.s32 $0xFFFFFF80  }
0x97: {  	[tilespmem:s21], [sflag:$0x5] =	stream.linear.gather [hbm4b:s14+s3], $0x80, $0x38;
	[tilespmem:$0x8200] =	vst v63  }
0x98: {  	_ =	swait.ge [sflag:s20], $0x80  }
0x99: {  	[sflag:s20] =	ssyncset.done $0x0  }
0x9a: {  	[sflag:s20] =	ssyncadd.s32 $0xFFFFFF80  }
0x9b: {  	[tilespmem:s22], [sflag:$0x1] =	stream.indirect.gather [hbm4b:s2+s21], $0x40, s3, s21, $0xb8;
	[tilespmem:$0x8200] =	vst v63  }
0x9c: {  	_ = 	snop  }
0x9d: {  	[tilespmem:s23], [sflag:$0x1] =	stream.indirect.gather [hbm4b:s4+s21], $0x40, s21, s21, $0xb8;
	[tilespmem:$0x8200] =	vst v63  }
0x9e: {  	s12 =	sadd.s32 s9, s16  }
0x9f: {  	[tilespmem:s24], [sflag:$0x5] =	stream.linear.gather [hbm4b:s12+s3], $0x80, $0x38;
	[tilespmem:$0x8200] =	vst v63  }
0xa0: {  	_ =	swait.ge [sflag:s20], $0x80  }
0xa1: {  	[sflag:s20] =	ssyncset.done $0x0  }
0xa2: {  	s6 =	sadd.s32 s6, s16;
	[sflag:s20] =	ssyncadd.s32 $0xFFFFFF80  }
0xa3: {  	[tilespmem:s25], [sflag:$0x5] =	stream.linear.gather [hbm4b:s6+s3], $0x80, $0x38;
	[tilespmem:$0x8200] =	vst v63  }
0xa4: {  	_ =	swait.ge [sflag:s20], $0x80  }
0xa5: {  	[sflag:s20] =	ssyncset.done $0x0  }
0xa6: {  	[sflag:s20] =	ssyncadd.s32 $0xFFFFFF80  }
0xa7: {  	[tilespmem:s26], [sflag:$0x2] =	stream.indirect.gather [hbm4b:s2+s21], $0x40, s24, s21, $0xb8;
	[tilespmem:$0x8200] =	vst v63  }
0xa8: {  	_ = 	snop  }
0xa9: {  	[tilespmem:s28], [sflag:$0x2] =	stream.indirect.gather [hbm4b:s4+s21], $0x40, s25, s21, $0xb8;
	[tilespmem:$0x8200] =	vst v63  }
0xaa: {  	_ =	swait.ge [sflag:s29], $0x2000  }
0xab: {  	[sflag:s29] =	ssyncset.done $0x0  }
0xac: {  	[sflag:s29] =	ssyncadd.s32 $0xFFFFE000  }
0xad: {  	_ =	swait.ge [sflag:s29], $0x2000  }
0xae: {  	s13 =	rddreg [dreg:$0x4];
	[sflag:s29] =	ssyncset.done $0x0  }
0xaf: {  	s14 =	rddreg [dreg:$0x3];
	[sflag:s29] =	ssyncadd.s32 $0xFFFFE000;
	s6 =	sadd.s32 s8, s13  }
0xb0: {  	[hbm4b:s6+s3] =	stream.linear.scatter [tilespmem:s22], [sflag:$0x3], $0x2000, $0x38;
	[tilespmem:$0x8200] =	vst v63  }
0xb1: {  	s9 =	sadd.s32 s8, s14  }
0xb2: {  	[hbm4b:s9+s3] =	stream.linear.scatter [tilespmem:s23], [sflag:$0x3], $0x2000, $0x38;
	[tilespmem:$0x8200] =	vst v63  }
0xb3: {  	_ =	swait.ge [sflag:s30], $0x2000  }
0xb4: {  	[sflag:s30] =	ssyncset.done $0x0  }
0xb5: {  	[sflag:s30] =	ssyncadd.s32 $0xFFFFE000  }
0xb6: {  	_ =	swait.ge [sflag:s30], $0x2000  }
0xb7: {  	[sflag:s30] =	ssyncset.done $0x0  }
0xb8: {  	s11 =	sadd.s32 s8, s18;
	[sflag:s30] =	ssyncadd.s32 $0xFFFFE000  }
0xb9: {  	[hbm4b:s11+s3] =	stream.linear.scatter [tilespmem:s26], [sflag:$0x4], $0x2000, $0x38;
	[tilespmem:$0x8200] =	vst v63  }
0xba: {  	s12 =	sadd.s32 s8, s19  }
0xbb: {  	[hbm4b:s12+s3] =	stream.linear.scatter [tilespmem:s28], [sflag:$0x4], $0x2000, $0x38;
	[tilespmem:$0x8200] =	vst v63  }
0xbc: {  	_ =	swait.ge [sflag:s31], $0x2000  }
0xbd: {  	[sflag:s31] =	ssyncset.done $0x0  }
0xbe: {  	[sflag:s31] =	ssyncadd.s32 $0xFFFFE000  }
0xbf: {  	_ =	swait.ge [sflag:s31], $0x2000  }
0xc0: {  	[sflag:s31] =	ssyncset.done $0x0  }
0xc1: {  	[sflag:s31] =	ssyncadd.s32 $0xFFFFE000  }
0xc2: {  	_ =	swait.ge [sflag:s0], $0x2000  }
0xc3: {  	[sflag:s0] =	ssyncset.done $0x0  }
0xc4: {  	[sflag:s0] =	ssyncadd.s32 $0xFFFFE000  }
0xc5: {  	_ =	swait.ge [sflag:s0], $0x2000  }
0xc6: {  	[sflag:s0] =	ssyncset.done $0x0  }
0xc7: {  	s13 =	rddreg [dreg:$0x5];
	[sflag:s0] =	ssyncadd.s32 $0xFFFFE000  }
0xc8: {  	[tilespmem:s3], [sflag:$0x5] =	stream.linear.gather [hbm4b:s13+s3], $0x80, $0x38;
	[tilespmem:$0x8200] =	vst v63  }
0xc9: {  	_ =	swait.ge [sflag:s20], $0x80  }
0xca: {  	[sflag:s20] =	ssyncset.done $0x0  }
0xcb: {  	s14 =	rddreg [dreg:$0x6];
	[sflag:s20] =	ssyncadd.s32 $0xFFFFFF80  }
0xcc: {  	[tilespmem:s21], [sflag:$0x5] =	stream.linear.gather [hbm4b:s14+s3], $0x80, $0x38;
	[tilespmem:$0x8200] =	vst v63  }
0xcd: {  	_ =	swait.ge [sflag:s20], $0x80  }
0xce: {  	[sflag:s20] =	ssyncset.done $0x0  }
0xcf: {  	[sflag:s20] =	ssyncadd.s32 $0xFFFFFF80  }
0xd0: {  	[tilespmem:s22], [sflag:$0x1] =	stream.indirect.gather [hbm4b:s2+s21], $0x40, s3, s21, $0xb8;
	[tilespmem:$0x8200] =	vst v63  }
0xd1: {  	_ = 	snop  }
0xd2: {  	[tilespmem:s23], [sflag:$0x1] =	stream.indirect.gather [hbm4b:s4+s21], $0x40, s21, s21, $0xb8;
	[tilespmem:$0x8200] =	vst v63  }
0xd3: {  	_ =	swait.ge [sflag:s29], $0x2000  }
0xd4: {  	[sflag:s29] =	ssyncset.done $0x0  }
0xd5: {  	[sflag:s29] =	ssyncadd.s32 $0xFFFFE000  }
0xd6: {  	_ =	swait.ge [sflag:s29], $0x2000  }
0xd7: {  	[sflag:s29] =	ssyncset.done $0x0  }
0xd8: {  	s8 =	rddreg [dreg:$0x7];
	[sflag:s29] =	ssyncadd.s32 $0xFFFFE000  }
0xd9: {  	[hbm4b:s8+s3] =	stream.linear.scatter [tilespmem:s22], [sflag:$0x5], $0x2000, $0x38;
	[tilespmem:$0x8200] =	vst v63  }
0xda: {  	_ =	swait.ge [sflag:s20], $0x2000  }
0xdb: {  	[sflag:s20] =	ssyncset.done $0x0  }
0xdc: {  	s9 =	rddreg [dreg:$0x8];
	[sflag:s20] =	ssyncadd.s32 $0xFFFFE000  }
0xdd: {  	[hbm4b:s9+s3] =	stream.linear.scatter [tilespmem:s23], [sflag:$0x5], $0x2000, $0x38;
	[tilespmem:$0x8200] =	vst v63  }
0xde: {  	_ =	swait.ge [sflag:s20], $0x2000  }
0xdf: {  	[sflag:s20] =	ssyncset.done $0x0  }
0xe0: {  	s11 =	rddreg [dreg:$0x9];
	[sflag:s20] =	ssyncadd.s32 $0xFFFFE000  }
0xe1: {  	[tilespmem:s3], [sflag:$0x5] =	stream.linear.gather [hbm4b:s11+s3], $0x8, $0x38;
	[tilespmem:$0x8200] =	vst v63  }
0xe2: {  	_ =	swait.ge [sflag:s20], $0x8  }
0xe3: {  	[sflag:s20] =	ssyncset.done $0x0  }
0xe4: {  	s12 =	rddreg [dreg:$0xa];
	[sflag:s20] =	ssyncadd.s32 $0xFFFFFFF8  }
0xe5: {  	[tilespmem:s21], [sflag:$0x5] =	stream.linear.gather [hbm4b:s12+s3], $0x8, $0x38;
	[tilespmem:$0x8200] =	vst v63  }
0xe6: {  	_ =	swait.ge [sflag:s20], $0x8  }
0xe7: {  	[sflag:s20] =	ssyncset.done $0x0  }
0xe8: {  	[sflag:s20] =	ssyncadd.s32 $0xFFFFFFF8  }
0xe9: {  	[tilespmem:s22], [sflag:$0x1] =	stream.indirect.gather [hbm4b:s2+s1], $0x40, s3, s1, $0xb8;
	[tilespmem:$0x8200] =	vst v63  }
0xea: {  	_ = 	snop  }
0xeb: {  	[tilespmem:s23], [sflag:$0x1] =	stream.indirect.gather [hbm4b:s4+s1], $0x40, s21, s1, $0xb8;
	[tilespmem:$0x8200] =	vst v63  }
0xec: {  	_ =	swait.ge [sflag:s29], $0x200  }
0xed: {  	[sflag:s29] =	ssyncset.done $0x0  }
0xee: {  	[sflag:s29] =	ssyncadd.s32 $0xFFFFFE00  }
0xef: {  	_ =	swait.ge [sflag:s29], $0x200  }
0xf0: {  	[sflag:s29] =	ssyncset.done $0x0  }
0xf1: {  	s13 =	rddreg [dreg:$0xb];
	[sflag:s29] =	ssyncadd.s32 $0xFFFFFE00  }
0xf2: {  	[hbm4b:s13+s3] =	stream.linear.scatter [tilespmem:s22], [sflag:$0x5], $0x200, $0x38;
	[tilespmem:$0x8200] =	vst v63  }
0xf3: {  	s7 =	sadd.s32 $0x1, s7;
	_ =	swait.ge [sflag:s20], $0x200  }
0xf4: {  	p0 =	sne.s32 s7, s15;
	[sflag:s20] =	ssyncset.done $0x0  }
.Ltmp1:
0xf5: {  	s14 =	rddreg [dreg:$0xc];
	[sflag:s20] =	ssyncadd.s32 $0xFFFFFE00;
	(pc) =	sbr.rel @p0 .LBB2_1-.Ltmp1, $4  }
0xf6: {  	[hbm4b:s14+s3] =	stream.linear.scatter [tilespmem:s23], [sflag:$0x5], $0x200, $0x38;
	[tilespmem:$0x8200] =	vst v63  }
0xf7: {  	_ =	swait.ge [sflag:s20], $0x200  }
0xf8: {  	[sflag:s20] =	ssyncset.done $0x0  }
0xf9: {  	[sflag:s20] =	ssyncadd.s32 $0xFFFFFE00  }
0xfa: {  	_ =	sfence.sel $0x180000  }
0xfb: {  	[bflag:$0x0] =	sbarrier.arrive $0xFFFF  }
0xfc: {  	_ =	strace $0x9000004A  }
0xfd: {  	s0 =	stileid.u32;
	[bflag:$0x2] =	sbarrier.arrive $0xFFFF  }
0xfe: {  	p0 =	sne.s32 s0, $0x0;
	s0 =	rddreg [dreg:$0x2]  }
0xff: {  	s0 =	sadd.s32 @!p0 $0x100000, s0  }
0x100: {  	[sflag:s0] =	ssyncadd.tile.s32 @!p0 $0x1;
	_ =	shalt  }
.Lfunc_end2:
_tile_overlayer_lowered:
.L_overlay_start_2:
0x101: {  	(tag) =	ssettag $0x2  }
0x102: {  	s0 =	rddreg [dreg:$0x0];
	s2 =	stileid.u32  }
0x103: {  	s1 =	rddreg [dreg:$0x1];
	p0 =	sne.s32 s2, $0x0  }
0x104: {  	s3 =	rddreg [dreg:$0x2];
	[bflag:$0x3] =	sbarrier.arrive $0xFFFF;
	s2 =	simm.s32 @!p0 $0x1C05  }
0x105: {  	[timem:s3], [sflag:s2] =	dma.local @!p0 [hbm:s0], s1  }
0x106: {  	s0 =	simm.s32 @!p0 $0x5  }
0x107: {  	_ =	swait.ge @!p0 [sflag:s0], s1  }
0x108: {  	s1 =	ssub.s32 @!p0 $0x0, s1;
	[sflag:s0] =	ssyncset.done @!p0 $0x0  }
0x109: {  	[sflag:s0] =	ssyncadd.s32 @!p0 s1  }
0x10a: {  	[bflag:$0x3] =	sbarrier.arrive $0xFFFF  }
0x10b: {  	_ =	shalt  }

// kernel: kernel.13.cloned.1.call-start
scs
__scs_entry_jumppad:
0x0: {  	(pc) =	sbr.rel $0x88, $3  }
0x1: {  	(tag) =	ssettag $0x0;
	lr =	simm.s32 $0x1  }
0x2: {  	[smem:$0x3F8E] =	sst lr;
	_ =	strace $0xD0000000  }
0x3: {  	_ = 	snop  }
0x4: {  	_ = 	snop  }
0x5: {  	_ = 	snop  }
0x6: {  	_ = 	snop  }
0x7: {  	_ = 	snop  }
__scs_overlays_trampoline_lowered:
0x8: {  	[smem:$0x3F9D] =	sst s0  }
0x9: {  	[smem:$0x3F9E] =	sst s1  }
0xa: {  	[smem:$0x3F9F] =	sst s2  }
0xb: {  	[smem:$0x3FA0] =	sst s3  }
0xc: {  	[smem:$0x3FA1] =	sst s4  }
0xd: {  	[smem:$0x3FA2] =	sst s5  }
0xe: {  	[smem:$0x3FA3] =	sst s6  }
0xf: {  	[smem:$0x3FA4] =	sst s7  }
0x10: {  	[smem:$0x3FA5] =	sst s8  }
0x11: {  	[smem:$0x3FA6] =	sst s9;
	s0 =	simm.s32 @!p0 $0x0  }
0x12: {  	s1 =	sld [smem:$0x3F8C];
	s0 =	simm.s32 @p0 $0x1  }
0x13: {  	[smem:$0x3FA7] =	sst s0;
	s0 =	simm.s32 @!p1 $0x0  }
0x14: {  	s2 =	sld [smem:$0x3F8B];
	s0 =	simm.s32 @p1 $0x1  }
0x15: {  	[smem:$0x3FA8] =	sst s0;
	s0 =	simm.s32 @!p2 $0x0  }
0x16: {  	s3 =	sld [smem:$0x3FDB];
	s0 =	simm.s32 @p2 $0x1  }
0x17: {  	s4 =	simm.s32 $0x1BF5;
	[smem:$0x3FAA] =	sst s0  }
0x18: {  	s0 =	sld [smem:$0x3F8D];
	_ =	swait.ge [sflag:s4], $0x0  }
0x19: {  	s7 =	sld [smem:$0x3F8E]  }
0x1a: {  	s8 =	sadd.s32 $0xFFFFE003, lr  }
0x1b: {  	s9 =	sadd.s32 $0xFFFFFEF7, lr;
	s5 =	simm.s32 $0xFFFFFFFF;
	p2 =	slt.u32 s8, $0xFFFFF086  }
0x1c: {  	p1 =	slt.u32 s9, $0xF7A;
	s5 =	simm.s32 @!p2 $0x0  }
0x1d: {  	s5 =	simm.s32 @p1 $0x1;
	p0 =	seq.s32 s7, s2  }
0x1e: {  	s7 =	smul.u32 @!p0 $0xF7A, s2;
	p2 =	seq.s32 @!p0 s5, $0x0  }
0x1f: {  	s9 =	smul.u32 $0xF7A, s1;
	s8 =	simm.s32 @!p0 $0x1BF5;
	p2 =	por !p2, p0  }
0x20: {  	[sflag:s8] =	ssyncset.s32 @!p0 $0xFFFFF086;
	s6 =	sadd.s32 @!p0 s3, s7;
	s7 =	simm.s32 @!p0 $0x108  }
0x21: {  	s3 =	sadd.s32 s3, s9;
	s6 =	sadd.s32 @!p0 $0x88, s6;
	s7 =	simm.s32 @p2 $0x1082  }
0x22: {  	[simem:s7], [sflag:s8] =	dma.local @!p0 [hbm:s6], $0xF7A  }
0x23: {  	s9 =	sor.u32 $0xD0000000, s2;
	s6 =	simm.s32 $0x108;
	_ =	swait.ge @!p0 [sflag:s8], $0x0  }
0x24: {  	s3 =	sadd.s32 $0x88, s3;
	s6 =	simm.s32 @!p1 $0x1082;
	[sflag:s4] =	ssyncset.s32 $0xFFFFF086  }
0x25: {  	[simem:s6], [sflag:s4] =	dma.local [hbm:s3], $0xF7A  }
0x26: {  	[smem:$0x3F8E] =	sst s1;
	(tag) =	ssettag s2;
	_ =	strace s9  }
0x27: {  	s1 =	sld [smem:$0x3F9E]  }
0x28: {  	s2 =	sld [smem:$0x3F9F]  }
0x29: {  	s4 =	sld [smem:$0x3FA1]  }
0x2a: {  	p0 =	seq.s32 s5, $0x0;
	s5 =	sld [smem:$0x3FA2]  }
0x2b: {  	s6 =	sld [smem:$0x3FA3]  }
0x2c: {  	s7 =	sld [smem:$0x3FA4]  }
0x2d: {  	s3 =	simm.s32 $0x108;
	s8 =	sld [smem:$0x3FA5]  }
0x2e: {  	s3 =	simm.s32 @!p0 $0x1082;
	s9 =	sld [smem:$0x3FA6]  }
0x2f: {  	lr =	sadd.s32 s0, s3;
	s0 =	sld [smem:$0x3F9D]  }
0x30: {  	s3 =	sld [smem:$0x3FA0]  }
0x31: {  	[smem:$0x3FA9] =	sst s10  }
0x32: {  	s10 =	sld [smem:$0x3FA7];
	_ =	sdelay $0x3  }
0x33: {  	p0 =	seq.s32 s10, $0x1;
	s10 =	sld [smem:$0x3FA9];
	_ =	sdelay $0x3  }
0x34: {  	[smem:$0x3FA9] =	sst s10  }
0x35: {  	s10 =	sld [smem:$0x3FA8];
	_ =	sdelay $0x3  }
0x36: {  	p1 =	seq.s32 s10, $0x1;
	s10 =	sld [smem:$0x3FA9];
	_ =	sdelay $0x3  }
0x37: {  	[smem:$0x3FA9] =	sst s10  }
0x38: {  	s10 =	sld [smem:$0x3FAA]  }
0x39: {  	_ = 	snop;
	(pc) =	sbr.ind lr, $3  }
0x3a: {  	_ = 	snop  }
0x3b: {  	_ = 	snop  }
0x3c: {  	p2 =	seq.s32 s10, $0x1;
	s10 =	sld [smem:$0x3FA9]  }
0x3d: {  	_ =	shalt  }
0x3e: {  	_ =	shalt  }
0x3f: {  	_ =	shalt  }
0x40: {  	_ =	shalt  }
0x41: {  	_ =	shalt  }
0x42: {  	_ =	shalt  }
0x43: {  	_ =	shalt  }
0x44: {  	_ =	shalt  }
0x45: {  	_ =	shalt  }
0x46: {  	_ =	shalt  }
0x47: {  	_ =	shalt  }
0x48: {  	_ =	shalt  }
0x49: {  	_ =	shalt  }
0x4a: {  	_ =	shalt  }
0x4b: {  	_ =	shalt  }
0x4c: {  	_ =	shalt  }
0x4d: {  	_ =	shalt  }
0x4e: {  	_ =	shalt  }
0x4f: {  	_ =	shalt  }
0x50: {  	_ =	shalt  }
0x51: {  	_ =	shalt  }
0x52: {  	_ =	shalt  }
0x53: {  	_ =	shalt  }
0x54: {  	_ =	shalt  }
0x55: {  	_ =	shalt  }
0x56: {  	_ =	shalt  }
0x57: {  	_ =	shalt  }
0x58: {  	_ =	shalt  }
0x59: {  	_ =	shalt  }
0x5a: {  	_ =	shalt  }
0x5b: {  	_ =	shalt  }
0x5c: {  	_ =	shalt  }
0x5d: {  	_ =	shalt  }
0x5e: {  	_ =	shalt  }
0x5f: {  	_ =	shalt  }
0x60: {  	_ =	shalt  }
0x61: {  	_ =	shalt  }
0x62: {  	_ =	shalt  }
0x63: {  	_ =	shalt  }
0x64: {  	_ =	shalt  }
0x65: {  	_ =	shalt  }
0x66: {  	_ =	shalt  }
0x67: {  	_ =	shalt  }
0x68: {  	_ =	shalt  }
0x69: {  	_ =	shalt  }
0x6a: {  	_ =	shalt  }
0x6b: {  	_ =	shalt  }
0x6c: {  	_ =	shalt  }
0x6d: {  	_ =	shalt  }
0x6e: {  	_ =	shalt  }
0x6f: {  	_ =	shalt  }
0x70: {  	_ =	shalt  }
0x71: {  	_ =	shalt  }
0x72: {  	_ =	shalt  }
0x73: {  	_ =	shalt  }
0x74: {  	_ =	shalt  }
0x75: {  	_ =	shalt  }
0x76: {  	_ =	shalt  }
0x77: {  	_ =	shalt  }
0x78: {  	_ =	shalt  }
0x79: {  	_ =	shalt  }
0x7a: {  	_ =	shalt  }
0x7b: {  	_ =	shalt  }
0x7c: {  	_ =	shalt  }
0x7d: {  	_ =	shalt  }
0x7e: {  	_ =	shalt  }
0x7f: {  	_ =	shalt  }
0x80: {  	_ =	shalt  }
0x81: {  	_ =	shalt  }
0x82: {  	_ =	shalt  }
0x83: {  	_ =	shalt  }
0x84: {  	_ =	shalt  }
0x85: {  	_ =	shalt  }
0x86: {  	_ =	shalt  }
0x87: {  	_ =	shalt  }
.Lfunc_end0:
.L_simem_size_0:
called_computation.1_lowered:
.L_overlay_start_0:
0x88: {  	s2 =	sld [smem:$0x3FD9]  }
0x89: {  	s3 =	sld [smem:$0x3FFE];
	_ =	sdelay $0x1  }
0x8a: {  	s1 =	srdreg.scid  }
0x8b: {  	s0 =	sand.u32 $0x1, s1  }
0x8c: {  	s17 =	sshll.u32 s0, $0xA;
	s2 =	sadd.s32 s3, s2  }
0x8d: {  	s2 =	sadd.s32 s2, s17  }
0x8e: {  	[smem:$0x3FB5] =	sst s2  }
0x8f: {  	_ = 	snop  }
0x90: {  	s2 =	sld [smem:$0x3FD0];
	(tm) =	ssettm $0x1  }
0x91: {  	s18 =	sld [smem:$0x3FFB];
	_ =	sdelay $0x3  }
0x92: {  	_ =	strace s18  }
0x93: {  	s3 =	sld [smem:$0x3FFC];
	_ =	sdelay $0x3  }
0x94: {  	_ =	strace s3  }
0x95: {  	s3 =	sld [smem:$0x3FFD];
	_ =	sdelay $0x3  }
0x96: {  	_ =	strace s3  }
0x97: {  	_ =	strace $0x8FFFFFFF  }
0x98: {  	s19 =	sld [smem:$0x3FDB];
	_ =	sdelay $0x1  }
0x99: {  	s4 =	simm.s32 $_scs_section_size  }
0x9a: {  	s5 =	simm.s32 $_size__tile_overlayer_lowered;
	s6 =	simm.s32 $_tile_overlayer_lowered  }
0x9b: {  	s22 =	simm.s32 $0x1BFF;
	s21 =	sshll.u32 s6, $0x1;
	s3 =	sadd.s32 s4, s19  }
0x9c: {  	s7 =	simm.s32 $0x0;
	s20 =	sshll.u32 s5, $0x1;
	s5 =	sadd.s32 s21, s3  }
0x9d: {  	[timem:s7], [sflag:s22] =	dma.local [hbm:s5], s20  }
0x9e: {  	_ =	swait.ge [sflag:s22], s20  }
0x9f: {  	s4 =	ssub.s32 $0x0, s20;
	[sflag:s22] =	ssyncset.done $0x0  }
0xa0: {  	[sflag:s22] =	ssyncadd.s32 s4;
	_ =	sdelay $0x1  }
0xa1: {  	s23 =	simm.s32 $0x1B8B  }
0xa2: {  	_ =	swait.ge [sflag:s23], $0x1  }
0xa3: {  	[sflag:s23] =	ssyncset.done $0x0  }
0xa4: {  	s25 =	simm.s32 $0x1B8E;
	s24 =	sld [smem:$0x3FFE];
	[sflag:s23] =	ssyncadd.s32 $0xFFFFFFFF  }
0xa5: {  	s26 =	simm.s32 $execute0_lowered;
	[smem:$0x3FD2] =	sst s25  }
0xa6: {  	s5 =	sshll.u32 s26, $0x1;
	_ =	strace $0x80000046;
	[dreg:$0x1] =	wrdreg $0xFFFFFFFF  }
0xa7: {  	s28 =	simm.s32 $_size_execute0_lowered;
	s3 =	sadd.s32 s3, s5;
	[dreg:$0x0] =	wrdreg $0x0  }
0xa8: {  	s5 =	sshll.u32 s28, $0x1;
	[dreg:$0x2] =	wrdreg s3  }
0xa9: {  	[dreg:$0x3] =	wrdreg s5  }
0xaa: {  	[dreg:$0x4] =	wrdreg $0xC0  }
0xab: {  	_ =	task [dreg:s7], $0x5FFFF  }
0xac: {  	[dreg:$0x1] =	wrdreg $0xFFFFFFFF  }
0xad: {  	[dreg:$0x0] =	wrdreg $0x60  }
0xae: {  	[dreg:$0x2] =	wrdreg s2  }
0xaf: {  	[dreg:$0x3] =	wrdreg s24  }
0xb0: {  	[dreg:$0x4] =	wrdreg $0xA  }
0xb1: {  	_ =	task.clear_ibuf [dreg:s7], $0x5FFFF;
	_ =	strace $0x90000046  }
0xb2: {  	s29 =	simm.s32 $0xA;
	_ =	strace $0x80000048  }
0xb3: {  	_ =	swait.ge [sflag:s29], $0x1  }
0xb4: {  	[sflag:s29] =	ssyncadd.s32 $0xFFFFFFFF  }
0xb5: {  	_ =	strace $0x90000048  }
0xb6: {  	_ =	sfence  }
0xb7: {  	s30 =	sld [smem:$0x0];
	_ =	sdelay $0x2  }
0xb8: {  	s31 =	sshll.u32 s1, $0xD;
	s1 =	sshrl.u32 s1, $0x2  }
0xb9: {  	s3 =	sand.u32 $0x4000, s31;
	s1 =	sadd.s32 s1, s30  }
0xba: {  	s0 =	sor.u32 s3, s0;
	s1 =	sshll.u32 s1, $0x11  }
0xbb: {  	s0 =	sor.u32 s1, s0  }
0xbc: {  	s0 =	sadd.s32 $0x8F2B, s0  }
0xbd: {  	[sflag:s0] =	ssyncadd.remote.s32 $0x1  }
0xbe: {  	_ =	sfence.sel $0xFFFF  }
0xbf: {  	[dreg:$0x0] =	wrdreg $0xFFFFFFFF;
	(pc) =	sbr.abs _section_cstart, $3  }
0xc0: {  	[dreg:$0x1] =	wrdreg $0xFFFFFFFF  }
0xc1: {  	_ =	task.clear_ibuf [dreg:s7], $0x2FFFF;
	_ =	strace $0x9FFFFFFF  }
0xc2: {  	(tm) =	ssettm $0x7FFFFFFF  }
0xc3: {  	_ =	shalt  }
tec
execute0_lowered:
.L_overlay_start_1:
0x0: {  	(tag) =	ssettag $0x1  }
0x1: {  	s2 =	rddreg [dreg:$0x0]  }
0x2: {  	s0 =	rddreg [dreg:$0x1]  }
0x3: {  	s1 =	srdreg.scid;
	s13 =	stileid.u32  }
0x4: {  	s3 =	simm.s32 $0x0;
	s28 =	simm.s32 $0x6200;
	s29 =	simm.s32 $0x1  }
0x5: {  	s30 =	simm.s32 $0x2;
	s31 =	simm.s32 $0x3;
	s1 =	sand.u32 $0x1, s1  }
0x6: {  	s4 =	sshll.u32 s13, $0x1;
	[smem:$0x7FF] =	sst s3;
	s19 =	smul.u32 $0x2710, s13  }
0x7: {  	s5 =	sadd.s32 $0x1E200, s0;
	s23 =	smul.u32 $0x13880, s13;
	s4 =	sor.u32 s1, s4  }
0x8: {  	s10 =	sadd.s32 $0x19200, s0;
	s7 =	sadd.s32 $0x23200, s0;
	s6 =	smul.u32 $0x1388, s4  }
0x9: {  	_ =	strace $0x80000047;
	s8 =	ssub.s32 $0x2, s1;
	s21 =	smul.u32 $0x1388, s1  }
0xa: {  	s1 =	smul.u32 $0x9C40, s1;
	s4 =	sadd.s32 $0x5800, s0;
	s9 =	sadd.s32 $0x1300, s6  }
0xb: {  	s0 =	sadd.s32 $0x15BA00, s0;
	s11 =	sshrl.u32 s8, $0x1;
	s12 =	sshrl.u32 s9, $0x3  }
0xc: {  	s8 =	ssub.s32 s8, s11;
	s24 =	sadd.s32 s21, s19;
	s15 =	sadd.s32 s5, s12  }
0xd: {  	s9 =	sshll.u32 s9, $0x3;
	s16 =	sadd.s32 s10, s12;
	[dreg:$0x5] =	wrdreg s15  }
0xe: {  	s6 =	sadd.s32 $0x1380, s6;
	s17 =	sadd.s32 s7, s9;
	[dreg:$0x6] =	wrdreg s16  }
0xf: {  	s18 =	sshrl.u32 s6, $0x3;
	s9 =	sadd.s32 s0, s9;
	[dreg:$0x7] =	wrdreg s17  }
0x10: {  	s6 =	sshll.u32 s6, $0x3;
	s20 =	sadd.s32 s5, s18;
	[dreg:$0x8] =	wrdreg s9  }
0x11: {  	s25 =	sadd.s32 s23, s0;
	s22 =	sadd.s32 s7, s6;
	[dreg:$0x9] =	wrdreg s20  }
0x12: {  	s21 =	simm.s32 $0x80;
	s6 =	sadd.s32 s0, s6;
	[dreg:$0xb] =	wrdreg s22  }
0x13: {  	s11 =	sadd.s32 $0x80, s24;
	s9 =	sadd.s32 s10, s18;
	[dreg:$0xc] =	wrdreg s6  }
0x14: {  	s15 =	smax.u32 s8, $0x1;
	s8 =	sadd.s32 s1, s25;
	s16 =	sshrl.u32 s11, $0x3  }
0x15: {  	s17 =	sshrl.u32 s24, $0x3;
	s20 =	simm.s32 $0x5;
	s22 =	simm.s32 $0x100  }
0x16: {  	s24 =	simm.s32 $0x4100;
	s25 =	simm.s32 $0x4180;
	[dreg:$0xa] =	wrdreg s9  }
0x17: {  	s9 =	sadd.s32 s23, s7;
	[dreg:$0x3] =	wrdreg s8;
	s26 =	sshll.u32 s16, $0x6  }
0x18: {  	s23 =	simm.s32 $0x2100;
	s1 =	sadd.s32 s1, s9;
	s18 =	sadd.s32 s26, s7  }
0x19: {  	s19 =	sadd.s32 s26, s0;
	s26 =	simm.s32 $0x4200;
	s0 =	simm.s32 $0x4  }
0x1a: {  	s7 =	simm.s32 $0x0;
	[dreg:$0x4] =	wrdreg s1;
	s1 =	simm.s32 $0x8  }
.LBB2_1:
0x1b: {  	p0 =	por $0x1, $0x1  }
0x1c: {  	s6 =	simm.s32 @!p0 $0x3  }
0x1d: {  	_ =	swait.ge @!p0 [sflag:s6], $0x2000  }
0x1e: {  	[sflag:s6] =	ssyncset.done @!p0 $0x0  }
0x1f: {  	[sflag:s6] =	ssyncadd.s32 @!p0 $0xFFFFE000  }
0x20: {  	_ =	swait.ge @!p0 [sflag:s6], $0x2000  }
0x21: {  	[sflag:s6] =	ssyncset.done @!p0 $0x0  }
0x22: {  	[sflag:s6] =	ssyncadd.s32 @!p0 $0xFFFFE000;
	s6 =	simm.s32 @!p0 $0x4  }
0x23: {  	_ =	swait.ge @!p0 [sflag:s6], $0x2000  }
0x24: {  	[sflag:s6] =	ssyncset.done @!p0 $0x0  }
0x25: {  	[sflag:s6] =	ssyncadd.s32 @!p0 $0xFFFFE000  }
0x26: {  	_ =	swait.ge @!p0 [sflag:s6], $0x2000  }
0x27: {  	[sflag:s6] =	ssyncset.done @!p0 $0x0  }
0x28: {  	s14 =	sadd.s32 s5, s17;
	[sflag:s6] =	ssyncadd.s32 @!p0 $0xFFFFE000  }
0x29: {  	[tilespmem:s3], [sflag:$0x5] =	stream.linear.gather [hbm4b:s14+s3], $0x80, $0x38;
	[tilespmem:$0x8200] =	vst v63  }
0x2a: {  	_ =	swait.ge [sflag:s20], $0x80  }
0x2b: {  	[sflag:s20] =	ssyncset.done $0x0  }
0x2c: {  	s8 =	sadd.s32 s10, s17;
	[sflag:s20] =	ssyncadd.s32 $0xFFFFFF80  }
0x2d: {  	[tilespmem:s21], [sflag:$0x5] =	stream.linear.gather [hbm4b:s8+s3], $0x80, $0x38;
	[tilespmem:$0x8200] =	vst v63  }
0x2e: {  	_ =	swait.ge [sflag:s20], $0x80  }
0x2f: {  	[sflag:s20] =	ssyncset.done $0x0  }
0x30: {  	[sflag:s20] =	ssyncadd.s32 $0xFFFFFF80  }
0x31: {  	[tilespmem:s22], [sflag:$0x1] =	stream.indirect.gather [hbm4b:s2+s21], $0x40, s3, s21, $0xb8;
	[tilespmem:$0x8200] =	vst v63  }
0x32: {  	_ = 	snop  }
0x33: {  	[tilespmem:s23], [sflag:$0x1] =	stream.indirect.gather [hbm4b:s4+s21], $0x40, s21, s21, $0xb8;
	[tilespmem:$0x8200] =	vst v63  }
0x34: {  	s9 =	sadd.s32 s5, s16  }
0x35: {  	[tilespmem:s24], [sflag:$0x5] =	stream.linear.gather [hbm4b:s9+s3], $0x80, $0x38;
	[tilespmem:$0x8200] =	vst v63  }
0x36: {  	_ =	swait.ge [sflag:s20], $0x80  }
0x37: {  	[sflag:s20] =	ssyncset.done $0x0  }
0x38: {  	s11 =	sadd.s32 s10, s16;
	[sflag:s20] =	ssyncadd.s32 $0xFFFFFF80  }
0x39: {  	[tilespmem:s25], [sflag:$0x5] =	stream.linear.gather [hbm4b:s11+s3], $0x80, $0x38;
	[tilespmem:$0x8200] =	vst v63  }
0x3a: {  	_ =	swait.ge [sflag:s20], $0x80  }
0x3b: {  	[sflag:s20] =	ssyncset.done $0x0  }
0x3c: {  	[sflag:s20] =	ssyncadd.s32 $0xFFFFFF80  }
0x3d: {  	[tilespmem:s26], [sflag:$0x2] =	stream.indirect.gather [hbm4b:s2+s21], $0x40, s24, s21, $0xb8;
	[tilespmem:$0x8200] =	vst v63  }
0x3e: {  	_ = 	snop  }
0x3f: {  	[tilespmem:s28], [sflag:$0x2] =	stream.indirect.gather [hbm4b:s4+s21], $0x40, s25, s21, $0xb8;
	[tilespmem:$0x8200] =	vst v63  }
0x40: {  	_ =	swait.ge [sflag:s29], $0x2000  }
0x41: {  	[sflag:s29] =	ssyncset.done $0x0  }
0x42: {  	[sflag:s29] =	ssyncadd.s32 $0xFFFFE000  }
0x43: {  	_ =	swait.ge [sflag:s29], $0x2000  }
0x44: {  	s12 =	rddreg [dreg:$0x4];
	[sflag:s29] =	ssyncset.done $0x0  }
0x45: {  	s8 =	rddreg [dreg:$0x3];
	[sflag:s29] =	ssyncadd.s32 $0xFFFFE000;
	s6 =	sadd.s32 $0x0, s12  }
0x46: {  	[hbm4b:s6+s3] =	stream.linear.scatter [tilespmem:s22], [sflag:$0x3], $0x2000, $0x38;
	[tilespmem:$0x8200] =	vst v63  }
0x47: {  	s13 =	sadd.s32 $0x0, s8  }
0x48: {  	[hbm4b:s13+s3] =	stream.linear.scatter [tilespmem:s23], [sflag:$0x3], $0x2000, $0x38;
	[tilespmem:$0x8200] =	vst v63  }
0x49: {  	_ =	swait.ge [sflag:s30], $0x2000  }
0x4a: {  	[sflag:s30] =	ssyncset.done $0x0  }
0x4b: {  	p1 =	por $0x0, $0x0;
	[sflag:s30] =	ssyncadd.s32 $0xFFFFE000  }
0x4c: {  	s14 =	sadd.s32 $0x0, s18;
	s9 =	sadd.s32 $0x20, s5;
	_ =	swait.ge [sflag:s30], $0x2000  }
0x4d: {  	s11 =	simm.s32 $0x1000;
	s8 =	simm.s32 $0x800;
	[sflag:s30] =	ssyncset.done $0x0  }
0x4e: {  	s6 =	smov.u32 s10;
	s13 =	sadd.s32 $0x0, s19;
	[sflag:s30] =	ssyncadd.s32 $0xFFFFE000  }
0x4f: {  	[hbm4b:s14+s3] =	stream.linear.scatter [tilespmem:s26], [sflag:$0x4], $0x2000, $0x38;
	[tilespmem:$0x8200] =	vst v63  }
.LBB2_2:
0x50: {  	s14 =	simm.s32 @!p1 $0x3  }
0x51: {  	[hbm4b:s13+s3] =	stream.linear.scatter [tilespmem:s28], [sflag:$0x4], $0x2000, $0x38;
	[tilespmem:$0x8200] =	vst v63  }
0x52: {  	_ =	swait.ge @!p1 [sflag:s14], $0x2000  }
0x53: {  	[sflag:s14] =	ssyncset.done @!p1 $0x0  }
0x54: {  	[sflag:s14] =	ssyncadd.s32 @!p1 $0xFFFFE000  }
0x55: {  	_ =	swait.ge @!p1 [sflag:s14], $0x2000  }
0x56: {  	[sflag:s14] =	ssyncset.done @!p1 $0x0  }
0x57: {  	s13 =	simm.s32 @!p1 $0x4;
	[sflag:s14] =	ssyncadd.s32 @!p1 $0xFFFFE000  }
0x58: {  	_ =	swait.ge @!p1 [sflag:s13], $0x2000  }
0x59: {  	[sflag:s13] =	ssyncset.done @!p1 $0x0  }
0x5a: {  	[sflag:s13] =	ssyncadd.s32 @!p1 $0xFFFFE000  }
0x5b: {  	_ =	swait.ge @!p1 [sflag:s13], $0x2000  }
0x5c: {  	[sflag:s13] =	ssyncset.done @!p1 $0x0  }
0x5d: {  	s14 =	sadd.s32 s9, s17;
	[sflag:s13] =	ssyncadd.s32 @!p1 $0xFFFFE000  }
0x5e: {  	[tilespmem:s3], [sflag:$0x5] =	stream.linear.gather [hbm4b:s14+s3], $0x80, $0x38;
	[tilespmem:$0x8200] =	vst v63  }
0x5f: {  	_ =	swait.ge [sflag:s20], $0x80  }
0x60: {  	s6 =	sadd.s32 $0x20, s6;
	[sflag:s20] =	ssyncset.done $0x0  }
0x61: {  	s14 =	sadd.s32 s6, s17;
	[sflag:s20] =	ssyncadd.s32 $0xFFFFFF80  }
0x62: {  	[tilespmem:s21], [sflag:$0x5] =	stream.linear.gather [hbm4b:s14+s3], $0x80, $0x38;
	[tilespmem:$0x8200] =	vst v63  }
0x63: {  	_ =	swait.ge [sflag:s20], $0x80  }
0x64: {  	[sflag:s20] =	ssyncset.done $0x0  }
0x65: {  	[sflag:s20] =	ssyncadd.s32 $0xFFFFFF80  }
0x66: {  	[tilespmem:s22], [sflag:$0x1] =	stream.indirect.gather [hbm4b:s2+s21], $0x40, s3, s21, $0xb8;
	[tilespmem:$0x8200] =	vst v63  }
0x67: {  	_ = 	snop  }
0x68: {  	[tilespmem:s23], [sflag:$0x1] =	stream.indirect.gather [hbm4b:s4+s21], $0x40, s21, s21, $0xb8;
	[tilespmem:$0x8200] =	vst v63  }
0x69: {  	s14 =	sadd.s32 s9, s16  }
0x6a: {  	[tilespmem:s24], [sflag:$0x5] =	stream.linear.gather [hbm4b:s14+s3], $0x80, $0x38;
	[tilespmem:$0x8200] =	vst v63  }
0x6b: {  	_ =	swait.ge [sflag:s20], $0x80  }
0x6c: {  	[sflag:s20] =	ssyncset.done $0x0  }
0x6d: {  	s14 =	sadd.s32 s6, s16;
	[sflag:s20] =	ssyncadd.s32 $0xFFFFFF80  }
0x6e: {  	[tilespmem:s25], [sflag:$0x5] =	stream.linear.gather [hbm4b:s14+s3], $0x80, $0x38;
	[tilespmem:$0x8200] =	vst v63  }
0x6f: {  	_ =	swait.ge [sflag:s20], $0x80  }
0x70: {  	[sflag:s20] =	ssyncset.done $0x0  }
0x71: {  	[sflag:s20] =	ssyncadd.s32 $0xFFFFFF80  }
0x72: {  	[tilespmem:s26], [sflag:$0x2] =	stream.indirect.gather [hbm4b:s2+s21], $0x40, s24, s21, $0xb8;
	[tilespmem:$0x8200] =	vst v63  }
0x73: {  	_ = 	snop  }
0x74: {  	[tilespmem:s28], [sflag:$0x2] =	stream.indirect.gather [hbm4b:s4+s21], $0x40, s25, s21, $0xb8;
	[tilespmem:$0x8200] =	vst v63  }
0x75: {  	_ =	swait.ge [sflag:s29], $0x2000  }
0x76: {  	[sflag:s29] =	ssyncset.done $0x0  }
0x77: {  	[sflag:s29] =	ssyncadd.s32 $0xFFFFE000  }
0x78: {  	_ =	swait.ge [sflag:s29], $0x2000  }
0x79: {  	s12 =	smov.u32 s8;
	s13 =	rddreg [dreg:$0x4];
	[sflag:s29] =	ssyncset.done $0x0  }
0x7a: {  	s14 =	rddreg [dreg:$0x3];
	[sflag:s29] =	ssyncadd.s32 $0xFFFFE000;
	s13 =	sadd.s32 s12, s13  }
0x7b: {  	[hbm4b:s13+s3] =	stream.linear.scatter [tilespmem:s22], [sflag:$0x3], $0x2000, $0x38;
	[tilespmem:$0x8200] =	vst v63  }
0x7c: {  	s14 =	sadd.s32 s12, s14  }
0x7d: {  	[hbm4b:s14+s3] =	stream.linear.scatter [tilespmem:s23], [sflag:$0x3], $0x2000, $0x38;
	[tilespmem:$0x8200] =	vst v63  }
0x7e: {  	s8 =	smov.u32 s11;
	s11 =	sadd.s32 $0x800, s11;
	_ =	swait.ge [sflag:s30], $0x2000  }
0x7f: {  	p0 =	sne.s32 s11, $0x9800;
	[sflag:s30] =	ssyncset.done $0x0  }
.Ltmp0:
0x80: {  	[sflag:s30] =	ssyncadd.s32 $0xFFFFE000;
	(pc) =	sbr.rel @p0 .LBB2_2-.Ltmp0, $4  }
0x81: {  	_ =	swait.ge [sflag:s30], $0x2000  }
0x82: {  	p1 =	seq.s32 s8, $0x0;
	s9 =	sadd.s32 $0x20, s9;
	[sflag:s30] =	ssyncset.done $0x0  }
0x83: {  	s13 =	sadd.s32 s12, s19;
	s12 =	sadd.s32 s12, s18;
	[sflag:s30] =	ssyncadd.s32 $0xFFFFE000  }
0x84: {  	[hbm4b:s12+s3] =	stream.linear.scatter [tilespmem:s26], [sflag:$0x4], $0x2000, $0x38;
	[tilespmem:$0x8200] =	vst v63  }
0x85: {  	[hbm4b:s13+s3] =	stream.linear.scatter [tilespmem:s28], [sflag:$0x4], $0x2000, $0x38;
	[tilespmem:$0x8200] =	vst v63  }
0x86: {  	s11 =	simm.s32 @!p1 $0x3  }
0x87: {  	_ =	swait.ge @!p1 [sflag:s11], $0x2000  }
0x88: {  	[sflag:s11] =	ssyncset.done @!p1 $0x0  }
0x89: {  	[sflag:s11] =	ssyncadd.s32 @!p1 $0xFFFFE000  }
0x8a: {  	_ =	swait.ge @!p1 [sflag:s11], $0x2000  }
0x8b: {  	[sflag:s11] =	ssyncset.done @!p1 $0x0  }
0x8c: {  	[sflag:s11] =	ssyncadd.s32 @!p1 $0xFFFFE000;
	s11 =	simm.s32 @!p1 $0x4  }
0x8d: {  	_ =	swait.ge @!p1 [sflag:s11], $0x2000  }
0x8e: {  	[sflag:s11] =	ssyncset.done @!p1 $0x0  }
0x8f: {  	[sflag:s11] =	ssyncadd.s32 @!p1 $0xFFFFE000  }
0x90: {  	_ =	swait.ge @!p1 [sflag:s11], $0x2000  }
0x91: {  	[sflag:s11] =	ssyncset.done @!p1 $0x0  }
0x92: {  	s13 =	sadd.s32 s9, s17;
	[sflag:s11] =	ssyncadd.s32 @!p1 $0xFFFFE000  }
0x93: {  	[tilespmem:s3], [sflag:$0x5] =	stream.linear.gather [hbm4b:s13+s3], $0x80, $0x38;
	[tilespmem:$0x8200] =	vst v63  }
0x94: {  	_ =	swait.ge [sflag:s20], $0x80  }
0x95: {  	s6 =	sadd.s32 $0x20, s6;
	[sflag:s20] =	ssyncset.done $0x0  }
0x96: {  	s14 =	sadd.s32 s6, s17;
	[sflag:s20] =	ssyncadd.s32 $0xFFFFFF80  }
0x97: {  	[tilespmem:s21], [sflag:$0x5] =	stream.linear.gather [hbm4b:s14+s3], $0x80, $0x38;
	[tilespmem:$0x8200] =	vst v63  }
0x98: {  	_ =	swait.ge [sflag:s20], $0x80  }
0x99: {  	[sflag:s20] =	ssyncset.done $0x0  }
0x9a: {  	[sflag:s20] =	ssyncadd.s32 $0xFFFFFF80  }
0x9b: {  	[tilespmem:s22], [sflag:$0x1] =	stream.indirect.gather [hbm4b:s2+s21], $0x40, s3, s21, $0xb8;
	[tilespmem:$0x8200] =	vst v63  }
0x9c: {  	_ = 	snop  }
0x9d: {  	[tilespmem:s23], [sflag:$0x1] =	stream.indirect.gather [hbm4b:s4+s21], $0x40, s21, s21, $0xb8;
	[tilespmem:$0x8200] =	vst v63  }
0x9e: {  	s12 =	sadd.s32 s9, s16  }
0x9f: {  	[tilespmem:s24], [sflag:$0x5] =	stream.linear.gather [hbm4b:s12+s3], $0x80, $0x38;
	[tilespmem:$0x8200] =	vst v63  }
0xa0: {  	_ =	swait.ge [sflag:s20], $0x80  }
0xa1: {  	[sflag:s20] =	ssyncset.done $0x0  }
0xa2: {  	s6 =	sadd.s32 s6, s16;
	[sflag:s20] =	ssyncadd.s32 $0xFFFFFF80  }
0xa3: {  	[tilespmem:s25], [sflag:$0x5] =	stream.linear.gather [hbm4b:s6+s3], $0x80, $0x38;
	[tilespmem:$0x8200] =	vst v63  }
0xa4: {  	_ =	swait.ge [sflag:s20], $0x80  }
0xa5: {  	[sflag:s20] =	ssyncset.done $0x0  }
0xa6: {  	[sflag:s20] =	ssyncadd.s32 $0xFFFFFF80  }
0xa7: {  	[tilespmem:s26], [sflag:$0x2] =	stream.indirect.gather [hbm4b:s2+s21], $0x40, s24, s21, $0xb8;
	[tilespmem:$0x8200] =	vst v63  }
0xa8: {  	_ = 	snop  }
0xa9: {  	[tilespmem:s28], [sflag:$0x2] =	stream.indirect.gather [hbm4b:s4+s21], $0x40, s25, s21, $0xb8;
	[tilespmem:$0x8200] =	vst v63  }
0xaa: {  	_ =	swait.ge [sflag:s29], $0x2000  }
0xab: {  	[sflag:s29] =	ssyncset.done $0x0  }
0xac: {  	[sflag:s29] =	ssyncadd.s32 $0xFFFFE000  }
0xad: {  	_ =	swait.ge [sflag:s29], $0x2000  }
0xae: {  	s13 =	rddreg [dreg:$0x4];
	[sflag:s29] =	ssyncset.done $0x0  }
0xaf: {  	s14 =	rddreg [dreg:$0x3];
	[sflag:s29] =	ssyncadd.s32 $0xFFFFE000;
	s6 =	sadd.s32 s8, s13  }
0xb0: {  	[hbm4b:s6+s3] =	stream.linear.scatter [tilespmem:s22], [sflag:$0x3], $0x2000, $0x38;
	[tilespmem:$0x8200] =	vst v63  }
0xb1: {  	s9 =	sadd.s32 s8, s14  }
0xb2: {  	[hbm4b:s9+s3] =	stream.linear.scatter [tilespmem:s23], [sflag:$0x3], $0x2000, $0x38;
	[tilespmem:$0x8200] =	vst v63  }
0xb3: {  	_ =	swait.ge [sflag:s30], $0x2000  }
0xb4: {  	[sflag:s30] =	ssyncset.done $0x0  }
0xb5: {  	[sflag:s30] =	ssyncadd.s32 $0xFFFFE000  }
0xb6: {  	_ =	swait.ge [sflag:s30], $0x2000  }
0xb7: {  	[sflag:s30] =	ssyncset.done $0x0  }
0xb8: {  	s11 =	sadd.s32 s8, s18;
	[sflag:s30] =	ssyncadd.s32 $0xFFFFE000  }
0xb9: {  	[hbm4b:s11+s3] =	stream.linear.scatter [tilespmem:s26], [sflag:$0x4], $0x2000, $0x38;
	[tilespmem:$0x8200] =	vst v63  }
0xba: {  	s12 =	sadd.s32 s8, s19  }
0xbb: {  	[hbm4b:s12+s3] =	stream.linear.scatter [tilespmem:s28], [sflag:$0x4], $0x2000, $0x38;
	[tilespmem:$0x8200] =	vst v63  }
0xbc: {  	_ =	swait.ge [sflag:s31], $0x2000  }
0xbd: {  	[sflag:s31] =	ssyncset.done $0x0  }
0xbe: {  	[sflag:s31] =	ssyncadd.s32 $0xFFFFE000  }
0xbf: {  	_ =	swait.ge [sflag:s31], $0x2000  }
0xc0: {  	[sflag:s31] =	ssyncset.done $0x0  }
0xc1: {  	[sflag:s31] =	ssyncadd.s32 $0xFFFFE000  }
0xc2: {  	_ =	swait.ge [sflag:s0], $0x2000  }
0xc3: {  	[sflag:s0] =	ssyncset.done $0x0  }
0xc4: {  	[sflag:s0] =	ssyncadd.s32 $0xFFFFE000  }
0xc5: {  	_ =	swait.ge [sflag:s0], $0x2000  }
0xc6: {  	[sflag:s0] =	ssyncset.done $0x0  }
0xc7: {  	s13 =	rddreg [dreg:$0x5];
	[sflag:s0] =	ssyncadd.s32 $0xFFFFE000  }
0xc8: {  	[tilespmem:s3], [sflag:$0x5] =	stream.linear.gather [hbm4b:s13+s3], $0x80, $0x38;
	[tilespmem:$0x8200] =	vst v63  }
0xc9: {  	_ =	swait.ge [sflag:s20], $0x80  }
0xca: {  	[sflag:s20] =	ssyncset.done $0x0  }
0xcb: {  	s14 =	rddreg [dreg:$0x6];
	[sflag:s20] =	ssyncadd.s32 $0xFFFFFF80  }
0xcc: {  	[tilespmem:s21], [sflag:$0x5] =	stream.linear.gather [hbm4b:s14+s3], $0x80, $0x38;
	[tilespmem:$0x8200] =	vst v63  }
0xcd: {  	_ =	swait.ge [sflag:s20], $0x80  }
0xce: {  	[sflag:s20] =	ssyncset.done $0x0  }
0xcf: {  	[sflag:s20] =	ssyncadd.s32 $0xFFFFFF80  }
0xd0: {  	[tilespmem:s22], [sflag:$0x1] =	stream.indirect.gather [hbm4b:s2+s21], $0x40, s3, s21, $0xb8;
	[tilespmem:$0x8200] =	vst v63  }
0xd1: {  	_ = 	snop  }
0xd2: {  	[tilespmem:s23], [sflag:$0x1] =	stream.indirect.gather [hbm4b:s4+s21], $0x40, s21, s21, $0xb8;
	[tilespmem:$0x8200] =	vst v63  }
0xd3: {  	_ =	swait.ge [sflag:s29], $0x2000  }
0xd4: {  	[sflag:s29] =	ssyncset.done $0x0  }
0xd5: {  	[sflag:s29] =	ssyncadd.s32 $0xFFFFE000  }
0xd6: {  	_ =	swait.ge [sflag:s29], $0x2000  }
0xd7: {  	[sflag:s29] =	ssyncset.done $0x0  }
0xd8: {  	s8 =	rddreg [dreg:$0x7];
	[sflag:s29] =	ssyncadd.s32 $0xFFFFE000  }
0xd9: {  	[hbm4b:s8+s3] =	stream.linear.scatter [tilespmem:s22], [sflag:$0x5], $0x2000, $0x38;
	[tilespmem:$0x8200] =	vst v63  }
0xda: {  	_ =	swait.ge [sflag:s20], $0x2000  }
0xdb: {  	[sflag:s20] =	ssyncset.done $0x0  }
0xdc: {  	s9 =	rddreg [dreg:$0x8];
	[sflag:s20] =	ssyncadd.s32 $0xFFFFE000  }
0xdd: {  	[hbm4b:s9+s3] =	stream.linear.scatter [tilespmem:s23], [sflag:$0x5], $0x2000, $0x38;
	[tilespmem:$0x8200] =	vst v63  }
0xde: {  	_ =	swait.ge [sflag:s20], $0x2000  }
0xdf: {  	[sflag:s20] =	ssyncset.done $0x0  }
0xe0: {  	s11 =	rddreg [dreg:$0x9];
	[sflag:s20] =	ssyncadd.s32 $0xFFFFE000  }
0xe1: {  	[tilespmem:s3], [sflag:$0x5] =	stream.linear.gather [hbm4b:s11+s3], $0x8, $0x38;
	[tilespmem:$0x8200] =	vst v63  }
0xe2: {  	_ =	swait.ge [sflag:s20], $0x8  }
0xe3: {  	[sflag:s20] =	ssyncset.done $0x0  }
0xe4: {  	s12 =	rddreg [dreg:$0xa];
	[sflag:s20] =	ssyncadd.s32 $0xFFFFFFF8  }
0xe5: {  	[tilespmem:s21], [sflag:$0x5] =	stream.linear.gather [hbm4b:s12+s3], $0x8, $0x38;
	[tilespmem:$0x8200] =	vst v63  }
0xe6: {  	_ =	swait.ge [sflag:s20], $0x8  }
0xe7: {  	[sflag:s20] =	ssyncset.done $0x0  }
0xe8: {  	[sflag:s20] =	ssyncadd.s32 $0xFFFFFFF8  }
0xe9: {  	[tilespmem:s22], [sflag:$0x1] =	stream.indirect.gather [hbm4b:s2+s1], $0x40, s3, s1, $0xb8;
	[tilespmem:$0x8200] =	vst v63  }
0xea: {  	_ = 	snop  }
0xeb: {  	[tilespmem:s23], [sflag:$0x1] =	stream.indirect.gather [hbm4b:s4+s1], $0x40, s21, s1, $0xb8;
	[tilespmem:$0x8200] =	vst v63  }
0xec: {  	_ =	swait.ge [sflag:s29], $0x200  }
0xed: {  	[sflag:s29] =	ssyncset.done $0x0  }
0xee: {  	[sflag:s29] =	ssyncadd.s32 $0xFFFFFE00  }
0xef: {  	_ =	swait.ge [sflag:s29], $0x200  }
0xf0: {  	[sflag:s29] =	ssyncset.done $0x0  }
0xf1: {  	s13 =	rddreg [dreg:$0xb];
	[sflag:s29] =	ssyncadd.s32 $0xFFFFFE00  }
0xf2: {  	[hbm4b:s13+s3] =	stream.linear.scatter [tilespmem:s22], [sflag:$0x5], $0x200, $0x38;
	[tilespmem:$0x8200] =	vst v63  }
0xf3: {  	s7 =	sadd.s32 $0x1, s7;
	_ =	swait.ge [sflag:s20], $0x200  }
0xf4: {  	p0 =	sne.s32 s7, s15;
	[sflag:s20] =	ssyncset.done $0x0  }
.Ltmp1:
0xf5: {  	s14 =	rddreg [dreg:$0xc];
	[sflag:s20] =	ssyncadd.s32 $0xFFFFFE00;
	(pc) =	sbr.rel @p0 .LBB2_1-.Ltmp1, $4  }
0xf6: {  	[hbm4b:s14+s3] =	stream.linear.scatter [tilespmem:s23], [sflag:$0x5], $0x200, $0x38;
	[tilespmem:$0x8200] =	vst v63  }
0xf7: {  	_ =	swait.ge [sflag:s20], $0x200  }
0xf8: {  	[sflag:s20] =	ssyncset.done $0x0  }
0xf9: {  	[sflag:s20] =	ssyncadd.s32 $0xFFFFFE00  }
0xfa: {  	_ =	sfence.sel $0x180000  }
0xfb: {  	[bflag:$0x0] =	sbarrier.arrive $0xFFFF  }
0xfc: {  	_ =	strace $0x90000047  }
0xfd: {  	s0 =	stileid.u32;
	[bflag:$0x2] =	sbarrier.arrive $0xFFFF  }
0xfe: {  	p0 =	sne.s32 s0, $0x0;
	s0 =	rddreg [dreg:$0x2]  }
0xff: {  	s0 =	sadd.s32 @!p0 $0x100000, s0  }
0x100: {  	[sflag:s0] =	ssyncadd.tile.s32 @!p0 $0x1;
	_ =	shalt  }
.Lfunc_end2:
_tile_overlayer_lowered:
.L_overlay_start_2:
0x101: {  	(tag) =	ssettag $0x2  }
0x102: {  	s0 =	rddreg [dreg:$0x0];
	s2 =	stileid.u32  }
0x103: {  	s1 =	rddreg [dreg:$0x1];
	p0 =	sne.s32 s2, $0x0  }
0x104: {  	s3 =	rddreg [dreg:$0x2];
	[bflag:$0x3] =	sbarrier.arrive $0xFFFF;
	s2 =	simm.s32 @!p0 $0x1C05  }
0x105: {  	[timem:s3], [sflag:s2] =	dma.local @!p0 [hbm:s0], s1  }
0x106: {  	s0 =	simm.s32 @!p0 $0x5  }
0x107: {  	_ =	swait.ge @!p0 [sflag:s0], s1  }
0x108: {  	s1 =	ssub.s32 @!p0 $0x0, s1;
	[sflag:s0] =	ssyncset.done @!p0 $0x0  }
0x109: {  	[sflag:s0] =	ssyncadd.s32 @!p0 s1  }
0x10a: {  	[bflag:$0x3] =	sbarrier.arrive $0xFFFF  }
0x10b: {  	_ =	shalt  }

// kernel: kernel.16.cloned.1.call-start
scs
__scs_entry_jumppad:
0x0: {  	(pc) =	sbr.rel $0x88, $3  }
0x1: {  	(tag) =	ssettag $0x0;
	lr =	simm.s32 $0x1  }
0x2: {  	[smem:$0x3F8E] =	sst lr;
	_ =	strace $0xD0000000  }
0x3: {  	_ = 	snop  }
0x4: {  	_ = 	snop  }
0x5: {  	_ = 	snop  }
0x6: {  	_ = 	snop  }
0x7: {  	_ = 	snop  }
__scs_overlays_trampoline_lowered:
0x8: {  	[smem:$0x3F9D] =	sst s0  }
0x9: {  	[smem:$0x3F9E] =	sst s1  }
0xa: {  	[smem:$0x3F9F] =	sst s2  }
0xb: {  	[smem:$0x3FA0] =	sst s3  }
0xc: {  	[smem:$0x3FA1] =	sst s4  }
0xd: {  	[smem:$0x3FA2] =	sst s5  }
0xe: {  	[smem:$0x3FA3] =	sst s6  }
0xf: {  	[smem:$0x3FA4] =	sst s7  }
0x10: {  	[smem:$0x3FA5] =	sst s8  }
0x11: {  	[smem:$0x3FA6] =	sst s9;
	s0 =	simm.s32 @!p0 $0x0  }
0x12: {  	s1 =	sld [smem:$0x3F8C];
	s0 =	simm.s32 @p0 $0x1  }
0x13: {  	[smem:$0x3FA7] =	sst s0;
	s0 =	simm.s32 @!p1 $0x0  }
0x14: {  	s2 =	sld [smem:$0x3F8B];
	s0 =	simm.s32 @p1 $0x1  }
0x15: {  	[smem:$0x3FA8] =	sst s0;
	s0 =	simm.s32 @!p2 $0x0  }
0x16: {  	s3 =	sld [smem:$0x3FDB];
	s0 =	simm.s32 @p2 $0x1  }
0x17: {  	s4 =	simm.s32 $0x1BF5;
	[smem:$0x3FAA] =	sst s0  }
0x18: {  	s0 =	sld [smem:$0x3F8D];
	_ =	swait.ge [sflag:s4], $0x0  }
0x19: {  	s7 =	sld [smem:$0x3F8E]  }
0x1a: {  	s8 =	sadd.s32 $0xFFFFE003, lr  }
0x1b: {  	s9 =	sadd.s32 $0xFFFFFEF7, lr;
	s5 =	simm.s32 $0xFFFFFFFF;
	p2 =	slt.u32 s8, $0xFFFFF086  }
0x1c: {  	p1 =	slt.u32 s9, $0xF7A;
	s5 =	simm.s32 @!p2 $0x0  }
0x1d: {  	s5 =	simm.s32 @p1 $0x1;
	p0 =	seq.s32 s7, s2  }
0x1e: {  	s7 =	smul.u32 @!p0 $0xF7A, s2;
	p2 =	seq.s32 @!p0 s5, $0x0  }
0x1f: {  	s9 =	smul.u32 $0xF7A, s1;
	s8 =	simm.s32 @!p0 $0x1BF5;
	p2 =	por !p2, p0  }
0x20: {  	[sflag:s8] =	ssyncset.s32 @!p0 $0xFFFFF086;
	s6 =	sadd.s32 @!p0 s3, s7;
	s7 =	simm.s32 @!p0 $0x108  }
0x21: {  	s3 =	sadd.s32 s3, s9;
	s6 =	sadd.s32 @!p0 $0x88, s6;
	s7 =	simm.s32 @p2 $0x1082  }
0x22: {  	[simem:s7], [sflag:s8] =	dma.local @!p0 [hbm:s6], $0xF7A  }
0x23: {  	s9 =	sor.u32 $0xD0000000, s2;
	s6 =	simm.s32 $0x108;
	_ =	swait.ge @!p0 [sflag:s8], $0x0  }
0x24: {  	s3 =	sadd.s32 $0x88, s3;
	s6 =	simm.s32 @!p1 $0x1082;
	[sflag:s4] =	ssyncset.s32 $0xFFFFF086  }
0x25: {  	[simem:s6], [sflag:s4] =	dma.local [hbm:s3], $0xF7A  }
0x26: {  	[smem:$0x3F8E] =	sst s1;
	(tag) =	ssettag s2;
	_ =	strace s9  }
0x27: {  	s1 =	sld [smem:$0x3F9E]  }
0x28: {  	s2 =	sld [smem:$0x3F9F]  }
0x29: {  	s4 =	sld [smem:$0x3FA1]  }
0x2a: {  	p0 =	seq.s32 s5, $0x0;
	s5 =	sld [smem:$0x3FA2]  }
0x2b: {  	s6 =	sld [smem:$0x3FA3]  }
0x2c: {  	s7 =	sld [smem:$0x3FA4]  }
0x2d: {  	s3 =	simm.s32 $0x108;
	s8 =	sld [smem:$0x3FA5]  }
0x2e: {  	s3 =	simm.s32 @!p0 $0x1082;
	s9 =	sld [smem:$0x3FA6]  }
0x2f: {  	lr =	sadd.s32 s0, s3;
	s0 =	sld [smem:$0x3F9D]  }
0x30: {  	s3 =	sld [smem:$0x3FA0]  }
0x31: {  	[smem:$0x3FA9] =	sst s10  }
0x32: {  	s10 =	sld [smem:$0x3FA7];
	_ =	sdelay $0x3  }
0x33: {  	p0 =	seq.s32 s10, $0x1;
	s10 =	sld [smem:$0x3FA9];
	_ =	sdelay $0x3  }
0x34: {  	[smem:$0x3FA9] =	sst s10  }
0x35: {  	s10 =	sld [smem:$0x3FA8];
	_ =	sdelay $0x3  }
0x36: {  	p1 =	seq.s32 s10, $0x1;
	s10 =	sld [smem:$0x3FA9];
	_ =	sdelay $0x3  }
0x37: {  	[smem:$0x3FA9] =	sst s10  }
0x38: {  	s10 =	sld [smem:$0x3FAA]  }
0x39: {  	_ = 	snop;
	(pc) =	sbr.ind lr, $3  }
0x3a: {  	_ = 	snop  }
0x3b: {  	_ = 	snop  }
0x3c: {  	p2 =	seq.s32 s10, $0x1;
	s10 =	sld [smem:$0x3FA9]  }
0x3d: {  	_ =	shalt  }
0x3e: {  	_ =	shalt  }
0x3f: {  	_ =	shalt  }
0x40: {  	_ =	shalt  }
0x41: {  	_ =	shalt  }
0x42: {  	_ =	shalt  }
0x43: {  	_ =	shalt  }
0x44: {  	_ =	shalt  }
0x45: {  	_ =	shalt  }
0x46: {  	_ =	shalt  }
0x47: {  	_ =	shalt  }
0x48: {  	_ =	shalt  }
0x49: {  	_ =	shalt  }
0x4a: {  	_ =	shalt  }
0x4b: {  	_ =	shalt  }
0x4c: {  	_ =	shalt  }
0x4d: {  	_ =	shalt  }
0x4e: {  	_ =	shalt  }
0x4f: {  	_ =	shalt  }
0x50: {  	_ =	shalt  }
0x51: {  	_ =	shalt  }
0x52: {  	_ =	shalt  }
0x53: {  	_ =	shalt  }
0x54: {  	_ =	shalt  }
0x55: {  	_ =	shalt  }
0x56: {  	_ =	shalt  }
0x57: {  	_ =	shalt  }
0x58: {  	_ =	shalt  }
0x59: {  	_ =	shalt  }
0x5a: {  	_ =	shalt  }
0x5b: {  	_ =	shalt  }
0x5c: {  	_ =	shalt  }
0x5d: {  	_ =	shalt  }
0x5e: {  	_ =	shalt  }
0x5f: {  	_ =	shalt  }
0x60: {  	_ =	shalt  }
0x61: {  	_ =	shalt  }
0x62: {  	_ =	shalt  }
0x63: {  	_ =	shalt  }
0x64: {  	_ =	shalt  }
0x65: {  	_ =	shalt  }
0x66: {  	_ =	shalt  }
0x67: {  	_ =	shalt  }
0x68: {  	_ =	shalt  }
0x69: {  	_ =	shalt  }
0x6a: {  	_ =	shalt  }
0x6b: {  	_ =	shalt  }
0x6c: {  	_ =	shalt  }
0x6d: {  	_ =	shalt  }
0x6e: {  	_ =	shalt  }
0x6f: {  	_ =	shalt  }
0x70: {  	_ =	shalt  }
0x71: {  	_ =	shalt  }
0x72: {  	_ =	shalt  }
0x73: {  	_ =	shalt  }
0x74: {  	_ =	shalt  }
0x75: {  	_ =	shalt  }
0x76: {  	_ =	shalt  }
0x77: {  	_ =	shalt  }
0x78: {  	_ =	shalt  }
0x79: {  	_ =	shalt  }
0x7a: {  	_ =	shalt  }
0x7b: {  	_ =	shalt  }
0x7c: {  	_ =	shalt  }
0x7d: {  	_ =	shalt  }
0x7e: {  	_ =	shalt  }
0x7f: {  	_ =	shalt  }
0x80: {  	_ =	shalt  }
0x81: {  	_ =	shalt  }
0x82: {  	_ =	shalt  }
0x83: {  	_ =	shalt  }
0x84: {  	_ =	shalt  }
0x85: {  	_ =	shalt  }
0x86: {  	_ =	shalt  }
0x87: {  	_ =	shalt  }
.Lfunc_end0:
.L_simem_size_0:
called_computation.2_lowered:
.L_overlay_start_0:
0x88: {  	s2 =	sld [smem:$0x3FD9]  }
0x89: {  	s3 =	sld [smem:$0x3FFE];
	_ =	sdelay $0x1  }
0x8a: {  	s1 =	srdreg.scid  }
0x8b: {  	s0 =	sand.u32 $0x1, s1  }
0x8c: {  	s17 =	sshll.u32 s0, $0xA;
	s2 =	sadd.s32 s3, s2  }
0x8d: {  	s2 =	sadd.s32 s2, s17  }
0x8e: {  	[smem:$0x3FB5] =	sst s2  }
0x8f: {  	_ = 	snop  }
0x90: {  	s18 =	sld [smem:$0x3FD0];
	(tm) =	ssettm $0x1  }
0x91: {  	s19 =	sld [smem:$0x3FFB];
	_ =	sdelay $0x3  }
0x92: {  	_ =	strace s19  }
0x93: {  	s2 =	sld [smem:$0x3FFC];
	_ =	sdelay $0x3  }
0x94: {  	_ =	strace s2  }
0x95: {  	s2 =	sld [smem:$0x3FFD];
	_ =	sdelay $0x3  }
0x96: {  	_ =	strace s2  }
0x97: {  	_ =	strace $0x8FFFFFFF  }
0x98: {  	s20 =	sld [smem:$0x3FDB];
	_ =	sdelay $0x1  }
0x99: {  	s4 =	simm.s32 $_scs_section_size  }
0x9a: {  	s5 =	simm.s32 $_size__tile_overlayer_lowered;
	s6 =	simm.s32 $_tile_overlayer_lowered  }
0x9b: {  	s7 =	simm.s32 $0x1BFF;
	s21 =	sshll.u32 s6, $0x1;
	s4 =	sadd.s32 s4, s20  }
0x9c: {  	s22 =	simm.s32 $0x0;
	s5 =	sshll.u32 s5, $0x1;
	s6 =	sadd.s32 s21, s4  }
0x9d: {  	[timem:s22], [sflag:s7] =	dma.local [hbm:s6], s5  }
0x9e: {  	_ =	swait.ge [sflag:s7], s5  }
0x9f: {  	s5 =	ssub.s32 $0x0, s5;
	[sflag:s7] =	ssyncset.done $0x0  }
0xa0: {  	[sflag:s7] =	ssyncadd.s32 s5;
	_ =	sdelay $0x1  }
0xa1: {  	s23 =	simm.s32 $0x1B8B  }
0xa2: {  	_ =	swait.ge [sflag:s23], $0x1  }
0xa3: {  	[sflag:s23] =	ssyncset.done $0x0  }
0xa4: {  	[sflag:s23] =	ssyncadd.s32 $0xFFFFFFFF  }
0xa5: {  	s5 =	sld [smem:$0x0]  }
0xa6: {  	s6 =	sand.u32 $0xFFFFFFFE, s1  }
0xa7: {  	p0 =	sne.s32 s1, s6  }
0xa8: {  	s6 =	sshll.u32 @p0 s6, $0xE  }
0xa9: {  	s6 =	sadd.s32 @p0 $0x11B8D, s6;
	s7 =	sshll.u32 @p0 s5, $0x11  }
0xaa: {  	s6 =	sor.u32 @p0 s7, s6  }
0xab: {  	[sflag:s6] =	ssyncadd.remote.s32 @p0 $0x1;
	_ =	sdelay $0x1  }
0xac: {  	s6 =	simm.s32 @p0 $0x1B8D  }
0xad: {  	_ =	swait.eq @p0 [sflag:s6], $0x1  }
0xae: {  	[sflag:s6] =	ssyncadd.s32 @p0 $0xFFFFFFFF  }
0xaf: {  	s7 =	sshll.u32 @!p0 s1, $0xE  }
0xb0: {  	s7 =	sor.u32 @!p0 $0x4000, s7;
	s6 =	simm.s32 @!p0 $0x1B8D  }
0xb1: {  	s5 =	sshll.u32 @!p0 s5, $0x11;
	s7 =	sadd.s32 @!p0 $0x11B8D, s7;
	_ =	swait.eq @!p0 [sflag:s6], $0x1  }
0xb2: {  	s5 =	sor.u32 @!p0 s5, s7;
	[sflag:s6] =	ssyncadd.s32 @!p0 $0xFFFFFFFF  }
0xb3: {  	s25 =	simm.s32 $0x1B8E;
	s24 =	sld [smem:$0x3FFE];
	[sflag:s5] =	ssyncadd.remote.s32 @!p0 $0x1  }
0xb4: {  	s26 =	simm.s32 $execute0_lowered;
	[smem:$0x3FD2] =	sst s25  }
0xb5: {  	s6 =	sshll.u32 s26, $0x1;
	_ =	strace $0x8000004F;
	[dreg:$0x1] =	wrdreg $0xFFFFFFFF  }
0xb6: {  	s28 =	simm.s32 $_size_execute0_lowered;
	s4 =	sadd.s32 s4, s6;
	[dreg:$0x0] =	wrdreg $0x0  }
0xb7: {  	s6 =	sshll.u32 s28, $0x1;
	[dreg:$0x2] =	wrdreg s4  }
0xb8: {  	[dreg:$0x3] =	wrdreg s6  }
0xb9: {  	[dreg:$0x4] =	wrdreg $0xC0  }
0xba: {  	_ =	task [dreg:s22], $0x5FFFF  }
0xbb: {  	[dreg:$0x1] =	wrdreg $0xFFFFFFFF  }
0xbc: {  	[dreg:$0x0] =	wrdreg $0x60  }
0xbd: {  	[dreg:$0x2] =	wrdreg s24  }
0xbe: {  	[dreg:$0x3] =	wrdreg s18  }
0xbf: {  	[dreg:$0x4] =	wrdreg $0x9  }
0xc0: {  	_ =	task.clear_ibuf [dreg:s22], $0x5FFFF;
	_ =	strace $0x9000004F  }
0xc1: {  	s29 =	simm.s32 $0x9;
	_ =	strace $0x80000051  }
0xc2: {  	_ =	swait.ge [sflag:s29], $0x1  }
0xc3: {  	[sflag:s29] =	ssyncadd.s32 $0xFFFFFFFF  }
0xc4: {  	_ =	strace $0x90000051  }
0xc5: {  	_ =	sfence  }
0xc6: {  	s30 =	sld [smem:$0x0];
	_ =	sdelay $0x2  }
0xc7: {  	s31 =	sshll.u32 s1, $0xD;
	s1 =	sshrl.u32 s1, $0x2  }
0xc8: {  	s4 =	sand.u32 $0x4000, s31;
	s1 =	sadd.s32 s1, s30  }
0xc9: {  	s0 =	sor.u32 s4, s0;
	s1 =	sshll.u32 s1, $0x11  }
0xca: {  	s0 =	sor.u32 s1, s0  }
0xcb: {  	s0 =	sadd.s32 $0x8F2B, s0  }
0xcc: {  	[sflag:s0] =	ssyncadd.remote.s32 $0x1  }
0xcd: {  	_ =	sfence.sel $0xFFFF  }
0xce: {  	[dreg:$0x0] =	wrdreg $0xFFFFFFFF;
	(pc) =	sbr.abs _section_cstart, $3  }
0xcf: {  	[dreg:$0x1] =	wrdreg $0xFFFFFFFF  }
0xd0: {  	_ =	task.clear_ibuf [dreg:s22], $0x2FFFF;
	_ =	strace $0x9FFFFFFF  }
0xd1: {  	(tm) =	ssettm $0x7FFFFFFF  }
tec
execute0_lowered:
.L_overlay_start_1:
0x0: {  	(tag) =	ssettag $0x1  }
0x1: {  	s6 =	rddreg [dreg:$0x0];
	s1 =	srdreg.scid  }
0x2: {  	s0 =	stileid.u32;
	s10 =	rddreg [dreg:$0x1];
	s2 =	simm.s32 $0x0  }
0x3: {  	s14 =	simm.s32 $0xAE00;
	s15 =	simm.s32 $0x1;
	s16 =	simm.s32 $0xB600  }
0x4: {  	s17 =	simm.s32 $0xBE00;
	s18 =	simm.s32 $0xC600;
	s19 =	simm.s32 $0x2780  }
0x5: {  	s20 =	simm.s32 $0x4F00;
	s21 =	simm.s32 $0x7680;
	s22 =	simm.s32 $0x2  }
0x6: {  	s23 =	simm.s32 $0x3;
	s5 =	sand.u32 $0x1, s1;
	s3 =	sshll.u32 s0, $0x1  }
0x7: {  	s24 =	simm.s32 $0x0;
	[smem:$0x7FF] =	sst s2;
	s3 =	sor.u32 s5, s3  }
0x8: {  	_ =	strace $0x80000050;
	s8 =	ssub.s32 $0x2, s5;
	s7 =	smul.u32 $0x2710, s3  }
0x9: {  	s5 =	sadd.s32 $0x16A400, s6;
	s4 =	sor.u32 $0x20, s3;
	s12 =	smul.u32 $0x4E2, s3  }
0xa: {  	s6 =	sadd.s32 $0x165400, s6;
	s11 =	sshrl.u32 s8, $0x1;
	s9 =	smul.u32 $0x2710, s4  }
0xb: {  	s11 =	ssub.s32 s8, s11;
	s13 =	smul.u32 $0x4E2, s4;
	s7 =	sadd.s32 s5, s7  }
0xc: {  	s11 =	smax.u32 s11, $0x1;
	s8 =	sadd.s32 s5, s9;
	s9 =	sadd.s32 s10, s12  }
0xd: {  	v0 =	vimm.f32 $0.0e+00;
	v1 =	vimm.f32 $-Inf;
	vm0 =	vmxor vm0, vm0;
	s10 =	sadd.s32 s10, s13;
	s12 =	simm.s32 $0x9E00;
	s13 =	simm.s32 $0xA600  }
.LBB2_1:
0xe: {  	s26 =	simm.s32 $0x40;
	s25 =	simm.s32 $0x0  }
.LBB2_2:
0xf: {  	p0 =	sne.s32 s26, $0x9C00;
	[tilespmem:s25+$0x7680] =	vst v1;
	s28 =	smov.u32 s26;
	s26 =	sadd.s32 $0x40, s26  }
.Ltmp0:
0x10: {  	[tilespmem:s25+$0x2780] =	vst v1;
	(pc) =	sbr.rel @p0 .LBB2_2-.Ltmp0, $3  }
0x11: {  	[tilespmem:s25+$0x0] =	vst v0  }
0x12: {  	[tilespmem:s25+$0x4F00] =	vst v0;
	_ =	sdelay $0x1  }
0x13: {  	s25 =	sshra.s32 s28, $0x2  }
0x14: {  	[tilespmem:s25+$0x7680] =	vst v1  }
0x15: {  	[tilespmem:s25+$0x2780] =	vst v1  }
0x16: {  	[tilespmem:s25+$0x0] =	vst v0  }
0x17: {  	[tilespmem:s25+$0x4F00] =	vst v0;
	s25 =	simm.s32 $0x0  }
0x18: {  	[tilespmem:s12], [sflag:$0x1] =	stream.linear.gather [hbm4b:s6+s25], $0x7D0, $0x38;
	[tilespmem:$0xCE00] =	vst v63  }
.Ltmp1:
0x19: {  	_ = 	snop;
	(pc) =	sbr.rel .LBB2_4-.Ltmp1, $4  }
0x1a: {  	_ = 	snop  }
0x1b: {  	[tilespmem:s13], [sflag:$0x1] =	stream.linear.gather [hbm4b:s7+s25], $0x7D0, $0x38;
	[tilespmem:$0xCE00] =	vst v63  }
0x1c: {  	s26 =	simm.s32 $0x0  }
0x1d: {  	[tilespmem:s14], [sflag:$0x1] =	stream.linear.gather [hbm4b:s8+s25], $0x7D0, $0x38;
	[tilespmem:$0xCE00] =	vst v63  }
.LBB2_24:
0x1e: {  	s26 =	sadd.s32 $0x1, s26  }
0x1f: {  	p0 =	sne.s32 s26, $0x28  }
.Ltmp2:
0x20: {  	_ = 	snop;
	(pc) =	sbr.rel @!p0 .LBB2_25-.Ltmp2, $1  }
0x21: {  	_ =	sdelay $0x3  }
.LBB2_4:
0x22: {  	_ =	swait.ge [sflag:s15], $0x7D0;
	s28 =	smul.u32 $0xFA0, s26  }
0x23: {  	p0 =	sgt.u32 s26, $0x13;
	s29 =	simm.s32 $0x40;
	[sflag:s15] =	ssyncset.done $0x0  }
0x24: {  	s31 =	simm.s32 $0xFFFEC780;
	s29 =	simm.s32 @!p0 $0x0;
	[sflag:s15] =	ssyncadd.s32 $0xFFFFF830  }
0x25: {  	s31 =	simm.s32 @!p0 $0x0;
	s30 =	sadd.s32 $0x7D0, s28;
	_ =	swait.ge [sflag:s15], $0x7D0  }
0x26: {  	s1 =	sor.u32 s3, s29;
	s29 =	sor.u32 s4, s29;
	[sflag:s15] =	ssyncset.done $0x0  }
0x27: {  	s1 =	smul.u32 $0x13880, s1;
	s31 =	sadd.s32 s30, s31;
	[sflag:s15] =	ssyncadd.s32 $0xFFFFF830  }
0x28: {  	s30 =	sshrl.u32 s30, $0x3;
	s29 =	smul.u32 $0x13880, s29;
	_ =	swait.ge [sflag:s15], $0x7D0  }
0x29: {  	s30 =	sadd.s32 s6, s30;
	s1 =	sadd.s32 s31, s1;
	[sflag:s15] =	ssyncset.done $0x0  }
0x2a: {  	s29 =	sadd.s32 s31, s29;
	s1 =	sshrl.u32 s1, $0x3;
	[sflag:s15] =	ssyncadd.s32 $0xFFFFF830  }
0x2b: {  	[tilespmem:s16], [sflag:$0x2] =	stream.linear.gather [hbm4b:s30+s25], $0x7D0, $0x38;
	[tilespmem:$0xCE00] =	vst v63  }
0x2c: {  	s31 =	sshrl.u32 s29, $0x3;
	s1 =	sadd.s32 s5, s1  }
0x2d: {  	[tilespmem:s17], [sflag:$0x2] =	stream.linear.gather [hbm4b:s1+s25], $0x7D0, $0x38;
	[tilespmem:$0xCE00] =	vst v63  }
0x2e: {  	s1 =	sadd.s32 s5, s31;
	s31 =	simm.s32 $0x0  }
0x2f: {  	[tilespmem:s18], [sflag:$0x2] =	stream.linear.gather [hbm4b:s1+s25], $0x7D0, $0x38;
	[tilespmem:$0xCE00] =	vst v63  }
0x30: {  	v2 =	vld [tilespmem:s31+$0x9E00];
	_ =	sdelay $0x2  }
0x31: {  	v3 =	vld [tilespmem:s31+$0xA600];
	_ =	sdelay $0x3  }
0x32: {  	v4 =	vld [tilespmem:s31+$0xAE00]  }
0x33: {  	[tilespmem:v2+s2+$0x0] =	vst.idx.add.f32.msk $0xffff, v3  }
0x34: {  	v3 =	vld.idx.msk [tilespmem:v2+s19+$0x0], $0xffff;
	_ =	sdelay $0x4  }
0x35: {  	v3 =	vmax.f32 v3, v4  }
0x36: {  	[tilespmem:v2+s19+$0x0] =	vst.idx.msk $0xffff, v3  }
0x37: {  	v4 =	vld.idx.msk [tilespmem:v2+s19+$0x0], $0xffff;
	_ =	sdelay $0x4  }
0x38: {  	vm1 =	vlt.f32 v4, v3;
	_ =	sdelay $0x4  }
0x39: {  	v4 =	vmax.f32 v4, v3  }
0x3a: {  	[tilespmem:v2+s19+$0x0] =	vst.idx.msk vm1, v4  }
0x3b: {  	v4 =	vld [tilespmem:s31+$0x9E10];
	_ =	sdelay $0x2  }
0x3c: {  	v5 =	vld [tilespmem:s31+$0xA610];
	_ =	sdelay $0x2  }
0x3d: {  	v6 =	vld.idx.msk [tilespmem:v2+s19+$0x0], $0xffff  }
0x3e: {  	v2 =	vld [tilespmem:s31+$0xAE10]  }
0x3f: {  	[tilespmem:v4+s20+$0x0] =	vst.idx.add.f32.msk $0xffff, v5  }
0x40: {  	v5 =	vld.idx.msk [tilespmem:v4+s21+$0x0], $0xffff;
	_ =	sdelay $0x4  }
0x41: {  	v5 =	vmax.f32 v5, v2  }
0x42: {  	[tilespmem:v4+s21+$0x0] =	vst.idx.msk $0xffff, v5  }
0x43: {  	v2 =	vld.idx.msk [tilespmem:v4+s21+$0x0], $0xffff;
	_ =	sdelay $0x4  }
0x44: {  	vm1 =	vlt.f32 v2, v5;
	_ =	sdelay $0x4  }
0x45: {  	v2 =	vmax.f32 v2, v5  }
0x46: {  	s30 =	simm.s32 $0x20;
	[tilespmem:v4+s21+$0x0] =	vst.idx.msk vm1, v2  }
0x47: {  	v2 =	vld [tilespmem:s30+$0x9E00];
	_ =	sdelay $0x1  }
0x48: {  	v7 =	vld.idx.msk [tilespmem:v4+s21+$0x0], $0xffff  }
0x49: {  	v4 =	vld [tilespmem:s30+$0xA600];
	_ =	sdelay $0x3  }
0x4a: {  	s29 =	simm.s32 $0x100;
	vm2 =	vlt.f32 v6, v3;
	vm1 =	vmmov vm0;
	v3 =	vld [tilespmem:s30+$0xAE00];
	vm3 =	vlt.f32 v7, v5  }
.LBB2_5:
0x4b: {  	p0 =	sne.s32 s29, $0x1E80;
	[tilespmem:v2+s2+$0x0] =	vst.idx.add.f32.msk $0xffff, v4;
	vm2 =	vmor vm2, vm3;
	s31 =	smov.u32 s29;
	s29 =	sadd.s32 $0x80, s29  }
0x4c: {  	v4 =	vld.idx.msk [tilespmem:v2+s19+$0x0], $0xffff;
	vm1 =	vmor vm1, vm2;
	_ =	sdelay $0x5  }
0x4d: {  	v3 =	vmax.f32 v4, v3  }
0x4e: {  	[tilespmem:v2+s19+$0x0] =	vst.idx.msk $0xffff, v3  }
0x4f: {  	v4 =	vld.idx.msk [tilespmem:v2+s19+$0x0], $0xffff;
	_ =	sdelay $0x5  }
0x50: {  	v5 =	vmax.f32 v4, v3;
	vm2 =	vlt.f32 v4, v3;
	_ =	sdelay $0x5  }
0x51: {  	[tilespmem:v2+s19+$0x0] =	vst.idx.msk vm2, v5  }
0x52: {  	v4 =	vld [tilespmem:s30+$0x9E10]  }
0x53: {  	v2 =	vld.idx.msk [tilespmem:v2+s19+$0x0], $0xffff;
	_ =	sdelay $0x1  }
0x54: {  	v5 =	vld [tilespmem:s30+$0xA610];
	_ =	sdelay $0x3  }
0x55: {  	vm2 =	vlt.f32 v2, v3;
	v2 =	vld [tilespmem:s30+$0xAE10]  }
0x56: {  	[tilespmem:v4+s20+$0x0] =	vst.idx.add.f32.msk $0xffff, v5  }
0x57: {  	v3 =	vld.idx.msk [tilespmem:v4+s21+$0x0], $0xffff;
	_ =	sdelay $0x5  }
0x58: {  	v5 =	vmax.f32 v3, v2  }
0x59: {  	[tilespmem:v4+s21+$0x0] =	vst.idx.msk $0xffff, v5  }
0x5a: {  	v2 =	vld.idx.msk [tilespmem:v4+s21+$0x0], $0xffff;
	_ =	sdelay $0x5  }
0x5b: {  	v3 =	vmax.f32 v2, v5;
	vm3 =	vlt.f32 v2, v5;
	_ =	sdelay $0x5  }
0x5c: {  	s30 =	sshra.s32 s31, $0x2;
	[tilespmem:v4+s21+$0x0] =	vst.idx.msk vm3, v3  }
0x5d: {  	v2 =	vld [tilespmem:s30+$0x9E00]  }
0x5e: {  	v6 =	vld.idx.msk [tilespmem:v4+s21+$0x0], $0xffff;
	_ =	sdelay $0x1  }
.Ltmp3:
0x5f: {  	v4 =	vld [tilespmem:s30+$0xA600];
	(pc) =	sbr.rel @p0 .LBB2_5-.Ltmp3, $2  }
0x60: {  	_ =	sdelay $0x2  }
0x61: {  	vm3 =	vlt.f32 v6, v5;
	v3 =	vld [tilespmem:s30+$0xAE00]  }
0x62: {  	_ =	sdelay $0x3  }
0x63: {  	[tilespmem:v2+s2+$0x0] =	vst.idx.add.f32.msk $0xffff, v4  }
0x64: {  	v4 =	vld.idx.msk [tilespmem:v2+s19+$0x0], $0xffff;
	_ =	sdelay $0x4  }
0x65: {  	v3 =	vmax.f32 v4, v3  }
0x66: {  	[tilespmem:v2+s19+$0x0] =	vst.idx.msk $0xffff, v3  }
0x67: {  	v61 =	vld.idx.msk [tilespmem:v2+s19+$0x0], $0xffff;
	_ =	sdelay $0x4  }
0x68: {  	vm4 =	vlt.f32 v61, v3;
	_ =	sdelay $0x4  }
0x69: {  	v4 =	vmax.f32 v61, v3  }
0x6a: {  	[tilespmem:v2+s19+$0x0] =	vst.idx.msk vm4, v4  }
0x6b: {  	v4 =	vld [tilespmem:s30+$0x9E10];
	_ =	sdelay $0x2  }
0x6c: {  	v5 =	vld [tilespmem:s30+$0xA610];
	_ =	sdelay $0x2  }
0x6d: {  	v2 =	vld.idx.msk [tilespmem:v2+s19+$0x0], $0xffff  }
0x6e: {  	v6 =	vld [tilespmem:s30+$0xAE10]  }
0x6f: {  	[tilespmem:v4+s20+$0x0] =	vst.idx.add.f32.msk $0xffff, v5  }
0x70: {  	v5 =	vld.idx.msk [tilespmem:v4+s21+$0x0], $0xffff;
	_ =	sdelay $0x4  }
0x71: {  	v5 =	vmax.f32 v5, v6  }
0x72: {  	[tilespmem:v4+s21+$0x0] =	vst.idx.msk $0xffff, v5  }
0x73: {  	v62 =	vld.idx.msk [tilespmem:v4+s21+$0x0], $0xffff;
	_ =	sdelay $0x4  }
0x74: {  	vm13 =	vlt.f32 v62, v5;
	_ =	sdelay $0x4  }
0x75: {  	v6 =	vmax.f32 v62, v5  }
0x76: {  	[tilespmem:v4+s21+$0x0] =	vst.idx.msk vm13, v6  }
0x77: {  	v6 =	vld [tilespmem:$0xA5C0];
	_ =	sdelay $0x2  }
0x78: {  	v7 =	vld [tilespmem:$0xADC0];
	_ =	sdelay $0x2  }
0x79: {  	v4 =	vld.idx.msk [tilespmem:v4+s21+$0x0], $0xffff  }
0x7a: {  	s29 =	simm.s32 $0x0;
	v8 =	vld [tilespmem:$0xB5C0]  }
0x7b: {  	[tilespmem:v6+s29+$0x0] =	vst.idx.add.f32.msk $0xffff, v7  }
0x7c: {  	v7 =	vld.idx.msk [tilespmem:v6+s19+$0x0], $0xffff;
	_ =	sdelay $0x4  }
0x7d: {  	v7 =	vmax.f32 v7, v8  }
0x7e: {  	[tilespmem:v6+s19+$0x0] =	vst.idx.msk $0xffff, v7  }
0x7f: {  	v63 =	vld.idx.msk [tilespmem:v6+s19+$0x0], $0xffff;
	_ =	sdelay $0x4  }
0x80: {  	vm14 =	vlt.f32 v63, v7;
	_ =	sdelay $0x4  }
0x81: {  	v8 =	vmax.f32 v63, v7  }
0x82: {  	[tilespmem:v6+s19+$0x0] =	vst.idx.msk vm14, v8  }
0x83: {  	v6 =	vld.idx.msk [tilespmem:v6+s19+$0x0], $0xffff;
	_ =	sdelay $0x2  }
0x84: {  	vm2 =	vmor vm2, vm3;
	vm15 =	vlt.f32 v2, v3;
	vm3 =	vlt.f32 v4, v5  }
0x85: {  	vm1 =	vmor vm1, vm2;
	vm2 =	vmor vm15, vm3  }
0x86: {  	vm1 =	vmor vm1, vm2;
	vm2 =	vlt.f32 v6, v7  }
0x87: {  	vm1 =	vmor vm1, vm2  }
0x88: {  	v2 =	vsel vm1, $0x3F800000, v0  }
0x89: {  	(xrf0) =	vmax.scan.msk.f32 $0xffff, v2;
	_ =	sdelay $0x5  }
0x8a: {  	v2, _, _ =	vpop (xrf0)  }
0x8b: {  	(v2sf) =	vpush v2, $0xF;
	_ =	sdelay $0xe  }
0x8c: {  	s1 =	spop (v2sf)  }
0x8d: {  	p0 =	sgt.f32 s1, $0.0e+00  }
.Ltmp4:
0x8e: {  	_ = 	snop;
	(pc) =	sbr.rel @!p0 .LBB2_14-.Ltmp4, $4  }
.Ltmp5:
0x8f: {  	_ = 	snop;
	(pc) =	sbr.rel @p0 .LBB2_7-.Ltmp5, $4  }
0x90: {  	_ = 	snop  }
0x91: {  	_ = 	snop  }
0x92: {  	_ = 	snop  }
0x93: {  	_ = 	snop  }
.LBB2_11:
0x94: {  	s29 =	sadd.s32 $0x1, s29  }
0x95: {  	p0 =	sne.s32 s29, $0x3E  }
.Ltmp6:
0x96: {  	_ = 	snop;
	(pc) =	sbr.rel @!p0 .LBB2_12-.Ltmp6, $1  }
0x97: {  	_ =	sdelay $0x3  }
.LBB2_7:
0x98: {  	s30 =	sshll.u32 s29, $0x5  }
0x99: {  	v2 =	vld [tilespmem:s30+$0x9E00];
	_ =	sdelay $0x6  }
0x9a: {  	v3 =	vld [tilespmem:s30+$0xAE00]  }
0x9b: {  	v4 =	vld.idx.msk [tilespmem:v2+s19+$0x0], $0xffff;
	_ =	sdelay $0x4  }
0x9c: {  	vm1 =	vlt.f32 v4, v3  }
0x9d: {  	v4 =	vsel vm1, $0x3F800000, v0  }
0x9e: {  	(xrf0) =	vmax.scan.msk.f32 $0xffff, v4;
	_ =	sdelay $0x5  }
0x9f: {  	v4, _, _ =	vpop (xrf0)  }
0xa0: {  	(v2sf) =	vpush v4, $0xF;
	_ =	sdelay $0xe  }
0xa1: {  	s1 =	spop (v2sf)  }
0xa2: {  	p0 =	sgt.f32 s1, $0.0e+00  }
.Ltmp7:
0xa3: {  	_ = 	snop;
	(pc) =	sbr.rel @!p0 .LBB2_9-.Ltmp7, $1  }
0xa4: {  	_ =	sdelay $0x3  }
.LBB2_8:
0xa5: {  	v4 =	vld.idx.msk [tilespmem:v2+s19+$0x0], $0xffff;
	_ =	sdelay $0x4  }
0xa6: {  	v4 =	vmax.f32 v4, v3  }
0xa7: {  	[tilespmem:v2+s19+$0x0] =	vst.idx.msk vm1, v4  }
0xa8: {  	v4 =	vld.idx.msk [tilespmem:v2+s19+$0x0], $0xffff;
	_ =	sdelay $0x4  }
0xa9: {  	vm1 =	vlt.f32 v4, v3  }
0xaa: {  	v4 =	vsel vm1, $0x3F800000, v0  }
0xab: {  	(xrf0) =	vmax.scan.msk.f32 $0xffff, v4;
	_ =	sdelay $0x5  }
0xac: {  	v4, _, _ =	vpop (xrf0)  }
0xad: {  	(v2sf) =	vpush v4, $0xF;
	_ =	sdelay $0xe  }
0xae: {  	s1 =	spop (v2sf)  }
0xaf: {  	p0 =	sgt.f32 s1, $0.0e+00  }
.Ltmp8:
0xb0: {  	_ = 	snop;
	(pc) =	sbr.rel @p0 .LBB2_8-.Ltmp8, $1  }
0xb1: {  	_ =	sdelay $0x3  }
.LBB2_9:
0xb2: {  	v2 =	vld [tilespmem:s30+$0x9E10];
	_ =	sdelay $0x6  }
0xb3: {  	v3 =	vld [tilespmem:s30+$0xAE10]  }
0xb4: {  	v4 =	vld.idx.msk [tilespmem:v2+s21+$0x0], $0xffff;
	_ =	sdelay $0x4  }
0xb5: {  	vm1 =	vlt.f32 v4, v3  }
0xb6: {  	v4 =	vsel vm1, $0x3F800000, v0  }
0xb7: {  	(xrf0) =	vmax.scan.msk.f32 $0xffff, v4;
	_ =	sdelay $0x5  }
0xb8: {  	v4, _, _ =	vpop (xrf0)  }
0xb9: {  	(v2sf) =	vpush v4, $0xF;
	_ =	sdelay $0xe  }
0xba: {  	s1 =	spop (v2sf)  }
0xbb: {  	p0 =	sgt.f32 s1, $0.0e+00  }
.Ltmp9:
0xbc: {  	_ = 	snop;
	(pc) =	sbr.rel @!p0 .LBB2_11-.Ltmp9, $1  }
0xbd: {  	_ =	sdelay $0x3  }
.LBB2_10:
0xbe: {  	v4 =	vld.idx.msk [tilespmem:v2+s21+$0x0], $0xffff;
	_ =	sdelay $0x4  }
0xbf: {  	v4 =	vmax.f32 v4, v3  }
0xc0: {  	[tilespmem:v2+s21+$0x0] =	vst.idx.msk vm1, v4  }
0xc1: {  	v4 =	vld.idx.msk [tilespmem:v2+s21+$0x0], $0xffff;
	_ =	sdelay $0x4  }
0xc2: {  	vm1 =	vlt.f32 v4, v3  }
0xc3: {  	v4 =	vsel vm1, $0x3F800000, v0  }
0xc4: {  	(xrf0) =	vmax.scan.msk.f32 $0xffff, v4;
	_ =	sdelay $0x5  }
0xc5: {  	v4, _, _ =	vpop (xrf0)  }
0xc6: {  	(v2sf) =	vpush v4, $0xF;
	_ =	sdelay $0xe  }
0xc7: {  	s1 =	spop (v2sf)  }
0xc8: {  	p0 =	sgt.f32 s1, $0.0e+00  }
.Ltmp10:
0xc9: {  	_ = 	snop;
	(pc) =	sbr.rel @p0 .LBB2_10-.Ltmp10, $1  }
0xca: {  	_ =	sdelay $0x3  }
.Ltmp11:
0xcb: {  	_ = 	snop;
	(pc) =	sbr.rel .LBB2_11-.Ltmp11, $1  }
0xcc: {  	_ =	sdelay $0x3  }
.LBB2_12:
0xcd: {  	v2 =	vld [tilespmem:$0xA5C0];
	_ =	sdelay $0x6  }
0xce: {  	v3 =	vld [tilespmem:$0xB5C0]  }
0xcf: {  	v4 =	vld.idx.msk [tilespmem:v2+s19+$0x0], $0xffff;
	_ =	sdelay $0x4  }
0xd0: {  	vm1 =	vlt.f32 v4, v3  }
0xd1: {  	v4 =	vsel vm1, $0x3F800000, v0  }
0xd2: {  	(xrf0) =	vmax.scan.msk.f32 $0xffff, v4;
	_ =	sdelay $0x5  }
0xd3: {  	v4, _, _ =	vpop (xrf0)  }
0xd4: {  	(v2sf) =	vpush v4, $0xF;
	_ =	sdelay $0xe  }
0xd5: {  	s1 =	spop (v2sf)  }
0xd6: {  	p0 =	sgt.f32 s1, $0.0e+00  }
.Ltmp12:
0xd7: {  	_ = 	snop;
	(pc) =	sbr.rel @!p0 .LBB2_14-.Ltmp12, $1  }
0xd8: {  	_ =	sdelay $0x3  }
.LBB2_13:
0xd9: {  	v4 =	vld.idx.msk [tilespmem:v2+s19+$0x0], $0xffff;
	_ =	sdelay $0x4  }
0xda: {  	v4 =	vmax.f32 v4, v3  }
0xdb: {  	[tilespmem:v2+s19+$0x0] =	vst.idx.msk vm1, v4  }
0xdc: {  	v4 =	vld.idx.msk [tilespmem:v2+s19+$0x0], $0xffff;
	_ =	sdelay $0x4  }
0xdd: {  	vm1 =	vlt.f32 v4, v3  }
0xde: {  	v4 =	vsel vm1, $0x3F800000, v0  }
0xdf: {  	(xrf0) =	vmax.scan.msk.f32 $0xffff, v4;
	_ =	sdelay $0x5  }
0xe0: {  	v4, _, _ =	vpop (xrf0)  }
0xe1: {  	(v2sf) =	vpush v4, $0xF;
	_ =	sdelay $0xe  }
0xe2: {  	s1 =	spop (v2sf)  }
0xe3: {  	p0 =	sgt.f32 s1, $0.0e+00  }
.Ltmp13:
0xe4: {  	_ = 	snop;
	(pc) =	sbr.rel @p0 .LBB2_13-.Ltmp13, $1  }
0xe5: {  	_ =	sdelay $0x3  }
.LBB2_14:
0xe6: {  	_ =	swait.ge [sflag:s22], $0x7D0  }
0xe7: {  	[sflag:s22] =	ssyncset.done $0x0  }
0xe8: {  	[sflag:s22] =	ssyncadd.s32 $0xFFFFF830  }
0xe9: {  	s1 =	smin.u32 s28, $0x25990;
	_ =	swait.ge [sflag:s22], $0x7D0  }
0xea: {  	s1 =	sadd.s32 $0xFA0, s1;
	[sflag:s22] =	ssyncset.done $0x0  }
0xeb: {  	s28 =	smulhi.u32 $0x68DB9, s1;
	[sflag:s22] =	ssyncadd.s32 $0xFFFFF830  }
0xec: {  	s31 =	simm.s32 $0x0;
	s29 =	sshrl.u32 s1, $0x3;
	_ =	swait.ge [sflag:s22], $0x7D0  }
0xed: {  	s29 =	sadd.s32 s6, s29;
	s28 =	sshrl.u32 s28, $0x3;
	[sflag:s22] =	ssyncset.done $0x0  }
0xee: {  	s30 =	sshll.u32 s28, $0x6;
	s28 =	smul.u32 $0xFFFEC780, s28;
	[sflag:s22] =	ssyncadd.s32 $0xFFFFF830  }
0xef: {  	[tilespmem:s12], [sflag:$0x1] =	stream.linear.gather [hbm4b:s29+s31], $0x7D0, $0x38;
	[tilespmem:$0xCE00] =	vst v63  }
0xf0: {  	s29 =	sor.u32 s3, s30  }
0xf1: {  	s1 =	sadd.s32 s1, s28;
	s28 =	sor.u32 s4, s30;
	s29 =	smul.u32 $0x13880, s29  }
0xf2: {  	s28 =	smul.u32 $0x13880, s28  }
0xf3: {  	s29 =	sadd.s32 s1, s29  }
0xf4: {  	s1 =	sadd.s32 s1, s28;
	s29 =	sshrl.u32 s29, $0x3  }
0xf5: {  	s1 =	sshrl.u32 s1, $0x3;
	s28 =	sadd.s32 s5, s29  }
0xf6: {  	[tilespmem:s13], [sflag:$0x1] =	stream.linear.gather [hbm4b:s28+s31], $0x7D0, $0x38;
	[tilespmem:$0xCE00] =	vst v63  }
0xf7: {  	s1 =	sadd.s32 s5, s1  }
0xf8: {  	[tilespmem:s14], [sflag:$0x1] =	stream.linear.gather [hbm4b:s1+s31], $0x7D0, $0x38;
	[tilespmem:$0xCE00] =	vst v63  }
0xf9: {  	s31 =	simm.s32 $0x0  }
0xfa: {  	v2 =	vld [tilespmem:s31+$0xB600];
	_ =	sdelay $0x2  }
0xfb: {  	v3 =	vld [tilespmem:s31+$0xBE00];
	_ =	sdelay $0x3  }
0xfc: {  	v4 =	vld [tilespmem:s31+$0xC600]  }
0xfd: {  	[tilespmem:v2+s2+$0x0] =	vst.idx.add.f32.msk $0xffff, v3  }
0xfe: {  	v3 =	vld.idx.msk [tilespmem:v2+s19+$0x0], $0xffff;
	_ =	sdelay $0x4  }
0xff: {  	v3 =	vmax.f32 v3, v4  }
0x100: {  	[tilespmem:v2+s19+$0x0] =	vst.idx.msk $0xffff, v3  }
0x101: {  	v4 =	vld.idx.msk [tilespmem:v2+s19+$0x0], $0xffff;
	_ =	sdelay $0x4  }
0x102: {  	vm1 =	vlt.f32 v4, v3;
	_ =	sdelay $0x4  }
0x103: {  	v4 =	vmax.f32 v4, v3  }
0x104: {  	[tilespmem:v2+s19+$0x0] =	vst.idx.msk vm1, v4  }
0x105: {  	v4 =	vld [tilespmem:s31+$0xB610];
	_ =	sdelay $0x2  }
0x106: {  	v5 =	vld [tilespmem:s31+$0xBE10];
	_ =	sdelay $0x2  }
0x107: {  	v6 =	vld.idx.msk [tilespmem:v2+s19+$0x0], $0xffff  }
0x108: {  	v2 =	vld [tilespmem:s31+$0xC610]  }
0x109: {  	[tilespmem:v4+s20+$0x0] =	vst.idx.add.f32.msk $0xffff, v5  }
0x10a: {  	v5 =	vld.idx.msk [tilespmem:v4+s21+$0x0], $0xffff;
	_ =	sdelay $0x4  }
0x10b: {  	v5 =	vmax.f32 v5, v2  }
0x10c: {  	[tilespmem:v4+s21+$0x0] =	vst.idx.msk $0xffff, v5  }
0x10d: {  	v2 =	vld.idx.msk [tilespmem:v4+s21+$0x0], $0xffff;
	_ =	sdelay $0x4  }
0x10e: {  	vm1 =	vlt.f32 v2, v5;
	_ =	sdelay $0x4  }
0x10f: {  	v2 =	vmax.f32 v2, v5  }
0x110: {  	s29 =	simm.s32 $0x20;
	[tilespmem:v4+s21+$0x0] =	vst.idx.msk vm1, v2  }
0x111: {  	v2 =	vld [tilespmem:s29+$0xB600];
	_ =	sdelay $0x1  }
0x112: {  	v7 =	vld.idx.msk [tilespmem:v4+s21+$0x0], $0xffff  }
0x113: {  	v4 =	vld [tilespmem:s29+$0xBE00];
	_ =	sdelay $0x3  }
0x114: {  	s28 =	simm.s32 $0x100;
	vm2 =	vlt.f32 v6, v3;
	vm1 =	vmmov vm0;
	v3 =	vld [tilespmem:s29+$0xC600];
	vm3 =	vlt.f32 v7, v5  }
.LBB2_15:
0x115: {  	p0 =	sne.s32 s28, $0x1E80;
	[tilespmem:v2+s2+$0x0] =	vst.idx.add.f32.msk $0xffff, v4;
	vm2 =	vmor vm2, vm3;
	s30 =	smov.u32 s28;
	s28 =	sadd.s32 $0x80, s28  }
0x116: {  	v4 =	vld.idx.msk [tilespmem:v2+s19+$0x0], $0xffff;
	vm1 =	vmor vm1, vm2;
	_ =	sdelay $0x5  }
0x117: {  	v3 =	vmax.f32 v4, v3  }
0x118: {  	[tilespmem:v2+s19+$0x0] =	vst.idx.msk $0xffff, v3  }
0x119: {  	v4 =	vld.idx.msk [tilespmem:v2+s19+$0x0], $0xffff;
	_ =	sdelay $0x5  }
0x11a: {  	v5 =	vmax.f32 v4, v3;
	vm2 =	vlt.f32 v4, v3;
	_ =	sdelay $0x5  }
0x11b: {  	[tilespmem:v2+s19+$0x0] =	vst.idx.msk vm2, v5  }
0x11c: {  	v4 =	vld [tilespmem:s29+$0xB610]  }
0x11d: {  	v2 =	vld.idx.msk [tilespmem:v2+s19+$0x0], $0xffff;
	_ =	sdelay $0x1  }
0x11e: {  	v5 =	vld [tilespmem:s29+$0xBE10];
	_ =	sdelay $0x3  }
0x11f: {  	vm2 =	vlt.f32 v2, v3;
	v2 =	vld [tilespmem:s29+$0xC610]  }
0x120: {  	[tilespmem:v4+s20+$0x0] =	vst.idx.add.f32.msk $0xffff, v5  }
0x121: {  	v3 =	vld.idx.msk [tilespmem:v4+s21+$0x0], $0xffff;
	_ =	sdelay $0x5  }
0x122: {  	v5 =	vmax.f32 v3, v2  }
0x123: {  	[tilespmem:v4+s21+$0x0] =	vst.idx.msk $0xffff, v5  }
0x124: {  	v2 =	vld.idx.msk [tilespmem:v4+s21+$0x0], $0xffff;
	_ =	sdelay $0x5  }
0x125: {  	v3 =	vmax.f32 v2, v5;
	vm3 =	vlt.f32 v2, v5;
	_ =	sdelay $0x5  }
0x126: {  	s29 =	sshra.s32 s30, $0x2;
	[tilespmem:v4+s21+$0x0] =	vst.idx.msk vm3, v3  }
0x127: {  	v2 =	vld [tilespmem:s29+$0xB600]  }
0x128: {  	v6 =	vld.idx.msk [tilespmem:v4+s21+$0x0], $0xffff;
	_ =	sdelay $0x1  }
.Ltmp14:
0x129: {  	v4 =	vld [tilespmem:s29+$0xBE00];
	(pc) =	sbr.rel @p0 .LBB2_15-.Ltmp14, $2  }
0x12a: {  	_ =	sdelay $0x2  }
0x12b: {  	vm3 =	vlt.f32 v6, v5;
	v3 =	vld [tilespmem:s29+$0xC600]  }
0x12c: {  	_ =	sdelay $0x3  }
0x12d: {  	[tilespmem:v2+s2+$0x0] =	vst.idx.add.f32.msk $0xffff, v4  }
0x12e: {  	v4 =	vld.idx.msk [tilespmem:v2+s19+$0x0], $0xffff;
	_ =	sdelay $0x4  }
0x12f: {  	v3 =	vmax.f32 v4, v3  }
0x130: {  	[tilespmem:v2+s19+$0x0] =	vst.idx.msk $0xffff, v3  }
0x131: {  	v61 =	vld.idx.msk [tilespmem:v2+s19+$0x0], $0xffff;
	_ =	sdelay $0x4  }
0x132: {  	vm4 =	vlt.f32 v61, v3;
	_ =	sdelay $0x4  }
0x133: {  	v4 =	vmax.f32 v61, v3  }
0x134: {  	[tilespmem:v2+s19+$0x0] =	vst.idx.msk vm4, v4  }
0x135: {  	v4 =	vld [tilespmem:s29+$0xB610];
	_ =	sdelay $0x2  }
0x136: {  	v5 =	vld [tilespmem:s29+$0xBE10];
	_ =	sdelay $0x2  }
0x137: {  	v2 =	vld.idx.msk [tilespmem:v2+s19+$0x0], $0xffff  }
0x138: {  	v6 =	vld [tilespmem:s29+$0xC610]  }
0x139: {  	[tilespmem:v4+s20+$0x0] =	vst.idx.add.f32.msk $0xffff, v5  }
0x13a: {  	v5 =	vld.idx.msk [tilespmem:v4+s21+$0x0], $0xffff;
	_ =	sdelay $0x4  }
0x13b: {  	v5 =	vmax.f32 v5, v6  }
0x13c: {  	[tilespmem:v4+s21+$0x0] =	vst.idx.msk $0xffff, v5  }
0x13d: {  	v62 =	vld.idx.msk [tilespmem:v4+s21+$0x0], $0xffff;
	_ =	sdelay $0x4  }
0x13e: {  	vm13 =	vlt.f32 v62, v5;
	_ =	sdelay $0x4  }
0x13f: {  	v6 =	vmax.f32 v62, v5  }
0x140: {  	[tilespmem:v4+s21+$0x0] =	vst.idx.msk vm13, v6  }
0x141: {  	v6 =	vld [tilespmem:$0xBDC0];
	_ =	sdelay $0x2  }
0x142: {  	v7 =	vld [tilespmem:$0xC5C0];
	_ =	sdelay $0x2  }
0x143: {  	v4 =	vld.idx.msk [tilespmem:v4+s21+$0x0], $0xffff  }
0x144: {  	s28 =	simm.s32 $0x0;
	v8 =	vld [tilespmem:$0xCDC0]  }
0x145: {  	[tilespmem:v6+s28+$0x0] =	vst.idx.add.f32.msk $0xffff, v7  }
0x146: {  	v7 =	vld.idx.msk [tilespmem:v6+s19+$0x0], $0xffff;
	_ =	sdelay $0x4  }
0x147: {  	v7 =	vmax.f32 v7, v8  }
0x148: {  	[tilespmem:v6+s19+$0x0] =	vst.idx.msk $0xffff, v7  }
0x149: {  	v63 =	vld.idx.msk [tilespmem:v6+s19+$0x0], $0xffff;
	_ =	sdelay $0x4  }
0x14a: {  	vm14 =	vlt.f32 v63, v7;
	_ =	sdelay $0x4  }
0x14b: {  	v8 =	vmax.f32 v63, v7  }
0x14c: {  	[tilespmem:v6+s19+$0x0] =	vst.idx.msk vm14, v8  }
0x14d: {  	v6 =	vld.idx.msk [tilespmem:v6+s19+$0x0], $0xffff;
	_ =	sdelay $0x2  }
0x14e: {  	vm2 =	vmor vm2, vm3;
	vm15 =	vlt.f32 v2, v3;
	vm3 =	vlt.f32 v4, v5  }
0x14f: {  	vm1 =	vmor vm1, vm2;
	vm2 =	vmor vm15, vm3  }
0x150: {  	vm1 =	vmor vm1, vm2;
	vm2 =	vlt.f32 v6, v7  }
0x151: {  	vm1 =	vmor vm1, vm2  }
0x152: {  	v2 =	vsel vm1, $0x3F800000, v0  }
0x153: {  	(xrf0) =	vmax.scan.msk.f32 $0xffff, v2;
	_ =	sdelay $0x5  }
0x154: {  	v2, _, _ =	vpop (xrf0)  }
0x155: {  	(v2sf) =	vpush v2, $0xF;
	_ =	sdelay $0xe  }
0x156: {  	s1 =	spop (v2sf)  }
0x157: {  	p0 =	sgt.f32 s1, $0.0e+00  }
.Ltmp15:
0x158: {  	_ = 	snop;
	(pc) =	sbr.rel @!p0 .LBB2_24-.Ltmp15, $4  }
.Ltmp16:
0x159: {  	_ = 	snop;
	(pc) =	sbr.rel @p0 .LBB2_17-.Ltmp16, $4  }
0x15a: {  	_ = 	snop  }
0x15b: {  	_ = 	snop  }
0x15c: {  	_ = 	snop  }
0x15d: {  	_ = 	snop  }
.LBB2_21:
0x15e: {  	s28 =	sadd.s32 $0x1, s28  }
0x15f: {  	p0 =	sne.s32 s28, $0x3E  }
.Ltmp17:
0x160: {  	_ = 	snop;
	(pc) =	sbr.rel @!p0 .LBB2_22-.Ltmp17, $1  }
0x161: {  	_ =	sdelay $0x3  }
.LBB2_17:
0x162: {  	s29 =	sshll.u32 s28, $0x5  }
0x163: {  	v2 =	vld [tilespmem:s29+$0xB600];
	_ =	sdelay $0x6  }
0x164: {  	v3 =	vld [tilespmem:s29+$0xC600]  }
0x165: {  	v4 =	vld.idx.msk [tilespmem:v2+s19+$0x0], $0xffff;
	_ =	sdelay $0x4  }
0x166: {  	vm1 =	vlt.f32 v4, v3  }
0x167: {  	v4 =	vsel vm1, $0x3F800000, v0  }
0x168: {  	(xrf0) =	vmax.scan.msk.f32 $0xffff, v4;
	_ =	sdelay $0x5  }
0x169: {  	v4, _, _ =	vpop (xrf0)  }
0x16a: {  	(v2sf) =	vpush v4, $0xF;
	_ =	sdelay $0xe  }
0x16b: {  	s1 =	spop (v2sf)  }
0x16c: {  	p0 =	sgt.f32 s1, $0.0e+00  }
.Ltmp18:
0x16d: {  	_ = 	snop;
	(pc) =	sbr.rel @!p0 .LBB2_19-.Ltmp18, $1  }
0x16e: {  	_ =	sdelay $0x3  }
.LBB2_18:
0x16f: {  	v4 =	vld.idx.msk [tilespmem:v2+s19+$0x0], $0xffff;
	_ =	sdelay $0x4  }
0x170: {  	v4 =	vmax.f32 v4, v3  }
0x171: {  	[tilespmem:v2+s19+$0x0] =	vst.idx.msk vm1, v4  }
0x172: {  	v4 =	vld.idx.msk [tilespmem:v2+s19+$0x0], $0xffff;
	_ =	sdelay $0x4  }
0x173: {  	vm1 =	vlt.f32 v4, v3  }
0x174: {  	v4 =	vsel vm1, $0x3F800000, v0  }
0x175: {  	(xrf0) =	vmax.scan.msk.f32 $0xffff, v4;
	_ =	sdelay $0x5  }
0x176: {  	v4, _, _ =	vpop (xrf0)  }
0x177: {  	(v2sf) =	vpush v4, $0xF;
	_ =	sdelay $0xe  }
0x178: {  	s1 =	spop (v2sf)  }
0x179: {  	p0 =	sgt.f32 s1, $0.0e+00  }
.Ltmp19:
0x17a: {  	_ = 	snop;
	(pc) =	sbr.rel @p0 .LBB2_18-.Ltmp19, $1  }
0x17b: {  	_ =	sdelay $0x3  }
.LBB2_19:
0x17c: {  	v2 =	vld [tilespmem:s29+$0xB610];
	_ =	sdelay $0x6  }
0x17d: {  	v3 =	vld [tilespmem:s29+$0xC610]  }
0x17e: {  	v4 =	vld.idx.msk [tilespmem:v2+s21+$0x0], $0xffff;
	_ =	sdelay $0x4  }
0x17f: {  	vm1 =	vlt.f32 v4, v3  }
0x180: {  	v4 =	vsel vm1, $0x3F800000, v0  }
0x181: {  	(xrf0) =	vmax.scan.msk.f32 $0xffff, v4;
	_ =	sdelay $0x5  }
0x182: {  	v4, _, _ =	vpop (xrf0)  }
0x183: {  	(v2sf) =	vpush v4, $0xF;
	_ =	sdelay $0xe  }
0x184: {  	s1 =	spop (v2sf)  }
0x185: {  	p0 =	sgt.f32 s1, $0.0e+00  }
.Ltmp20:
0x186: {  	_ = 	snop;
	(pc) =	sbr.rel @!p0 .LBB2_21-.Ltmp20, $1  }
0x187: {  	_ =	sdelay $0x3  }
.LBB2_20:
0x188: {  	v4 =	vld.idx.msk [tilespmem:v2+s21+$0x0], $0xffff;
	_ =	sdelay $0x4  }
0x189: {  	v4 =	vmax.f32 v4, v3  }
0x18a: {  	[tilespmem:v2+s21+$0x0] =	vst.idx.msk vm1, v4  }
0x18b: {  	v4 =	vld.idx.msk [tilespmem:v2+s21+$0x0], $0xffff;
	_ =	sdelay $0x4  }
0x18c: {  	vm1 =	vlt.f32 v4, v3  }
0x18d: {  	v4 =	vsel vm1, $0x3F800000, v0  }
0x18e: {  	(xrf0) =	vmax.scan.msk.f32 $0xffff, v4;
	_ =	sdelay $0x5  }
0x18f: {  	v4, _, _ =	vpop (xrf0)  }
0x190: {  	(v2sf) =	vpush v4, $0xF;
	_ =	sdelay $0xe  }
0x191: {  	s1 =	spop (v2sf)  }
0x192: {  	p0 =	sgt.f32 s1, $0.0e+00  }
.Ltmp21:
0x193: {  	_ = 	snop;
	(pc) =	sbr.rel @p0 .LBB2_20-.Ltmp21, $1  }
0x194: {  	_ =	sdelay $0x3  }
.Ltmp22:
0x195: {  	_ = 	snop;
	(pc) =	sbr.rel .LBB2_21-.Ltmp22, $1  }
0x196: {  	_ =	sdelay $0x3  }
.LBB2_22:
0x197: {  	v2 =	vld [tilespmem:$0xBDC0];
	_ =	sdelay $0x6  }
0x198: {  	v3 =	vld [tilespmem:$0xCDC0]  }
0x199: {  	v4 =	vld.idx.msk [tilespmem:v2+s19+$0x0], $0xffff;
	_ =	sdelay $0x4  }
0x19a: {  	vm1 =	vlt.f32 v4, v3  }
0x19b: {  	v4 =	vsel vm1, $0x3F800000, v0  }
0x19c: {  	(xrf0) =	vmax.scan.msk.f32 $0xffff, v4;
	_ =	sdelay $0x5  }
0x19d: {  	v4, _, _ =	vpop (xrf0)  }
0x19e: {  	(v2sf) =	vpush v4, $0xF;
	_ =	sdelay $0xe  }
0x19f: {  	s1 =	spop (v2sf)  }
0x1a0: {  	p0 =	sgt.f32 s1, $0.0e+00  }
.Ltmp23:
0x1a1: {  	_ = 	snop;
	(pc) =	sbr.rel @!p0 .LBB2_24-.Ltmp23, $1  }
0x1a2: {  	_ =	sdelay $0x3  }
.LBB2_23:
0x1a3: {  	v4 =	vld.idx.msk [tilespmem:v2+s19+$0x0], $0xffff;
	_ =	sdelay $0x4  }
0x1a4: {  	v4 =	vmax.f32 v4, v3  }
0x1a5: {  	[tilespmem:v2+s19+$0x0] =	vst.idx.msk vm1, v4  }
0x1a6: {  	v4 =	vld.idx.msk [tilespmem:v2+s19+$0x0], $0xffff;
	_ =	sdelay $0x4  }
0x1a7: {  	vm1 =	vlt.f32 v4, v3  }
0x1a8: {  	v4 =	vsel vm1, $0x3F800000, v0  }
0x1a9: {  	(xrf0) =	vmax.scan.msk.f32 $0xffff, v4;
	_ =	sdelay $0x5  }
0x1aa: {  	v4, _, _ =	vpop (xrf0)  }
0x1ab: {  	(v2sf) =	vpush v4, $0xF;
	_ =	sdelay $0xe  }
0x1ac: {  	s1 =	spop (v2sf)  }
0x1ad: {  	p0 =	sgt.f32 s1, $0.0e+00  }
.Ltmp24:
0x1ae: {  	_ = 	snop;
	(pc) =	sbr.rel @p0 .LBB2_23-.Ltmp24, $1  }
0x1af: {  	_ =	sdelay $0x3  }
.Ltmp25:
0x1b0: {  	_ = 	snop;
	(pc) =	sbr.rel .LBB2_24-.Ltmp25, $1  }
0x1b1: {  	_ =	sdelay $0x3  }
.LBB2_25:
0x1b2: {  	_ =	swait.ge [sflag:s15], $0x7D0  }
0x1b3: {  	[sflag:s15] =	ssyncset.done $0x0  }
0x1b4: {  	[sflag:s15] =	ssyncadd.s32 $0xFFFFF830  }
0x1b5: {  	_ =	swait.ge [sflag:s15], $0x7D0  }
0x1b6: {  	[sflag:s15] =	ssyncset.done $0x0  }
0x1b7: {  	[sflag:s15] =	ssyncadd.s32 $0xFFFFF830  }
0x1b8: {  	_ =	swait.ge [sflag:s15], $0x7D0  }
0x1b9: {  	[sflag:s15] =	ssyncset.done $0x0  }
0x1ba: {  	s25 =	simm.s32 $0x0;
	[sflag:s15] =	ssyncadd.s32 $0xFFFFF830  }
0x1bb: {  	v2 =	vld [tilespmem:s25+$0x4F00]  }
0x1bc: {  	s26 =	simm.s32 $0x40;
	v3 =	vld [tilespmem:s25+$0x0]  }
.LBB2_26:
0x1bd: {  	p0 =	sne.s32 s26, $0x9C00;
	v4 =	vld [tilespmem:s25+$0x7680]  }
0x1be: {  	v5 =	vld [tilespmem:s25+$0x2780];
	_ =	sdelay $0x1  }
.Ltmp26:
0x1bf: {  	(pc) =	sbr.rel @p0 .LBB2_26-.Ltmp26, $4  }
0x1c0: {  	v3 =	vadd.f32 v2, v3  }
0x1c1: {  	s1 =	sshra.s32 s26, $0x2  }
0x1c2: {  	v2 =	vld [tilespmem:s1+$0x4F00];
	[tilespmem:s25+$0x0] =	vst v3;
	v4 =	vmax.f32 v5, v4  }
0x1c3: {  	s26 =	sadd.s32 $0x40, s26;
	v3 =	vld [tilespmem:s1+$0x0];
	[tilespmem:s25+$0x2780] =	vst v4;
	s25 =	smov.u32 s1  }
0x1c4: {  	v4 =	vld [tilespmem:s25+$0x7680]  }
0x1c5: {  	v5 =	vld [tilespmem:s25+$0x2780];
	_ =	sdelay $0x2  }
0x1c6: {  	v2 =	vadd.f32 v2, v3;
	_ =	sdelay $0x1  }
0x1c7: {  	[tilespmem:s25+$0x0] =	vst v2;
	v2 =	vmax.f32 v5, v4  }
0x1c8: {  	[tilespmem:s25+$0x2780] =	vst v2  }
0x1c9: {  	[hbm4b:s9+s2] =	stream.linear.scatter [tilespmem:s2], [sflag:$0x3], $0x2710, $0x38;
	[tilespmem:$0xCE00] =	vst v63  }
0x1ca: {  	s24 =	sadd.s32 $0x1, s24;
	_ =	swait.ge [sflag:s23], $0x2710  }
0x1cb: {  	p0 =	sne.s32 s24, s11;
	[sflag:s23] =	ssyncset.done $0x0  }
.Ltmp27:
0x1cc: {  	[sflag:s23] =	ssyncadd.s32 $0xFFFFD8F0;
	(pc) =	sbr.rel @p0 .LBB2_1-.Ltmp27, $4  }
0x1cd: {  	[hbm4b:s10+s2] =	stream.linear.scatter [tilespmem:s19], [sflag:$0x3], $0x2710, $0x38;
	[tilespmem:$0xCE00] =	vst v63  }
0x1ce: {  	_ =	swait.ge [sflag:s23], $0x2710  }
0x1cf: {  	[sflag:s23] =	ssyncset.done $0x0  }
0x1d0: {  	[sflag:s23] =	ssyncadd.s32 $0xFFFFD8F0  }
0x1d1: {  	_ =	sfence.sel $0x180000  }
0x1d2: {  	[bflag:$0x0] =	sbarrier.arrive $0xFFFF  }
0x1d3: {  	_ =	strace $0x90000050  }
0x1d4: {  	[bflag:$0x2] =	sbarrier.arrive $0xFFFF  }
0x1d5: {  	p0 =	sne.s32 s0, $0x0;
	s0 =	rddreg [dreg:$0x2]  }
0x1d6: {  	s0 =	sadd.s32 @!p0 $0x100000, s0  }
0x1d7: {  	[sflag:s0] =	ssyncadd.tile.s32 @!p0 $0x1;
	_ =	shalt  }
.Lfunc_end2:
_tile_overlayer_lowered:
.L_overlay_start_2:
0x1d8: {  	(tag) =	ssettag $0x2  }
0x1d9: {  	s0 =	rddreg [dreg:$0x0];
	s2 =	stileid.u32  }
0x1da: {  	s1 =	rddreg [dreg:$0x1];
	p0 =	sne.s32 s2, $0x0  }
0x1db: {  	s3 =	rddreg [dreg:$0x2];
	[bflag:$0x3] =	sbarrier.arrive $0xFFFF;
	s2 =	simm.s32 @!p0 $0x1C03  }
0x1dc: {  	[timem:s3], [sflag:s2] =	dma.local @!p0 [hbm:s0], s1  }
0x1dd: {  	s0 =	simm.s32 @!p0 $0x3  }
0x1de: {  	_ =	swait.ge @!p0 [sflag:s0], s1  }
0x1df: {  	s1 =	ssub.s32 @!p0 $0x0, s1;
	[sflag:s0] =	ssyncset.done @!p0 $0x0  }
0x1e0: {  	[sflag:s0] =	ssyncadd.s32 @!p0 s1  }
0x1e1: {  	[bflag:$0x3] =	sbarrier.arrive $0xFFFF  }
0x1e2: {  	_ =	shalt  }

// kernel: kernel.19.cloned.1.call-start
scs
__scs_entry_jumppad:
0x0: {  	(pc) =	sbr.rel $0x88, $3  }
0x1: {  	(tag) =	ssettag $0x0;
	lr =	simm.s32 $0x1  }
0x2: {  	[smem:$0x3F8E] =	sst lr;
	_ =	strace $0xD0000000  }
0x3: {  	_ = 	snop  }
0x4: {  	_ = 	snop  }
0x5: {  	_ = 	snop  }
0x6: {  	_ = 	snop  }
0x7: {  	_ = 	snop  }
__scs_overlays_trampoline_lowered:
0x8: {  	[smem:$0x3F9D] =	sst s0  }
0x9: {  	[smem:$0x3F9E] =	sst s1  }
0xa: {  	[smem:$0x3F9F] =	sst s2  }
0xb: {  	[smem:$0x3FA0] =	sst s3  }
0xc: {  	[smem:$0x3FA1] =	sst s4  }
0xd: {  	[smem:$0x3FA2] =	sst s5  }
0xe: {  	[smem:$0x3FA3] =	sst s6  }
0xf: {  	[smem:$0x3FA4] =	sst s7  }
0x10: {  	[smem:$0x3FA5] =	sst s8  }
0x11: {  	[smem:$0x3FA6] =	sst s9;
	s0 =	simm.s32 @!p0 $0x0  }
0x12: {  	s1 =	sld [smem:$0x3F8C];
	s0 =	simm.s32 @p0 $0x1  }
0x13: {  	[smem:$0x3FA7] =	sst s0;
	s0 =	simm.s32 @!p1 $0x0  }
0x14: {  	s2 =	sld [smem:$0x3F8B];
	s0 =	simm.s32 @p1 $0x1  }
0x15: {  	[smem:$0x3FA8] =	sst s0;
	s0 =	simm.s32 @!p2 $0x0  }
0x16: {  	s3 =	sld [smem:$0x3FDB];
	s0 =	simm.s32 @p2 $0x1  }
0x17: {  	s4 =	simm.s32 $0x1BF5;
	[smem:$0x3FAA] =	sst s0  }
0x18: {  	s0 =	sld [smem:$0x3F8D];
	_ =	swait.ge [sflag:s4], $0x0  }
0x19: {  	s7 =	sld [smem:$0x3F8E]  }
0x1a: {  	s8 =	sadd.s32 $0xFFFFE003, lr  }
0x1b: {  	s9 =	sadd.s32 $0xFFFFFEF7, lr;
	s5 =	simm.s32 $0xFFFFFFFF;
	p2 =	slt.u32 s8, $0xFFFFF086  }
0x1c: {  	p1 =	slt.u32 s9, $0xF7A;
	s5 =	simm.s32 @!p2 $0x0  }
0x1d: {  	s5 =	simm.s32 @p1 $0x1;
	p0 =	seq.s32 s7, s2  }
0x1e: {  	s7 =	smul.u32 @!p0 $0xF7A, s2;
	p2 =	seq.s32 @!p0 s5, $0x0  }
0x1f: {  	s9 =	smul.u32 $0xF7A, s1;
	s8 =	simm.s32 @!p0 $0x1BF5;
	p2 =	por !p2, p0  }
0x20: {  	[sflag:s8] =	ssyncset.s32 @!p0 $0xFFFFF086;
	s6 =	sadd.s32 @!p0 s3, s7;
	s7 =	simm.s32 @!p0 $0x108  }
0x21: {  	s3 =	sadd.s32 s3, s9;
	s6 =	sadd.s32 @!p0 $0x88, s6;
	s7 =	simm.s32 @p2 $0x1082  }
0x22: {  	[simem:s7], [sflag:s8] =	dma.local @!p0 [hbm:s6], $0xF7A  }
0x23: {  	s9 =	sor.u32 $0xD0000000, s2;
	s6 =	simm.s32 $0x108;
	_ =	swait.ge @!p0 [sflag:s8], $0x0  }
0x24: {  	s3 =	sadd.s32 $0x88, s3;
	s6 =	simm.s32 @!p1 $0x1082;
	[sflag:s4] =	ssyncset.s32 $0xFFFFF086  }
0x25: {  	[simem:s6], [sflag:s4] =	dma.local [hbm:s3], $0xF7A  }
0x26: {  	[smem:$0x3F8E] =	sst s1;
	(tag) =	ssettag s2;
	_ =	strace s9  }
0x27: {  	s1 =	sld [smem:$0x3F9E]  }
0x28: {  	s2 =	sld [smem:$0x3F9F]  }
0x29: {  	s4 =	sld [smem:$0x3FA1]  }
0x2a: {  	p0 =	seq.s32 s5, $0x0;
	s5 =	sld [smem:$0x3FA2]  }
0x2b: {  	s6 =	sld [smem:$0x3FA3]  }
0x2c: {  	s7 =	sld [smem:$0x3FA4]  }
0x2d: {  	s3 =	simm.s32 $0x108;
	s8 =	sld [smem:$0x3FA5]  }
0x2e: {  	s3 =	simm.s32 @!p0 $0x1082;
	s9 =	sld [smem:$0x3FA6]  }
0x2f: {  	lr =	sadd.s32 s0, s3;
	s0 =	sld [smem:$0x3F9D]  }
0x30: {  	s3 =	sld [smem:$0x3FA0]  }
0x31: {  	[smem:$0x3FA9] =	sst s10  }
0x32: {  	s10 =	sld [smem:$0x3FA7];
	_ =	sdelay $0x3  }
0x33: {  	p0 =	seq.s32 s10, $0x1;
	s10 =	sld [smem:$0x3FA9];
	_ =	sdelay $0x3  }
0x34: {  	[smem:$0x3FA9] =	sst s10  }
0x35: {  	s10 =	sld [smem:$0x3FA8];
	_ =	sdelay $0x3  }
0x36: {  	p1 =	seq.s32 s10, $0x1;
	s10 =	sld [smem:$0x3FA9];
	_ =	sdelay $0x3  }
0x37: {  	[smem:$0x3FA9] =	sst s10  }
0x38: {  	s10 =	sld [smem:$0x3FAA]  }
0x39: {  	_ = 	snop;
	(pc) =	sbr.ind lr, $3  }
0x3a: {  	_ = 	snop  }
0x3b: {  	_ = 	snop  }
0x3c: {  	p2 =	seq.s32 s10, $0x1;
	s10 =	sld [smem:$0x3FA9]  }
0x3d: {  	_ =	shalt  }
0x3e: {  	_ =	shalt  }
0x3f: {  	_ =	shalt  }
0x40: {  	_ =	shalt  }
0x41: {  	_ =	shalt  }
0x42: {  	_ =	shalt  }
0x43: {  	_ =	shalt  }
0x44: {  	_ =	shalt  }
0x45: {  	_ =	shalt  }
0x46: {  	_ =	shalt  }
0x47: {  	_ =	shalt  }
0x48: {  	_ =	shalt  }
0x49: {  	_ =	shalt  }
0x4a: {  	_ =	shalt  }
0x4b: {  	_ =	shalt  }
0x4c: {  	_ =	shalt  }
0x4d: {  	_ =	shalt  }
0x4e: {  	_ =	shalt  }
0x4f: {  	_ =	shalt  }
0x50: {  	_ =	shalt  }
0x51: {  	_ =	shalt  }
0x52: {  	_ =	shalt  }
0x53: {  	_ =	shalt  }
0x54: {  	_ =	shalt  }
0x55: {  	_ =	shalt  }
0x56: {  	_ =	shalt  }
0x57: {  	_ =	shalt  }
0x58: {  	_ =	shalt  }
0x59: {  	_ =	shalt  }
0x5a: {  	_ =	shalt  }
0x5b: {  	_ =	shalt  }
0x5c: {  	_ =	shalt  }
0x5d: {  	_ =	shalt  }
0x5e: {  	_ =	shalt  }
0x5f: {  	_ =	shalt  }
0x60: {  	_ =	shalt  }
0x61: {  	_ =	shalt  }
0x62: {  	_ =	shalt  }
0x63: {  	_ =	shalt  }
0x64: {  	_ =	shalt  }
0x65: {  	_ =	shalt  }
0x66: {  	_ =	shalt  }
0x67: {  	_ =	shalt  }
0x68: {  	_ =	shalt  }
0x69: {  	_ =	shalt  }
0x6a: {  	_ =	shalt  }
0x6b: {  	_ =	shalt  }
0x6c: {  	_ =	shalt  }
0x6d: {  	_ =	shalt  }
0x6e: {  	_ =	shalt  }
0x6f: {  	_ =	shalt  }
0x70: {  	_ =	shalt  }
0x71: {  	_ =	shalt  }
0x72: {  	_ =	shalt  }
0x73: {  	_ =	shalt  }
0x74: {  	_ =	shalt  }
0x75: {  	_ =	shalt  }
0x76: {  	_ =	shalt  }
0x77: {  	_ =	shalt  }
0x78: {  	_ =	shalt  }
0x79: {  	_ =	shalt  }
0x7a: {  	_ =	shalt  }
0x7b: {  	_ =	shalt  }
0x7c: {  	_ =	shalt  }
0x7d: {  	_ =	shalt  }
0x7e: {  	_ =	shalt  }
0x7f: {  	_ =	shalt  }
0x80: {  	_ =	shalt  }
0x81: {  	_ =	shalt  }
0x82: {  	_ =	shalt  }
0x83: {  	_ =	shalt  }
0x84: {  	_ =	shalt  }
0x85: {  	_ =	shalt  }
0x86: {  	_ =	shalt  }
0x87: {  	_ =	shalt  }
.Lfunc_end0:
.L_simem_size_0:
called_computation.3_lowered:
.L_overlay_start_0:
0x88: {  	s2 =	sld [smem:$0x3FD9]  }
0x89: {  	s3 =	sld [smem:$0x3FFE];
	_ =	sdelay $0x1  }
0x8a: {  	s1 =	srdreg.scid  }
0x8b: {  	s0 =	sand.u32 $0x1, s1  }
0x8c: {  	s17 =	sshll.u32 s0, $0xA;
	s2 =	sadd.s32 s3, s2  }
0x8d: {  	s2 =	sadd.s32 s2, s17  }
0x8e: {  	[smem:$0x3FB5] =	sst s2  }
0x8f: {  	_ = 	snop  }
0x90: {  	(tm) =	ssettm $0x1  }
0x91: {  	s18 =	sld [smem:$0x3FFB];
	_ =	sdelay $0x3  }
0x92: {  	_ =	strace s18  }
0x93: {  	s2 =	sld [smem:$0x3FFC];
	_ =	sdelay $0x3  }
0x94: {  	_ =	strace s2  }
0x95: {  	s2 =	sld [smem:$0x3FFD];
	_ =	sdelay $0x3  }
0x96: {  	_ =	strace s2  }
0x97: {  	_ =	strace $0x8FFFFFFF  }
0x98: {  	s19 =	sld [smem:$0x3FDB];
	_ =	sdelay $0x1  }
0x99: {  	s20 =	simm.s32 $_scs_section_size  }
0x9a: {  	s4 =	simm.s32 $_size__tile_overlayer_lowered;
	s5 =	simm.s32 $_tile_overlayer_lowered  }
0x9b: {  	s6 =	simm.s32 $0x1BFF;
	s21 =	sshll.u32 s5, $0x1;
	s3 =	sadd.s32 s20, s19  }
0x9c: {  	s22 =	simm.s32 $0x0;
	s4 =	sshll.u32 s4, $0x1;
	s5 =	sadd.s32 s21, s3  }
0x9d: {  	[timem:s22], [sflag:s6] =	dma.local [hbm:s5], s4  }
0x9e: {  	_ =	swait.ge [sflag:s6], s4  }
0x9f: {  	s4 =	ssub.s32 $0x0, s4;
	[sflag:s6] =	ssyncset.done $0x0  }
0xa0: {  	[sflag:s6] =	ssyncadd.s32 s4;
	_ =	sdelay $0x1  }
0xa1: {  	s23 =	simm.s32 $0x1B8B  }
0xa2: {  	_ =	swait.ge [sflag:s23], $0x1  }
0xa3: {  	[sflag:s23] =	ssyncset.done $0x0  }
0xa4: {  	[sflag:s23] =	ssyncadd.s32 $0xFFFFFFFF  }
0xa5: {  	s4 =	sld [smem:$0x0]  }
0xa6: {  	s5 =	sand.u32 $0xFFFFFFFE, s1  }
0xa7: {  	p0 =	sne.s32 s1, s5  }
0xa8: {  	s5 =	sshll.u32 @p0 s5, $0xE  }
0xa9: {  	s5 =	sadd.s32 @p0 $0x11B8D, s5;
	s6 =	sshll.u32 @p0 s4, $0x11  }
0xaa: {  	s5 =	sor.u32 @p0 s6, s5  }
0xab: {  	[sflag:s5] =	ssyncadd.remote.s32 @p0 $0x1;
	_ =	sdelay $0x1  }
0xac: {  	s5 =	simm.s32 @p0 $0x1B8D  }
0xad: {  	_ =	swait.eq @p0 [sflag:s5], $0x1  }
0xae: {  	[sflag:s5] =	ssyncadd.s32 @p0 $0xFFFFFFFF  }
0xaf: {  	s6 =	sshll.u32 @!p0 s1, $0xE  }
0xb0: {  	s6 =	sor.u32 @!p0 $0x4000, s6;
	s5 =	simm.s32 @!p0 $0x1B8D  }
0xb1: {  	s4 =	sshll.u32 @!p0 s4, $0x11;
	s6 =	sadd.s32 @!p0 $0x11B8D, s6;
	_ =	swait.eq @!p0 [sflag:s5], $0x1  }
0xb2: {  	s4 =	sor.u32 @!p0 s4, s6;
	[sflag:s5] =	ssyncadd.s32 @!p0 $0xFFFFFFFF  }
0xb3: {  	s25 =	simm.s32 $0x1B8E;
	s24 =	sld [smem:$0x3FFE];
	[sflag:s4] =	ssyncadd.remote.s32 @!p0 $0x1  }
0xb4: {  	s26 =	simm.s32 $execute0_lowered;
	[smem:$0x3FD2] =	sst s25  }
0xb5: {  	s5 =	sshll.u32 s26, $0x1;
	_ =	strace $0x8000004C;
	[dreg:$0x1] =	wrdreg $0xFFFFFFFF  }
0xb6: {  	s28 =	simm.s32 $_size_execute0_lowered;
	s3 =	sadd.s32 s3, s5;
	[dreg:$0x0] =	wrdreg $0x0  }
0xb7: {  	s5 =	sshll.u32 s28, $0x1;
	[dreg:$0x2] =	wrdreg s3  }
0xb8: {  	[dreg:$0x3] =	wrdreg s5  }
0xb9: {  	[dreg:$0x4] =	wrdreg $0xC0  }
0xba: {  	_ =	task [dreg:s22], $0x5FFFF  }
0xbb: {  	[dreg:$0x1] =	wrdreg $0xFFFFFFFF  }
0xbc: {  	[dreg:$0x0] =	wrdreg $0x60  }
0xbd: {  	[dreg:$0x2] =	wrdreg s24  }
0xbe: {  	[dreg:$0x3] =	wrdreg $0xA  }
0xbf: {  	_ =	task.clear_ibuf [dreg:s22], $0x4FFFF;
	_ =	strace $0x9000004C  }
0xc0: {  	s29 =	simm.s32 $0xA;
	_ =	strace $0x8000004E  }
0xc1: {  	_ =	swait.ge [sflag:s29], $0x1  }
0xc2: {  	[sflag:s29] =	ssyncadd.s32 $0xFFFFFFFF  }
0xc3: {  	_ =	strace $0x9000004E  }
0xc4: {  	_ =	sfence  }
0xc5: {  	s30 =	sld [smem:$0x0];
	_ =	sdelay $0x2  }
0xc6: {  	s31 =	sshll.u32 s1, $0xD;
	s1 =	sshrl.u32 s1, $0x2  }
0xc7: {  	s4 =	sand.u32 $0x4000, s31;
	s1 =	sadd.s32 s1, s30  }
0xc8: {  	s0 =	sor.u32 s4, s0;
	s1 =	sshll.u32 s1, $0x11  }
0xc9: {  	s0 =	sor.u32 s1, s0  }
0xca: {  	s0 =	sadd.s32 $0x8F2B, s0  }
0xcb: {  	[sflag:s0] =	ssyncadd.remote.s32 $0x1  }
0xcc: {  	_ =	sfence.sel $0xFFFF  }
0xcd: {  	[dreg:$0x0] =	wrdreg $0xFFFFFFFF;
	(pc) =	sbr.abs _section_cstart, $3  }
0xce: {  	[dreg:$0x1] =	wrdreg $0xFFFFFFFF  }
0xcf: {  	_ =	task.clear_ibuf [dreg:s22], $0x2FFFF;
	_ =	strace $0x9FFFFFFF  }
0xd0: {  	(tm) =	ssettm $0x7FFFFFFF  }
0xd1: {  	_ =	shalt  }
tec
execute0_lowered:
.L_overlay_start_1:
0x0: {  	(tag) =	ssettag $0x1  }
0x1: {  	s7 =	rddreg [dreg:$0x0];
	s3 =	srdreg.scid  }
0x2: {  	s1 =	stileid.u32;
	s2 =	simm.s32 $0x0;
	s15 =	simm.s32 $0x1  }
0x3: {  	s16 =	simm.s32 $0xB600;
	s17 =	simm.s32 $0xBE00;
	s18 =	simm.s32 $0xC600  }
0x4: {  	s19 =	simm.s32 $0x2780;
	s20 =	simm.s32 $0x4F00;
	s21 =	simm.s32 $0x7680  }
0x5: {  	s22 =	simm.s32 $0x2;
	s23 =	simm.s32 $0x3;
	s24 =	simm.s32 $0x0  }
0x6: {  	s6 =	sand.u32 $0x1, s3;
	s31 =	sshll.u32 s1, $0x1;
	[smem:$0x7FF] =	sst s2  }
0x7: {  	s5 =	sadd.s32 $0x19200, s7;
	s13 =	sadd.s32 $0x151A00, s7;
	s3 =	sor.u32 s6, s31  }
0x8: {  	_ =	strace $0x8000004D;
	s9 =	ssub.s32 $0x2, s6;
	s8 =	smul.u32 $0x2710, s3  }
0x9: {  	s4 =	sor.u32 $0x20, s3;
	s11 =	sshrl.u32 s9, $0x1;
	s12 =	smul.u32 $0x4E2, s3  }
0xa: {  	s6 =	sadd.s32 $0x50F200, s7;
	s10 =	smul.u32 $0x2710, s4;
	s11 =	ssub.s32 s9, s11  }
0xb: {  	s14 =	smul.u32 $0x4E2, s4;
	s7 =	sadd.s32 s5, s8;
	s9 =	sadd.s32 s13, s12  }
0xc: {  	s11 =	smax.u32 s11, $0x1;
	s12 =	simm.s32 $0x9E00;
	s8 =	sadd.s32 s5, s10  }
0xd: {  	v0 =	vimm.f32 $0.0e+00;
	v1 =	vimm.f32 $-Inf;
	vm0 =	vmxor vm0, vm0;
	s10 =	sadd.s32 s13, s14;
	s13 =	simm.s32 $0xA600;
	s14 =	simm.s32 $0xAE00  }
.LBB2_1:
0xe: {  	s26 =	simm.s32 $0x40;
	s25 =	simm.s32 $0x0  }
.LBB2_2:
0xf: {  	p0 =	sne.s32 s26, $0x9C00;
	[tilespmem:s25+$0x7680] =	vst v1;
	s28 =	smov.u32 s26;
	s26 =	sadd.s32 $0x40, s26  }
.Ltmp0:
0x10: {  	[tilespmem:s25+$0x2780] =	vst v1;
	(pc) =	sbr.rel @p0 .LBB2_2-.Ltmp0, $3  }
0x11: {  	[tilespmem:s25+$0x0] =	vst v0  }
0x12: {  	[tilespmem:s25+$0x4F00] =	vst v0;
	_ =	sdelay $0x1  }
0x13: {  	s25 =	sshra.s32 s28, $0x2  }
0x14: {  	[tilespmem:s25+$0x7680] =	vst v1  }
0x15: {  	[tilespmem:s25+$0x2780] =	vst v1  }
0x16: {  	[tilespmem:s25+$0x0] =	vst v0  }
0x17: {  	[tilespmem:s25+$0x4F00] =	vst v0;
	s25 =	simm.s32 $0x0  }
0x18: {  	[tilespmem:s12], [sflag:$0x1] =	stream.linear.gather [hbm4b:s6+s25], $0x7D0, $0x38;
	[tilespmem:$0xCE00] =	vst v63  }
.Ltmp1:
0x19: {  	_ = 	snop;
	(pc) =	sbr.rel .LBB2_4-.Ltmp1, $4  }
0x1a: {  	_ = 	snop  }
0x1b: {  	[tilespmem:s13], [sflag:$0x1] =	stream.linear.gather [hbm4b:s7+s25], $0x7D0, $0x38;
	[tilespmem:$0xCE00] =	vst v63  }
0x1c: {  	s26 =	simm.s32 $0x0  }
0x1d: {  	[tilespmem:s14], [sflag:$0x1] =	stream.linear.gather [hbm4b:s8+s25], $0x7D0, $0x38;
	[tilespmem:$0xCE00] =	vst v63  }
.LBB2_24:
0x1e: {  	s26 =	sadd.s32 $0x1, s26  }
0x1f: {  	p0 =	sne.s32 s26, $0x28  }
.Ltmp2:
0x20: {  	_ = 	snop;
	(pc) =	sbr.rel @!p0 .LBB2_25-.Ltmp2, $1  }
0x21: {  	_ =	sdelay $0x3  }
.LBB2_4:
0x22: {  	_ =	swait.ge [sflag:s15], $0x7D0;
	s28 =	smul.u32 $0xFA0, s26  }
0x23: {  	p0 =	sgt.u32 s26, $0x13;
	s29 =	simm.s32 $0x40;
	[sflag:s15] =	ssyncset.done $0x0  }
0x24: {  	s31 =	simm.s32 $0xFFFEC780;
	s29 =	simm.s32 @!p0 $0x0;
	[sflag:s15] =	ssyncadd.s32 $0xFFFFF830  }
0x25: {  	s31 =	simm.s32 @!p0 $0x0;
	s30 =	sadd.s32 $0x7D0, s28;
	_ =	swait.ge [sflag:s15], $0x7D0  }
0x26: {  	s0 =	sor.u32 s3, s29;
	s29 =	sor.u32 s4, s29;
	[sflag:s15] =	ssyncset.done $0x0  }
0x27: {  	s0 =	smul.u32 $0x13880, s0;
	s31 =	sadd.s32 s30, s31;
	[sflag:s15] =	ssyncadd.s32 $0xFFFFF830  }
0x28: {  	s30 =	sshrl.u32 s30, $0x3;
	s29 =	smul.u32 $0x13880, s29;
	_ =	swait.ge [sflag:s15], $0x7D0  }
0x29: {  	s30 =	sadd.s32 s6, s30;
	s0 =	sadd.s32 s31, s0;
	[sflag:s15] =	ssyncset.done $0x0  }
0x2a: {  	s29 =	sadd.s32 s31, s29;
	s0 =	sshrl.u32 s0, $0x3;
	[sflag:s15] =	ssyncadd.s32 $0xFFFFF830  }
0x2b: {  	[tilespmem:s16], [sflag:$0x2] =	stream.linear.gather [hbm4b:s30+s25], $0x7D0, $0x38;
	[tilespmem:$0xCE00] =	vst v63  }
0x2c: {  	s31 =	sshrl.u32 s29, $0x3;
	s0 =	sadd.s32 s5, s0  }
0x2d: {  	[tilespmem:s17], [sflag:$0x2] =	stream.linear.gather [hbm4b:s0+s25], $0x7D0, $0x38;
	[tilespmem:$0xCE00] =	vst v63  }
0x2e: {  	s0 =	sadd.s32 s5, s31;
	s31 =	simm.s32 $0x0  }
0x2f: {  	[tilespmem:s18], [sflag:$0x2] =	stream.linear.gather [hbm4b:s0+s25], $0x7D0, $0x38;
	[tilespmem:$0xCE00] =	vst v63  }
0x30: {  	v2 =	vld [tilespmem:s31+$0x9E00];
	_ =	sdelay $0x2  }
0x31: {  	v3 =	vld [tilespmem:s31+$0xA600];
	_ =	sdelay $0x3  }
0x32: {  	v4 =	vld [tilespmem:s31+$0xAE00]  }
0x33: {  	[tilespmem:v2+s2+$0x0] =	vst.idx.add.f32.msk $0xffff, v3  }
0x34: {  	v3 =	vld.idx.msk [tilespmem:v2+s19+$0x0], $0xffff;
	_ =	sdelay $0x4  }
0x35: {  	v3 =	vmax.f32 v3, v4  }
0x36: {  	[tilespmem:v2+s19+$0x0] =	vst.idx.msk $0xffff, v3  }
0x37: {  	v4 =	vld.idx.msk [tilespmem:v2+s19+$0x0], $0xffff;
	_ =	sdelay $0x4  }
0x38: {  	vm1 =	vlt.f32 v4, v3;
	_ =	sdelay $0x4  }
0x39: {  	v4 =	vmax.f32 v4, v3  }
0x3a: {  	[tilespmem:v2+s19+$0x0] =	vst.idx.msk vm1, v4  }
0x3b: {  	v4 =	vld [tilespmem:s31+$0x9E10];
	_ =	sdelay $0x2  }
0x3c: {  	v5 =	vld [tilespmem:s31+$0xA610];
	_ =	sdelay $0x2  }
0x3d: {  	v6 =	vld.idx.msk [tilespmem:v2+s19+$0x0], $0xffff  }
0x3e: {  	v2 =	vld [tilespmem:s31+$0xAE10]  }
0x3f: {  	[tilespmem:v4+s20+$0x0] =	vst.idx.add.f32.msk $0xffff, v5  }
0x40: {  	v5 =	vld.idx.msk [tilespmem:v4+s21+$0x0], $0xffff;
	_ =	sdelay $0x4  }
0x41: {  	v5 =	vmax.f32 v5, v2  }
0x42: {  	[tilespmem:v4+s21+$0x0] =	vst.idx.msk $0xffff, v5  }
0x43: {  	v2 =	vld.idx.msk [tilespmem:v4+s21+$0x0], $0xffff;
	_ =	sdelay $0x4  }
0x44: {  	vm1 =	vlt.f32 v2, v5;
	_ =	sdelay $0x4  }
0x45: {  	v2 =	vmax.f32 v2, v5  }
0x46: {  	s30 =	simm.s32 $0x20;
	[tilespmem:v4+s21+$0x0] =	vst.idx.msk vm1, v2  }
0x47: {  	v2 =	vld [tilespmem:s30+$0x9E00];
	_ =	sdelay $0x1  }
0x48: {  	v7 =	vld.idx.msk [tilespmem:v4+s21+$0x0], $0xffff  }
0x49: {  	v4 =	vld [tilespmem:s30+$0xA600];
	_ =	sdelay $0x3  }
0x4a: {  	s29 =	simm.s32 $0x100;
	vm2 =	vlt.f32 v6, v3;
	vm1 =	vmmov vm0;
	v3 =	vld [tilespmem:s30+$0xAE00];
	vm3 =	vlt.f32 v7, v5  }
.LBB2_5:
0x4b: {  	p0 =	sne.s32 s29, $0x1E80;
	[tilespmem:v2+s2+$0x0] =	vst.idx.add.f32.msk $0xffff, v4;
	vm2 =	vmor vm2, vm3;
	s31 =	smov.u32 s29;
	s29 =	sadd.s32 $0x80, s29  }
0x4c: {  	v4 =	vld.idx.msk [tilespmem:v2+s19+$0x0], $0xffff;
	vm1 =	vmor vm1, vm2;
	_ =	sdelay $0x5  }
0x4d: {  	v3 =	vmax.f32 v4, v3  }
0x4e: {  	[tilespmem:v2+s19+$0x0] =	vst.idx.msk $0xffff, v3  }
0x4f: {  	v4 =	vld.idx.msk [tilespmem:v2+s19+$0x0], $0xffff;
	_ =	sdelay $0x5  }
0x50: {  	v5 =	vmax.f32 v4, v3;
	vm2 =	vlt.f32 v4, v3;
	_ =	sdelay $0x5  }
0x51: {  	[tilespmem:v2+s19+$0x0] =	vst.idx.msk vm2, v5  }
0x52: {  	v4 =	vld [tilespmem:s30+$0x9E10]  }
0x53: {  	v2 =	vld.idx.msk [tilespmem:v2+s19+$0x0], $0xffff;
	_ =	sdelay $0x1  }
0x54: {  	v5 =	vld [tilespmem:s30+$0xA610];
	_ =	sdelay $0x3  }
0x55: {  	vm2 =	vlt.f32 v2, v3;
	v2 =	vld [tilespmem:s30+$0xAE10]  }
0x56: {  	[tilespmem:v4+s20+$0x0] =	vst.idx.add.f32.msk $0xffff, v5  }
0x57: {  	v3 =	vld.idx.msk [tilespmem:v4+s21+$0x0], $0xffff;
	_ =	sdelay $0x5  }
0x58: {  	v5 =	vmax.f32 v3, v2  }
0x59: {  	[tilespmem:v4+s21+$0x0] =	vst.idx.msk $0xffff, v5  }
0x5a: {  	v2 =	vld.idx.msk [tilespmem:v4+s21+$0x0], $0xffff;
	_ =	sdelay $0x5  }
0x5b: {  	v3 =	vmax.f32 v2, v5;
	vm3 =	vlt.f32 v2, v5;
	_ =	sdelay $0x5  }
0x5c: {  	s30 =	sshra.s32 s31, $0x2;
	[tilespmem:v4+s21+$0x0] =	vst.idx.msk vm3, v3  }
0x5d: {  	v2 =	vld [tilespmem:s30+$0x9E00]  }
0x5e: {  	v6 =	vld.idx.msk [tilespmem:v4+s21+$0x0], $0xffff;
	_ =	sdelay $0x1  }
.Ltmp3:
0x5f: {  	v4 =	vld [tilespmem:s30+$0xA600];
	(pc) =	sbr.rel @p0 .LBB2_5-.Ltmp3, $2  }
0x60: {  	_ =	sdelay $0x2  }
0x61: {  	vm3 =	vlt.f32 v6, v5;
	v3 =	vld [tilespmem:s30+$0xAE00]  }
0x62: {  	_ =	sdelay $0x3  }
0x63: {  	[tilespmem:v2+s2+$0x0] =	vst.idx.add.f32.msk $0xffff, v4  }
0x64: {  	v4 =	vld.idx.msk [tilespmem:v2+s19+$0x0], $0xffff;
	_ =	sdelay $0x4  }
0x65: {  	v3 =	vmax.f32 v4, v3  }
0x66: {  	[tilespmem:v2+s19+$0x0] =	vst.idx.msk $0xffff, v3  }
0x67: {  	v61 =	vld.idx.msk [tilespmem:v2+s19+$0x0], $0xffff;
	_ =	sdelay $0x4  }
0x68: {  	vm4 =	vlt.f32 v61, v3;
	_ =	sdelay $0x4  }
0x69: {  	v4 =	vmax.f32 v61, v3  }
0x6a: {  	[tilespmem:v2+s19+$0x0] =	vst.idx.msk vm4, v4  }
0x6b: {  	v4 =	vld [tilespmem:s30+$0x9E10];
	_ =	sdelay $0x2  }
0x6c: {  	v5 =	vld [tilespmem:s30+$0xA610];
	_ =	sdelay $0x2  }
0x6d: {  	v2 =	vld.idx.msk [tilespmem:v2+s19+$0x0], $0xffff  }
0x6e: {  	v6 =	vld [tilespmem:s30+$0xAE10]  }
0x6f: {  	[tilespmem:v4+s20+$0x0] =	vst.idx.add.f32.msk $0xffff, v5  }
0x70: {  	v5 =	vld.idx.msk [tilespmem:v4+s21+$0x0], $0xffff;
	_ =	sdelay $0x4  }
0x71: {  	v5 =	vmax.f32 v5, v6  }
0x72: {  	[tilespmem:v4+s21+$0x0] =	vst.idx.msk $0xffff, v5  }
0x73: {  	v62 =	vld.idx.msk [tilespmem:v4+s21+$0x0], $0xffff;
	_ =	sdelay $0x4  }
0x74: {  	vm13 =	vlt.f32 v62, v5;
	_ =	sdelay $0x4  }
0x75: {  	v6 =	vmax.f32 v62, v5  }
0x76: {  	[tilespmem:v4+s21+$0x0] =	vst.idx.msk vm13, v6  }
0x77: {  	v6 =	vld [tilespmem:$0xA5C0];
	_ =	sdelay $0x2  }
0x78: {  	v7 =	vld [tilespmem:$0xADC0];
	_ =	sdelay $0x2  }
0x79: {  	v4 =	vld.idx.msk [tilespmem:v4+s21+$0x0], $0xffff  }
0x7a: {  	s29 =	simm.s32 $0x0;
	v8 =	vld [tilespmem:$0xB5C0]  }
0x7b: {  	[tilespmem:v6+s29+$0x0] =	vst.idx.add.f32.msk $0xffff, v7  }
0x7c: {  	v7 =	vld.idx.msk [tilespmem:v6+s19+$0x0], $0xffff;
	_ =	sdelay $0x4  }
0x7d: {  	v7 =	vmax.f32 v7, v8  }
0x7e: {  	[tilespmem:v6+s19+$0x0] =	vst.idx.msk $0xffff, v7  }
0x7f: {  	v63 =	vld.idx.msk [tilespmem:v6+s19+$0x0], $0xffff;
	_ =	sdelay $0x4  }
0x80: {  	vm14 =	vlt.f32 v63, v7;
	_ =	sdelay $0x4  }
0x81: {  	v8 =	vmax.f32 v63, v7  }
0x82: {  	[tilespmem:v6+s19+$0x0] =	vst.idx.msk vm14, v8  }
0x83: {  	v6 =	vld.idx.msk [tilespmem:v6+s19+$0x0], $0xffff;
	_ =	sdelay $0x2  }
0x84: {  	vm2 =	vmor vm2, vm3;
	vm15 =	vlt.f32 v2, v3;
	vm3 =	vlt.f32 v4, v5  }
0x85: {  	vm1 =	vmor vm1, vm2;
	vm2 =	vmor vm15, vm3  }
0x86: {  	vm1 =	vmor vm1, vm2;
	vm2 =	vlt.f32 v6, v7  }
0x87: {  	vm1 =	vmor vm1, vm2  }
0x88: {  	v2 =	vsel vm1, $0x3F800000, v0  }
0x89: {  	(xrf0) =	vmax.scan.msk.f32 $0xffff, v2;
	_ =	sdelay $0x5  }
0x8a: {  	v2, _, _ =	vpop (xrf0)  }
0x8b: {  	(v2sf) =	vpush v2, $0xF;
	_ =	sdelay $0xe  }
0x8c: {  	s0 =	spop (v2sf)  }
0x8d: {  	p0 =	sgt.f32 s0, $0.0e+00  }
.Ltmp4:
0x8e: {  	_ = 	snop;
	(pc) =	sbr.rel @!p0 .LBB2_14-.Ltmp4, $4  }
.Ltmp5:
0x8f: {  	_ = 	snop;
	(pc) =	sbr.rel @p0 .LBB2_7-.Ltmp5, $4  }
0x90: {  	_ = 	snop  }
0x91: {  	_ = 	snop  }
0x92: {  	_ = 	snop  }
0x93: {  	_ = 	snop  }
.LBB2_11:
0x94: {  	s29 =	sadd.s32 $0x1, s29  }
0x95: {  	p0 =	sne.s32 s29, $0x3E  }
.Ltmp6:
0x96: {  	_ = 	snop;
	(pc) =	sbr.rel @!p0 .LBB2_12-.Ltmp6, $1  }
0x97: {  	_ =	sdelay $0x3  }
.LBB2_7:
0x98: {  	s30 =	sshll.u32 s29, $0x5  }
0x99: {  	v2 =	vld [tilespmem:s30+$0x9E00];
	_ =	sdelay $0x6  }
0x9a: {  	v3 =	vld [tilespmem:s30+$0xAE00]  }
0x9b: {  	v4 =	vld.idx.msk [tilespmem:v2+s19+$0x0], $0xffff;
	_ =	sdelay $0x4  }
0x9c: {  	vm1 =	vlt.f32 v4, v3  }
0x9d: {  	v4 =	vsel vm1, $0x3F800000, v0  }
0x9e: {  	(xrf0) =	vmax.scan.msk.f32 $0xffff, v4;
	_ =	sdelay $0x5  }
0x9f: {  	v4, _, _ =	vpop (xrf0)  }
0xa0: {  	(v2sf) =	vpush v4, $0xF;
	_ =	sdelay $0xe  }
0xa1: {  	s0 =	spop (v2sf)  }
0xa2: {  	p0 =	sgt.f32 s0, $0.0e+00  }
.Ltmp7:
0xa3: {  	_ = 	snop;
	(pc) =	sbr.rel @!p0 .LBB2_9-.Ltmp7, $1  }
0xa4: {  	_ =	sdelay $0x3  }
.LBB2_8:
0xa5: {  	v4 =	vld.idx.msk [tilespmem:v2+s19+$0x0], $0xffff;
	_ =	sdelay $0x4  }
0xa6: {  	v4 =	vmax.f32 v4, v3  }
0xa7: {  	[tilespmem:v2+s19+$0x0] =	vst.idx.msk vm1, v4  }
0xa8: {  	v4 =	vld.idx.msk [tilespmem:v2+s19+$0x0], $0xffff;
	_ =	sdelay $0x4  }
0xa9: {  	vm1 =	vlt.f32 v4, v3  }
0xaa: {  	v4 =	vsel vm1, $0x3F800000, v0  }
0xab: {  	(xrf0) =	vmax.scan.msk.f32 $0xffff, v4;
	_ =	sdelay $0x5  }
0xac: {  	v4, _, _ =	vpop (xrf0)  }
0xad: {  	(v2sf) =	vpush v4, $0xF;
	_ =	sdelay $0xe  }
0xae: {  	s0 =	spop (v2sf)  }
0xaf: {  	p0 =	sgt.f32 s0, $0.0e+00  }
.Ltmp8:
0xb0: {  	_ = 	snop;
	(pc) =	sbr.rel @p0 .LBB2_8-.Ltmp8, $1  }
0xb1: {  	_ =	sdelay $0x3  }
.LBB2_9:
0xb2: {  	v2 =	vld [tilespmem:s30+$0x9E10];
	_ =	sdelay $0x6  }
0xb3: {  	v3 =	vld [tilespmem:s30+$0xAE10]  }
0xb4: {  	v4 =	vld.idx.msk [tilespmem:v2+s21+$0x0], $0xffff;
	_ =	sdelay $0x4  }
0xb5: {  	vm1 =	vlt.f32 v4, v3  }
0xb6: {  	v4 =	vsel vm1, $0x3F800000, v0  }
0xb7: {  	(xrf0) =	vmax.scan.msk.f32 $0xffff, v4;
	_ =	sdelay $0x5  }
0xb8: {  	v4, _, _ =	vpop (xrf0)  }
0xb9: {  	(v2sf) =	vpush v4, $0xF;
	_ =	sdelay $0xe  }
0xba: {  	s0 =	spop (v2sf)  }
0xbb: {  	p0 =	sgt.f32 s0, $0.0e+00  }
.Ltmp9:
0xbc: {  	_ = 	snop;
	(pc) =	sbr.rel @!p0 .LBB2_11-.Ltmp9, $1  }
0xbd: {  	_ =	sdelay $0x3  }
.LBB2_10:
0xbe: {  	v4 =	vld.idx.msk [tilespmem:v2+s21+$0x0], $0xffff;
	_ =	sdelay $0x4  }
0xbf: {  	v4 =	vmax.f32 v4, v3  }
0xc0: {  	[tilespmem:v2+s21+$0x0] =	vst.idx.msk vm1, v4  }
0xc1: {  	v4 =	vld.idx.msk [tilespmem:v2+s21+$0x0], $0xffff;
	_ =	sdelay $0x4  }
0xc2: {  	vm1 =	vlt.f32 v4, v3  }
0xc3: {  	v4 =	vsel vm1, $0x3F800000, v0  }
0xc4: {  	(xrf0) =	vmax.scan.msk.f32 $0xffff, v4;
	_ =	sdelay $0x5  }
0xc5: {  	v4, _, _ =	vpop (xrf0)  }
0xc6: {  	(v2sf) =	vpush v4, $0xF;
	_ =	sdelay $0xe  }
0xc7: {  	s0 =	spop (v2sf)  }
0xc8: {  	p0 =	sgt.f32 s0, $0.0e+00  }
.Ltmp10:
0xc9: {  	_ = 	snop;
	(pc) =	sbr.rel @p0 .LBB2_10-.Ltmp10, $1  }
0xca: {  	_ =	sdelay $0x3  }
.Ltmp11:
0xcb: {  	_ = 	snop;
	(pc) =	sbr.rel .LBB2_11-.Ltmp11, $1  }
0xcc: {  	_ =	sdelay $0x3  }
.LBB2_12:
0xcd: {  	v2 =	vld [tilespmem:$0xA5C0];
	_ =	sdelay $0x6  }
0xce: {  	v3 =	vld [tilespmem:$0xB5C0]  }
0xcf: {  	v4 =	vld.idx.msk [tilespmem:v2+s19+$0x0], $0xffff;
	_ =	sdelay $0x4  }
0xd0: {  	vm1 =	vlt.f32 v4, v3  }
0xd1: {  	v4 =	vsel vm1, $0x3F800000, v0  }
0xd2: {  	(xrf0) =	vmax.scan.msk.f32 $0xffff, v4;
	_ =	sdelay $0x5  }
0xd3: {  	v4, _, _ =	vpop (xrf0)  }
0xd4: {  	(v2sf) =	vpush v4, $0xF;
	_ =	sdelay $0xe  }
0xd5: {  	s0 =	spop (v2sf)  }
0xd6: {  	p0 =	sgt.f32 s0, $0.0e+00  }
.Ltmp12:
0xd7: {  	_ = 	snop;
	(pc) =	sbr.rel @!p0 .LBB2_14-.Ltmp12, $1  }
0xd8: {  	_ =	sdelay $0x3  }
.LBB2_13:
0xd9: {  	v4 =	vld.idx.msk [tilespmem:v2+s19+$0x0], $0xffff;
	_ =	sdelay $0x4  }
0xda: {  	v4 =	vmax.f32 v4, v3  }
0xdb: {  	[tilespmem:v2+s19+$0x0] =	vst.idx.msk vm1, v4  }
0xdc: {  	v4 =	vld.idx.msk [tilespmem:v2+s19+$0x0], $0xffff;
	_ =	sdelay $0x4  }
0xdd: {  	vm1 =	vlt.f32 v4, v3  }
0xde: {  	v4 =	vsel vm1, $0x3F800000, v0  }
0xdf: {  	(xrf0) =	vmax.scan.msk.f32 $0xffff, v4;
	_ =	sdelay $0x5  }
0xe0: {  	v4, _, _ =	vpop (xrf0)  }
0xe1: {  	(v2sf) =	vpush v4, $0xF;
	_ =	sdelay $0xe  }
0xe2: {  	s0 =	spop (v2sf)  }
0xe3: {  	p0 =	sgt.f32 s0, $0.0e+00  }
.Ltmp13:
0xe4: {  	_ = 	snop;
	(pc) =	sbr.rel @p0 .LBB2_13-.Ltmp13, $1  }
0xe5: {  	_ =	sdelay $0x3  }
.LBB2_14:
0xe6: {  	_ =	swait.ge [sflag:s22], $0x7D0  }
0xe7: {  	[sflag:s22] =	ssyncset.done $0x0  }
0xe8: {  	[sflag:s22] =	ssyncadd.s32 $0xFFFFF830  }
0xe9: {  	s0 =	smin.u32 s28, $0x25990;
	_ =	swait.ge [sflag:s22], $0x7D0  }
0xea: {  	s0 =	sadd.s32 $0xFA0, s0;
	[sflag:s22] =	ssyncset.done $0x0  }
0xeb: {  	s28 =	smulhi.u32 $0x68DB9, s0;
	[sflag:s22] =	ssyncadd.s32 $0xFFFFF830  }
0xec: {  	s31 =	simm.s32 $0x0;
	s29 =	sshrl.u32 s0, $0x3;
	_ =	swait.ge [sflag:s22], $0x7D0  }
0xed: {  	s29 =	sadd.s32 s6, s29;
	s28 =	sshrl.u32 s28, $0x3;
	[sflag:s22] =	ssyncset.done $0x0  }
0xee: {  	s30 =	sshll.u32 s28, $0x6;
	s28 =	smul.u32 $0xFFFEC780, s28;
	[sflag:s22] =	ssyncadd.s32 $0xFFFFF830  }
0xef: {  	[tilespmem:s12], [sflag:$0x1] =	stream.linear.gather [hbm4b:s29+s31], $0x7D0, $0x38;
	[tilespmem:$0xCE00] =	vst v63  }
0xf0: {  	s29 =	sor.u32 s3, s30  }
0xf1: {  	s0 =	sadd.s32 s0, s28;
	s28 =	sor.u32 s4, s30;
	s29 =	smul.u32 $0x13880, s29  }
0xf2: {  	s28 =	smul.u32 $0x13880, s28  }
0xf3: {  	s29 =	sadd.s32 s0, s29  }
0xf4: {  	s0 =	sadd.s32 s0, s28;
	s29 =	sshrl.u32 s29, $0x3  }
0xf5: {  	s0 =	sshrl.u32 s0, $0x3;
	s28 =	sadd.s32 s5, s29  }
0xf6: {  	[tilespmem:s13], [sflag:$0x1] =	stream.linear.gather [hbm4b:s28+s31], $0x7D0, $0x38;
	[tilespmem:$0xCE00] =	vst v63  }
0xf7: {  	s0 =	sadd.s32 s5, s0  }
0xf8: {  	[tilespmem:s14], [sflag:$0x1] =	stream.linear.gather [hbm4b:s0+s31], $0x7D0, $0x38;
	[tilespmem:$0xCE00] =	vst v63  }
0xf9: {  	s31 =	simm.s32 $0x0  }
0xfa: {  	v2 =	vld [tilespmem:s31+$0xB600];
	_ =	sdelay $0x2  }
0xfb: {  	v3 =	vld [tilespmem:s31+$0xBE00];
	_ =	sdelay $0x3  }
0xfc: {  	v4 =	vld [tilespmem:s31+$0xC600]  }
0xfd: {  	[tilespmem:v2+s2+$0x0] =	vst.idx.add.f32.msk $0xffff, v3  }
0xfe: {  	v3 =	vld.idx.msk [tilespmem:v2+s19+$0x0], $0xffff;
	_ =	sdelay $0x4  }
0xff: {  	v3 =	vmax.f32 v3, v4  }
0x100: {  	[tilespmem:v2+s19+$0x0] =	vst.idx.msk $0xffff, v3  }
0x101: {  	v4 =	vld.idx.msk [tilespmem:v2+s19+$0x0], $0xffff;
	_ =	sdelay $0x4  }
0x102: {  	vm1 =	vlt.f32 v4, v3;
	_ =	sdelay $0x4  }
0x103: {  	v4 =	vmax.f32 v4, v3  }
0x104: {  	[tilespmem:v2+s19+$0x0] =	vst.idx.msk vm1, v4  }
0x105: {  	v4 =	vld [tilespmem:s31+$0xB610];
	_ =	sdelay $0x2  }
0x106: {  	v5 =	vld [tilespmem:s31+$0xBE10];
	_ =	sdelay $0x2  }
0x107: {  	v6 =	vld.idx.msk [tilespmem:v2+s19+$0x0], $0xffff  }
0x108: {  	v2 =	vld [tilespmem:s31+$0xC610]  }
0x109: {  	[tilespmem:v4+s20+$0x0] =	vst.idx.add.f32.msk $0xffff, v5  }
0x10a: {  	v5 =	vld.idx.msk [tilespmem:v4+s21+$0x0], $0xffff;
	_ =	sdelay $0x4  }
0x10b: {  	v5 =	vmax.f32 v5, v2  }
0x10c: {  	[tilespmem:v4+s21+$0x0] =	vst.idx.msk $0xffff, v5  }
0x10d: {  	v2 =	vld.idx.msk [tilespmem:v4+s21+$0x0], $0xffff;
	_ =	sdelay $0x4  }
0x10e: {  	vm1 =	vlt.f32 v2, v5;
	_ =	sdelay $0x4  }
0x10f: {  	v2 =	vmax.f32 v2, v5  }
0x110: {  	s29 =	simm.s32 $0x20;
	[tilespmem:v4+s21+$0x0] =	vst.idx.msk vm1, v2  }
0x111: {  	v2 =	vld [tilespmem:s29+$0xB600];
	_ =	sdelay $0x1  }
0x112: {  	v7 =	vld.idx.msk [tilespmem:v4+s21+$0x0], $0xffff  }
0x113: {  	v4 =	vld [tilespmem:s29+$0xBE00];
	_ =	sdelay $0x3  }
0x114: {  	s28 =	simm.s32 $0x100;
	vm2 =	vlt.f32 v6, v3;
	vm1 =	vmmov vm0;
	v3 =	vld [tilespmem:s29+$0xC600];
	vm3 =	vlt.f32 v7, v5  }
.LBB2_15:
0x115: {  	p0 =	sne.s32 s28, $0x1E80;
	[tilespmem:v2+s2+$0x0] =	vst.idx.add.f32.msk $0xffff, v4;
	vm2 =	vmor vm2, vm3;
	s30 =	smov.u32 s28;
	s28 =	sadd.s32 $0x80, s28  }
0x116: {  	v4 =	vld.idx.msk [tilespmem:v2+s19+$0x0], $0xffff;
	vm1 =	vmor vm1, vm2;
	_ =	sdelay $0x5  }
0x117: {  	v3 =	vmax.f32 v4, v3  }
0x118: {  	[tilespmem:v2+s19+$0x0] =	vst.idx.msk $0xffff, v3  }
0x119: {  	v4 =	vld.idx.msk [tilespmem:v2+s19+$0x0], $0xffff;
	_ =	sdelay $0x5  }
0x11a: {  	v5 =	vmax.f32 v4, v3;
	vm2 =	vlt.f32 v4, v3;
	_ =	sdelay $0x5  }
0x11b: {  	[tilespmem:v2+s19+$0x0] =	vst.idx.msk vm2, v5  }
0x11c: {  	v4 =	vld [tilespmem:s29+$0xB610]  }
0x11d: {  	v2 =	vld.idx.msk [tilespmem:v2+s19+$0x0], $0xffff;
	_ =	sdelay $0x1  }
0x11e: {  	v5 =	vld [tilespmem:s29+$0xBE10];
	_ =	sdelay $0x3  }
0x11f: {  	vm2 =	vlt.f32 v2, v3;
	v2 =	vld [tilespmem:s29+$0xC610]  }
0x120: {  	[tilespmem:v4+s20+$0x0] =	vst.idx.add.f32.msk $0xffff, v5  }
0x121: {  	v3 =	vld.idx.msk [tilespmem:v4+s21+$0x0], $0xffff;
	_ =	sdelay $0x5  }
0x122: {  	v5 =	vmax.f32 v3, v2  }
0x123: {  	[tilespmem:v4+s21+$0x0] =	vst.idx.msk $0xffff, v5  }
0x124: {  	v2 =	vld.idx.msk [tilespmem:v4+s21+$0x0], $0xffff;
	_ =	sdelay $0x5  }
0x125: {  	v3 =	vmax.f32 v2, v5;
	vm3 =	vlt.f32 v2, v5;
	_ =	sdelay $0x5  }
0x126: {  	s29 =	sshra.s32 s30, $0x2;
	[tilespmem:v4+s21+$0x0] =	vst.idx.msk vm3, v3  }
0x127: {  	v2 =	vld [tilespmem:s29+$0xB600]  }
0x128: {  	v6 =	vld.idx.msk [tilespmem:v4+s21+$0x0], $0xffff;
	_ =	sdelay $0x1  }
.Ltmp14:
0x129: {  	v4 =	vld [tilespmem:s29+$0xBE00];
	(pc) =	sbr.rel @p0 .LBB2_15-.Ltmp14, $2  }
0x12a: {  	_ =	sdelay $0x2  }
0x12b: {  	vm3 =	vlt.f32 v6, v5;
	v3 =	vld [tilespmem:s29+$0xC600]  }
0x12c: {  	_ =	sdelay $0x3  }
0x12d: {  	[tilespmem:v2+s2+$0x0] =	vst.idx.add.f32.msk $0xffff, v4  }
0x12e: {  	v4 =	vld.idx.msk [tilespmem:v2+s19+$0x0], $0xffff;
	_ =	sdelay $0x4  }
0x12f: {  	v3 =	vmax.f32 v4, v3  }
0x130: {  	[tilespmem:v2+s19+$0x0] =	vst.idx.msk $0xffff, v3  }
0x131: {  	v61 =	vld.idx.msk [tilespmem:v2+s19+$0x0], $0xffff;
	_ =	sdelay $0x4  }
0x132: {  	vm4 =	vlt.f32 v61, v3;
	_ =	sdelay $0x4  }
0x133: {  	v4 =	vmax.f32 v61, v3  }
0x134: {  	[tilespmem:v2+s19+$0x0] =	vst.idx.msk vm4, v4  }
0x135: {  	v4 =	vld [tilespmem:s29+$0xB610];
	_ =	sdelay $0x2  }
0x136: {  	v5 =	vld [tilespmem:s29+$0xBE10];
	_ =	sdelay $0x2  }
0x137: {  	v2 =	vld.idx.msk [tilespmem:v2+s19+$0x0], $0xffff  }
0x138: {  	v6 =	vld [tilespmem:s29+$0xC610]  }
0x139: {  	[tilespmem:v4+s20+$0x0] =	vst.idx.add.f32.msk $0xffff, v5  }
0x13a: {  	v5 =	vld.idx.msk [tilespmem:v4+s21+$0x0], $0xffff;
	_ =	sdelay $0x4  }
0x13b: {  	v5 =	vmax.f32 v5, v6  }
0x13c: {  	[tilespmem:v4+s21+$0x0] =	vst.idx.msk $0xffff, v5  }
0x13d: {  	v62 =	vld.idx.msk [tilespmem:v4+s21+$0x0], $0xffff;
	_ =	sdelay $0x4  }
0x13e: {  	vm13 =	vlt.f32 v62, v5;
	_ =	sdelay $0x4  }
0x13f: {  	v6 =	vmax.f32 v62, v5  }
0x140: {  	[tilespmem:v4+s21+$0x0] =	vst.idx.msk vm13, v6  }
0x141: {  	v6 =	vld [tilespmem:$0xBDC0];
	_ =	sdelay $0x2  }
0x142: {  	v7 =	vld [tilespmem:$0xC5C0];
	_ =	sdelay $0x2  }
0x143: {  	v4 =	vld.idx.msk [tilespmem:v4+s21+$0x0], $0xffff  }
0x144: {  	s28 =	simm.s32 $0x0;
	v8 =	vld [tilespmem:$0xCDC0]  }
0x145: {  	[tilespmem:v6+s28+$0x0] =	vst.idx.add.f32.msk $0xffff, v7  }
0x146: {  	v7 =	vld.idx.msk [tilespmem:v6+s19+$0x0], $0xffff;
	_ =	sdelay $0x4  }
0x147: {  	v7 =	vmax.f32 v7, v8  }
0x148: {  	[tilespmem:v6+s19+$0x0] =	vst.idx.msk $0xffff, v7  }
0x149: {  	v63 =	vld.idx.msk [tilespmem:v6+s19+$0x0], $0xffff;
	_ =	sdelay $0x4  }
0x14a: {  	vm14 =	vlt.f32 v63, v7;
	_ =	sdelay $0x4  }
0x14b: {  	v8 =	vmax.f32 v63, v7  }
0x14c: {  	[tilespmem:v6+s19+$0x0] =	vst.idx.msk vm14, v8  }
0x14d: {  	v6 =	vld.idx.msk [tilespmem:v6+s19+$0x0], $0xffff;
	_ =	sdelay $0x2  }
0x14e: {  	vm2 =	vmor vm2, vm3;
	vm15 =	vlt.f32 v2, v3;
	vm3 =	vlt.f32 v4, v5  }
0x14f: {  	vm1 =	vmor vm1, vm2;
	vm2 =	vmor vm15, vm3  }
0x150: {  	vm1 =	vmor vm1, vm2;
	vm2 =	vlt.f32 v6, v7  }
0x151: {  	vm1 =	vmor vm1, vm2  }
0x152: {  	v2 =	vsel vm1, $0x3F800000, v0  }
0x153: {  	(xrf0) =	vmax.scan.msk.f32 $0xffff, v2;
	_ =	sdelay $0x5  }
0x154: {  	v2, _, _ =	vpop (xrf0)  }
0x155: {  	(v2sf) =	vpush v2, $0xF;
	_ =	sdelay $0xe  }
0x156: {  	s0 =	spop (v2sf)  }
0x157: {  	p0 =	sgt.f32 s0, $0.0e+00  }
.Ltmp15:
0x158: {  	_ = 	snop;
	(pc) =	sbr.rel @!p0 .LBB2_24-.Ltmp15, $4  }
.Ltmp16:
0x159: {  	_ = 	snop;
	(pc) =	sbr.rel @p0 .LBB2_17-.Ltmp16, $4  }
0x15a: {  	_ = 	snop  }
0x15b: {  	_ = 	snop  }
0x15c: {  	_ = 	snop  }
0x15d: {  	_ = 	snop  }
.LBB2_21:
0x15e: {  	s28 =	sadd.s32 $0x1, s28  }
0x15f: {  	p0 =	sne.s32 s28, $0x3E  }
.Ltmp17:
0x160: {  	_ = 	snop;
	(pc) =	sbr.rel @!p0 .LBB2_22-.Ltmp17, $1  }
0x161: {  	_ =	sdelay $0x3  }
.LBB2_17:
0x162: {  	s29 =	sshll.u32 s28, $0x5  }
0x163: {  	v2 =	vld [tilespmem:s29+$0xB600];
	_ =	sdelay $0x6  }
0x164: {  	v3 =	vld [tilespmem:s29+$0xC600]  }
0x165: {  	v4 =	vld.idx.msk [tilespmem:v2+s19+$0x0], $0xffff;
	_ =	sdelay $0x4  }
0x166: {  	vm1 =	vlt.f32 v4, v3  }
0x167: {  	v4 =	vsel vm1, $0x3F800000, v0  }
0x168: {  	(xrf0) =	vmax.scan.msk.f32 $0xffff, v4;
	_ =	sdelay $0x5  }
0x169: {  	v4, _, _ =	vpop (xrf0)  }
0x16a: {  	(v2sf) =	vpush v4, $0xF;
	_ =	sdelay $0xe  }
0x16b: {  	s0 =	spop (v2sf)  }
0x16c: {  	p0 =	sgt.f32 s0, $0.0e+00  }
.Ltmp18:
0x16d: {  	_ = 	snop;
	(pc) =	sbr.rel @!p0 .LBB2_19-.Ltmp18, $1  }
0x16e: {  	_ =	sdelay $0x3  }
.LBB2_18:
0x16f: {  	v4 =	vld.idx.msk [tilespmem:v2+s19+$0x0], $0xffff;
	_ =	sdelay $0x4  }
0x170: {  	v4 =	vmax.f32 v4, v3  }
0x171: {  	[tilespmem:v2+s19+$0x0] =	vst.idx.msk vm1, v4  }
0x172: {  	v4 =	vld.idx.msk [tilespmem:v2+s19+$0x0], $0xffff;
	_ =	sdelay $0x4  }
0x173: {  	vm1 =	vlt.f32 v4, v3  }
0x174: {  	v4 =	vsel vm1, $0x3F800000, v0  }
0x175: {  	(xrf0) =	vmax.scan.msk.f32 $0xffff, v4;
	_ =	sdelay $0x5  }
0x176: {  	v4, _, _ =	vpop (xrf0)  }
0x177: {  	(v2sf) =	vpush v4, $0xF;
	_ =	sdelay $0xe  }
0x178: {  	s0 =	spop (v2sf)  }
0x179: {  	p0 =	sgt.f32 s0, $0.0e+00  }
.Ltmp19:
0x17a: {  	_ = 	snop;
	(pc) =	sbr.rel @p0 .LBB2_18-.Ltmp19, $1  }
0x17b: {  	_ =	sdelay $0x3  }
.LBB2_19:
0x17c: {  	v2 =	vld [tilespmem:s29+$0xB610];
	_ =	sdelay $0x6  }
0x17d: {  	v3 =	vld [tilespmem:s29+$0xC610]  }
0x17e: {  	v4 =	vld.idx.msk [tilespmem:v2+s21+$0x0], $0xffff;
	_ =	sdelay $0x4  }
0x17f: {  	vm1 =	vlt.f32 v4, v3  }
0x180: {  	v4 =	vsel vm1, $0x3F800000, v0  }
0x181: {  	(xrf0) =	vmax.scan.msk.f32 $0xffff, v4;
	_ =	sdelay $0x5  }
0x182: {  	v4, _, _ =	vpop (xrf0)  }
0x183: {  	(v2sf) =	vpush v4, $0xF;
	_ =	sdelay $0xe  }
0x184: {  	s0 =	spop (v2sf)  }
0x185: {  	p0 =	sgt.f32 s0, $0.0e+00  }
.Ltmp20:
0x186: {  	_ = 	snop;
	(pc) =	sbr.rel @!p0 .LBB2_21-.Ltmp20, $1  }
0x187: {  	_ =	sdelay $0x3  }
.LBB2_20:
0x188: {  	v4 =	vld.idx.msk [tilespmem:v2+s21+$0x0], $0xffff;
	_ =	sdelay $0x4  }
0x189: {  	v4 =	vmax.f32 v4, v3  }
0x18a: {  	[tilespmem:v2+s21+$0x0] =	vst.idx.msk vm1, v4  }
0x18b: {  	v4 =	vld.idx.msk [tilespmem:v2+s21+$0x0], $0xffff;
	_ =	sdelay $0x4  }
0x18c: {  	vm1 =	vlt.f32 v4, v3  }
0x18d: {  	v4 =	vsel vm1, $0x3F800000, v0  }
0x18e: {  	(xrf0) =	vmax.scan.msk.f32 $0xffff, v4;
	_ =	sdelay $0x5  }
0x18f: {  	v4, _, _ =	vpop (xrf0)  }
0x190: {  	(v2sf) =	vpush v4, $0xF;
	_ =	sdelay $0xe  }
0x191: {  	s0 =	spop (v2sf)  }
0x192: {  	p0 =	sgt.f32 s0, $0.0e+00  }
.Ltmp21:
0x193: {  	_ = 	snop;
	(pc) =	sbr.rel @p0 .LBB2_20-.Ltmp21, $1  }
0x194: {  	_ =	sdelay $0x3  }
.Ltmp22:
0x195: {  	_ = 	snop;
	(pc) =	sbr.rel .LBB2_21-.Ltmp22, $1  }
0x196: {  	_ =	sdelay $0x3  }
.LBB2_22:
0x197: {  	v2 =	vld [tilespmem:$0xBDC0];
	_ =	sdelay $0x6  }
0x198: {  	v3 =	vld [tilespmem:$0xCDC0]  }
0x199: {  	v4 =	vld.idx.msk [tilespmem:v2+s19+$0x0], $0xffff;
	_ =	sdelay $0x4  }
0x19a: {  	vm1 =	vlt.f32 v4, v3  }
0x19b: {  	v4 =	vsel vm1, $0x3F800000, v0  }
0x19c: {  	(xrf0) =	vmax.scan.msk.f32 $0xffff, v4;
	_ =	sdelay $0x5  }
0x19d: {  	v4, _, _ =	vpop (xrf0)  }
0x19e: {  	(v2sf) =	vpush v4, $0xF;
	_ =	sdelay $0xe  }
0x19f: {  	s0 =	spop (v2sf)  }
0x1a0: {  	p0 =	sgt.f32 s0, $0.0e+00  }
.Ltmp23:
0x1a1: {  	_ = 	snop;
	(pc) =	sbr.rel @!p0 .LBB2_24-.Ltmp23, $1  }
0x1a2: {  	_ =	sdelay $0x3  }
.LBB2_23:
0x1a3: {  	v4 =	vld.idx.msk [tilespmem:v2+s19+$0x0], $0xffff;
	_ =	sdelay $0x4  }
0x1a4: {  	v4 =	vmax.f32 v4, v3  }
0x1a5: {  	[tilespmem:v2+s19+$0x0] =	vst.idx.msk vm1, v4  }
0x1a6: {  	v4 =	vld.idx.msk [tilespmem:v2+s19+$0x0], $0xffff;
	_ =	sdelay $0x4  }
0x1a7: {  	vm1 =	vlt.f32 v4, v3  }
0x1a8: {  	v4 =	vsel vm1, $0x3F800000, v0  }
0x1a9: {  	(xrf0) =	vmax.scan.msk.f32 $0xffff, v4;
	_ =	sdelay $0x5  }
0x1aa: {  	v4, _, _ =	vpop (xrf0)  }
0x1ab: {  	(v2sf) =	vpush v4, $0xF;
	_ =	sdelay $0xe  }
0x1ac: {  	s0 =	spop (v2sf)  }
0x1ad: {  	p0 =	sgt.f32 s0, $0.0e+00  }
.Ltmp24:
0x1ae: {  	_ = 	snop;
	(pc) =	sbr.rel @p0 .LBB2_23-.Ltmp24, $1  }
0x1af: {  	_ =	sdelay $0x3  }
.Ltmp25:
0x1b0: {  	_ = 	snop;
	(pc) =	sbr.rel .LBB2_24-.Ltmp25, $1  }
0x1b1: {  	_ =	sdelay $0x3  }
.LBB2_25:
0x1b2: {  	_ =	swait.ge [sflag:s15], $0x7D0  }
0x1b3: {  	[sflag:s15] =	ssyncset.done $0x0  }
0x1b4: {  	[sflag:s15] =	ssyncadd.s32 $0xFFFFF830  }
0x1b5: {  	_ =	swait.ge [sflag:s15], $0x7D0  }
0x1b6: {  	[sflag:s15] =	ssyncset.done $0x0  }
0x1b7: {  	[sflag:s15] =	ssyncadd.s32 $0xFFFFF830  }
0x1b8: {  	_ =	swait.ge [sflag:s15], $0x7D0  }
0x1b9: {  	[sflag:s15] =	ssyncset.done $0x0  }
0x1ba: {  	s25 =	simm.s32 $0x0;
	[sflag:s15] =	ssyncadd.s32 $0xFFFFF830  }
0x1bb: {  	v2 =	vld [tilespmem:s25+$0x4F00]  }
0x1bc: {  	s26 =	simm.s32 $0x40;
	v3 =	vld [tilespmem:s25+$0x0]  }
.LBB2_26:
0x1bd: {  	p0 =	sne.s32 s26, $0x9C00;
	v4 =	vld [tilespmem:s25+$0x7680]  }
0x1be: {  	v5 =	vld [tilespmem:s25+$0x2780];
	_ =	sdelay $0x1  }
.Ltmp26:
0x1bf: {  	(pc) =	sbr.rel @p0 .LBB2_26-.Ltmp26, $4  }
0x1c0: {  	v3 =	vadd.f32 v2, v3  }
0x1c1: {  	s0 =	sshra.s32 s26, $0x2  }
0x1c2: {  	v2 =	vld [tilespmem:s0+$0x4F00];
	[tilespmem:s25+$0x0] =	vst v3;
	v4 =	vmax.f32 v5, v4  }
0x1c3: {  	s26 =	sadd.s32 $0x40, s26;
	v3 =	vld [tilespmem:s0+$0x0];
	[tilespmem:s25+$0x2780] =	vst v4;
	s25 =	smov.u32 s0  }
0x1c4: {  	v4 =	vld [tilespmem:s25+$0x7680]  }
0x1c5: {  	v5 =	vld [tilespmem:s25+$0x2780];
	_ =	sdelay $0x2  }
0x1c6: {  	v2 =	vadd.f32 v2, v3;
	_ =	sdelay $0x1  }
0x1c7: {  	[tilespmem:s25+$0x0] =	vst v2;
	v2 =	vmax.f32 v5, v4  }
0x1c8: {  	[tilespmem:s25+$0x2780] =	vst v2  }
0x1c9: {  	[hbm4b:s9+s2] =	stream.linear.scatter [tilespmem:s2], [sflag:$0x3], $0x2710, $0x38;
	[tilespmem:$0xCE00] =	vst v63  }
0x1ca: {  	s24 =	sadd.s32 $0x1, s24;
	_ =	swait.ge [sflag:s23], $0x2710  }
0x1cb: {  	p0 =	sne.s32 s24, s11;
	[sflag:s23] =	ssyncset.done $0x0  }
.Ltmp27:
0x1cc: {  	[sflag:s23] =	ssyncadd.s32 $0xFFFFD8F0;
	(pc) =	sbr.rel @p0 .LBB2_1-.Ltmp27, $4  }
0x1cd: {  	[hbm4b:s10+s2] =	stream.linear.scatter [tilespmem:s19], [sflag:$0x3], $0x2710, $0x38;
	[tilespmem:$0xCE00] =	vst v63  }
0x1ce: {  	_ =	swait.ge [sflag:s23], $0x2710  }
0x1cf: {  	[sflag:s23] =	ssyncset.done $0x0  }
0x1d0: {  	[sflag:s23] =	ssyncadd.s32 $0xFFFFD8F0  }
0x1d1: {  	_ =	sfence.sel $0x180000  }
0x1d2: {  	[bflag:$0x0] =	sbarrier.arrive $0xFFFF  }
0x1d3: {  	_ =	strace $0x9000004D  }
0x1d4: {  	[bflag:$0x2] =	sbarrier.arrive $0xFFFF  }
0x1d5: {  	p0 =	sne.s32 s1, $0x0;
	s0 =	rddreg [dreg:$0x1]  }
0x1d6: {  	s0 =	sadd.s32 @!p0 $0x100000, s0  }
0x1d7: {  	[sflag:s0] =	ssyncadd.tile.s32 @!p0 $0x1;
	_ =	shalt  }
.Lfunc_end2:
_tile_overlayer_lowered:
.L_overlay_start_2:
0x1d8: {  	(tag) =	ssettag $0x2  }
0x1d9: {  	s0 =	rddreg [dreg:$0x0];
	s2 =	stileid.u32  }
0x1da: {  	s1 =	rddreg [dreg:$0x1];
	p0 =	sne.s32 s2, $0x0  }
0x1db: {  	s3 =	rddreg [dreg:$0x2];
	[bflag:$0x3] =	sbarrier.arrive $0xFFFF;
	s2 =	simm.s32 @!p0 $0x1C03  }
0x1dc: {  	[timem:s3], [sflag:s2] =	dma.local @!p0 [hbm:s0], s1  }
0x1dd: {  	s0 =	simm.s32 @!p0 $0x3  }
0x1de: {  	_ =	swait.ge @!p0 [sflag:s0], s1  }
0x1df: {  	s1 =	ssub.s32 @!p0 $0x0, s1;
	[sflag:s0] =	ssyncset.done @!p0 $0x0  }
0x1e0: {  	[sflag:s0] =	ssyncadd.s32 @!p0 s1  }
0x1e1: {  	[bflag:$0x3] =	sbarrier.arrive $0xFFFF  }
0x1e2: {  	_ =	shalt  }

</sc_bundles>
